<compile_context>
chip_gen: v7x
topology: tpu7x:2x2x1
jax: 0.10.2.dev20260603
libtpu: 0.0.44.dev20260713+nightly
codegen_flags: <defaults>
</compile_context>

<pallas_src>
import functools

import jax
import jax.numpy as jnp
from jax import lax
from jax.experimental import pallas as pl
from jax.experimental.pallas import tpu as pltpu
from jax.experimental.pallas import tpu_sc as plsc

NUM_GRAPHS = 128
K = 768
_SHARE0 = 0.8


def _fill_rows(ref, nrows, value):
    def body(i, _):
        ref[i, :] = jnp.full((16,), value, jnp.float32)
        return _
    lax.fori_loop(0, nrows, body, None)


def _fill_flat(ref, nvec, value):
    def body(i, _):
        ref[pl.ds(i * 16, 16)] = jnp.full((16,), value, jnp.float32)
        return _
    lax.fori_loop(0, nvec, body, None)


def _zero_shared(acc, zeros_buf, zlen, start, count, align=8):
    done = 0
    while done < count:
        step = min(zlen, count - done)
        pltpu.sync_copy(zeros_buf.at[pl.ds(0, step)],
                        acc.at[pl.ds(pl.multiple_of(start + done, align),
                                     step)])
        done += step


def _make_deg_kernel(epad, nacc, nc, ns):
    nw = nc * ns
    ep = epad // nw
    nchunk = ep // K
    per_tile = nacc // ns
    mesh = plsc.VectorSubcoreMesh(core_axis_name="c", subcore_axis_name="s")

    @functools.partial(
        pl.kernel, mesh=mesh,
        out_type=jax.ShapeDtypeStruct((nc, nacc), jnp.float32),
        scratch_types=[
            pltpu.VMEM((2, K), jnp.int32),
            pltpu.VMEM((K,), jnp.float32),
            pltpu.VMEM((K,), jnp.float32),
            pltpu.VMEM_SHARED((nacc,), jnp.float32),
        ],
        compiler_params=pltpu.CompilerParams(use_tc_tiling_on_sc=False),
    )
    def deg_kernel(ei_hbm, out_hbm, ebuf, ones, zeros, acc):
        c = lax.axis_index("c")
        s = lax.axis_index("s")
        _fill_flat(ones, K // 16, 1.0)
        _fill_flat(zeros, K // 16, 0.0)
        _zero_shared(acc, zeros, K, s * per_tile, per_tile, align=128)
        plsc.subcore_barrier()

        base0 = (c * ns + s) * ep

        def chunk(g, _):
            base = pl.multiple_of(base0 + g * K, 256)
            pltpu.sync_copy(ei_hbm.at[:, pl.ds(base, K)], ebuf)
            pltpu.sync_copy(ones, acc.at[ebuf.at[1]], add=True)
            return _

        lax.fori_loop(0, nchunk, chunk, None)
        plsc.subcore_barrier()
        d0 = pl.multiple_of(s * per_tile, 128)
        pltpu.sync_copy(acc.at[pl.ds(d0, per_tile)],
                        out_hbm.at[c].at[pl.ds(d0, per_tile)])

    return deg_kernel


def _make_edge_agg_kernel(n, epad, nc, ns, feat, dtype, share0, k):
    nacc = ((n + ns * 8 - 1) // (ns * 8)) * (ns * 8)
    per_tile = nacc // ns
    pairs_total = epad // (2 * k * ns)
    npair0 = max(1, min(pairs_total - 1, round(share0 * pairs_total)))
    npair1 = pairs_total - npair0
    ep0 = 2 * k * npair0
    ep1 = 2 * k * npair1
    mesh = plsc.VectorSubcoreMesh(core_axis_name="c", subcore_axis_name="s")

    @functools.partial(
        pl.kernel, mesh=mesh,
        out_type=jax.ShapeDtypeStruct((nc, nacc, feat), dtype),
        scratch_types=[
            pltpu.VMEM((2, 2, k), jnp.int32),
            pltpu.VMEM((2, k, feat), dtype),
            pltpu.VMEM_SHARED((nacc, feat), dtype),
            pltpu.SemaphoreType.DMA,
            pltpu.SemaphoreType.DMA,
            pltpu.SemaphoreType.DMA,
            pltpu.SemaphoreType.DMA,
        ],
        compiler_params=pltpu.CompilerParams(use_tc_tiling_on_sc=False),
    )
    def agg_kernel(tab_hbm, ei_hbm, out_hbm, ebuf, rows, acc,
                   gs0, gs1, is0, is1):
        c = lax.axis_index("c")
        s = lax.axis_index("s")
        gsem = (gs0, gs1)
        isem = (is0, is1)
        def zrow(i, _):
            rows[0, i, :] = jnp.zeros((feat,), dtype)
            return _
        lax.fori_loop(0, k, zrow, None)
        _zero_shared(acc, rows.at[0], k, s * per_tile, per_tile)
        plsc.subcore_barrier()

        npair = jnp.where(c == 0, npair0, npair1)
        base0 = jnp.where(c == 0, s * ep0, ns * ep0 + s * ep1)

        def idx_copy(b, q):
            base = pl.multiple_of(base0 + q * k, 256)
            return pltpu.make_async_copy(
                ei_hbm.at[:, pl.ds(base, k)], ebuf.at[b], isem[b])

        def gather_copy(b):
            return pltpu.make_async_copy(
                tab_hbm.at[ebuf.at[b].at[0]], rows.at[b], gsem[b])

        def scatter(b):
            pltpu.sync_copy(rows.at[b], acc.at[ebuf.at[b].at[1]], add=True)

        idx_copy(0, 0).start()
        idx_copy(0, 0).wait()
        gather_copy(0).start()
        idx_copy(1, 1).start()

        def pair(t, _):
            idx_copy(1, 2 * t + 1).wait()
            gather_copy(1).start()
            gather_copy(0).wait()
            scatter(0)

            @pl.when(t < npair - 1)
            def _():
                idx_copy(0, 2 * t + 2).start()

            gather_copy(1).wait()

            @pl.when(t < npair - 1)
            def _():
                idx_copy(0, 2 * t + 2).wait()
                gather_copy(0).start()

            scatter(1)

            @pl.when(t < npair - 1)
            def _():
                idx_copy(1, 2 * t + 3).start()

            return _

        lax.fori_loop(0, npair, pair, None)
        plsc.subcore_barrier()
        r0 = pl.multiple_of(s * per_tile, 8)
        pltpu.sync_copy(acc.at[pl.ds(r0, per_tile)],
                        out_hbm.at[c].at[pl.ds(r0, per_tile)])

    return agg_kernel


def _prep_body(deg_ref, x_ref, dinv_ref, u_ref):
    deg = deg_ref[0, :, :] + deg_ref[1, :, :] + 1.0
    dinv = lax.rsqrt(deg)
    dinv_ref[...] = dinv
    u_ref[...] = (x_ref[...] * dinv).astype(jnp.bfloat16)


def _mid_body(agg_ref, u_ref, dinv_ref, w1_ref, b1_ref, w2_ref, z_ref):
    dinv = dinv_ref[...]
    ax = (agg_ref[0].astype(jnp.float32) + agg_ref[1].astype(jnp.float32)
          + u_ref[...].astype(jnp.float32)) * dinv
    h1 = jnp.maximum(
        jnp.dot(ax, w1_ref[...], preferred_element_type=jnp.float32)
        + b1_ref[...], 0.0)
    z2 = jnp.dot(h1, w2_ref[...], preferred_element_type=jnp.float32) * dinv
    z_ref[...] = z2.astype(jnp.bfloat16)


def _final_body(nblk, agg2_ref, z_ref, dinv_ref, batch_ref, b2_ref,
                fc1w_ref, fc1b_ref, fc2w_ref, fc2b_ref, out_ref, acc_ref):
    i = pl.program_id(0)
    r = batch_ref.shape[0]
    agg2 = (agg2_ref[0].astype(jnp.float32)
            + agg2_ref[1].astype(jnp.float32))
    z2 = z_ref[...].astype(jnp.float32)
    out2 = (agg2 + z2) * dinv_ref[...]
    out2a = jnp.concatenate([out2, jnp.ones((r, 1), jnp.float32)], axis=1)
    ids = lax.broadcasted_iota(jnp.int32, (r, NUM_GRAPHS), 1)
    oh = (ids == batch_ref[...]).astype(jnp.float32)
    contrib = lax.dot_general(oh, out2a, (((0,), (0,)), ((), ())),
                              preferred_element_type=jnp.float32)

    @pl.when(i == 0)
    def _():
        acc_ref[...] = contrib

    @pl.when(i > 0)
    def _():
        acc_ref[...] += contrib

    @pl.when(i == nblk - 1)
    def _():
        acc = acc_ref[...]
        g = (acc[:, :32] / jnp.maximum(acc[:, 32:33], 1.0)) + b2_ref[...]
        h = jnp.maximum(
            jnp.dot(g, fc1w_ref[...], preferred_element_type=jnp.float32)
            + fc1b_ref[...], 0.0)
        out_ref[...] = (
            jnp.dot(h, fc2w_ref[...], preferred_element_type=jnp.float32)
            + fc2b_ref[...])


def kernel(x, edge_index, batch, W1, b1, W2, b2, fc1_W, fc1_b, fc2_W, fc2_b):
    n, f = x.shape
    e = edge_index.shape[1]
    nc, ns = 2, 16
    nw = nc * ns

    step = 2 * nw * K
    epad = ((e + step - 1) // step) * step
    pad = epad - e
    eip = jnp.concatenate(
        [edge_index,
         jnp.stack([jnp.zeros((pad,), jnp.int32),
                    jnp.full((pad,), n, jnp.int32)])], axis=1)
    x16 = jnp.pad(x, ((0, 0), (0, 16 - f)))
    w1p = jnp.pad(W1, ((0, 16 - f), (0, 0)))
    nacc = ((n + ns * 128 - 1) // (ns * 128)) * (ns * 128)

    deg2 = _make_deg_kernel(epad, nacc, nc, ns)(eip)
    naccr = ((n + ns * 8 - 1) // (ns * 8)) * (ns * 8)
    deg3 = deg2.reshape(nc, nacc, 1)

    rblk = 5000
    nblk = n // rblk
    dinv, u = pl.pallas_call(
        _prep_body,
        grid=(nblk,),
        in_specs=[
            pl.BlockSpec((nc, rblk, 1), lambda i: (0, i, 0)),
            pl.BlockSpec((rblk, 16), lambda i: (i, 0)),
        ],
        out_specs=[
            pl.BlockSpec((rblk, 1), lambda i: (i, 0)),
            pl.BlockSpec((rblk, 16), lambda i: (i, 0)),
        ],
        out_shape=[
            jax.ShapeDtypeStruct((n, 1), jnp.float32),
            jax.ShapeDtypeStruct((n, 16), jnp.bfloat16),
        ],
    )(deg3, x16)

    agg = _make_edge_agg_kernel(n, epad, nc, ns, 16, jnp.bfloat16, _SHARE0, 1536)(u, eip)

    z = pl.pallas_call(
        _mid_body,
        grid=(nblk,),
        in_specs=[
            pl.BlockSpec((nc, rblk, 16), lambda i: (0, i, 0)),
            pl.BlockSpec((rblk, 16), lambda i: (i, 0)),
            pl.BlockSpec((rblk, 1), lambda i: (i, 0)),
            pl.BlockSpec((16, 64), lambda i: (0, 0)),
            pl.BlockSpec((1, 64), lambda i: (0, 0)),
            pl.BlockSpec((64, 32), lambda i: (0, 0)),
        ],
        out_specs=pl.BlockSpec((rblk, 32), lambda i: (i, 0)),
        out_shape=jax.ShapeDtypeStruct((n, 32), jnp.bfloat16),
    )(agg, u, dinv, w1p, b1.reshape(1, 64), W2)

    agg2 = _make_edge_agg_kernel(n, epad, nc, ns, 32, jnp.bfloat16, _SHARE0, 768)(z, eip)

    out = pl.pallas_call(
        functools.partial(_final_body, nblk),
        grid=(nblk,),
        in_specs=[
            pl.BlockSpec((nc, rblk, 32), lambda i: (0, i, 0)),
            pl.BlockSpec((rblk, 32), lambda i: (i, 0)),
            pl.BlockSpec((rblk, 1), lambda i: (i, 0)),
            pl.BlockSpec((rblk, 1), lambda i: (i, 0)),
            pl.BlockSpec((1, 32), lambda i: (0, 0)),
            pl.BlockSpec((32, 32), lambda i: (0, 0)),
            pl.BlockSpec((1, 32), lambda i: (0, 0)),
            pl.BlockSpec((32, 32), lambda i: (0, 0)),
            pl.BlockSpec((1, 32), lambda i: (0, 0)),
        ],
        out_specs=pl.BlockSpec((NUM_GRAPHS, 32), lambda i: (0, 0)),
        out_shape=jax.ShapeDtypeStruct((NUM_GRAPHS, 32), jnp.float32),
        scratch_shapes=[
            pltpu.VMEM((NUM_GRAPHS, 33), jnp.float32),
        ],
    )(agg2, z, dinv, batch.reshape(n, 1), b2.reshape(1, 32),
      fc1_W, fc1_b.reshape(1, 32), fc2_W, fc2_b.reshape(1, 32))
    return out

# --- scband reference (transcript-rebuilt; emitter-appended) ---
"""Pipeline reference for scband-gnn-23656679867765 (READ-ONLY COPY).

The authoritative reference and input builder live on the scoring server;
editing this copy changes nothing except your own understanding.
"""

import jax, jax.numpy as jnp
import numpy as np

N = 100000
E = 3200000
NUM_GRAPHS = 128


def setup_inputs(seed: int = 0) -> dict:
    key = jax.random.key(seed)
    ks = jax.random.split(key, 12)
    x = jax.random.normal(ks[0], (N, 13), dtype=jnp.float32)
    edge_index = jax.random.randint(ks[1], (2, E), 0, N, dtype=jnp.int32)
    batch = jnp.sort(jax.random.randint(ks[2], (N,), 0, NUM_GRAPHS, dtype=jnp.int32))
    W1 = jax.random.normal(ks[3], (13, 64), dtype=jnp.float32) * 0.1
    b1 = jnp.zeros((64,), dtype=jnp.float32)
    W2 = jax.random.normal(ks[4], (64, 32), dtype=jnp.float32) * 0.1
    b2 = jnp.zeros((32,), dtype=jnp.float32)
    fc1_W = jax.random.normal(ks[5], (32, 32), dtype=jnp.float32) * 0.1
    fc1_b = jnp.zeros((32,), dtype=jnp.float32)
    fc2_W = jax.random.normal(ks[6], (32, 32), dtype=jnp.float32) * 0.1
    fc2_b = jnp.zeros((32,), dtype=jnp.float32)
    return {"x": x, "edge_index": edge_index, "batch": batch,
            "W1": W1, "b1": b1, "W2": W2, "b2": b2,
            "fc1_W": fc1_W, "fc1_b": fc1_b, "fc2_W": fc2_W, "fc2_b": fc2_b}


def gcn_conv(x, src, dst, W, b):
    # PyG GCNConv: add self-loops, symmetric normalization D^-1/2 (A+I) D^-1/2, then X W + b
    n = x.shape[0]
    xw = x @ W
    loop = jnp.arange(n, dtype=src.dtype)
    s = jnp.concatenate([src, loop])
    d = jnp.concatenate([dst, loop])
    deg = jnp.zeros((n,), x.dtype).at[d].add(jnp.ones_like(s, dtype=x.dtype))
    dinv = jnp.where(deg > 0, jax.lax.rsqrt(jnp.maximum(deg, 1e-12)), 0.0)
    norm = dinv[s] * dinv[d]
    msg = xw[s] * norm[:, None]
    out = jnp.zeros((n, xw.shape[1]), x.dtype).at[d].add(msg)
    return out + b


def global_mean_pool(x, batch, num_graphs):
    sums = jax.ops.segment_sum(x, batch, num_segments=num_graphs)
    cnt = jax.ops.segment_sum(jnp.ones((x.shape[0], 1), x.dtype), batch, num_segments=num_graphs)
    return sums / jnp.maximum(cnt, 1.0)


def reference(x, edge_index, batch, W1, b1, W2, b2, fc1_W, fc1_b, fc2_W, fc2_b):
    src, dst = edge_index[0], edge_index[1]
    h = jax.nn.relu(gcn_conv(x, src, dst, W1, b1))
    h = gcn_conv(h, src, dst, W2, b2)
    g = global_mean_pool(h, batch, NUM_GRAPHS)
    g = jax.nn.relu(g @ fc1_W + fc1_b)
    return g @ fc2_W + fc2_b

if __name__ == "__main__":
    import jax
    _d = setup_inputs()
    print(jax.jit(kernel)(*tuple(_d.values())))

</pallas_src>

<mosaic_0001>
#map = affine_map<(d0, d1) -> (0, 0)>
module attributes {stable_mosaic.version = 14 : i64} {
  func.func @deg_kernel(%arg0: i32, %arg1: i32, %arg2: memref<2x3244032xi32, #tpu.memory_space<hbm>>, %arg3: memref<2x100352xf32, #tpu.memory_space<hbm>>, %arg4: memref<2x768xi32, #tpu.memory_space<vmem>>, %arg5: memref<768xf32, #tpu.memory_space<vmem>>, %arg6: memref<768xf32, #tpu.memory_space<vmem>>, %arg7: memref<100352xf32, #tpu.memory_space<vmem_shared>>) attributes {dimension_semantics = [#tpu.dimension_semantics<core_parallel>, #tpu.dimension_semantics<subcore_parallel>], iteration_bounds = array<i64: 2, 16>, scalar_prefetch = 0 : i64, scratch_operands = 4 : i64, tpu.core_type = #tpu.core_type<sc_vector_subcore>, window_params = [{transform_indices = #map}, {transform_indices = #map}]} {
    %scan3A = arith.constant 0 : i32
    %scan3A_0 = arith.constant 48 : i32
    %scan3A_1 = arith.addi %scan3A, %scan3A_0 : i32
    %scan3A_2 = arith.constant 1 : i32
    scf.for %scan3A_49 = %scan3A to %scan3A_1 step %scan3A_2  : i32 {
      %broadcast_in_dim3A = arith.constant 1.000000e+00 : f32
      %broadcast_in_dim3A_50 = vector.broadcast %broadcast_in_dim3A : f32 to vector<16xf32>
      %mul3A_51 = arith.constant 16 : i32
      %mul3A_52 = arith.muli %scan3A_49, %mul3A_51 : i32
      %swap3A = arith.index_cast %mul3A_52 : i32 to index
      %swap3A_53 = tpu.vector_load %arg5[%swap3A] {strides = array<i32>} : memref<768xf32, #tpu.memory_space<vmem>>, vector<16xf32>,
      %swap3A_54 = vector.shape_cast %swap3A_53 : vector<16xf32> to vector<16xf32>
      %swap3A_55 = vector.shape_cast %broadcast_in_dim3A_50 : vector<16xf32> to vector<16xf32>
      tpu.vector_store %arg5[%swap3A], %swap3A_55 {strides = array<i32>} : memref<768xf32, #tpu.memory_space<vmem>>, vector<16xf32>,
    }
    %scan3A_3 = arith.constant 48 : i32
    %scan3A_4 = arith.constant 0 : i32
    %scan3A_5 = arith.constant 48 : i32
    %scan3A_6 = arith.addi %scan3A_4, %scan3A_5 : i32
    %scan3A_7 = arith.constant 1 : i32
    scf.for %scan3A_49 = %scan3A_4 to %scan3A_6 step %scan3A_7  : i32 {
      %broadcast_in_dim3A = arith.constant 0.000000e+00 : f32
      %broadcast_in_dim3A_50 = vector.broadcast %broadcast_in_dim3A : f32 to vector<16xf32>
      %mul3A_51 = arith.constant 16 : i32
      %mul3A_52 = arith.muli %scan3A_49, %mul3A_51 : i32
      %swap3A = arith.index_cast %mul3A_52 : i32 to index
      %swap3A_53 = tpu.vector_load %arg6[%swap3A] {strides = array<i32>} : memref<768xf32, #tpu.memory_space<vmem>>, vector<16xf32>,
      %swap3A_54 = vector.shape_cast %swap3A_53 : vector<16xf32> to vector<16xf32>
      %swap3A_55 = vector.shape_cast %broadcast_in_dim3A_50 : vector<16xf32> to vector<16xf32>
      tpu.vector_store %arg6[%swap3A], %swap3A_55 {strides = array<i32>} : memref<768xf32, #tpu.memory_space<vmem>>, vector<16xf32>,
    }
    %scan3A_8 = arith.constant 48 : i32
    %mul3A = arith.constant 6272 : i32
    %mul3A_9 = arith.muli %arg1, %mul3A : i32
    %add3A = arith.constant 0 : i32
    %add3A_10 = arith.addi %mul3A_9, %add3A : i32
    %multiple_of3A = tpu.assume_multiple %add3A_10, 128 : i32
    "tpu.region"() ({
      %run_scoped3A = tpu.sem_alloc : memref<!tpu.dma_semaphore, #tpu.memory_space<semaphore_mem>>
      %dma_start3A = arith.constant 0 : i32
      %dma_start3A_49 = tpu.memref_slice %arg6[%dma_start3A] : memref<768xf32, #tpu.memory_space<vmem>> -> memref<768xf32, #tpu.memory_space<vmem>>
      %dma_start3A_50 = tpu.memref_slice %arg7[%multiple_of3A] : memref<100352xf32, #tpu.memory_space<vmem_shared>> -> memref<768xf32, #tpu.memory_space<vmem_shared>>
      %dma_start3A_51 = tpu.memref_slice %arg7[%multiple_of3A] : memref<100352xf32, #tpu.memory_space<vmem_shared>> -> memref<768xf32, #tpu.memory_space<vmem_shared>>
      %dma_start3A_52 = arith.constant 0 : i32
      %dma_start3A_53 = tpu.memref_slice %arg6[%dma_start3A_52] : memref<768xf32, #tpu.memory_space<vmem>> -> memref<768xf32, #tpu.memory_space<vmem>>
      tpu.enqueue_dma source(%dma_start3A_53 : memref<768xf32, #tpu.memory_space<vmem>>) target(%dma_start3A_51 : memref<768xf32, #tpu.memory_space<vmem_shared>>) target_semaphore(%run_scoped3A : memref<!tpu.dma_semaphore, #tpu.memory_space<semaphore_mem>>)
      %dma_wait3A = arith.constant 0 : i32
      %dma_wait3A_54 = tpu.memref_slice %arg6[%dma_wait3A] : memref<768xf32, #tpu.memory_space<vmem>> -> memref<768xf32, #tpu.memory_space<vmem>>
      %dma_wait3A_55 = tpu.memref_slice %arg7[%multiple_of3A] : memref<100352xf32, #tpu.memory_space<vmem_shared>> -> memref<768xf32, #tpu.memory_space<vmem_shared>>
      %dma_wait3A_56 = tpu.memref_slice %arg7[%multiple_of3A] : memref<100352xf32, #tpu.memory_space<vmem_shared>> -> memref<768xf32, #tpu.memory_space<vmem_shared>>
      %dma_wait3A_57 = arith.constant 0 : i32
      %dma_wait3A_58 = tpu.memref_slice %arg6[%dma_wait3A_57] : memref<768xf32, #tpu.memory_space<vmem>> -> memref<768xf32, #tpu.memory_space<vmem>>
      tpu.wait_dma2 semaphore(%run_scoped3A : memref<!tpu.dma_semaphore, #tpu.memory_space<semaphore_mem>>) src(%dma_wait3A_58 : memref<768xf32, #tpu.memory_space<vmem>>) dst(%dma_wait3A_56 : memref<768xf32, #tpu.memory_space<vmem_shared>>)
      tpu.yield
    }) : () -> ()
    %add3A_11 = arith.constant 768 : i32
    %add3A_12 = arith.addi %mul3A_9, %add3A_11 : i32
    %multiple_of3A_13 = tpu.assume_multiple %add3A_12, 128 : i32
    "tpu.region"() ({
      %run_scoped3A = tpu.sem_alloc : memref<!tpu.dma_semaphore, #tpu.memory_space<semaphore_mem>>
      %dma_start3A = arith.constant 0 : i32
      %dma_start3A_49 = tpu.memref_slice %arg6[%dma_start3A] : memref<768xf32, #tpu.memory_space<vmem>> -> memref<768xf32, #tpu.memory_space<vmem>>
      %dma_start3A_50 = tpu.memref_slice %arg7[%multiple_of3A_13] : memref<100352xf32, #tpu.memory_space<vmem_shared>> -> memref<768xf32, #tpu.memory_space<vmem_shared>>
      %dma_start3A_51 = tpu.memref_slice %arg7[%multiple_of3A_13] : memref<100352xf32, #tpu.memory_space<vmem_shared>> -> memref<768xf32, #tpu.memory_space<vmem_shared>>
      %dma_start3A_52 = arith.constant 0 : i32
      %dma_start3A_53 = tpu.memref_slice %arg6[%dma_start3A_52] : memref<768xf32, #tpu.memory_space<vmem>> -> memref<768xf32, #tpu.memory_space<vmem>>
      tpu.enqueue_dma source(%dma_start3A_53 : memref<768xf32, #tpu.memory_space<vmem>>) target(%dma_start3A_51 : memref<768xf32, #tpu.memory_space<vmem_shared>>) target_semaphore(%run_scoped3A : memref<!tpu.dma_semaphore, #tpu.memory_space<semaphore_mem>>)
      %dma_wait3A = arith.constant 0 : i32
      %dma_wait3A_54 = tpu.memref_slice %arg6[%dma_wait3A] : memref<768xf32, #tpu.memory_space<vmem>> -> memref<768xf32, #tpu.memory_space<vmem>>
      %dma_wait3A_55 = tpu.memref_slice %arg7[%multiple_of3A_13] : memref<100352xf32, #tpu.memory_space<vmem_shared>> -> memref<768xf32, #tpu.memory_space<vmem_shared>>
      %dma_wait3A_56 = tpu.memref_slice %arg7[%multiple_of3A_13] : memref<100352xf32, #tpu.memory_space<vmem_shared>> -> memref<768xf32, #tpu.memory_space<vmem_shared>>
      %dma_wait3A_57 = arith.constant 0 : i32
      %dma_wait3A_58 = tpu.memref_slice %arg6[%dma_wait3A_57] : memref<768xf32, #tpu.memory_space<vmem>> -> memref<768xf32, #tpu.memory_space<vmem>>
      tpu.wait_dma2 semaphore(%run_scoped3A : memref<!tpu.dma_semaphore, #tpu.memory_space<semaphore_mem>>) src(%dma_wait3A_58 : memref<768xf32, #tpu.memory_space<vmem>>) dst(%dma_wait3A_56 : memref<768xf32, #tpu.memory_space<vmem_shared>>)
      tpu.yield
    }) : () -> ()
    %add3A_14 = arith.constant 1536 : i32
    %add3A_15 = arith.addi %mul3A_9, %add3A_14 : i32
    %multiple_of3A_16 = tpu.assume_multiple %add3A_15, 128 : i32
    "tpu.region"() ({
      %run_scoped3A = tpu.sem_alloc : memref<!tpu.dma_semaphore, #tpu.memory_space<semaphore_mem>>
      %dma_start3A = arith.constant 0 : i32
      %dma_start3A_49 = tpu.memref_slice %arg6[%dma_start3A] : memref<768xf32, #tpu.memory_space<vmem>> -> memref<768xf32, #tpu.memory_space<vmem>>
      %dma_start3A_50 = tpu.memref_slice %arg7[%multiple_of3A_16] : memref<100352xf32, #tpu.memory_space<vmem_shared>> -> memref<768xf32, #tpu.memory_space<vmem_shared>>
      %dma_start3A_51 = tpu.memref_slice %arg7[%multiple_of3A_16] : memref<100352xf32, #tpu.memory_space<vmem_shared>> -> memref<768xf32, #tpu.memory_space<vmem_shared>>
      %dma_start3A_52 = arith.constant 0 : i32
      %dma_start3A_53 = tpu.memref_slice %arg6[%dma_start3A_52] : memref<768xf32, #tpu.memory_space<vmem>> -> memref<768xf32, #tpu.memory_space<vmem>>
      tpu.enqueue_dma source(%dma_start3A_53 : memref<768xf32, #tpu.memory_space<vmem>>) target(%dma_start3A_51 : memref<768xf32, #tpu.memory_space<vmem_shared>>) target_semaphore(%run_scoped3A : memref<!tpu.dma_semaphore, #tpu.memory_space<semaphore_mem>>)
      %dma_wait3A = arith.constant 0 : i32
      %dma_wait3A_54 = tpu.memref_slice %arg6[%dma_wait3A] : memref<768xf32, #tpu.memory_space<vmem>> -> memref<768xf32, #tpu.memory_space<vmem>>
      %dma_wait3A_55 = tpu.memref_slice %arg7[%multiple_of3A_16] : memref<100352xf32, #tpu.memory_space<vmem_shared>> -> memref<768xf32, #tpu.memory_space<vmem_shared>>
      %dma_wait3A_56 = tpu.memref_slice %arg7[%multiple_of3A_16] : memref<100352xf32, #tpu.memory_space<vmem_shared>> -> memref<768xf32, #tpu.memory_space<vmem_shared>>
      %dma_wait3A_57 = arith.constant 0 : i32
      %dma_wait3A_58 = tpu.memref_slice %arg6[%dma_wait3A_57] : memref<768xf32, #tpu.memory_space<vmem>> -> memref<768xf32, #tpu.memory_space<vmem>>
      tpu.wait_dma2 semaphore(%run_scoped3A : memref<!tpu.dma_semaphore, #tpu.memory_space<semaphore_mem>>) src(%dma_wait3A_58 : memref<768xf32, #tpu.memory_space<vmem>>) dst(%dma_wait3A_56 : memref<768xf32, #tpu.memory_space<vmem_shared>>)
      tpu.yield
    }) : () -> ()
    %add3A_17 = arith.constant 2304 : i32
    %add3A_18 = arith.addi %mul3A_9, %add3A_17 : i32
    %multiple_of3A_19 = tpu.assume_multiple %add3A_18, 128 : i32
    "tpu.region"() ({
      %run_scoped3A = tpu.sem_alloc : memref<!tpu.dma_semaphore, #tpu.memory_space<semaphore_mem>>
      %dma_start3A = arith.constant 0 : i32
      %dma_start3A_49 = tpu.memref_slice %arg6[%dma_start3A] : memref<768xf32, #tpu.memory_space<vmem>> -> memref<768xf32, #tpu.memory_space<vmem>>
      %dma_start3A_50 = tpu.memref_slice %arg7[%multiple_of3A_19] : memref<100352xf32, #tpu.memory_space<vmem_shared>> -> memref<768xf32, #tpu.memory_space<vmem_shared>>
      %dma_start3A_51 = tpu.memref_slice %arg7[%multiple_of3A_19] : memref<100352xf32, #tpu.memory_space<vmem_shared>> -> memref<768xf32, #tpu.memory_space<vmem_shared>>
      %dma_start3A_52 = arith.constant 0 : i32
      %dma_start3A_53 = tpu.memref_slice %arg6[%dma_start3A_52] : memref<768xf32, #tpu.memory_space<vmem>> -> memref<768xf32, #tpu.memory_space<vmem>>
      tpu.enqueue_dma source(%dma_start3A_53 : memref<768xf32, #tpu.memory_space<vmem>>) target(%dma_start3A_51 : memref<768xf32, #tpu.memory_space<vmem_shared>>) target_semaphore(%run_scoped3A : memref<!tpu.dma_semaphore, #tpu.memory_space<semaphore_mem>>)
      %dma_wait3A = arith.constant 0 : i32
      %dma_wait3A_54 = tpu.memref_slice %arg6[%dma_wait3A] : memref<768xf32, #tpu.memory_space<vmem>> -> memref<768xf32, #tpu.memory_space<vmem>>
      %dma_wait3A_55 = tpu.memref_slice %arg7[%multiple_of3A_19] : memref<100352xf32, #tpu.memory_space<vmem_shared>> -> memref<768xf32, #tpu.memory_space<vmem_shared>>
      %dma_wait3A_56 = tpu.memref_slice %arg7[%multiple_of3A_19] : memref<100352xf32, #tpu.memory_space<vmem_shared>> -> memref<768xf32, #tpu.memory_space<vmem_shared>>
      %dma_wait3A_57 = arith.constant 0 : i32
      %dma_wait3A_58 = tpu.memref_slice %arg6[%dma_wait3A_57] : memref<768xf32, #tpu.memory_space<vmem>> -> memref<768xf32, #tpu.memory_space<vmem>>
      tpu.wait_dma2 semaphore(%run_scoped3A : memref<!tpu.dma_semaphore, #tpu.memory_space<semaphore_mem>>) src(%dma_wait3A_58 : memref<768xf32, #tpu.memory_space<vmem>>) dst(%dma_wait3A_56 : memref<768xf32, #tpu.memory_space<vmem_shared>>)
      tpu.yield
    }) : () -> ()
    %add3A_20 = arith.constant 3072 : i32
    %add3A_21 = arith.addi %mul3A_9, %add3A_20 : i32
    %multiple_of3A_22 = tpu.assume_multiple %add3A_21, 128 : i32
    "tpu.region"() ({
      %run_scoped3A = tpu.sem_alloc : memref<!tpu.dma_semaphore, #tpu.memory_space<semaphore_mem>>
      %dma_start3A = arith.constant 0 : i32
      %dma_start3A_49 = tpu.memref_slice %arg6[%dma_start3A] : memref<768xf32, #tpu.memory_space<vmem>> -> memref<768xf32, #tpu.memory_space<vmem>>
      %dma_start3A_50 = tpu.memref_slice %arg7[%multiple_of3A_22] : memref<100352xf32, #tpu.memory_space<vmem_shared>> -> memref<768xf32, #tpu.memory_space<vmem_shared>>
      %dma_start3A_51 = tpu.memref_slice %arg7[%multiple_of3A_22] : memref<100352xf32, #tpu.memory_space<vmem_shared>> -> memref<768xf32, #tpu.memory_space<vmem_shared>>
      %dma_start3A_52 = arith.constant 0 : i32
      %dma_start3A_53 = tpu.memref_slice %arg6[%dma_start3A_52] : memref<768xf32, #tpu.memory_space<vmem>> -> memref<768xf32, #tpu.memory_space<vmem>>
      tpu.enqueue_dma source(%dma_start3A_53 : memref<768xf32, #tpu.memory_space<vmem>>) target(%dma_start3A_51 : memref<768xf32, #tpu.memory_space<vmem_shared>>) target_semaphore(%run_scoped3A : memref<!tpu.dma_semaphore, #tpu.memory_space<semaphore_mem>>)
      %dma_wait3A = arith.constant 0 : i32
      %dma_wait3A_54 = tpu.memref_slice %arg6[%dma_wait3A] : memref<768xf32, #tpu.memory_space<vmem>> -> memref<768xf32, #tpu.memory_space<vmem>>
      %dma_wait3A_55 = tpu.memref_slice %arg7[%multiple_of3A_22] : memref<100352xf32, #tpu.memory_space<vmem_shared>> -> memref<768xf32, #tpu.memory_space<vmem_shared>>
      %dma_wait3A_56 = tpu.memref_slice %arg7[%multiple_of3A_22] : memref<100352xf32, #tpu.memory_space<vmem_shared>> -> memref<768xf32, #tpu.memory_space<vmem_shared>>
      %dma_wait3A_57 = arith.constant 0 : i32
      %dma_wait3A_58 = tpu.memref_slice %arg6[%dma_wait3A_57] : memref<768xf32, #tpu.memory_space<vmem>> -> memref<768xf32, #tpu.memory_space<vmem>>
      tpu.wait_dma2 semaphore(%run_scoped3A : memref<!tpu.dma_semaphore, #tpu.memory_space<semaphore_mem>>) src(%dma_wait3A_58 : memref<768xf32, #tpu.memory_space<vmem>>) dst(%dma_wait3A_56 : memref<768xf32, #tpu.memory_space<vmem_shared>>)
      tpu.yield
    }) : () -> ()
    %add3A_23 = arith.constant 3840 : i32
    %add3A_24 = arith.addi %mul3A_9, %add3A_23 : i32
    %multiple_of3A_25 = tpu.assume_multiple %add3A_24, 128 : i32
    "tpu.region"() ({
      %run_scoped3A = tpu.sem_alloc : memref<!tpu.dma_semaphore, #tpu.memory_space<semaphore_mem>>
      %dma_start3A = arith.constant 0 : i32
      %dma_start3A_49 = tpu.memref_slice %arg6[%dma_start3A] : memref<768xf32, #tpu.memory_space<vmem>> -> memref<768xf32, #tpu.memory_space<vmem>>
      %dma_start3A_50 = tpu.memref_slice %arg7[%multiple_of3A_25] : memref<100352xf32, #tpu.memory_space<vmem_shared>> -> memref<768xf32, #tpu.memory_space<vmem_shared>>
      %dma_start3A_51 = tpu.memref_slice %arg7[%multiple_of3A_25] : memref<100352xf32, #tpu.memory_space<vmem_shared>> -> memref<768xf32, #tpu.memory_space<vmem_shared>>
      %dma_start3A_52 = arith.constant 0 : i32
      %dma_start3A_53 = tpu.memref_slice %arg6[%dma_start3A_52] : memref<768xf32, #tpu.memory_space<vmem>> -> memref<768xf32, #tpu.memory_space<vmem>>
      tpu.enqueue_dma source(%dma_start3A_53 : memref<768xf32, #tpu.memory_space<vmem>>) target(%dma_start3A_51 : memref<768xf32, #tpu.memory_space<vmem_shared>>) target_semaphore(%run_scoped3A : memref<!tpu.dma_semaphore, #tpu.memory_space<semaphore_mem>>)
      %dma_wait3A = arith.constant 0 : i32
      %dma_wait3A_54 = tpu.memref_slice %arg6[%dma_wait3A] : memref<768xf32, #tpu.memory_space<vmem>> -> memref<768xf32, #tpu.memory_space<vmem>>
      %dma_wait3A_55 = tpu.memref_slice %arg7[%multiple_of3A_25] : memref<100352xf32, #tpu.memory_space<vmem_shared>> -> memref<768xf32, #tpu.memory_space<vmem_shared>>
      %dma_wait3A_56 = tpu.memref_slice %arg7[%multiple_of3A_25] : memref<100352xf32, #tpu.memory_space<vmem_shared>> -> memref<768xf32, #tpu.memory_space<vmem_shared>>
      %dma_wait3A_57 = arith.constant 0 : i32
      %dma_wait3A_58 = tpu.memref_slice %arg6[%dma_wait3A_57] : memref<768xf32, #tpu.memory_space<vmem>> -> memref<768xf32, #tpu.memory_space<vmem>>
      tpu.wait_dma2 semaphore(%run_scoped3A : memref<!tpu.dma_semaphore, #tpu.memory_space<semaphore_mem>>) src(%dma_wait3A_58 : memref<768xf32, #tpu.memory_space<vmem>>) dst(%dma_wait3A_56 : memref<768xf32, #tpu.memory_space<vmem_shared>>)
      tpu.yield
    }) : () -> ()
    %add3A_26 = arith.constant 4608 : i32
    %add3A_27 = arith.addi %mul3A_9, %add3A_26 : i32
    %multiple_of3A_28 = tpu.assume_multiple %add3A_27, 128 : i32
    "tpu.region"() ({
      %run_scoped3A = tpu.sem_alloc : memref<!tpu.dma_semaphore, #tpu.memory_space<semaphore_mem>>
      %dma_start3A = arith.constant 0 : i32
      %dma_start3A_49 = tpu.memref_slice %arg6[%dma_start3A] : memref<768xf32, #tpu.memory_space<vmem>> -> memref<768xf32, #tpu.memory_space<vmem>>
      %dma_start3A_50 = tpu.memref_slice %arg7[%multiple_of3A_28] : memref<100352xf32, #tpu.memory_space<vmem_shared>> -> memref<768xf32, #tpu.memory_space<vmem_shared>>
      %dma_start3A_51 = tpu.memref_slice %arg7[%multiple_of3A_28] : memref<100352xf32, #tpu.memory_space<vmem_shared>> -> memref<768xf32, #tpu.memory_space<vmem_shared>>
      %dma_start3A_52 = arith.constant 0 : i32
      %dma_start3A_53 = tpu.memref_slice %arg6[%dma_start3A_52] : memref<768xf32, #tpu.memory_space<vmem>> -> memref<768xf32, #tpu.memory_space<vmem>>
      tpu.enqueue_dma source(%dma_start3A_53 : memref<768xf32, #tpu.memory_space<vmem>>) target(%dma_start3A_51 : memref<768xf32, #tpu.memory_space<vmem_shared>>) target_semaphore(%run_scoped3A : memref<!tpu.dma_semaphore, #tpu.memory_space<semaphore_mem>>)
      %dma_wait3A = arith.constant 0 : i32
      %dma_wait3A_54 = tpu.memref_slice %arg6[%dma_wait3A] : memref<768xf32, #tpu.memory_space<vmem>> -> memref<768xf32, #tpu.memory_space<vmem>>
      %dma_wait3A_55 = tpu.memref_slice %arg7[%multiple_of3A_28] : memref<100352xf32, #tpu.memory_space<vmem_shared>> -> memref<768xf32, #tpu.memory_space<vmem_shared>>
      %dma_wait3A_56 = tpu.memref_slice %arg7[%multiple_of3A_28] : memref<100352xf32, #tpu.memory_space<vmem_shared>> -> memref<768xf32, #tpu.memory_space<vmem_shared>>
      %dma_wait3A_57 = arith.constant 0 : i32
      %dma_wait3A_58 = tpu.memref_slice %arg6[%dma_wait3A_57] : memref<768xf32, #tpu.memory_space<vmem>> -> memref<768xf32, #tpu.memory_space<vmem>>
      tpu.wait_dma2 semaphore(%run_scoped3A : memref<!tpu.dma_semaphore, #tpu.memory_space<semaphore_mem>>) src(%dma_wait3A_58 : memref<768xf32, #tpu.memory_space<vmem>>) dst(%dma_wait3A_56 : memref<768xf32, #tpu.memory_space<vmem_shared>>)
      tpu.yield
    }) : () -> ()
    %add3A_29 = arith.constant 5376 : i32
    %add3A_30 = arith.addi %mul3A_9, %add3A_29 : i32
    %multiple_of3A_31 = tpu.assume_multiple %add3A_30, 128 : i32
    "tpu.region"() ({
      %run_scoped3A = tpu.sem_alloc : memref<!tpu.dma_semaphore, #tpu.memory_space<semaphore_mem>>
      %dma_start3A = arith.constant 0 : i32
      %dma_start3A_49 = tpu.memref_slice %arg6[%dma_start3A] : memref<768xf32, #tpu.memory_space<vmem>> -> memref<768xf32, #tpu.memory_space<vmem>>
      %dma_start3A_50 = tpu.memref_slice %arg7[%multiple_of3A_31] : memref<100352xf32, #tpu.memory_space<vmem_shared>> -> memref<768xf32, #tpu.memory_space<vmem_shared>>
      %dma_start3A_51 = tpu.memref_slice %arg7[%multiple_of3A_31] : memref<100352xf32, #tpu.memory_space<vmem_shared>> -> memref<768xf32, #tpu.memory_space<vmem_shared>>
      %dma_start3A_52 = arith.constant 0 : i32
      %dma_start3A_53 = tpu.memref_slice %arg6[%dma_start3A_52] : memref<768xf32, #tpu.memory_space<vmem>> -> memref<768xf32, #tpu.memory_space<vmem>>
      tpu.enqueue_dma source(%dma_start3A_53 : memref<768xf32, #tpu.memory_space<vmem>>) target(%dma_start3A_51 : memref<768xf32, #tpu.memory_space<vmem_shared>>) target_semaphore(%run_scoped3A : memref<!tpu.dma_semaphore, #tpu.memory_space<semaphore_mem>>)
      %dma_wait3A = arith.constant 0 : i32
      %dma_wait3A_54 = tpu.memref_slice %arg6[%dma_wait3A] : memref<768xf32, #tpu.memory_space<vmem>> -> memref<768xf32, #tpu.memory_space<vmem>>
      %dma_wait3A_55 = tpu.memref_slice %arg7[%multiple_of3A_31] : memref<100352xf32, #tpu.memory_space<vmem_shared>> -> memref<768xf32, #tpu.memory_space<vmem_shared>>
      %dma_wait3A_56 = tpu.memref_slice %arg7[%multiple_of3A_31] : memref<100352xf32, #tpu.memory_space<vmem_shared>> -> memref<768xf32, #tpu.memory_space<vmem_shared>>
      %dma_wait3A_57 = arith.constant 0 : i32
      %dma_wait3A_58 = tpu.memref_slice %arg6[%dma_wait3A_57] : memref<768xf32, #tpu.memory_space<vmem>> -> memref<768xf32, #tpu.memory_space<vmem>>
      tpu.wait_dma2 semaphore(%run_scoped3A : memref<!tpu.dma_semaphore, #tpu.memory_space<semaphore_mem>>) src(%dma_wait3A_58 : memref<768xf32, #tpu.memory_space<vmem>>) dst(%dma_wait3A_56 : memref<768xf32, #tpu.memory_space<vmem_shared>>)
      tpu.yield
    }) : () -> ()
    %add3A_32 = arith.constant 6144 : i32
    %add3A_33 = arith.addi %mul3A_9, %add3A_32 : i32
    %multiple_of3A_34 = tpu.assume_multiple %add3A_33, 128 : i32
    "tpu.region"() ({
      %run_scoped3A = tpu.sem_alloc : memref<!tpu.dma_semaphore, #tpu.memory_space<semaphore_mem>>
      %dma_start3A = arith.constant 0 : i32
      %dma_start3A_49 = tpu.memref_slice %arg6[%dma_start3A] : memref<768xf32, #tpu.memory_space<vmem>> -> memref<128xf32, #tpu.memory_space<vmem>>
      %dma_start3A_50 = tpu.memref_slice %arg7[%multiple_of3A_34] : memref<100352xf32, #tpu.memory_space<vmem_shared>> -> memref<128xf32, #tpu.memory_space<vmem_shared>>
      %dma_start3A_51 = tpu.memref_slice %arg7[%multiple_of3A_34] : memref<100352xf32, #tpu.memory_space<vmem_shared>> -> memref<128xf32, #tpu.memory_space<vmem_shared>>
      %dma_start3A_52 = arith.constant 0 : i32
      %dma_start3A_53 = tpu.memref_slice %arg6[%dma_start3A_52] : memref<768xf32, #tpu.memory_space<vmem>> -> memref<128xf32, #tpu.memory_space<vmem>>
      tpu.enqueue_dma source(%dma_start3A_53 : memref<128xf32, #tpu.memory_space<vmem>>) target(%dma_start3A_51 : memref<128xf32, #tpu.memory_space<vmem_shared>>) target_semaphore(%run_scoped3A : memref<!tpu.dma_semaphore, #tpu.memory_space<semaphore_mem>>)
      %dma_wait3A = arith.constant 0 : i32
      %dma_wait3A_54 = tpu.memref_slice %arg6[%dma_wait3A] : memref<768xf32, #tpu.memory_space<vmem>> -> memref<128xf32, #tpu.memory_space<vmem>>
      %dma_wait3A_55 = tpu.memref_slice %arg7[%multiple_of3A_34] : memref<100352xf32, #tpu.memory_space<vmem_shared>> -> memref<128xf32, #tpu.memory_space<vmem_shared>>
      %dma_wait3A_56 = tpu.memref_slice %arg7[%multiple_of3A_34] : memref<100352xf32, #tpu.memory_space<vmem_shared>> -> memref<128xf32, #tpu.memory_space<vmem_shared>>
      %dma_wait3A_57 = arith.constant 0 : i32
      %dma_wait3A_58 = tpu.memref_slice %arg6[%dma_wait3A_57] : memref<768xf32, #tpu.memory_space<vmem>> -> memref<128xf32, #tpu.memory_space<vmem>>
      tpu.wait_dma2 semaphore(%run_scoped3A : memref<!tpu.dma_semaphore, #tpu.memory_space<semaphore_mem>>) src(%dma_wait3A_58 : memref<128xf32, #tpu.memory_space<vmem>>) dst(%dma_wait3A_56 : memref<128xf32, #tpu.memory_space<vmem_shared>>)
      tpu.yield
    }) : () -> ()
    %barrier3A = arith.constant 0 : index
    tpu.barrier barrier_id(%barrier3A)
    %mul3A_35 = arith.constant 16 : i32
    %mul3A_36 = arith.muli %arg0, %mul3A_35 : i32
    %add3A_37 = arith.addi %mul3A_36, %arg1 : i32
    %mul3A_38 = arith.constant 101376 : i32
    %mul3A_39 = arith.muli %add3A_37, %mul3A_38 : i32
    %scan3A_40 = arith.constant 0 : i32
    %scan3A_41 = arith.constant 132 : i32
    %scan3A_42 = arith.addi %scan3A_40, %scan3A_41 : i32
    %scan3A_43 = arith.constant 1 : i32
    scf.for %scan3A_49 = %scan3A_40 to %scan3A_42 step %scan3A_43  : i32 {
      %mul3A_50 = arith.constant 768 : i32
      %mul3A_51 = arith.muli %scan3A_49, %mul3A_50 : i32
      %add3A_52 = arith.addi %mul3A_39, %mul3A_51 : i32
      %multiple_of3A_53 = tpu.assume_multiple %add3A_52, 256 : i32
      "tpu.region"() ({
        %run_scoped3A_54 = tpu.sem_alloc : memref<!tpu.dma_semaphore, #tpu.memory_space<semaphore_mem>>
        %dma_start3A = arith.constant 0 : i32
        %dma_start3A_55 = tpu.memref_slice %arg2[%dma_start3A, %multiple_of3A_53] : memref<2x3244032xi32, #tpu.memory_space<hbm>> -> memref<2x768xi32, #tpu.memory_space<hbm>>
        %dma_start3A_56 = arith.constant 0 : i32
        %dma_start3A_57 = tpu.memref_slice %arg2[%dma_start3A_56, %multiple_of3A_53] : memref<2x3244032xi32, #tpu.memory_space<hbm>> -> memref<2x768xi32, #tpu.memory_space<hbm>>
        tpu.enqueue_dma source(%dma_start3A_57 : memref<2x768xi32, #tpu.memory_space<hbm>>) target(%arg4 : memref<2x768xi32, #tpu.memory_space<vmem>>) target_semaphore(%run_scoped3A_54 : memref<!tpu.dma_semaphore, #tpu.memory_space<semaphore_mem>>)
        %dma_wait3A = arith.constant 0 : i32
        %dma_wait3A_58 = tpu.memref_slice %arg2[%dma_wait3A, %multiple_of3A_53] : memref<2x3244032xi32, #tpu.memory_space<hbm>> -> memref<2x768xi32, #tpu.memory_space<hbm>>
        %dma_wait3A_59 = arith.constant 0 : i32
        %dma_wait3A_60 = tpu.memref_slice %arg2[%dma_wait3A_59, %multiple_of3A_53] : memref<2x3244032xi32, #tpu.memory_space<hbm>> -> memref<2x768xi32, #tpu.memory_space<hbm>>
        tpu.wait_dma2 semaphore(%run_scoped3A_54 : memref<!tpu.dma_semaphore, #tpu.memory_space<semaphore_mem>>) src(%dma_wait3A_60 : memref<2x768xi32, #tpu.memory_space<hbm>>) dst(%arg4 : memref<2x768xi32, #tpu.memory_space<vmem>>)
        tpu.yield
      }) : () -> ()
      %run_scoped3A = arith.constant 1 : i32
      "tpu.region"() ({
        %run_scoped3A_54 = tpu.sem_alloc : memref<!tpu.dma_semaphore, #tpu.memory_space<semaphore_mem>>
        %dma_start3A = arith.constant 0 : i32
        %dma_start3A_55 = tpu.memref_slice %arg4[%run_scoped3A, %dma_start3A] : memref<2x768xi32, #tpu.memory_space<vmem>> -> memref<1x768xi32, #tpu.memory_space<vmem>>
        %dma_start3A_56 = tpu.memref_squeeze %dma_start3A_55 : memref<1x768xi32, #tpu.memory_space<vmem>> -> memref<768xi32, #tpu.memory_space<vmem>>
        %dma_start3A_57 = arith.constant 0 : i32
        %dma_start3A_58 = tpu.memref_slice %arg7[%dma_start3A_57] : memref<100352xf32, #tpu.memory_space<vmem_shared>> -> memref<100352xf32, #tpu.memory_space<vmem_shared>>
        tpu.enqueue_indirect_dma source(%arg5 : memref<768xf32, #tpu.memory_space<vmem>>) target(%dma_start3A_58 : memref<100352xf32, #tpu.memory_space<vmem_shared>>) offsets(%dma_start3A_56 : memref<768xi32, #tpu.memory_space<vmem>>) semaphore(%run_scoped3A_54 : memref<!tpu.dma_semaphore, #tpu.memory_space<semaphore_mem>>) {add = true}
        %dma_wait3A = arith.constant 0 : i32
        %dma_wait3A_59 = tpu.memref_slice %arg4[%run_scoped3A, %dma_wait3A] : memref<2x768xi32, #tpu.memory_space<vmem>> -> memref<1x768xi32, #tpu.memory_space<vmem>>
        %dma_wait3A_60 = tpu.memref_squeeze %dma_wait3A_59 : memref<1x768xi32, #tpu.memory_space<vmem>> -> memref<768xi32, #tpu.memory_space<vmem>>
        %dma_wait3A_61 = arith.constant 0 : i32
        %dma_wait3A_62 = tpu.memref_slice %arg7[%dma_wait3A_61] : memref<100352xf32, #tpu.memory_space<vmem_shared>> -> memref<100352xf32, #tpu.memory_space<vmem_shared>>
        tpu.wait_indirect_dma semaphore(%run_scoped3A_54 : memref<!tpu.dma_semaphore, #tpu.memory_space<semaphore_mem>>) src(%arg5 : memref<768xf32, #tpu.memory_space<vmem>>) dst(%dma_wait3A_62 : memref<100352xf32, #tpu.memory_space<vmem_shared>>)
        tpu.yield
      }) : () -> ()
    }
    %scan3A_44 = arith.constant 132 : i32
    %barrier3A_45 = arith.constant 0 : index
    tpu.barrier barrier_id(%barrier3A_45)
    %mul3A_46 = arith.constant 6272 : i32
    %mul3A_47 = arith.muli %arg1, %mul3A_46 : i32
    %multiple_of3A_48 = tpu.assume_multiple %mul3A_47, 128 : i32
    "tpu.region"() ({
      %run_scoped3A = tpu.sem_alloc : memref<!tpu.dma_semaphore, #tpu.memory_space<semaphore_mem>>
      %dma_start3A = arith.constant 0 : i32
      %dma_start3A_49 = tpu.memref_slice %arg3[%arg0, %dma_start3A] : memref<2x100352xf32, #tpu.memory_space<hbm>> -> memref<1x100352xf32, #tpu.memory_space<hbm>>
      %dma_start3A_50 = tpu.memref_squeeze %dma_start3A_49 : memref<1x100352xf32, #tpu.memory_space<hbm>> -> memref<100352xf32, #tpu.memory_space<hbm>>
      %dma_start3A_51 = tpu.memref_slice %dma_start3A_50[%multiple_of3A_48] : memref<100352xf32, #tpu.memory_space<hbm>> -> memref<6272xf32, #tpu.memory_space<hbm>>
      %dma_start3A_52 = tpu.memref_slice %arg7[%multiple_of3A_48] : memref<100352xf32, #tpu.memory_space<vmem_shared>> -> memref<6272xf32, #tpu.memory_space<vmem_shared>>
      tpu.enqueue_dma source(%dma_start3A_52 : memref<6272xf32, #tpu.memory_space<vmem_shared>>) target(%dma_start3A_51 : memref<6272xf32, #tpu.memory_space<hbm>>) target_semaphore(%run_scoped3A : memref<!tpu.dma_semaphore, #tpu.memory_space<semaphore_mem>>)
      %dma_wait3A = arith.constant 0 : i32
      %dma_wait3A_53 = tpu.memref_slice %arg3[%arg0, %dma_wait3A] : memref<2x100352xf32, #tpu.memory_space<hbm>> -> memref<1x100352xf32, #tpu.memory_space<hbm>>
      %dma_wait3A_54 = tpu.memref_squeeze %dma_wait3A_53 : memref<1x100352xf32, #tpu.memory_space<hbm>> -> memref<100352xf32, #tpu.memory_space<hbm>>
      %dma_wait3A_55 = tpu.memref_slice %dma_wait3A_54[%multiple_of3A_48] : memref<100352xf32, #tpu.memory_space<hbm>> -> memref<6272xf32, #tpu.memory_space<hbm>>
      %dma_wait3A_56 = tpu.memref_slice %arg7[%multiple_of3A_48] : memref<100352xf32, #tpu.memory_space<vmem_shared>> -> memref<6272xf32, #tpu.memory_space<vmem_shared>>
      tpu.wait_dma2 semaphore(%run_scoped3A : memref<!tpu.dma_semaphore, #tpu.memory_space<semaphore_mem>>) src(%dma_wait3A_56 : memref<6272xf32, #tpu.memory_space<vmem_shared>>) dst(%dma_wait3A_55 : memref<6272xf32, #tpu.memory_space<hbm>>)
      tpu.yield
    }) : () -> ()
    return
  }
}

#map = affine_map<(d0, d1) -> (0, 0)>
#map1 = affine_map<(d0, d1) -> (0, 0, 0)>
module attributes {stable_mosaic.version = 14 : i64} {
  func.func @agg_kernel(%arg0: i32, %arg1: i32, %arg2: memref<100000x32xbf16, #tpu.memory_space<hbm>>, %arg3: memref<2x3244032xi32, #tpu.memory_space<hbm>>, %arg4: memref<2x100096x32xbf16, #tpu.memory_space<hbm>>, %arg5: memref<2x2x768xi32, #tpu.memory_space<vmem>>, %arg6: memref<2x768x32xbf16, #tpu.memory_space<vmem>>, %arg7: memref<100096x32xbf16, #tpu.memory_space<vmem_shared>>, %arg8: memref<!tpu.dma_semaphore, #tpu.memory_space<semaphore_mem>>, %arg9: memref<!tpu.dma_semaphore, #tpu.memory_space<semaphore_mem>>, %arg10: memref<!tpu.dma_semaphore, #tpu.memory_space<semaphore_mem>>, %arg11: memref<!tpu.dma_semaphore, #tpu.memory_space<semaphore_mem>>) attributes {dimension_semantics = [#tpu.dimension_semantics<core_parallel>, #tpu.dimension_semantics<subcore_parallel>], iteration_bounds = array<i64: 2, 16>, scalar_prefetch = 0 : i64, scratch_operands = 7 : i64, tpu.core_type = #tpu.core_type<sc_vector_subcore>, window_params = [{transform_indices = #map}, {transform_indices = #map}, {transform_indices = #map1}]} {
    %scan3A = arith.constant 0 : i32
    %scan3A_0 = arith.constant 768 : i32
    %scan3A_1 = arith.addi %scan3A, %scan3A_0 : i32
    %scan3A_2 = arith.constant 1 : i32
    scf.for %scan3A_124 = %scan3A to %scan3A_1 step %scan3A_2  : i32 {
      %broadcast_in_dim3A = arith.constant 0.000000e+00 : bf16
      %broadcast_in_dim3A_125 = vector.broadcast %broadcast_in_dim3A : bf16 to vector<32xbf16>
      %swap3A = arith.constant 0 : i32
      %swap3A_126 = arith.index_cast %swap3A : i32 to index
      %swap3A_127 = arith.index_cast %scan3A_124 : i32 to index
      %swap3A_128 = arith.constant 0 : index
      %swap3A_129 = tpu.vector_load %arg6[%swap3A_126, %swap3A_127, %swap3A_128] {strides = array<i32>} : memref<2x768x32xbf16, #tpu.memory_space<vmem>>, vector<1x1x32xbf16>,
      %swap3A_130 = vector.shape_cast %swap3A_129 : vector<1x1x32xbf16> to vector<32xbf16>
      %swap3A_131 = vector.shape_cast %broadcast_in_dim3A_125 : vector<32xbf16> to vector<1x1x32xbf16>
      tpu.vector_store %arg6[%swap3A_126, %swap3A_127, %swap3A_128], %swap3A_131 {strides = array<i32>} : memref<2x768x32xbf16, #tpu.memory_space<vmem>>, vector<1x1x32xbf16>,
    }
    %scan3A_3 = arith.constant 768 : i32
    %mul3A = arith.constant 6256 : i32
    %mul3A_4 = arith.muli %arg1, %mul3A : i32
    %add3A = arith.constant 0 : i32
    %add3A_5 = arith.addi %mul3A_4, %add3A : i32
    %multiple_of3A = tpu.assume_multiple %add3A_5, 8 : i32
    %run_scoped3A = arith.constant 0 : i32
    "tpu.region"() ({
      %run_scoped3A_124 = tpu.sem_alloc : memref<!tpu.dma_semaphore, #tpu.memory_space<semaphore_mem>>
      %dma_start3A_125 = arith.constant 0 : i32
      %dma_start3A_126 = arith.constant 0 : i32
      %dma_start3A_127 = tpu.memref_slice %arg6[%run_scoped3A, %dma_start3A_125, %dma_start3A_126] : memref<2x768x32xbf16, #tpu.memory_space<vmem>> -> memref<1x768x32xbf16, #tpu.memory_space<vmem>>
      %dma_start3A_128 = tpu.memref_squeeze %dma_start3A_127 : memref<1x768x32xbf16, #tpu.memory_space<vmem>> -> memref<768x32xbf16, #tpu.memory_space<vmem>>
      %dma_start3A_129 = arith.constant 0 : i32
      %dma_start3A_130 = arith.constant 0 : i32
      %dma_start3A_131 = tpu.memref_slice %dma_start3A_128[%dma_start3A_129, %dma_start3A_130] : memref<768x32xbf16, #tpu.memory_space<vmem>> -> memref<768x32xbf16, #tpu.memory_space<vmem>>
      %dma_start3A_132 = arith.constant 0 : i32
      %dma_start3A_133 = tpu.memref_slice %arg7[%multiple_of3A, %dma_start3A_132] : memref<100096x32xbf16, #tpu.memory_space<vmem_shared>> -> memref<768x32xbf16, #tpu.memory_space<vmem_shared>>
      %dma_start3A_134 = arith.constant 0 : i32
      %dma_start3A_135 = tpu.memref_slice %arg7[%multiple_of3A, %dma_start3A_134] : memref<100096x32xbf16, #tpu.memory_space<vmem_shared>> -> memref<768x32xbf16, #tpu.memory_space<vmem_shared>>
      %dma_start3A_136 = arith.constant 0 : i32
      %dma_start3A_137 = arith.constant 0 : i32
      %dma_start3A_138 = tpu.memref_slice %arg6[%run_scoped3A, %dma_start3A_136, %dma_start3A_137] : memref<2x768x32xbf16, #tpu.memory_space<vmem>> -> memref<1x768x32xbf16, #tpu.memory_space<vmem>>
      %dma_start3A_139 = tpu.memref_squeeze %dma_start3A_138 : memref<1x768x32xbf16, #tpu.memory_space<vmem>> -> memref<768x32xbf16, #tpu.memory_space<vmem>>
      %dma_start3A_140 = arith.constant 0 : i32
      %dma_start3A_141 = arith.constant 0 : i32
      %dma_start3A_142 = tpu.memref_slice %dma_start3A_139[%dma_start3A_140, %dma_start3A_141] : memref<768x32xbf16, #tpu.memory_space<vmem>> -> memref<768x32xbf16, #tpu.memory_space<vmem>>
      tpu.enqueue_dma source(%dma_start3A_142 : memref<768x32xbf16, #tpu.memory_space<vmem>>) target(%dma_start3A_135 : memref<768x32xbf16, #tpu.memory_space<vmem_shared>>) target_semaphore(%run_scoped3A_124 : memref<!tpu.dma_semaphore, #tpu.memory_space<semaphore_mem>>)
      %dma_wait3A_143 = arith.constant 0 : i32
      %dma_wait3A_144 = arith.constant 0 : i32
      %dma_wait3A_145 = tpu.memref_slice %arg6[%run_scoped3A, %dma_wait3A_143, %dma_wait3A_144] : memref<2x768x32xbf16, #tpu.memory_space<vmem>> -> memref<1x768x32xbf16, #tpu.memory_space<vmem>>
      %dma_wait3A_146 = tpu.memref_squeeze %dma_wait3A_145 : memref<1x768x32xbf16, #tpu.memory_space<vmem>> -> memref<768x32xbf16, #tpu.memory_space<vmem>>
      %dma_wait3A_147 = arith.constant 0 : i32
      %dma_wait3A_148 = arith.constant 0 : i32
      %dma_wait3A_149 = tpu.memref_slice %dma_wait3A_146[%dma_wait3A_147, %dma_wait3A_148] : memref<768x32xbf16, #tpu.memory_space<vmem>> -> memref<768x32xbf16, #tpu.memory_space<vmem>>
      %dma_wait3A_150 = arith.constant 0 : i32
      %dma_wait3A_151 = tpu.memref_slice %arg7[%multiple_of3A, %dma_wait3A_150] : memref<100096x32xbf16, #tpu.memory_space<vmem_shared>> -> memref<768x32xbf16, #tpu.memory_space<vmem_shared>>
      %dma_wait3A_152 = arith.constant 0 : i32
      %dma_wait3A_153 = tpu.memref_slice %arg7[%multiple_of3A, %dma_wait3A_152] : memref<100096x32xbf16, #tpu.memory_space<vmem_shared>> -> memref<768x32xbf16, #tpu.memory_space<vmem_shared>>
      %dma_wait3A_154 = arith.constant 0 : i32
      %dma_wait3A_155 = arith.constant 0 : i32
      %dma_wait3A_156 = tpu.memref_slice %arg6[%run_scoped3A, %dma_wait3A_154, %dma_wait3A_155] : memref<2x768x32xbf16, #tpu.memory_space<vmem>> -> memref<1x768x32xbf16, #tpu.memory_space<vmem>>
      %dma_wait3A_157 = tpu.memref_squeeze %dma_wait3A_156 : memref<1x768x32xbf16, #tpu.memory_space<vmem>> -> memref<768x32xbf16, #tpu.memory_space<vmem>>
      %dma_wait3A_158 = arith.constant 0 : i32
      %dma_wait3A_159 = arith.constant 0 : i32
      %dma_wait3A_160 = tpu.memref_slice %dma_wait3A_157[%dma_wait3A_158, %dma_wait3A_159] : memref<768x32xbf16, #tpu.memory_space<vmem>> -> memref<768x32xbf16, #tpu.memory_space<vmem>>
      tpu.wait_dma2 semaphore(%run_scoped3A_124 : memref<!tpu.dma_semaphore, #tpu.memory_space<semaphore_mem>>) src(%dma_wait3A_160 : memref<768x32xbf16, #tpu.memory_space<vmem>>) dst(%dma_wait3A_153 : memref<768x32xbf16, #tpu.memory_space<vmem_shared>>)
      tpu.yield
    }) : () -> ()
    %add3A_6 = arith.constant 768 : i32
    %add3A_7 = arith.addi %mul3A_4, %add3A_6 : i32
    %multiple_of3A_8 = tpu.assume_multiple %add3A_7, 8 : i32
    %run_scoped3A_9 = arith.constant 0 : i32
    "tpu.region"() ({
      %run_scoped3A_124 = tpu.sem_alloc : memref<!tpu.dma_semaphore, #tpu.memory_space<semaphore_mem>>
      %dma_start3A_125 = arith.constant 0 : i32
      %dma_start3A_126 = arith.constant 0 : i32
      %dma_start3A_127 = tpu.memref_slice %arg6[%run_scoped3A_9, %dma_start3A_125, %dma_start3A_126] : memref<2x768x32xbf16, #tpu.memory_space<vmem>> -> memref<1x768x32xbf16, #tpu.memory_space<vmem>>
      %dma_start3A_128 = tpu.memref_squeeze %dma_start3A_127 : memref<1x768x32xbf16, #tpu.memory_space<vmem>> -> memref<768x32xbf16, #tpu.memory_space<vmem>>
      %dma_start3A_129 = arith.constant 0 : i32
      %dma_start3A_130 = arith.constant 0 : i32
      %dma_start3A_131 = tpu.memref_slice %dma_start3A_128[%dma_start3A_129, %dma_start3A_130] : memref<768x32xbf16, #tpu.memory_space<vmem>> -> memref<768x32xbf16, #tpu.memory_space<vmem>>
      %dma_start3A_132 = arith.constant 0 : i32
      %dma_start3A_133 = tpu.memref_slice %arg7[%multiple_of3A_8, %dma_start3A_132] : memref<100096x32xbf16, #tpu.memory_space<vmem_shared>> -> memref<768x32xbf16, #tpu.memory_space<vmem_shared>>
      %dma_start3A_134 = arith.constant 0 : i32
      %dma_start3A_135 = tpu.memref_slice %arg7[%multiple_of3A_8, %dma_start3A_134] : memref<100096x32xbf16, #tpu.memory_space<vmem_shared>> -> memref<768x32xbf16, #tpu.memory_space<vmem_shared>>
      %dma_start3A_136 = arith.constant 0 : i32
      %dma_start3A_137 = arith.constant 0 : i32
      %dma_start3A_138 = tpu.memref_slice %arg6[%run_scoped3A_9, %dma_start3A_136, %dma_start3A_137] : memref<2x768x32xbf16, #tpu.memory_space<vmem>> -> memref<1x768x32xbf16, #tpu.memory_space<vmem>>
      %dma_start3A_139 = tpu.memref_squeeze %dma_start3A_138 : memref<1x768x32xbf16, #tpu.memory_space<vmem>> -> memref<768x32xbf16, #tpu.memory_space<vmem>>
      %dma_start3A_140 = arith.constant 0 : i32
      %dma_start3A_141 = arith.constant 0 : i32
      %dma_start3A_142 = tpu.memref_slice %dma_start3A_139[%dma_start3A_140, %dma_start3A_141] : memref<768x32xbf16, #tpu.memory_space<vmem>> -> memref<768x32xbf16, #tpu.memory_space<vmem>>
      tpu.enqueue_dma source(%dma_start3A_142 : memref<768x32xbf16, #tpu.memory_space<vmem>>) target(%dma_start3A_135 : memref<768x32xbf16, #tpu.memory_space<vmem_shared>>) target_semaphore(%run_scoped3A_124 : memref<!tpu.dma_semaphore, #tpu.memory_space<semaphore_mem>>)
      %dma_wait3A_143 = arith.constant 0 : i32
      %dma_wait3A_144 = arith.constant 0 : i32
      %dma_wait3A_145 = tpu.memref_slice %arg6[%run_scoped3A_9, %dma_wait3A_143, %dma_wait3A_144] : memref<2x768x32xbf16, #tpu.memory_space<vmem>> -> memref<1x768x32xbf16, #tpu.memory_space<vmem>>
      %dma_wait3A_146 = tpu.memref_squeeze %dma_wait3A_145 : memref<1x768x32xbf16, #tpu.memory_space<vmem>> -> memref<768x32xbf16, #tpu.memory_space<vmem>>
      %dma_wait3A_147 = arith.constant 0 : i32
      %dma_wait3A_148 = arith.constant 0 : i32
      %dma_wait3A_149 = tpu.memref_slice %dma_wait3A_146[%dma_wait3A_147, %dma_wait3A_148] : memref<768x32xbf16, #tpu.memory_space<vmem>> -> memref<768x32xbf16, #tpu.memory_space<vmem>>
      %dma_wait3A_150 = arith.constant 0 : i32
      %dma_wait3A_151 = tpu.memref_slice %arg7[%multiple_of3A_8, %dma_wait3A_150] : memref<100096x32xbf16, #tpu.memory_space<vmem_shared>> -> memref<768x32xbf16, #tpu.memory_space<vmem_shared>>
      %dma_wait3A_152 = arith.constant 0 : i32
      %dma_wait3A_153 = tpu.memref_slice %arg7[%multiple_of3A_8, %dma_wait3A_152] : memref<100096x32xbf16, #tpu.memory_space<vmem_shared>> -> memref<768x32xbf16, #tpu.memory_space<vmem_shared>>
      %dma_wait3A_154 = arith.constant 0 : i32
      %dma_wait3A_155 = arith.constant 0 : i32
      %dma_wait3A_156 = tpu.memref_slice %arg6[%run_scoped3A_9, %dma_wait3A_154, %dma_wait3A_155] : memref<2x768x32xbf16, #tpu.memory_space<vmem>> -> memref<1x768x32xbf16, #tpu.memory_space<vmem>>
      %dma_wait3A_157 = tpu.memref_squeeze %dma_wait3A_156 : memref<1x768x32xbf16, #tpu.memory_space<vmem>> -> memref<768x32xbf16, #tpu.memory_space<vmem>>
      %dma_wait3A_158 = arith.constant 0 : i32
      %dma_wait3A_159 = arith.constant 0 : i32
      %dma_wait3A_160 = tpu.memref_slice %dma_wait3A_157[%dma_wait3A_158, %dma_wait3A_159] : memref<768x32xbf16, #tpu.memory_space<vmem>> -> memref<768x32xbf16, #tpu.memory_space<vmem>>
      tpu.wait_dma2 semaphore(%run_scoped3A_124 : memref<!tpu.dma_semaphore, #tpu.memory_space<semaphore_mem>>) src(%dma_wait3A_160 : memref<768x32xbf16, #tpu.memory_space<vmem>>) dst(%dma_wait3A_153 : memref<768x32xbf16, #tpu.memory_space<vmem_shared>>)
      tpu.yield
    }) : () -> ()
    %add3A_10 = arith.constant 1536 : i32
    %add3A_11 = arith.addi %mul3A_4, %add3A_10 : i32
    %multiple_of3A_12 = tpu.assume_multiple %add3A_11, 8 : i32
    %run_scoped3A_13 = arith.constant 0 : i32
    "tpu.region"() ({
      %run_scoped3A_124 = tpu.sem_alloc : memref<!tpu.dma_semaphore, #tpu.memory_space<semaphore_mem>>
      %dma_start3A_125 = arith.constant 0 : i32
      %dma_start3A_126 = arith.constant 0 : i32
      %dma_start3A_127 = tpu.memref_slice %arg6[%run_scoped3A_13, %dma_start3A_125, %dma_start3A_126] : memref<2x768x32xbf16, #tpu.memory_space<vmem>> -> memref<1x768x32xbf16, #tpu.memory_space<vmem>>
      %dma_start3A_128 = tpu.memref_squeeze %dma_start3A_127 : memref<1x768x32xbf16, #tpu.memory_space<vmem>> -> memref<768x32xbf16, #tpu.memory_space<vmem>>
      %dma_start3A_129 = arith.constant 0 : i32
      %dma_start3A_130 = arith.constant 0 : i32
      %dma_start3A_131 = tpu.memref_slice %dma_start3A_128[%dma_start3A_129, %dma_start3A_130] : memref<768x32xbf16, #tpu.memory_space<vmem>> -> memref<768x32xbf16, #tpu.memory_space<vmem>>
      %dma_start3A_132 = arith.constant 0 : i32
      %dma_start3A_133 = tpu.memref_slice %arg7[%multiple_of3A_12, %dma_start3A_132] : memref<100096x32xbf16, #tpu.memory_space<vmem_shared>> -> memref<768x32xbf16, #tpu.memory_space<vmem_shared>>
      %dma_start3A_134 = arith.constant 0 : i32
      %dma_start3A_135 = tpu.memref_slice %arg7[%multiple_of3A_12, %dma_start3A_134] : memref<100096x32xbf16, #tpu.memory_space<vmem_shared>> -> memref<768x32xbf16, #tpu.memory_space<vmem_shared>>
      %dma_start3A_136 = arith.constant 0 : i32
      %dma_start3A_137 = arith.constant 0 : i32
      %dma_start3A_138 = tpu.memref_slice %arg6[%run_scoped3A_13, %dma_start3A_136, %dma_start3A_137] : memref<2x768x32xbf16, #tpu.memory_space<vmem>> -> memref<1x768x32xbf16, #tpu.memory_space<vmem>>
      %dma_start3A_139 = tpu.memref_squeeze %dma_start3A_138 : memref<1x768x32xbf16, #tpu.memory_space<vmem>> -> memref<768x32xbf16, #tpu.memory_space<vmem>>
      %dma_start3A_140 = arith.constant 0 : i32
      %dma_start3A_141 = arith.constant 0 : i32
      %dma_start3A_142 = tpu.memref_slice %dma_start3A_139[%dma_start3A_140, %dma_start3A_141] : memref<768x32xbf16, #tpu.memory_space<vmem>> -> memref<768x32xbf16, #tpu.memory_space<vmem>>
      tpu.enqueue_dma source(%dma_start3A_142 : memref<768x32xbf16, #tpu.memory_space<vmem>>) target(%dma_start3A_135 : memref<768x32xbf16, #tpu.memory_space<vmem_shared>>) target_semaphore(%run_scoped3A_124 : memref<!tpu.dma_semaphore, #tpu.memory_space<semaphore_mem>>)
      %dma_wait3A_143 = arith.constant 0 : i32
      %dma_wait3A_144 = arith.constant 0 : i32
      %dma_wait3A_145 = tpu.memref_slice %arg6[%run_scoped3A_13, %dma_wait3A_143, %dma_wait3A_144] : memref<2x768x32xbf16, #tpu.memory_space<vmem>> -> memref<1x768x32xbf16, #tpu.memory_space<vmem>>
      %dma_wait3A_146 = tpu.memref_squeeze %dma_wait3A_145 : memref<1x768x32xbf16, #tpu.memory_space<vmem>> -> memref<768x32xbf16, #tpu.memory_space<vmem>>
      %dma_wait3A_147 = arith.constant 0 : i32
      %dma_wait3A_148 = arith.constant 0 : i32
      %dma_wait3A_149 = tpu.memref_slice %dma_wait3A_146[%dma_wait3A_147, %dma_wait3A_148] : memref<768x32xbf16, #tpu.memory_space<vmem>> -> memref<768x32xbf16, #tpu.memory_space<vmem>>
      %dma_wait3A_150 = arith.constant 0 : i32
      %dma_wait3A_151 = tpu.memref_slice %arg7[%multiple_of3A_12, %dma_wait3A_150] : memref<100096x32xbf16, #tpu.memory_space<vmem_shared>> -> memref<768x32xbf16, #tpu.memory_space<vmem_shared>>
      %dma_wait3A_152 = arith.constant 0 : i32
      %dma_wait3A_153 = tpu.memref_slice %arg7[%multiple_of3A_12, %dma_wait3A_152] : memref<100096x32xbf16, #tpu.memory_space<vmem_shared>> -> memref<768x32xbf16, #tpu.memory_space<vmem_shared>>
      %dma_wait3A_154 = arith.constant 0 : i32
      %dma_wait3A_155 = arith.constant 0 : i32
      %dma_wait3A_156 = tpu.memref_slice %arg6[%run_scoped3A_13, %dma_wait3A_154, %dma_wait3A_155] : memref<2x768x32xbf16, #tpu.memory_space<vmem>> -> memref<1x768x32xbf16, #tpu.memory_space<vmem>>
      %dma_wait3A_157 = tpu.memref_squeeze %dma_wait3A_156 : memref<1x768x32xbf16, #tpu.memory_space<vmem>> -> memref<768x32xbf16, #tpu.memory_space<vmem>>
      %dma_wait3A_158 = arith.constant 0 : i32
      %dma_wait3A_159 = arith.constant 0 : i32
      %dma_wait3A_160 = tpu.memref_slice %dma_wait3A_157[%dma_wait3A_158, %dma_wait3A_159] : memref<768x32xbf16, #tpu.memory_space<vmem>> -> memref<768x32xbf16, #tpu.memory_space<vmem>>
      tpu.wait_dma2 semaphore(%run_scoped3A_124 : memref<!tpu.dma_semaphore, #tpu.memory_space<semaphore_mem>>) src(%dma_wait3A_160 : memref<768x32xbf16, #tpu.memory_space<vmem>>) dst(%dma_wait3A_153 : memref<768x32xbf16, #tpu.memory_space<vmem_shared>>)
      tpu.yield
    }) : () -> ()
    %add3A_14 = arith.constant 2304 : i32
    %add3A_15 = arith.addi %mul3A_4, %add3A_14 : i32
    %multiple_of3A_16 = tpu.assume_multiple %add3A_15, 8 : i32
    %run_scoped3A_17 = arith.constant 0 : i32
    "tpu.region"() ({
      %run_scoped3A_124 = tpu.sem_alloc : memref<!tpu.dma_semaphore, #tpu.memory_space<semaphore_mem>>
      %dma_start3A_125 = arith.constant 0 : i32
      %dma_start3A_126 = arith.constant 0 : i32
      %dma_start3A_127 = tpu.memref_slice %arg6[%run_scoped3A_17, %dma_start3A_125, %dma_start3A_126] : memref<2x768x32xbf16, #tpu.memory_space<vmem>> -> memref<1x768x32xbf16, #tpu.memory_space<vmem>>
      %dma_start3A_128 = tpu.memref_squeeze %dma_start3A_127 : memref<1x768x32xbf16, #tpu.memory_space<vmem>> -> memref<768x32xbf16, #tpu.memory_space<vmem>>
      %dma_start3A_129 = arith.constant 0 : i32
      %dma_start3A_130 = arith.constant 0 : i32
      %dma_start3A_131 = tpu.memref_slice %dma_start3A_128[%dma_start3A_129, %dma_start3A_130] : memref<768x32xbf16, #tpu.memory_space<vmem>> -> memref<768x32xbf16, #tpu.memory_space<vmem>>
      %dma_start3A_132 = arith.constant 0 : i32
      %dma_start3A_133 = tpu.memref_slice %arg7[%multiple_of3A_16, %dma_start3A_132] : memref<100096x32xbf16, #tpu.memory_space<vmem_shared>> -> memref<768x32xbf16, #tpu.memory_space<vmem_shared>>
      %dma_start3A_134 = arith.constant 0 : i32
      %dma_start3A_135 = tpu.memref_slice %arg7[%multiple_of3A_16, %dma_start3A_134] : memref<100096x32xbf16, #tpu.memory_space<vmem_shared>> -> memref<768x32xbf16, #tpu.memory_space<vmem_shared>>
      %dma_start3A_136 = arith.constant 0 : i32
      %dma_start3A_137 = arith.constant 0 : i32
      %dma_start3A_138 = tpu.memref_slice %arg6[%run_scoped3A_17, %dma_start3A_136, %dma_start3A_137] : memref<2x768x32xbf16, #tpu.memory_space<vmem>> -> memref<1x768x32xbf16, #tpu.memory_space<vmem>>
      %dma_start3A_139 = tpu.memref_squeeze %dma_start3A_138 : memref<1x768x32xbf16, #tpu.memory_space<vmem>> -> memref<768x32xbf16, #tpu.memory_space<vmem>>
      %dma_start3A_140 = arith.constant 0 : i32
      %dma_start3A_141 = arith.constant 0 : i32
      %dma_start3A_142 = tpu.memref_slice %dma_start3A_139[%dma_start3A_140, %dma_start3A_141] : memref<768x32xbf16, #tpu.memory_space<vmem>> -> memref<768x32xbf16, #tpu.memory_space<vmem>>
      tpu.enqueue_dma source(%dma_start3A_142 : memref<768x32xbf16, #tpu.memory_space<vmem>>) target(%dma_start3A_135 : memref<768x32xbf16, #tpu.memory_space<vmem_shared>>) target_semaphore(%run_scoped3A_124 : memref<!tpu.dma_semaphore, #tpu.memory_space<semaphore_mem>>)
      %dma_wait3A_143 = arith.constant 0 : i32
      %dma_wait3A_144 = arith.constant 0 : i32
      %dma_wait3A_145 = tpu.memref_slice %arg6[%run_scoped3A_17, %dma_wait3A_143, %dma_wait3A_144] : memref<2x768x32xbf16, #tpu.memory_space<vmem>> -> memref<1x768x32xbf16, #tpu.memory_space<vmem>>
      %dma_wait3A_146 = tpu.memref_squeeze %dma_wait3A_145 : memref<1x768x32xbf16, #tpu.memory_space<vmem>> -> memref<768x32xbf16, #tpu.memory_space<vmem>>
      %dma_wait3A_147 = arith.constant 0 : i32
      %dma_wait3A_148 = arith.constant 0 : i32
      %dma_wait3A_149 = tpu.memref_slice %dma_wait3A_146[%dma_wait3A_147, %dma_wait3A_148] : memref<768x32xbf16, #tpu.memory_space<vmem>> -> memref<768x32xbf16, #tpu.memory_space<vmem>>
      %dma_wait3A_150 = arith.constant 0 : i32
      %dma_wait3A_151 = tpu.memref_slice %arg7[%multiple_of3A_16, %dma_wait3A_150] : memref<100096x32xbf16, #tpu.memory_space<vmem_shared>> -> memref<768x32xbf16, #tpu.memory_space<vmem_shared>>
      %dma_wait3A_152 = arith.constant 0 : i32
      %dma_wait3A_153 = tpu.memref_slice %arg7[%multiple_of3A_16, %dma_wait3A_152] : memref<100096x32xbf16, #tpu.memory_space<vmem_shared>> -> memref<768x32xbf16, #tpu.memory_space<vmem_shared>>
      %dma_wait3A_154 = arith.constant 0 : i32
      %dma_wait3A_155 = arith.constant 0 : i32
      %dma_wait3A_156 = tpu.memref_slice %arg6[%run_scoped3A_17, %dma_wait3A_154, %dma_wait3A_155] : memref<2x768x32xbf16, #tpu.memory_space<vmem>> -> memref<1x768x32xbf16, #tpu.memory_space<vmem>>
      %dma_wait3A_157 = tpu.memref_squeeze %dma_wait3A_156 : memref<1x768x32xbf16, #tpu.memory_space<vmem>> -> memref<768x32xbf16, #tpu.memory_space<vmem>>
      %dma_wait3A_158 = arith.constant 0 : i32
      %dma_wait3A_159 = arith.constant 0 : i32
      %dma_wait3A_160 = tpu.memref_slice %dma_wait3A_157[%dma_wait3A_158, %dma_wait3A_159] : memref<768x32xbf16, #tpu.memory_space<vmem>> -> memref<768x32xbf16, #tpu.memory_space<vmem>>
      tpu.wait_dma2 semaphore(%run_scoped3A_124 : memref<!tpu.dma_semaphore, #tpu.memory_space<semaphore_mem>>) src(%dma_wait3A_160 : memref<768x32xbf16, #tpu.memory_space<vmem>>) dst(%dma_wait3A_153 : memref<768x32xbf16, #tpu.memory_space<vmem_shared>>)
      tpu.yield
    }) : () -> ()
    %add3A_18 = arith.constant 3072 : i32
    %add3A_19 = arith.addi %mul3A_4, %add3A_18 : i32
    %multiple_of3A_20 = tpu.assume_multiple %add3A_19, 8 : i32
    %run_scoped3A_21 = arith.constant 0 : i32
    "tpu.region"() ({
      %run_scoped3A_124 = tpu.sem_alloc : memref<!tpu.dma_semaphore, #tpu.memory_space<semaphore_mem>>
      %dma_start3A_125 = arith.constant 0 : i32
      %dma_start3A_126 = arith.constant 0 : i32
      %dma_start3A_127 = tpu.memref_slice %arg6[%run_scoped3A_21, %dma_start3A_125, %dma_start3A_126] : memref<2x768x32xbf16, #tpu.memory_space<vmem>> -> memref<1x768x32xbf16, #tpu.memory_space<vmem>>
      %dma_start3A_128 = tpu.memref_squeeze %dma_start3A_127 : memref<1x768x32xbf16, #tpu.memory_space<vmem>> -> memref<768x32xbf16, #tpu.memory_space<vmem>>
      %dma_start3A_129 = arith.constant 0 : i32
      %dma_start3A_130 = arith.constant 0 : i32
      %dma_start3A_131 = tpu.memref_slice %dma_start3A_128[%dma_start3A_129, %dma_start3A_130] : memref<768x32xbf16, #tpu.memory_space<vmem>> -> memref<768x32xbf16, #tpu.memory_space<vmem>>
      %dma_start3A_132 = arith.constant 0 : i32
      %dma_start3A_133 = tpu.memref_slice %arg7[%multiple_of3A_20, %dma_start3A_132] : memref<100096x32xbf16, #tpu.memory_space<vmem_shared>> -> memref<768x32xbf16, #tpu.memory_space<vmem_shared>>
      %dma_start3A_134 = arith.constant 0 : i32
      %dma_start3A_135 = tpu.memref_slice %arg7[%multiple_of3A_20, %dma_start3A_134] : memref<100096x32xbf16, #tpu.memory_space<vmem_shared>> -> memref<768x32xbf16, #tpu.memory_space<vmem_shared>>
      %dma_start3A_136 = arith.constant 0 : i32
      %dma_start3A_137 = arith.constant 0 : i32
      %dma_start3A_138 = tpu.memref_slice %arg6[%run_scoped3A_21, %dma_start3A_136, %dma_start3A_137] : memref<2x768x32xbf16, #tpu.memory_space<vmem>> -> memref<1x768x32xbf16, #tpu.memory_space<vmem>>
      %dma_start3A_139 = tpu.memref_squeeze %dma_start3A_138 : memref<1x768x32xbf16, #tpu.memory_space<vmem>> -> memref<768x32xbf16, #tpu.memory_space<vmem>>
      %dma_start3A_140 = arith.constant 0 : i32
      %dma_start3A_141 = arith.constant 0 : i32
      %dma_start3A_142 = tpu.memref_slice %dma_start3A_139[%dma_start3A_140, %dma_start3A_141] : memref<768x32xbf16, #tpu.memory_space<vmem>> -> memref<768x32xbf16, #tpu.memory_space<vmem>>
      tpu.enqueue_dma source(%dma_start3A_142 : memref<768x32xbf16, #tpu.memory_space<vmem>>) target(%dma_start3A_135 : memref<768x32xbf16, #tpu.memory_space<vmem_shared>>) target_semaphore(%run_scoped3A_124 : memref<!tpu.dma_semaphore, #tpu.memory_space<semaphore_mem>>)
      %dma_wait3A_143 = arith.constant 0 : i32
      %dma_wait3A_144 = arith.constant 0 : i32
      %dma_wait3A_145 = tpu.memref_slice %arg6[%run_scoped3A_21, %dma_wait3A_143, %dma_wait3A_144] : memref<2x768x32xbf16, #tpu.memory_space<vmem>> -> memref<1x768x32xbf16, #tpu.memory_space<vmem>>
      %dma_wait3A_146 = tpu.memref_squeeze %dma_wait3A_145 : memref<1x768x32xbf16, #tpu.memory_space<vmem>> -> memref<768x32xbf16, #tpu.memory_space<vmem>>
      %dma_wait3A_147 = arith.constant 0 : i32
      %dma_wait3A_148 = arith.constant 0 : i32
      %dma_wait3A_149 = tpu.memref_slice %dma_wait3A_146[%dma_wait3A_147, %dma_wait3A_148] : memref<768x32xbf16, #tpu.memory_space<vmem>> -> memref<768x32xbf16, #tpu.memory_space<vmem>>
      %dma_wait3A_150 = arith.constant 0 : i32
      %dma_wait3A_151 = tpu.memref_slice %arg7[%multiple_of3A_20, %dma_wait3A_150] : memref<100096x32xbf16, #tpu.memory_space<vmem_shared>> -> memref<768x32xbf16, #tpu.memory_space<vmem_shared>>
      %dma_wait3A_152 = arith.constant 0 : i32
      %dma_wait3A_153 = tpu.memref_slice %arg7[%multiple_of3A_20, %dma_wait3A_152] : memref<100096x32xbf16, #tpu.memory_space<vmem_shared>> -> memref<768x32xbf16, #tpu.memory_space<vmem_shared>>
      %dma_wait3A_154 = arith.constant 0 : i32
      %dma_wait3A_155 = arith.constant 0 : i32
      %dma_wait3A_156 = tpu.memref_slice %arg6[%run_scoped3A_21, %dma_wait3A_154, %dma_wait3A_155] : memref<2x768x32xbf16, #tpu.memory_space<vmem>> -> memref<1x768x32xbf16, #tpu.memory_space<vmem>>
      %dma_wait3A_157 = tpu.memref_squeeze %dma_wait3A_156 : memref<1x768x32xbf16, #tpu.memory_space<vmem>> -> memref<768x32xbf16, #tpu.memory_space<vmem>>
      %dma_wait3A_158 = arith.constant 0 : i32
      %dma_wait3A_159 = arith.constant 0 : i32
      %dma_wait3A_160 = tpu.memref_slice %dma_wait3A_157[%dma_wait3A_158, %dma_wait3A_159] : memref<768x32xbf16, #tpu.memory_space<vmem>> -> memref<768x32xbf16, #tpu.memory_space<vmem>>
      tpu.wait_dma2 semaphore(%run_scoped3A_124 : memref<!tpu.dma_semaphore, #tpu.memory_space<semaphore_mem>>) src(%dma_wait3A_160 : memref<768x32xbf16, #tpu.memory_space<vmem>>) dst(%dma_wait3A_153 : memref<768x32xbf16, #tpu.memory_space<vmem_shared>>)
      tpu.yield
    }) : () -> ()
    %add3A_22 = arith.constant 3840 : i32
    %add3A_23 = arith.addi %mul3A_4, %add3A_22 : i32
    %multiple_of3A_24 = tpu.assume_multiple %add3A_23, 8 : i32
    %run_scoped3A_25 = arith.constant 0 : i32
    "tpu.region"() ({
      %run_scoped3A_124 = tpu.sem_alloc : memref<!tpu.dma_semaphore, #tpu.memory_space<semaphore_mem>>
      %dma_start3A_125 = arith.constant 0 : i32
      %dma_start3A_126 = arith.constant 0 : i32
      %dma_start3A_127 = tpu.memref_slice %arg6[%run_scoped3A_25, %dma_start3A_125, %dma_start3A_126] : memref<2x768x32xbf16, #tpu.memory_space<vmem>> -> memref<1x768x32xbf16, #tpu.memory_space<vmem>>
      %dma_start3A_128 = tpu.memref_squeeze %dma_start3A_127 : memref<1x768x32xbf16, #tpu.memory_space<vmem>> -> memref<768x32xbf16, #tpu.memory_space<vmem>>
      %dma_start3A_129 = arith.constant 0 : i32
      %dma_start3A_130 = arith.constant 0 : i32
      %dma_start3A_131 = tpu.memref_slice %dma_start3A_128[%dma_start3A_129, %dma_start3A_130] : memref<768x32xbf16, #tpu.memory_space<vmem>> -> memref<768x32xbf16, #tpu.memory_space<vmem>>
      %dma_start3A_132 = arith.constant 0 : i32
      %dma_start3A_133 = tpu.memref_slice %arg7[%multiple_of3A_24, %dma_start3A_132] : memref<100096x32xbf16, #tpu.memory_space<vmem_shared>> -> memref<768x32xbf16, #tpu.memory_space<vmem_shared>>
      %dma_start3A_134 = arith.constant 0 : i32
      %dma_start3A_135 = tpu.memref_slice %arg7[%multiple_of3A_24, %dma_start3A_134] : memref<100096x32xbf16, #tpu.memory_space<vmem_shared>> -> memref<768x32xbf16, #tpu.memory_space<vmem_shared>>
      %dma_start3A_136 = arith.constant 0 : i32
      %dma_start3A_137 = arith.constant 0 : i32
      %dma_start3A_138 = tpu.memref_slice %arg6[%run_scoped3A_25, %dma_start3A_136, %dma_start3A_137] : memref<2x768x32xbf16, #tpu.memory_space<vmem>> -> memref<1x768x32xbf16, #tpu.memory_space<vmem>>
      %dma_start3A_139 = tpu.memref_squeeze %dma_start3A_138 : memref<1x768x32xbf16, #tpu.memory_space<vmem>> -> memref<768x32xbf16, #tpu.memory_space<vmem>>
      %dma_start3A_140 = arith.constant 0 : i32
      %dma_start3A_141 = arith.constant 0 : i32
      %dma_start3A_142 = tpu.memref_slice %dma_start3A_139[%dma_start3A_140, %dma_start3A_141] : memref<768x32xbf16, #tpu.memory_space<vmem>> -> memref<768x32xbf16, #tpu.memory_space<vmem>>
      tpu.enqueue_dma source(%dma_start3A_142 : memref<768x32xbf16, #tpu.memory_space<vmem>>) target(%dma_start3A_135 : memref<768x32xbf16, #tpu.memory_space<vmem_shared>>) target_semaphore(%run_scoped3A_124 : memref<!tpu.dma_semaphore, #tpu.memory_space<semaphore_mem>>)
      %dma_wait3A_143 = arith.constant 0 : i32
      %dma_wait3A_144 = arith.constant 0 : i32
      %dma_wait3A_145 = tpu.memref_slice %arg6[%run_scoped3A_25, %dma_wait3A_143, %dma_wait3A_144] : memref<2x768x32xbf16, #tpu.memory_space<vmem>> -> memref<1x768x32xbf16, #tpu.memory_space<vmem>>
      %dma_wait3A_146 = tpu.memref_squeeze %dma_wait3A_145 : memref<1x768x32xbf16, #tpu.memory_space<vmem>> -> memref<768x32xbf16, #tpu.memory_space<vmem>>
      %dma_wait3A_147 = arith.constant 0 : i32
      %dma_wait3A_148 = arith.constant 0 : i32
      %dma_wait3A_149 = tpu.memref_slice %dma_wait3A_146[%dma_wait3A_147, %dma_wait3A_148] : memref<768x32xbf16, #tpu.memory_space<vmem>> -> memref<768x32xbf16, #tpu.memory_space<vmem>>
      %dma_wait3A_150 = arith.constant 0 : i32
      %dma_wait3A_151 = tpu.memref_slice %arg7[%multiple_of3A_24, %dma_wait3A_150] : memref<100096x32xbf16, #tpu.memory_space<vmem_shared>> -> memref<768x32xbf16, #tpu.memory_space<vmem_shared>>
      %dma_wait3A_152 = arith.constant 0 : i32
      %dma_wait3A_153 = tpu.memref_slice %arg7[%multiple_of3A_24, %dma_wait3A_152] : memref<100096x32xbf16, #tpu.memory_space<vmem_shared>> -> memref<768x32xbf16, #tpu.memory_space<vmem_shared>>
      %dma_wait3A_154 = arith.constant 0 : i32
      %dma_wait3A_155 = arith.constant 0 : i32
      %dma_wait3A_156 = tpu.memref_slice %arg6[%run_scoped3A_25, %dma_wait3A_154, %dma_wait3A_155] : memref<2x768x32xbf16, #tpu.memory_space<vmem>> -> memref<1x768x32xbf16, #tpu.memory_space<vmem>>
      %dma_wait3A_157 = tpu.memref_squeeze %dma_wait3A_156 : memref<1x768x32xbf16, #tpu.memory_space<vmem>> -> memref<768x32xbf16, #tpu.memory_space<vmem>>
      %dma_wait3A_158 = arith.constant 0 : i32
      %dma_wait3A_159 = arith.constant 0 : i32
      %dma_wait3A_160 = tpu.memref_slice %dma_wait3A_157[%dma_wait3A_158, %dma_wait3A_159] : memref<768x32xbf16, #tpu.memory_space<vmem>> -> memref<768x32xbf16, #tpu.memory_space<vmem>>
      tpu.wait_dma2 semaphore(%run_scoped3A_124 : memref<!tpu.dma_semaphore, #tpu.memory_space<semaphore_mem>>) src(%dma_wait3A_160 : memref<768x32xbf16, #tpu.memory_space<vmem>>) dst(%dma_wait3A_153 : memref<768x32xbf16, #tpu.memory_space<vmem_shared>>)
      tpu.yield
    }) : () -> ()
    %add3A_26 = arith.constant 4608 : i32
    %add3A_27 = arith.addi %mul3A_4, %add3A_26 : i32
    %multiple_of3A_28 = tpu.assume_multiple %add3A_27, 8 : i32
    %run_scoped3A_29 = arith.constant 0 : i32
    "tpu.region"() ({
      %run_scoped3A_124 = tpu.sem_alloc : memref<!tpu.dma_semaphore, #tpu.memory_space<semaphore_mem>>
      %dma_start3A_125 = arith.constant 0 : i32
      %dma_start3A_126 = arith.constant 0 : i32
      %dma_start3A_127 = tpu.memref_slice %arg6[%run_scoped3A_29, %dma_start3A_125, %dma_start3A_126] : memref<2x768x32xbf16, #tpu.memory_space<vmem>> -> memref<1x768x32xbf16, #tpu.memory_space<vmem>>
      %dma_start3A_128 = tpu.memref_squeeze %dma_start3A_127 : memref<1x768x32xbf16, #tpu.memory_space<vmem>> -> memref<768x32xbf16, #tpu.memory_space<vmem>>
      %dma_start3A_129 = arith.constant 0 : i32
      %dma_start3A_130 = arith.constant 0 : i32
      %dma_start3A_131 = tpu.memref_slice %dma_start3A_128[%dma_start3A_129, %dma_start3A_130] : memref<768x32xbf16, #tpu.memory_space<vmem>> -> memref<768x32xbf16, #tpu.memory_space<vmem>>
      %dma_start3A_132 = arith.constant 0 : i32
      %dma_start3A_133 = tpu.memref_slice %arg7[%multiple_of3A_28, %dma_start3A_132] : memref<100096x32xbf16, #tpu.memory_space<vmem_shared>> -> memref<768x32xbf16, #tpu.memory_space<vmem_shared>>
      %dma_start3A_134 = arith.constant 0 : i32
      %dma_start3A_135 = tpu.memref_slice %arg7[%multiple_of3A_28, %dma_start3A_134] : memref<100096x32xbf16, #tpu.memory_space<vmem_shared>> -> memref<768x32xbf16, #tpu.memory_space<vmem_shared>>
      %dma_start3A_136 = arith.constant 0 : i32
      %dma_start3A_137 = arith.constant 0 : i32
      %dma_start3A_138 = tpu.memref_slice %arg6[%run_scoped3A_29, %dma_start3A_136, %dma_start3A_137] : memref<2x768x32xbf16, #tpu.memory_space<vmem>> -> memref<1x768x32xbf16, #tpu.memory_space<vmem>>
      %dma_start3A_139 = tpu.memref_squeeze %dma_start3A_138 : memref<1x768x32xbf16, #tpu.memory_space<vmem>> -> memref<768x32xbf16, #tpu.memory_space<vmem>>
      %dma_start3A_140 = arith.constant 0 : i32
      %dma_start3A_141 = arith.constant 0 : i32
      %dma_start3A_142 = tpu.memref_slice %dma_start3A_139[%dma_start3A_140, %dma_start3A_141] : memref<768x32xbf16, #tpu.memory_space<vmem>> -> memref<768x32xbf16, #tpu.memory_space<vmem>>
      tpu.enqueue_dma source(%dma_start3A_142 : memref<768x32xbf16, #tpu.memory_space<vmem>>) target(%dma_start3A_135 : memref<768x32xbf16, #tpu.memory_space<vmem_shared>>) target_semaphore(%run_scoped3A_124 : memref<!tpu.dma_semaphore, #tpu.memory_space<semaphore_mem>>)
      %dma_wait3A_143 = arith.constant 0 : i32
      %dma_wait3A_144 = arith.constant 0 : i32
      %dma_wait3A_145 = tpu.memref_slice %arg6[%run_scoped3A_29, %dma_wait3A_143, %dma_wait3A_144] : memref<2x768x32xbf16, #tpu.memory_space<vmem>> -> memref<1x768x32xbf16, #tpu.memory_space<vmem>>
      %dma_wait3A_146 = tpu.memref_squeeze %dma_wait3A_145 : memref<1x768x32xbf16, #tpu.memory_space<vmem>> -> memref<768x32xbf16, #tpu.memory_space<vmem>>
      %dma_wait3A_147 = arith.constant 0 : i32
      %dma_wait3A_148 = arith.constant 0 : i32
      %dma_wait3A_149 = tpu.memref_slice %dma_wait3A_146[%dma_wait3A_147, %dma_wait3A_148] : memref<768x32xbf16, #tpu.memory_space<vmem>> -> memref<768x32xbf16, #tpu.memory_space<vmem>>
      %dma_wait3A_150 = arith.constant 0 : i32
      %dma_wait3A_151 = tpu.memref_slice %arg7[%multiple_of3A_28, %dma_wait3A_150] : memref<100096x32xbf16, #tpu.memory_space<vmem_shared>> -> memref<768x32xbf16, #tpu.memory_space<vmem_shared>>
      %dma_wait3A_152 = arith.constant 0 : i32
      %dma_wait3A_153 = tpu.memref_slice %arg7[%multiple_of3A_28, %dma_wait3A_152] : memref<100096x32xbf16, #tpu.memory_space<vmem_shared>> -> memref<768x32xbf16, #tpu.memory_space<vmem_shared>>
      %dma_wait3A_154 = arith.constant 0 : i32
      %dma_wait3A_155 = arith.constant 0 : i32
      %dma_wait3A_156 = tpu.memref_slice %arg6[%run_scoped3A_29, %dma_wait3A_154, %dma_wait3A_155] : memref<2x768x32xbf16, #tpu.memory_space<vmem>> -> memref<1x768x32xbf16, #tpu.memory_space<vmem>>
      %dma_wait3A_157 = tpu.memref_squeeze %dma_wait3A_156 : memref<1x768x32xbf16, #tpu.memory_space<vmem>> -> memref<768x32xbf16, #tpu.memory_space<vmem>>
      %dma_wait3A_158 = arith.constant 0 : i32
      %dma_wait3A_159 = arith.constant 0 : i32
      %dma_wait3A_160 = tpu.memref_slice %dma_wait3A_157[%dma_wait3A_158, %dma_wait3A_159] : memref<768x32xbf16, #tpu.memory_space<vmem>> -> memref<768x32xbf16, #tpu.memory_space<vmem>>
      tpu.wait_dma2 semaphore(%run_scoped3A_124 : memref<!tpu.dma_semaphore, #tpu.memory_space<semaphore_mem>>) src(%dma_wait3A_160 : memref<768x32xbf16, #tpu.memory_space<vmem>>) dst(%dma_wait3A_153 : memref<768x32xbf16, #tpu.memory_space<vmem_shared>>)
      tpu.yield
    }) : () -> ()
    %add3A_30 = arith.constant 5376 : i32
    %add3A_31 = arith.addi %mul3A_4, %add3A_30 : i32
    %multiple_of3A_32 = tpu.assume_multiple %add3A_31, 8 : i32
    %run_scoped3A_33 = arith.constant 0 : i32
    "tpu.region"() ({
      %run_scoped3A_124 = tpu.sem_alloc : memref<!tpu.dma_semaphore, #tpu.memory_space<semaphore_mem>>
      %dma_start3A_125 = arith.constant 0 : i32
      %dma_start3A_126 = arith.constant 0 : i32
      %dma_start3A_127 = tpu.memref_slice %arg6[%run_scoped3A_33, %dma_start3A_125, %dma_start3A_126] : memref<2x768x32xbf16, #tpu.memory_space<vmem>> -> memref<1x768x32xbf16, #tpu.memory_space<vmem>>
      %dma_start3A_128 = tpu.memref_squeeze %dma_start3A_127 : memref<1x768x32xbf16, #tpu.memory_space<vmem>> -> memref<768x32xbf16, #tpu.memory_space<vmem>>
      %dma_start3A_129 = arith.constant 0 : i32
      %dma_start3A_130 = arith.constant 0 : i32
      %dma_start3A_131 = tpu.memref_slice %dma_start3A_128[%dma_start3A_129, %dma_start3A_130] : memref<768x32xbf16, #tpu.memory_space<vmem>> -> memref<768x32xbf16, #tpu.memory_space<vmem>>
      %dma_start3A_132 = arith.constant 0 : i32
      %dma_start3A_133 = tpu.memref_slice %arg7[%multiple_of3A_32, %dma_start3A_132] : memref<100096x32xbf16, #tpu.memory_space<vmem_shared>> -> memref<768x32xbf16, #tpu.memory_space<vmem_shared>>
      %dma_start3A_134 = arith.constant 0 : i32
      %dma_start3A_135 = tpu.memref_slice %arg7[%multiple_of3A_32, %dma_start3A_134] : memref<100096x32xbf16, #tpu.memory_space<vmem_shared>> -> memref<768x32xbf16, #tpu.memory_space<vmem_shared>>
      %dma_start3A_136 = arith.constant 0 : i32
      %dma_start3A_137 = arith.constant 0 : i32
      %dma_start3A_138 = tpu.memref_slice %arg6[%run_scoped3A_33, %dma_start3A_136, %dma_start3A_137] : memref<2x768x32xbf16, #tpu.memory_space<vmem>> -> memref<1x768x32xbf16, #tpu.memory_space<vmem>>
      %dma_start3A_139 = tpu.memref_squeeze %dma_start3A_138 : memref<1x768x32xbf16, #tpu.memory_space<vmem>> -> memref<768x32xbf16, #tpu.memory_space<vmem>>
      %dma_start3A_140 = arith.constant 0 : i32
      %dma_start3A_141 = arith.constant 0 : i32
      %dma_start3A_142 = tpu.memref_slice %dma_start3A_139[%dma_start3A_140, %dma_start3A_141] : memref<768x32xbf16, #tpu.memory_space<vmem>> -> memref<768x32xbf16, #tpu.memory_space<vmem>>
      tpu.enqueue_dma source(%dma_start3A_142 : memref<768x32xbf16, #tpu.memory_space<vmem>>) target(%dma_start3A_135 : memref<768x32xbf16, #tpu.memory_space<vmem_shared>>) target_semaphore(%run_scoped3A_124 : memref<!tpu.dma_semaphore, #tpu.memory_space<semaphore_mem>>)
      %dma_wait3A_143 = arith.constant 0 : i32
      %dma_wait3A_144 = arith.constant 0 : i32
      %dma_wait3A_145 = tpu.memref_slice %arg6[%run_scoped3A_33, %dma_wait3A_143, %dma_wait3A_144] : memref<2x768x32xbf16, #tpu.memory_space<vmem>> -> memref<1x768x32xbf16, #tpu.memory_space<vmem>>
      %dma_wait3A_146 = tpu.memref_squeeze %dma_wait3A_145 : memref<1x768x32xbf16, #tpu.memory_space<vmem>> -> memref<768x32xbf16, #tpu.memory_space<vmem>>
      %dma_wait3A_147 = arith.constant 0 : i32
      %dma_wait3A_148 = arith.constant 0 : i32
      %dma_wait3A_149 = tpu.memref_slice %dma_wait3A_146[%dma_wait3A_147, %dma_wait3A_148] : memref<768x32xbf16, #tpu.memory_space<vmem>> -> memref<768x32xbf16, #tpu.memory_space<vmem>>
      %dma_wait3A_150 = arith.constant 0 : i32
      %dma_wait3A_151 = tpu.memref_slice %arg7[%multiple_of3A_32, %dma_wait3A_150] : memref<100096x32xbf16, #tpu.memory_space<vmem_shared>> -> memref<768x32xbf16, #tpu.memory_space<vmem_shared>>
      %dma_wait3A_152 = arith.constant 0 : i32
      %dma_wait3A_153 = tpu.memref_slice %arg7[%multiple_of3A_32, %dma_wait3A_152] : memref<100096x32xbf16, #tpu.memory_space<vmem_shared>> -> memref<768x32xbf16, #tpu.memory_space<vmem_shared>>
      %dma_wait3A_154 = arith.constant 0 : i32
      %dma_wait3A_155 = arith.constant 0 : i32
      %dma_wait3A_156 = tpu.memref_slice %arg6[%run_scoped3A_33, %dma_wait3A_154, %dma_wait3A_155] : memref<2x768x32xbf16, #tpu.memory_space<vmem>> -> memref<1x768x32xbf16, #tpu.memory_space<vmem>>
      %dma_wait3A_157 = tpu.memref_squeeze %dma_wait3A_156 : memref<1x768x32xbf16, #tpu.memory_space<vmem>> -> memref<768x32xbf16, #tpu.memory_space<vmem>>
      %dma_wait3A_158 = arith.constant 0 : i32
      %dma_wait3A_159 = arith.constant 0 : i32
      %dma_wait3A_160 = tpu.memref_slice %dma_wait3A_157[%dma_wait3A_158, %dma_wait3A_159] : memref<768x32xbf16, #tpu.memory_space<vmem>> -> memref<768x32xbf16, #tpu.memory_space<vmem>>
      tpu.wait_dma2 semaphore(%run_scoped3A_124 : memref<!tpu.dma_semaphore, #tpu.memory_space<semaphore_mem>>) src(%dma_wait3A_160 : memref<768x32xbf16, #tpu.memory_space<vmem>>) dst(%dma_wait3A_153 : memref<768x32xbf16, #tpu.memory_space<vmem_shared>>)
      tpu.yield
    }) : () -> ()
    %add3A_34 = arith.constant 6144 : i32
    %add3A_35 = arith.addi %mul3A_4, %add3A_34 : i32
    %multiple_of3A_36 = tpu.assume_multiple %add3A_35, 8 : i32
    %run_scoped3A_37 = arith.constant 0 : i32
    "tpu.region"() ({
      %run_scoped3A_124 = tpu.sem_alloc : memref<!tpu.dma_semaphore, #tpu.memory_space<semaphore_mem>>
      %dma_start3A_125 = arith.constant 0 : i32
      %dma_start3A_126 = arith.constant 0 : i32
      %dma_start3A_127 = tpu.memref_slice %arg6[%run_scoped3A_37, %dma_start3A_125, %dma_start3A_126] : memref<2x768x32xbf16, #tpu.memory_space<vmem>> -> memref<1x768x32xbf16, #tpu.memory_space<vmem>>
      %dma_start3A_128 = tpu.memref_squeeze %dma_start3A_127 : memref<1x768x32xbf16, #tpu.memory_space<vmem>> -> memref<768x32xbf16, #tpu.memory_space<vmem>>
      %dma_start3A_129 = arith.constant 0 : i32
      %dma_start3A_130 = arith.constant 0 : i32
      %dma_start3A_131 = tpu.memref_slice %dma_start3A_128[%dma_start3A_129, %dma_start3A_130] : memref<768x32xbf16, #tpu.memory_space<vmem>> -> memref<112x32xbf16, #tpu.memory_space<vmem>>
      %dma_start3A_132 = arith.constant 0 : i32
      %dma_start3A_133 = tpu.memref_slice %arg7[%multiple_of3A_36, %dma_start3A_132] : memref<100096x32xbf16, #tpu.memory_space<vmem_shared>> -> memref<112x32xbf16, #tpu.memory_space<vmem_shared>>
      %dma_start3A_134 = arith.constant 0 : i32
      %dma_start3A_135 = tpu.memref_slice %arg7[%multiple_of3A_36, %dma_start3A_134] : memref<100096x32xbf16, #tpu.memory_space<vmem_shared>> -> memref<112x32xbf16, #tpu.memory_space<vmem_shared>>
      %dma_start3A_136 = arith.constant 0 : i32
      %dma_start3A_137 = arith.constant 0 : i32
      %dma_start3A_138 = tpu.memref_slice %arg6[%run_scoped3A_37, %dma_start3A_136, %dma_start3A_137] : memref<2x768x32xbf16, #tpu.memory_space<vmem>> -> memref<1x768x32xbf16, #tpu.memory_space<vmem>>
      %dma_start3A_139 = tpu.memref_squeeze %dma_start3A_138 : memref<1x768x32xbf16, #tpu.memory_space<vmem>> -> memref<768x32xbf16, #tpu.memory_space<vmem>>
      %dma_start3A_140 = arith.constant 0 : i32
      %dma_start3A_141 = arith.constant 0 : i32
      %dma_start3A_142 = tpu.memref_slice %dma_start3A_139[%dma_start3A_140, %dma_start3A_141] : memref<768x32xbf16, #tpu.memory_space<vmem>> -> memref<112x32xbf16, #tpu.memory_space<vmem>>
      tpu.enqueue_dma source(%dma_start3A_142 : memref<112x32xbf16, #tpu.memory_space<vmem>>) target(%dma_start3A_135 : memref<112x32xbf16, #tpu.memory_space<vmem_shared>>) target_semaphore(%run_scoped3A_124 : memref<!tpu.dma_semaphore, #tpu.memory_space<semaphore_mem>>)
      %dma_wait3A_143 = arith.constant 0 : i32
      %dma_wait3A_144 = arith.constant 0 : i32
      %dma_wait3A_145 = tpu.memref_slice %arg6[%run_scoped3A_37, %dma_wait3A_143, %dma_wait3A_144] : memref<2x768x32xbf16, #tpu.memory_space<vmem>> -> memref<1x768x32xbf16, #tpu.memory_space<vmem>>
      %dma_wait3A_146 = tpu.memref_squeeze %dma_wait3A_145 : memref<1x768x32xbf16, #tpu.memory_space<vmem>> -> memref<768x32xbf16, #tpu.memory_space<vmem>>
      %dma_wait3A_147 = arith.constant 0 : i32
      %dma_wait3A_148 = arith.constant 0 : i32
      %dma_wait3A_149 = tpu.memref_slice %dma_wait3A_146[%dma_wait3A_147, %dma_wait3A_148] : memref<768x32xbf16, #tpu.memory_space<vmem>> -> memref<112x32xbf16, #tpu.memory_space<vmem>>
      %dma_wait3A_150 = arith.constant 0 : i32
      %dma_wait3A_151 = tpu.memref_slice %arg7[%multiple_of3A_36, %dma_wait3A_150] : memref<100096x32xbf16, #tpu.memory_space<vmem_shared>> -> memref<112x32xbf16, #tpu.memory_space<vmem_shared>>
      %dma_wait3A_152 = arith.constant 0 : i32
      %dma_wait3A_153 = tpu.memref_slice %arg7[%multiple_of3A_36, %dma_wait3A_152] : memref<100096x32xbf16, #tpu.memory_space<vmem_shared>> -> memref<112x32xbf16, #tpu.memory_space<vmem_shared>>
      %dma_wait3A_154 = arith.constant 0 : i32
      %dma_wait3A_155 = arith.constant 0 : i32
      %dma_wait3A_156 = tpu.memref_slice %arg6[%run_scoped3A_37, %dma_wait3A_154, %dma_wait3A_155] : memref<2x768x32xbf16, #tpu.memory_space<vmem>> -> memref<1x768x32xbf16, #tpu.memory_space<vmem>>
      %dma_wait3A_157 = tpu.memref_squeeze %dma_wait3A_156 : memref<1x768x32xbf16, #tpu.memory_space<vmem>> -> memref<768x32xbf16, #tpu.memory_space<vmem>>
      %dma_wait3A_158 = arith.constant 0 : i32
      %dma_wait3A_159 = arith.constant 0 : i32
      %dma_wait3A_160 = tpu.memref_slice %dma_wait3A_157[%dma_wait3A_158, %dma_wait3A_159] : memref<768x32xbf16, #tpu.memory_space<vmem>> -> memref<112x32xbf16, #tpu.memory_space<vmem>>
      tpu.wait_dma2 semaphore(%run_scoped3A_124 : memref<!tpu.dma_semaphore, #tpu.memory_space<semaphore_mem>>) src(%dma_wait3A_160 : memref<112x32xbf16, #tpu.memory_space<vmem>>) dst(%dma_wait3A_153 : memref<112x32xbf16, #tpu.memory_space<vmem_shared>>)
      tpu.yield
    }) : () -> ()
    %barrier3A = arith.constant 0 : index
    tpu.barrier barrier_id(%barrier3A)
    %eq3A = arith.constant 0 : i32
    %eq3A_38 = arith.cmpi eq, %arg0, %eq3A : i32
    %jit3A = arith.constant 106 : i32
    %jit3A_39 = arith.constant 26 : i32
    %select_n3A = arith.select %eq3A_38, %jit3A, %jit3A_39 : i32
    %eq3A_40 = arith.constant 0 : i32
    %eq3A_41 = arith.cmpi eq, %arg0, %eq3A_40 : i32
    %mul3A_42 = arith.constant 162816 : i32
    %mul3A_43 = arith.muli %arg1, %mul3A_42 : i32
    %mul3A_44 = arith.constant 39936 : i32
    %mul3A_45 = arith.muli %arg1, %mul3A_44 : i32
    %add3A_46 = arith.constant 2605056 : i32
    %add3A_47 = arith.addi %add3A_46, %mul3A_45 : i32
    %select_n3A_48 = arith.select %eq3A_41, %mul3A_43, %add3A_47 : i32
    %add3A_49 = arith.constant 0 : i32
    %add3A_50 = arith.addi %select_n3A_48, %add3A_49 : i32
    %multiple_of3A_51 = tpu.assume_multiple %add3A_50, 256 : i32
    %dma_start3A = arith.constant 0 : i32
    %dma_start3A_52 = arith.constant 0 : i32
    %dma_start3A_53 = arith.constant 0 : i32
    %dma_start3A_54 = tpu.memref_slice %arg5[%dma_start3A, %dma_start3A_52, %dma_start3A_53] : memref<2x2x768xi32, #tpu.memory_space<vmem>> -> memref<1x2x768xi32, #tpu.memory_space<vmem>>
    %dma_start3A_55 = tpu.memref_squeeze %dma_start3A_54 : memref<1x2x768xi32, #tpu.memory_space<vmem>> -> memref<2x768xi32, #tpu.memory_space<vmem>>
    %dma_start3A_56 = arith.constant 0 : i32
    %dma_start3A_57 = tpu.memref_slice %arg3[%dma_start3A_56, %multiple_of3A_51] : memref<2x3244032xi32, #tpu.memory_space<hbm>> -> memref<2x768xi32, #tpu.memory_space<hbm>>
    %dma_start3A_58 = arith.constant 0 : i32
    %dma_start3A_59 = arith.constant 0 : i32
    %dma_start3A_60 = tpu.memref_slice %arg5[%dma_start3A, %dma_start3A_58, %dma_start3A_59] : memref<2x2x768xi32, #tpu.memory_space<vmem>> -> memref<1x2x768xi32, #tpu.memory_space<vmem>>
    %dma_start3A_61 = tpu.memref_squeeze %dma_start3A_60 : memref<1x2x768xi32, #tpu.memory_space<vmem>> -> memref<2x768xi32, #tpu.memory_space<vmem>>
    %dma_start3A_62 = arith.constant 0 : i32
    %dma_start3A_63 = tpu.memref_slice %arg3[%dma_start3A_62, %multiple_of3A_51] : memref<2x3244032xi32, #tpu.memory_space<hbm>> -> memref<2x768xi32, #tpu.memory_space<hbm>>
    tpu.enqueue_dma source(%dma_start3A_63 : memref<2x768xi32, #tpu.memory_space<hbm>>) target(%dma_start3A_61 : memref<2x768xi32, #tpu.memory_space<vmem>>) target_semaphore(%arg10 : memref<!tpu.dma_semaphore, #tpu.memory_space<semaphore_mem>>)
    %add3A_64 = arith.constant 0 : i32
    %add3A_65 = arith.addi %select_n3A_48, %add3A_64 : i32
    %multiple_of3A_66 = tpu.assume_multiple %add3A_65, 256 : i32
    %dma_wait3A = arith.constant 0 : i32
    %dma_wait3A_67 = arith.constant 0 : i32
    %dma_wait3A_68 = arith.constant 0 : i32
    %dma_wait3A_69 = tpu.memref_slice %arg5[%dma_wait3A, %dma_wait3A_67, %dma_wait3A_68] : memref<2x2x768xi32, #tpu.memory_space<vmem>> -> memref<1x2x768xi32, #tpu.memory_space<vmem>>
    %dma_wait3A_70 = tpu.memref_squeeze %dma_wait3A_69 : memref<1x2x768xi32, #tpu.memory_space<vmem>> -> memref<2x768xi32, #tpu.memory_space<vmem>>
    %dma_wait3A_71 = arith.constant 0 : i32
    %dma_wait3A_72 = tpu.memref_slice %arg3[%dma_wait3A_71, %multiple_of3A_66] : memref<2x3244032xi32, #tpu.memory_space<hbm>> -> memref<2x768xi32, #tpu.memory_space<hbm>>
    %dma_wait3A_73 = arith.constant 0 : i32
    %dma_wait3A_74 = arith.constant 0 : i32
    %dma_wait3A_75 = tpu.memref_slice %arg5[%dma_wait3A, %dma_wait3A_73, %dma_wait3A_74] : memref<2x2x768xi32, #tpu.memory_space<vmem>> -> memref<1x2x768xi32, #tpu.memory_space<vmem>>
    %dma_wait3A_76 = tpu.memref_squeeze %dma_wait3A_75 : memref<1x2x768xi32, #tpu.memory_space<vmem>> -> memref<2x768xi32, #tpu.memory_space<vmem>>
    %dma_wait3A_77 = arith.constant 0 : i32
    %dma_wait3A_78 = tpu.memref_slice %arg3[%dma_wait3A_77, %multiple_of3A_66] : memref<2x3244032xi32, #tpu.memory_space<hbm>> -> memref<2x768xi32, #tpu.memory_space<hbm>>
    tpu.wait_dma2 semaphore(%arg10 : memref<!tpu.dma_semaphore, #tpu.memory_space<semaphore_mem>>) src(%dma_wait3A_78 : memref<2x768xi32, #tpu.memory_space<hbm>>) dst(%dma_wait3A_76 : memref<2x768xi32, #tpu.memory_space<vmem>>)
    %dma_start3A_79 = arith.constant 0 : i32
    %dma_start3A_80 = arith.constant 0 : i32
    %dma_start3A_81 = arith.constant 0 : i32
    %dma_start3A_82 = arith.constant 0 : i32
    %dma_start3A_83 = arith.constant 0 : i32
    %dma_start3A_84 = tpu.memref_slice %arg6[%dma_start3A_81, %dma_start3A_82, %dma_start3A_83] : memref<2x768x32xbf16, #tpu.memory_space<vmem>> -> memref<1x768x32xbf16, #tpu.memory_space<vmem>>
    %dma_start3A_85 = tpu.memref_squeeze %dma_start3A_84 : memref<1x768x32xbf16, #tpu.memory_space<vmem>> -> memref<768x32xbf16, #tpu.memory_space<vmem>>
    %dma_start3A_86 = arith.constant 0 : i32
    %dma_start3A_87 = arith.constant 0 : i32
    %dma_start3A_88 = tpu.memref_slice %arg5[%dma_start3A_79, %dma_start3A_86, %dma_start3A_87] : memref<2x2x768xi32, #tpu.memory_space<vmem>> -> memref<1x2x768xi32, #tpu.memory_space<vmem>>
    %dma_start3A_89 = tpu.memref_squeeze %dma_start3A_88 : memref<1x2x768xi32, #tpu.memory_space<vmem>> -> memref<2x768xi32, #tpu.memory_space<vmem>>
    %dma_start3A_90 = arith.constant 0 : i32
    %dma_start3A_91 = tpu.memref_slice %dma_start3A_89[%dma_start3A_80, %dma_start3A_90] : memref<2x768xi32, #tpu.memory_space<vmem>> -> memref<1x768xi32, #tpu.memory_space<vmem>>
    %dma_start3A_92 = tpu.memref_squeeze %dma_start3A_91 : memref<1x768xi32, #tpu.memory_space<vmem>> -> memref<768xi32, #tpu.memory_space<vmem>>
    %dma_start3A_93 = arith.constant 0 : i32
    %dma_start3A_94 = arith.constant 0 : i32
    %dma_start3A_95 = tpu.memref_slice %arg2[%dma_start3A_93, %dma_start3A_94] : memref<100000x32xbf16, #tpu.memory_space<hbm>> -> memref<100000x32xbf16, #tpu.memory_space<hbm>>
    tpu.enqueue_indirect_dma source(%dma_start3A_95 : memref<100000x32xbf16, #tpu.memory_space<hbm>>) target(%dma_start3A_85 : memref<768x32xbf16, #tpu.memory_space<vmem>>) offsets(%dma_start3A_92 : memref<768xi32, #tpu.memory_space<vmem>>) semaphore(%arg8 : memref<!tpu.dma_semaphore, #tpu.memory_space<semaphore_mem>>)
    %add3A_96 = arith.constant 768 : i32
    %add3A_97 = arith.addi %select_n3A_48, %add3A_96 : i32
    %multiple_of3A_98 = tpu.assume_multiple %add3A_97, 256 : i32
    %dma_start3A_99 = arith.constant 1 : i32
    %dma_start3A_100 = arith.constant 0 : i32
    %dma_start3A_101 = arith.constant 0 : i32
    %dma_start3A_102 = tpu.memref_slice %arg5[%dma_start3A_99, %dma_start3A_100, %dma_start3A_101] : memref<2x2x768xi32, #tpu.memory_space<vmem>> -> memref<1x2x768xi32, #tpu.memory_space<vmem>>
    %dma_start3A_103 = tpu.memref_squeeze %dma_start3A_102 : memref<1x2x768xi32, #tpu.memory_space<vmem>> -> memref<2x768xi32, #tpu.memory_space<vmem>>
    %dma_start3A_104 = arith.constant 0 : i32
    %dma_start3A_105 = tpu.memref_slice %arg3[%dma_start3A_104, %multiple_of3A_98] : memref<2x3244032xi32, #tpu.memory_space<hbm>> -> memref<2x768xi32, #tpu.memory_space<hbm>>
    %dma_start3A_106 = arith.constant 0 : i32
    %dma_start3A_107 = arith.constant 0 : i32
    %dma_start3A_108 = tpu.memref_slice %arg5[%dma_start3A_99, %dma_start3A_106, %dma_start3A_107] : memref<2x2x768xi32, #tpu.memory_space<vmem>> -> memref<1x2x768xi32, #tpu.memory_space<vmem>>
    %dma_start3A_109 = tpu.memref_squeeze %dma_start3A_108 : memref<1x2x768xi32, #tpu.memory_space<vmem>> -> memref<2x768xi32, #tpu.memory_space<vmem>>
    %dma_start3A_110 = arith.constant 0 : i32
    %dma_start3A_111 = tpu.memref_slice %arg3[%dma_start3A_110, %multiple_of3A_98] : memref<2x3244032xi32, #tpu.memory_space<hbm>> -> memref<2x768xi32, #tpu.memory_space<hbm>>
    tpu.enqueue_dma source(%dma_start3A_111 : memref<2x768xi32, #tpu.memory_space<hbm>>) target(%dma_start3A_109 : memref<2x768xi32, #tpu.memory_space<vmem>>) target_semaphore(%arg11 : memref<!tpu.dma_semaphore, #tpu.memory_space<semaphore_mem>>)
    %while3A = arith.constant 0 : i32
    %while3A_112 = arith.subi %select_n3A, %while3A : i32
    %while3A_113 = arith.addi %while3A, %while3A_112 : i32
    %while3A_114 = arith.constant 1 : i32
    %while3A_115 = arith.divsi %while3A_112, %while3A_114 : i32
    %while3A_116 = arith.muli %while3A_115, %while3A_114 : i32
    %while3A_117 = arith.addi %while3A, %while3A_116 : i32
    %while3A_118 = arith.constant 1 : i32
    scf.for %while3A_124 = %while3A to %while3A_117 step %while3A_118  : i32 {
      %mul3A_125 = arith.constant 2 : i32
      %mul3A_126 = arith.muli %mul3A_125, %while3A_124 : i32
      %add3A_127 = arith.constant 1 : i32
      %add3A_128 = arith.addi %mul3A_126, %add3A_127 : i32
      %mul3A_129 = arith.constant 768 : i32
      %mul3A_130 = arith.muli %add3A_128, %mul3A_129 : i32
      %add3A_131 = arith.addi %select_n3A_48, %mul3A_130 : i32
      %multiple_of3A_132 = tpu.assume_multiple %add3A_131, 256 : i32
      %dma_wait3A_133 = arith.constant 1 : i32
      %dma_wait3A_134 = arith.constant 0 : i32
      %dma_wait3A_135 = arith.constant 0 : i32
      %dma_wait3A_136 = tpu.memref_slice %arg5[%dma_wait3A_133, %dma_wait3A_134, %dma_wait3A_135] : memref<2x2x768xi32, #tpu.memory_space<vmem>> -> memref<1x2x768xi32, #tpu.memory_space<vmem>>
      %dma_wait3A_137 = tpu.memref_squeeze %dma_wait3A_136 : memref<1x2x768xi32, #tpu.memory_space<vmem>> -> memref<2x768xi32, #tpu.memory_space<vmem>>
      %dma_wait3A_138 = arith.constant 0 : i32
      %dma_wait3A_139 = tpu.memref_slice %arg3[%dma_wait3A_138, %multiple_of3A_132] : memref<2x3244032xi32, #tpu.memory_space<hbm>> -> memref<2x768xi32, #tpu.memory_space<hbm>>
      %dma_wait3A_140 = arith.constant 0 : i32
      %dma_wait3A_141 = arith.constant 0 : i32
      %dma_wait3A_142 = tpu.memref_slice %arg5[%dma_wait3A_133, %dma_wait3A_140, %dma_wait3A_141] : memref<2x2x768xi32, #tpu.memory_space<vmem>> -> memref<1x2x768xi32, #tpu.memory_space<vmem>>
      %dma_wait3A_143 = tpu.memref_squeeze %dma_wait3A_142 : memref<1x2x768xi32, #tpu.memory_space<vmem>> -> memref<2x768xi32, #tpu.memory_space<vmem>>
      %dma_wait3A_144 = arith.constant 0 : i32
      %dma_wait3A_145 = tpu.memref_slice %arg3[%dma_wait3A_144, %multiple_of3A_132] : memref<2x3244032xi32, #tpu.memory_space<hbm>> -> memref<2x768xi32, #tpu.memory_space<hbm>>
      tpu.wait_dma2 semaphore(%arg11 : memref<!tpu.dma_semaphore, #tpu.memory_space<semaphore_mem>>) src(%dma_wait3A_145 : memref<2x768xi32, #tpu.memory_space<hbm>>) dst(%dma_wait3A_143 : memref<2x768xi32, #tpu.memory_space<vmem>>)
      %dma_start3A_146 = arith.constant 1 : i32
      %dma_start3A_147 = arith.constant 0 : i32
      %dma_start3A_148 = arith.constant 1 : i32
      %dma_start3A_149 = arith.constant 0 : i32
      %dma_start3A_150 = arith.constant 0 : i32
      %dma_start3A_151 = tpu.memref_slice %arg6[%dma_start3A_148, %dma_start3A_149, %dma_start3A_150] : memref<2x768x32xbf16, #tpu.memory_space<vmem>> -> memref<1x768x32xbf16, #tpu.memory_space<vmem>>
      %dma_start3A_152 = tpu.memref_squeeze %dma_start3A_151 : memref<1x768x32xbf16, #tpu.memory_space<vmem>> -> memref<768x32xbf16, #tpu.memory_space<vmem>>
      %dma_start3A_153 = arith.constant 0 : i32
      %dma_start3A_154 = arith.constant 0 : i32
      %dma_start3A_155 = tpu.memref_slice %arg5[%dma_start3A_146, %dma_start3A_153, %dma_start3A_154] : memref<2x2x768xi32, #tpu.memory_space<vmem>> -> memref<1x2x768xi32, #tpu.memory_space<vmem>>
      %dma_start3A_156 = tpu.memref_squeeze %dma_start3A_155 : memref<1x2x768xi32, #tpu.memory_space<vmem>> -> memref<2x768xi32, #tpu.memory_space<vmem>>
      %dma_start3A_157 = arith.constant 0 : i32
      %dma_start3A_158 = tpu.memref_slice %dma_start3A_156[%dma_start3A_147, %dma_start3A_157] : memref<2x768xi32, #tpu.memory_space<vmem>> -> memref<1x768xi32, #tpu.memory_space<vmem>>
      %dma_start3A_159 = tpu.memref_squeeze %dma_start3A_158 : memref<1x768xi32, #tpu.memory_space<vmem>> -> memref<768xi32, #tpu.memory_space<vmem>>
      %dma_start3A_160 = arith.constant 0 : i32
      %dma_start3A_161 = arith.constant 0 : i32
      %dma_start3A_162 = tpu.memref_slice %arg2[%dma_start3A_160, %dma_start3A_161] : memref<100000x32xbf16, #tpu.memory_space<hbm>> -> memref<100000x32xbf16, #tpu.memory_space<hbm>>
      tpu.enqueue_indirect_dma source(%dma_start3A_162 : memref<100000x32xbf16, #tpu.memory_space<hbm>>) target(%dma_start3A_152 : memref<768x32xbf16, #tpu.memory_space<vmem>>) offsets(%dma_start3A_159 : memref<768xi32, #tpu.memory_space<vmem>>) semaphore(%arg9 : memref<!tpu.dma_semaphore, #tpu.memory_space<semaphore_mem>>)
      %dma_wait3A_163 = arith.constant 0 : i32
      %dma_wait3A_164 = arith.constant 0 : i32
      %dma_wait3A_165 = arith.constant 0 : i32
      %dma_wait3A_166 = arith.constant 0 : i32
      %dma_wait3A_167 = arith.constant 0 : i32
      %dma_wait3A_168 = tpu.memref_slice %arg6[%dma_wait3A_165, %dma_wait3A_166, %dma_wait3A_167] : memref<2x768x32xbf16, #tpu.memory_space<vmem>> -> memref<1x768x32xbf16, #tpu.memory_space<vmem>>
      %dma_wait3A_169 = tpu.memref_squeeze %dma_wait3A_168 : memref<1x768x32xbf16, #tpu.memory_space<vmem>> -> memref<768x32xbf16, #tpu.memory_space<vmem>>
      %dma_wait3A_170 = arith.constant 0 : i32
      %dma_wait3A_171 = arith.constant 0 : i32
      %dma_wait3A_172 = tpu.memref_slice %arg5[%dma_wait3A_163, %dma_wait3A_170, %dma_wait3A_171] : memref<2x2x768xi32, #tpu.memory_space<vmem>> -> memref<1x2x768xi32, #tpu.memory_space<vmem>>
      %dma_wait3A_173 = tpu.memref_squeeze %dma_wait3A_172 : memref<1x2x768xi32, #tpu.memory_space<vmem>> -> memref<2x768xi32, #tpu.memory_space<vmem>>
      %dma_wait3A_174 = arith.constant 0 : i32
      %dma_wait3A_175 = tpu.memref_slice %dma_wait3A_173[%dma_wait3A_164, %dma_wait3A_174] : memref<2x768xi32, #tpu.memory_space<vmem>> -> memref<1x768xi32, #tpu.memory_space<vmem>>
      %dma_wait3A_176 = tpu.memref_squeeze %dma_wait3A_175 : memref<1x768xi32, #tpu.memory_space<vmem>> -> memref<768xi32, #tpu.memory_space<vmem>>
      %dma_wait3A_177 = arith.constant 0 : i32
      %dma_wait3A_178 = arith.constant 0 : i32
      %dma_wait3A_179 = tpu.memref_slice %arg2[%dma_wait3A_177, %dma_wait3A_178] : memref<100000x32xbf16, #tpu.memory_space<hbm>> -> memref<100000x32xbf16, #tpu.memory_space<hbm>>
      tpu.wait_indirect_dma semaphore(%arg8 : memref<!tpu.dma_semaphore, #tpu.memory_space<semaphore_mem>>) src(%dma_wait3A_179 : memref<100000x32xbf16, #tpu.memory_space<hbm>>) dst(%dma_wait3A_169 : memref<768x32xbf16, #tpu.memory_space<vmem>>)
      %run_scoped3A_180 = arith.constant 0 : i32
      %run_scoped3A_181 = arith.constant 0 : i32
      %run_scoped3A_182 = arith.constant 1 : i32
      "tpu.region"() ({
        %run_scoped3A_217 = tpu.sem_alloc : memref<!tpu.dma_semaphore, #tpu.memory_space<semaphore_mem>>
        %dma_start3A_218 = arith.constant 0 : i32
        %dma_start3A_219 = arith.constant 0 : i32
        %dma_start3A_220 = tpu.memref_slice %arg6[%run_scoped3A_180, %dma_start3A_218, %dma_start3A_219] : memref<2x768x32xbf16, #tpu.memory_space<vmem>> -> memref<1x768x32xbf16, #tpu.memory_space<vmem>>
        %dma_start3A_221 = tpu.memref_squeeze %dma_start3A_220 : memref<1x768x32xbf16, #tpu.memory_space<vmem>> -> memref<768x32xbf16, #tpu.memory_space<vmem>>
        %dma_start3A_222 = arith.constant 0 : i32
        %dma_start3A_223 = arith.constant 0 : i32
        %dma_start3A_224 = tpu.memref_slice %arg5[%run_scoped3A_181, %dma_start3A_222, %dma_start3A_223] : memref<2x2x768xi32, #tpu.memory_space<vmem>> -> memref<1x2x768xi32, #tpu.memory_space<vmem>>
        %dma_start3A_225 = tpu.memref_squeeze %dma_start3A_224 : memref<1x2x768xi32, #tpu.memory_space<vmem>> -> memref<2x768xi32, #tpu.memory_space<vmem>>
        %dma_start3A_226 = arith.constant 0 : i32
        %dma_start3A_227 = tpu.memref_slice %dma_start3A_225[%run_scoped3A_182, %dma_start3A_226] : memref<2x768xi32, #tpu.memory_space<vmem>> -> memref<1x768xi32, #tpu.memory_space<vmem>>
        %dma_start3A_228 = tpu.memref_squeeze %dma_start3A_227 : memref<1x768xi32, #tpu.memory_space<vmem>> -> memref<768xi32, #tpu.memory_space<vmem>>
        %dma_start3A_229 = arith.constant 0 : i32
        %dma_start3A_230 = arith.constant 0 : i32
        %dma_start3A_231 = tpu.memref_slice %arg7[%dma_start3A_229, %dma_start3A_230] : memref<100096x32xbf16, #tpu.memory_space<vmem_shared>> -> memref<100096x32xbf16, #tpu.memory_space<vmem_shared>>
        tpu.enqueue_indirect_dma source(%dma_start3A_221 : memref<768x32xbf16, #tpu.memory_space<vmem>>) target(%dma_start3A_231 : memref<100096x32xbf16, #tpu.memory_space<vmem_shared>>) offsets(%dma_start3A_228 : memref<768xi32, #tpu.memory_space<vmem>>) semaphore(%run_scoped3A_217 : memref<!tpu.dma_semaphore, #tpu.memory_space<semaphore_mem>>) {add = true}
        %dma_wait3A_232 = arith.constant 0 : i32
        %dma_wait3A_233 = arith.constant 0 : i32
        %dma_wait3A_234 = tpu.memref_slice %arg6[%run_scoped3A_180, %dma_wait3A_232, %dma_wait3A_233] : memref<2x768x32xbf16, #tpu.memory_space<vmem>> -> memref<1x768x32xbf16, #tpu.memory_space<vmem>>
        %dma_wait3A_235 = tpu.memref_squeeze %dma_wait3A_234 : memref<1x768x32xbf16, #tpu.memory_space<vmem>> -> memref<768x32xbf16, #tpu.memory_space<vmem>>
        %dma_wait3A_236 = arith.constant 0 : i32
        %dma_wait3A_237 = arith.constant 0 : i32
        %dma_wait3A_238 = tpu.memref_slice %arg5[%run_scoped3A_181, %dma_wait3A_236, %dma_wait3A_237] : memref<2x2x768xi32, #tpu.memory_space<vmem>> -> memref<1x2x768xi32, #tpu.memory_space<vmem>>
        %dma_wait3A_239 = tpu.memref_squeeze %dma_wait3A_238 : memref<1x2x768xi32, #tpu.memory_space<vmem>> -> memref<2x768xi32, #tpu.memory_space<vmem>>
        %dma_wait3A_240 = arith.constant 0 : i32
        %dma_wait3A_241 = tpu.memref_slice %dma_wait3A_239[%run_scoped3A_182, %dma_wait3A_240] : memref<2x768xi32, #tpu.memory_space<vmem>> -> memref<1x768xi32, #tpu.memory_space<vmem>>
        %dma_wait3A_242 = tpu.memref_squeeze %dma_wait3A_241 : memref<1x768xi32, #tpu.memory_space<vmem>> -> memref<768xi32, #tpu.memory_space<vmem>>
        %dma_wait3A_243 = arith.constant 0 : i32
        %dma_wait3A_244 = arith.constant 0 : i32
        %dma_wait3A_245 = tpu.memref_slice %arg7[%dma_wait3A_243, %dma_wait3A_244] : memref<100096x32xbf16, #tpu.memory_space<vmem_shared>> -> memref<100096x32xbf16, #tpu.memory_space<vmem_shared>>
        tpu.wait_indirect_dma semaphore(%run_scoped3A_217 : memref<!tpu.dma_semaphore, #tpu.memory_space<semaphore_mem>>) src(%dma_wait3A_235 : memref<768x32xbf16, #tpu.memory_space<vmem>>) dst(%dma_wait3A_245 : memref<100096x32xbf16, #tpu.memory_space<vmem_shared>>)
        tpu.yield
      }) : () -> ()
      %sub3A = arith.constant 1 : i32
      %sub3A_183 = arith.subi %select_n3A, %sub3A : i32
      %lt3A = arith.cmpi slt, %while3A_124, %sub3A_183 : i32
      %convert_element_type3A = arith.extui %lt3A : i1 to i32
      %cond3A = arith.constant 0 : i32
      %cond3A_184 = arith.cmpi ne, %convert_element_type3A, %cond3A : i32
      scf.if %cond3A_184 {
        %mul3A_217 = arith.constant 2 : i32
        %mul3A_218 = arith.muli %mul3A_217, %while3A_124 : i32
        %add3A_219 = arith.constant 2 : i32
        %add3A_220 = arith.addi %mul3A_218, %add3A_219 : i32
        %mul3A_221 = arith.constant 768 : i32
        %mul3A_222 = arith.muli %add3A_220, %mul3A_221 : i32
        %add3A_223 = arith.addi %select_n3A_48, %mul3A_222 : i32
        %multiple_of3A_224 = tpu.assume_multiple %add3A_223, 256 : i32
        %dma_start3A_225 = arith.constant 0 : i32
        %dma_start3A_226 = arith.constant 0 : i32
        %dma_start3A_227 = arith.constant 0 : i32
        %dma_start3A_228 = tpu.memref_slice %arg5[%dma_start3A_225, %dma_start3A_226, %dma_start3A_227] : memref<2x2x768xi32, #tpu.memory_space<vmem>> -> memref<1x2x768xi32, #tpu.memory_space<vmem>>
        %dma_start3A_229 = tpu.memref_squeeze %dma_start3A_228 : memref<1x2x768xi32, #tpu.memory_space<vmem>> -> memref<2x768xi32, #tpu.memory_space<vmem>>
        %dma_start3A_230 = arith.constant 0 : i32
        %dma_start3A_231 = tpu.memref_slice %arg3[%dma_start3A_230, %multiple_of3A_224] : memref<2x3244032xi32, #tpu.memory_space<hbm>> -> memref<2x768xi32, #tpu.memory_space<hbm>>
        %dma_start3A_232 = arith.constant 0 : i32
        %dma_start3A_233 = arith.constant 0 : i32
        %dma_start3A_234 = tpu.memref_slice %arg5[%dma_start3A_225, %dma_start3A_232, %dma_start3A_233] : memref<2x2x768xi32, #tpu.memory_space<vmem>> -> memref<1x2x768xi32, #tpu.memory_space<vmem>>
        %dma_start3A_235 = tpu.memref_squeeze %dma_start3A_234 : memref<1x2x768xi32, #tpu.memory_space<vmem>> -> memref<2x768xi32, #tpu.memory_space<vmem>>
        %dma_start3A_236 = arith.constant 0 : i32
        %dma_start3A_237 = tpu.memref_slice %arg3[%dma_start3A_236, %multiple_of3A_224] : memref<2x3244032xi32, #tpu.memory_space<hbm>> -> memref<2x768xi32, #tpu.memory_space<hbm>>
        tpu.enqueue_dma source(%dma_start3A_237 : memref<2x768xi32, #tpu.memory_space<hbm>>) target(%dma_start3A_235 : memref<2x768xi32, #tpu.memory_space<vmem>>) target_semaphore(%arg10 : memref<!tpu.dma_semaphore, #tpu.memory_space<semaphore_mem>>)
      } else {
      }
      %dma_wait3A_185 = arith.constant 1 : i32
      %dma_wait3A_186 = arith.constant 0 : i32
      %dma_wait3A_187 = arith.constant 1 : i32
      %dma_wait3A_188 = arith.constant 0 : i32
      %dma_wait3A_189 = arith.constant 0 : i32
      %dma_wait3A_190 = tpu.memref_slice %arg6[%dma_wait3A_187, %dma_wait3A_188, %dma_wait3A_189] : memref<2x768x32xbf16, #tpu.memory_space<vmem>> -> memref<1x768x32xbf16, #tpu.memory_space<vmem>>
      %dma_wait3A_191 = tpu.memref_squeeze %dma_wait3A_190 : memref<1x768x32xbf16, #tpu.memory_space<vmem>> -> memref<768x32xbf16, #tpu.memory_space<vmem>>
      %dma_wait3A_192 = arith.constant 0 : i32
      %dma_wait3A_193 = arith.constant 0 : i32
      %dma_wait3A_194 = tpu.memref_slice %arg5[%dma_wait3A_185, %dma_wait3A_192, %dma_wait3A_193] : memref<2x2x768xi32, #tpu.memory_space<vmem>> -> memref<1x2x768xi32, #tpu.memory_space<vmem>>
      %dma_wait3A_195 = tpu.memref_squeeze %dma_wait3A_194 : memref<1x2x768xi32, #tpu.memory_space<vmem>> -> memref<2x768xi32, #tpu.memory_space<vmem>>
      %dma_wait3A_196 = arith.constant 0 : i32
      %dma_wait3A_197 = tpu.memref_slice %dma_wait3A_195[%dma_wait3A_186, %dma_wait3A_196] : memref<2x768xi32, #tpu.memory_space<vmem>> -> memref<1x768xi32, #tpu.memory_space<vmem>>
      %dma_wait3A_198 = tpu.memref_squeeze %dma_wait3A_197 : memref<1x768xi32, #tpu.memory_space<vmem>> -> memref<768xi32, #tpu.memory_space<vmem>>
      %dma_wait3A_199 = arith.constant 0 : i32
      %dma_wait3A_200 = arith.constant 0 : i32
      %dma_wait3A_201 = tpu.memref_slice %arg2[%dma_wait3A_199, %dma_wait3A_200] : memref<100000x32xbf16, #tpu.memory_space<hbm>> -> memref<100000x32xbf16, #tpu.memory_space<hbm>>
      tpu.wait_indirect_dma semaphore(%arg9 : memref<!tpu.dma_semaphore, #tpu.memory_space<semaphore_mem>>) src(%dma_wait3A_201 : memref<100000x32xbf16, #tpu.memory_space<hbm>>) dst(%dma_wait3A_191 : memref<768x32xbf16, #tpu.memory_space<vmem>>)
      %sub3A_202 = arith.constant 1 : i32
      %sub3A_203 = arith.subi %select_n3A, %sub3A_202 : i32
      %lt3A_204 = arith.cmpi slt, %while3A_124, %sub3A_203 : i32
      %convert_element_type3A_205 = arith.extui %lt3A_204 : i1 to i32
      %cond3A_206 = arith.constant 0 : i32
      %cond3A_207 = arith.cmpi ne, %convert_element_type3A_205, %cond3A_206 : i32
      scf.if %cond3A_207 {
        %mul3A_217 = arith.constant 2 : i32
        %mul3A_218 = arith.muli %mul3A_217, %while3A_124 : i32
        %add3A_219 = arith.constant 2 : i32
        %add3A_220 = arith.addi %mul3A_218, %add3A_219 : i32
        %mul3A_221 = arith.constant 768 : i32
        %mul3A_222 = arith.muli %add3A_220, %mul3A_221 : i32
        %add3A_223 = arith.addi %select_n3A_48, %mul3A_222 : i32
        %multiple_of3A_224 = tpu.assume_multiple %add3A_223, 256 : i32
        %dma_wait3A_225 = arith.constant 0 : i32
        %dma_wait3A_226 = arith.constant 0 : i32
        %dma_wait3A_227 = arith.constant 0 : i32
        %dma_wait3A_228 = tpu.memref_slice %arg5[%dma_wait3A_225, %dma_wait3A_226, %dma_wait3A_227] : memref<2x2x768xi32, #tpu.memory_space<vmem>> -> memref<1x2x768xi32, #tpu.memory_space<vmem>>
        %dma_wait3A_229 = tpu.memref_squeeze %dma_wait3A_228 : memref<1x2x768xi32, #tpu.memory_space<vmem>> -> memref<2x768xi32, #tpu.memory_space<vmem>>
        %dma_wait3A_230 = arith.constant 0 : i32
        %dma_wait3A_231 = tpu.memref_slice %arg3[%dma_wait3A_230, %multiple_of3A_224] : memref<2x3244032xi32, #tpu.memory_space<hbm>> -> memref<2x768xi32, #tpu.memory_space<hbm>>
        %dma_wait3A_232 = arith.constant 0 : i32
        %dma_wait3A_233 = arith.constant 0 : i32
        %dma_wait3A_234 = tpu.memref_slice %arg5[%dma_wait3A_225, %dma_wait3A_232, %dma_wait3A_233] : memref<2x2x768xi32, #tpu.memory_space<vmem>> -> memref<1x2x768xi32, #tpu.memory_space<vmem>>
        %dma_wait3A_235 = tpu.memref_squeeze %dma_wait3A_234 : memref<1x2x768xi32, #tpu.memory_space<vmem>> -> memref<2x768xi32, #tpu.memory_space<vmem>>
        %dma_wait3A_236 = arith.constant 0 : i32
        %dma_wait3A_237 = tpu.memref_slice %arg3[%dma_wait3A_236, %multiple_of3A_224] : memref<2x3244032xi32, #tpu.memory_space<hbm>> -> memref<2x768xi32, #tpu.memory_space<hbm>>
        tpu.wait_dma2 semaphore(%arg10 : memref<!tpu.dma_semaphore, #tpu.memory_space<semaphore_mem>>) src(%dma_wait3A_237 : memref<2x768xi32, #tpu.memory_space<hbm>>) dst(%dma_wait3A_235 : memref<2x768xi32, #tpu.memory_space<vmem>>)
        %dma_start3A_238 = arith.constant 0 : i32
        %dma_start3A_239 = arith.constant 0 : i32
        %dma_start3A_240 = arith.constant 0 : i32
        %dma_start3A_241 = arith.constant 0 : i32
        %dma_start3A_242 = arith.constant 0 : i32
        %dma_start3A_243 = tpu.memref_slice %arg6[%dma_start3A_240, %dma_start3A_241, %dma_start3A_242] : memref<2x768x32xbf16, #tpu.memory_space<vmem>> -> memref<1x768x32xbf16, #tpu.memory_space<vmem>>
        %dma_start3A_244 = tpu.memref_squeeze %dma_start3A_243 : memref<1x768x32xbf16, #tpu.memory_space<vmem>> -> memref<768x32xbf16, #tpu.memory_space<vmem>>
        %dma_start3A_245 = arith.constant 0 : i32
        %dma_start3A_246 = arith.constant 0 : i32
        %dma_start3A_247 = tpu.memref_slice %arg5[%dma_start3A_238, %dma_start3A_245, %dma_start3A_246] : memref<2x2x768xi32, #tpu.memory_space<vmem>> -> memref<1x2x768xi32, #tpu.memory_space<vmem>>
        %dma_start3A_248 = tpu.memref_squeeze %dma_start3A_247 : memref<1x2x768xi32, #tpu.memory_space<vmem>> -> memref<2x768xi32, #tpu.memory_space<vmem>>
        %dma_start3A_249 = arith.constant 0 : i32
        %dma_start3A_250 = tpu.memref_slice %dma_start3A_248[%dma_start3A_239, %dma_start3A_249] : memref<2x768xi32, #tpu.memory_space<vmem>> -> memref<1x768xi32, #tpu.memory_space<vmem>>
        %dma_start3A_251 = tpu.memref_squeeze %dma_start3A_250 : memref<1x768xi32, #tpu.memory_space<vmem>> -> memref<768xi32, #tpu.memory_space<vmem>>
        %dma_start3A_252 = arith.constant 0 : i32
        %dma_start3A_253 = arith.constant 0 : i32
        %dma_start3A_254 = tpu.memref_slice %arg2[%dma_start3A_252, %dma_start3A_253] : memref<100000x32xbf16, #tpu.memory_space<hbm>> -> memref<100000x32xbf16, #tpu.memory_space<hbm>>
        tpu.enqueue_indirect_dma source(%dma_start3A_254 : memref<100000x32xbf16, #tpu.memory_space<hbm>>) target(%dma_start3A_244 : memref<768x32xbf16, #tpu.memory_space<vmem>>) offsets(%dma_start3A_251 : memref<768xi32, #tpu.memory_space<vmem>>) semaphore(%arg8 : memref<!tpu.dma_semaphore, #tpu.memory_space<semaphore_mem>>)
      } else {
      }
      %run_scoped3A_208 = arith.constant 1 : i32
      %run_scoped3A_209 = arith.constant 1 : i32
      %run_scoped3A_210 = arith.constant 1 : i32
      "tpu.region"() ({
        %run_scoped3A_217 = tpu.sem_alloc : memref<!tpu.dma_semaphore, #tpu.memory_space<semaphore_mem>>
        %dma_start3A_218 = arith.constant 0 : i32
        %dma_start3A_219 = arith.constant 0 : i32
        %dma_start3A_220 = tpu.memref_slice %arg6[%run_scoped3A_208, %dma_start3A_218, %dma_start3A_219] : memref<2x768x32xbf16, #tpu.memory_space<vmem>> -> memref<1x768x32xbf16, #tpu.memory_space<vmem>>
        %dma_start3A_221 = tpu.memref_squeeze %dma_start3A_220 : memref<1x768x32xbf16, #tpu.memory_space<vmem>> -> memref<768x32xbf16, #tpu.memory_space<vmem>>
        %dma_start3A_222 = arith.constant 0 : i32
        %dma_start3A_223 = arith.constant 0 : i32
        %dma_start3A_224 = tpu.memref_slice %arg5[%run_scoped3A_209, %dma_start3A_222, %dma_start3A_223] : memref<2x2x768xi32, #tpu.memory_space<vmem>> -> memref<1x2x768xi32, #tpu.memory_space<vmem>>
        %dma_start3A_225 = tpu.memref_squeeze %dma_start3A_224 : memref<1x2x768xi32, #tpu.memory_space<vmem>> -> memref<2x768xi32, #tpu.memory_space<vmem>>
        %dma_start3A_226 = arith.constant 0 : i32
        %dma_start3A_227 = tpu.memref_slice %dma_start3A_225[%run_scoped3A_210, %dma_start3A_226] : memref<2x768xi32, #tpu.memory_space<vmem>> -> memref<1x768xi32, #tpu.memory_space<vmem>>
        %dma_start3A_228 = tpu.memref_squeeze %dma_start3A_227 : memref<1x768xi32, #tpu.memory_space<vmem>> -> memref<768xi32, #tpu.memory_space<vmem>>
        %dma_start3A_229 = arith.constant 0 : i32
        %dma_start3A_230 = arith.constant 0 : i32
        %dma_start3A_231 = tpu.memref_slice %arg7[%dma_start3A_229, %dma_start3A_230] : memref<100096x32xbf16, #tpu.memory_space<vmem_shared>> -> memref<100096x32xbf16, #tpu.memory_space<vmem_shared>>
        tpu.enqueue_indirect_dma source(%dma_start3A_221 : memref<768x32xbf16, #tpu.memory_space<vmem>>) target(%dma_start3A_231 : memref<100096x32xbf16, #tpu.memory_space<vmem_shared>>) offsets(%dma_start3A_228 : memref<768xi32, #tpu.memory_space<vmem>>) semaphore(%run_scoped3A_217 : memref<!tpu.dma_semaphore, #tpu.memory_space<semaphore_mem>>) {add = true}
        %dma_wait3A_232 = arith.constant 0 : i32
        %dma_wait3A_233 = arith.constant 0 : i32
        %dma_wait3A_234 = tpu.memref_slice %arg6[%run_scoped3A_208, %dma_wait3A_232, %dma_wait3A_233] : memref<2x768x32xbf16, #tpu.memory_space<vmem>> -> memref<1x768x32xbf16, #tpu.memory_space<vmem>>
        %dma_wait3A_235 = tpu.memref_squeeze %dma_wait3A_234 : memref<1x768x32xbf16, #tpu.memory_space<vmem>> -> memref<768x32xbf16, #tpu.memory_space<vmem>>
        %dma_wait3A_236 = arith.constant 0 : i32
        %dma_wait3A_237 = arith.constant 0 : i32
        %dma_wait3A_238 = tpu.memref_slice %arg5[%run_scoped3A_209, %dma_wait3A_236, %dma_wait3A_237] : memref<2x2x768xi32, #tpu.memory_space<vmem>> -> memref<1x2x768xi32, #tpu.memory_space<vmem>>
        %dma_wait3A_239 = tpu.memref_squeeze %dma_wait3A_238 : memref<1x2x768xi32, #tpu.memory_space<vmem>> -> memref<2x768xi32, #tpu.memory_space<vmem>>
        %dma_wait3A_240 = arith.constant 0 : i32
        %dma_wait3A_241 = tpu.memref_slice %dma_wait3A_239[%run_scoped3A_210, %dma_wait3A_240] : memref<2x768xi32, #tpu.memory_space<vmem>> -> memref<1x768xi32, #tpu.memory_space<vmem>>
        %dma_wait3A_242 = tpu.memref_squeeze %dma_wait3A_241 : memref<1x768xi32, #tpu.memory_space<vmem>> -> memref<768xi32, #tpu.memory_space<vmem>>
        %dma_wait3A_243 = arith.constant 0 : i32
        %dma_wait3A_244 = arith.constant 0 : i32
        %dma_wait3A_245 = tpu.memref_slice %arg7[%dma_wait3A_243, %dma_wait3A_244] : memref<100096x32xbf16, #tpu.memory_space<vmem_shared>> -> memref<100096x32xbf16, #tpu.memory_space<vmem_shared>>
        tpu.wait_indirect_dma semaphore(%run_scoped3A_217 : memref<!tpu.dma_semaphore, #tpu.memory_space<semaphore_mem>>) src(%dma_wait3A_235 : memref<768x32xbf16, #tpu.memory_space<vmem>>) dst(%dma_wait3A_245 : memref<100096x32xbf16, #tpu.memory_space<vmem_shared>>)
        tpu.yield
      }) : () -> ()
      %sub3A_211 = arith.constant 1 : i32
      %sub3A_212 = arith.subi %select_n3A, %sub3A_211 : i32
      %lt3A_213 = arith.cmpi slt, %while3A_124, %sub3A_212 : i32
      %convert_element_type3A_214 = arith.extui %lt3A_213 : i1 to i32
      %cond3A_215 = arith.constant 0 : i32
      %cond3A_216 = arith.cmpi ne, %convert_element_type3A_214, %cond3A_215 : i32
      scf.if %cond3A_216 {
        %mul3A_217 = arith.constant 2 : i32
        %mul3A_218 = arith.muli %mul3A_217, %while3A_124 : i32
        %add3A_219 = arith.constant 3 : i32
        %add3A_220 = arith.addi %mul3A_218, %add3A_219 : i32
        %mul3A_221 = arith.constant 768 : i32
        %mul3A_222 = arith.muli %add3A_220, %mul3A_221 : i32
        %add3A_223 = arith.addi %select_n3A_48, %mul3A_222 : i32
        %multiple_of3A_224 = tpu.assume_multiple %add3A_223, 256 : i32
        %dma_start3A_225 = arith.constant 1 : i32
        %dma_start3A_226 = arith.constant 0 : i32
        %dma_start3A_227 = arith.constant 0 : i32
        %dma_start3A_228 = tpu.memref_slice %arg5[%dma_start3A_225, %dma_start3A_226, %dma_start3A_227] : memref<2x2x768xi32, #tpu.memory_space<vmem>> -> memref<1x2x768xi32, #tpu.memory_space<vmem>>
        %dma_start3A_229 = tpu.memref_squeeze %dma_start3A_228 : memref<1x2x768xi32, #tpu.memory_space<vmem>> -> memref<2x768xi32, #tpu.memory_space<vmem>>
        %dma_start3A_230 = arith.constant 0 : i32
        %dma_start3A_231 = tpu.memref_slice %arg3[%dma_start3A_230, %multiple_of3A_224] : memref<2x3244032xi32, #tpu.memory_space<hbm>> -> memref<2x768xi32, #tpu.memory_space<hbm>>
        %dma_start3A_232 = arith.constant 0 : i32
        %dma_start3A_233 = arith.constant 0 : i32
        %dma_start3A_234 = tpu.memref_slice %arg5[%dma_start3A_225, %dma_start3A_232, %dma_start3A_233] : memref<2x2x768xi32, #tpu.memory_space<vmem>> -> memref<1x2x768xi32, #tpu.memory_space<vmem>>
        %dma_start3A_235 = tpu.memref_squeeze %dma_start3A_234 : memref<1x2x768xi32, #tpu.memory_space<vmem>> -> memref<2x768xi32, #tpu.memory_space<vmem>>
        %dma_start3A_236 = arith.constant 0 : i32
        %dma_start3A_237 = tpu.memref_slice %arg3[%dma_start3A_236, %multiple_of3A_224] : memref<2x3244032xi32, #tpu.memory_space<hbm>> -> memref<2x768xi32, #tpu.memory_space<hbm>>
        tpu.enqueue_dma source(%dma_start3A_237 : memref<2x768xi32, #tpu.memory_space<hbm>>) target(%dma_start3A_235 : memref<2x768xi32, #tpu.memory_space<vmem>>) target_semaphore(%arg11 : memref<!tpu.dma_semaphore, #tpu.memory_space<semaphore_mem>>)
      } else {
      }
    }
    %while3A_119 = arith.constant 1 : i32
    scf.for %while3A_124 = %while3A_117 to %while3A_113 step %while3A_119  : i32 {
      %mul3A_125 = arith.constant 2 : i32
      %mul3A_126 = arith.muli %mul3A_125, %while3A_124 : i32
      %add3A_127 = arith.constant 1 : i32
      %add3A_128 = arith.addi %mul3A_126, %add3A_127 : i32
      %mul3A_129 = arith.constant 768 : i32
      %mul3A_130 = arith.muli %add3A_128, %mul3A_129 : i32
      %add3A_131 = arith.addi %select_n3A_48, %mul3A_130 : i32
      %multiple_of3A_132 = tpu.assume_multiple %add3A_131, 256 : i32
      %dma_wait3A_133 = arith.constant 1 : i32
      %dma_wait3A_134 = arith.constant 0 : i32
      %dma_wait3A_135 = arith.constant 0 : i32
      %dma_wait3A_136 = tpu.memref_slice %arg5[%dma_wait3A_133, %dma_wait3A_134, %dma_wait3A_135] : memref<2x2x768xi32, #tpu.memory_space<vmem>> -> memref<1x2x768xi32, #tpu.memory_space<vmem>>
      %dma_wait3A_137 = tpu.memref_squeeze %dma_wait3A_136 : memref<1x2x768xi32, #tpu.memory_space<vmem>> -> memref<2x768xi32, #tpu.memory_space<vmem>>
      %dma_wait3A_138 = arith.constant 0 : i32
      %dma_wait3A_139 = tpu.memref_slice %arg3[%dma_wait3A_138, %multiple_of3A_132] : memref<2x3244032xi32, #tpu.memory_space<hbm>> -> memref<2x768xi32, #tpu.memory_space<hbm>>
      %dma_wait3A_140 = arith.constant 0 : i32
      %dma_wait3A_141 = arith.constant 0 : i32
      %dma_wait3A_142 = tpu.memref_slice %arg5[%dma_wait3A_133, %dma_wait3A_140, %dma_wait3A_141] : memref<2x2x768xi32, #tpu.memory_space<vmem>> -> memref<1x2x768xi32, #tpu.memory_space<vmem>>
      %dma_wait3A_143 = tpu.memref_squeeze %dma_wait3A_142 : memref<1x2x768xi32, #tpu.memory_space<vmem>> -> memref<2x768xi32, #tpu.memory_space<vmem>>
      %dma_wait3A_144 = arith.constant 0 : i32
      %dma_wait3A_145 = tpu.memref_slice %arg3[%dma_wait3A_144, %multiple_of3A_132] : memref<2x3244032xi32, #tpu.memory_space<hbm>> -> memref<2x768xi32, #tpu.memory_space<hbm>>
      tpu.wait_dma2 semaphore(%arg11 : memref<!tpu.dma_semaphore, #tpu.memory_space<semaphore_mem>>) src(%dma_wait3A_145 : memref<2x768xi32, #tpu.memory_space<hbm>>) dst(%dma_wait3A_143 : memref<2x768xi32, #tpu.memory_space<vmem>>)
      %dma_start3A_146 = arith.constant 1 : i32
      %dma_start3A_147 = arith.constant 0 : i32
      %dma_start3A_148 = arith.constant 1 : i32
      %dma_start3A_149 = arith.constant 0 : i32
      %dma_start3A_150 = arith.constant 0 : i32
      %dma_start3A_151 = tpu.memref_slice %arg6[%dma_start3A_148, %dma_start3A_149, %dma_start3A_150] : memref<2x768x32xbf16, #tpu.memory_space<vmem>> -> memref<1x768x32xbf16, #tpu.memory_space<vmem>>
      %dma_start3A_152 = tpu.memref_squeeze %dma_start3A_151 : memref<1x768x32xbf16, #tpu.memory_space<vmem>> -> memref<768x32xbf16, #tpu.memory_space<vmem>>
      %dma_start3A_153 = arith.constant 0 : i32
      %dma_start3A_154 = arith.constant 0 : i32
      %dma_start3A_155 = tpu.memref_slice %arg5[%dma_start3A_146, %dma_start3A_153, %dma_start3A_154] : memref<2x2x768xi32, #tpu.memory_space<vmem>> -> memref<1x2x768xi32, #tpu.memory_space<vmem>>
      %dma_start3A_156 = tpu.memref_squeeze %dma_start3A_155 : memref<1x2x768xi32, #tpu.memory_space<vmem>> -> memref<2x768xi32, #tpu.memory_space<vmem>>
      %dma_start3A_157 = arith.constant 0 : i32
      %dma_start3A_158 = tpu.memref_slice %dma_start3A_156[%dma_start3A_147, %dma_start3A_157] : memref<2x768xi32, #tpu.memory_space<vmem>> -> memref<1x768xi32, #tpu.memory_space<vmem>>
      %dma_start3A_159 = tpu.memref_squeeze %dma_start3A_158 : memref<1x768xi32, #tpu.memory_space<vmem>> -> memref<768xi32, #tpu.memory_space<vmem>>
      %dma_start3A_160 = arith.constant 0 : i32
      %dma_start3A_161 = arith.constant 0 : i32
      %dma_start3A_162 = tpu.memref_slice %arg2[%dma_start3A_160, %dma_start3A_161] : memref<100000x32xbf16, #tpu.memory_space<hbm>> -> memref<100000x32xbf16, #tpu.memory_space<hbm>>
      tpu.enqueue_indirect_dma source(%dma_start3A_162 : memref<100000x32xbf16, #tpu.memory_space<hbm>>) target(%dma_start3A_152 : memref<768x32xbf16, #tpu.memory_space<vmem>>) offsets(%dma_start3A_159 : memref<768xi32, #tpu.memory_space<vmem>>) semaphore(%arg9 : memref<!tpu.dma_semaphore, #tpu.memory_space<semaphore_mem>>)
      %dma_wait3A_163 = arith.constant 0 : i32
      %dma_wait3A_164 = arith.constant 0 : i32
      %dma_wait3A_165 = arith.constant 0 : i32
      %dma_wait3A_166 = arith.constant 0 : i32
      %dma_wait3A_167 = arith.constant 0 : i32
      %dma_wait3A_168 = tpu.memref_slice %arg6[%dma_wait3A_165, %dma_wait3A_166, %dma_wait3A_167] : memref<2x768x32xbf16, #tpu.memory_space<vmem>> -> memref<1x768x32xbf16, #tpu.memory_space<vmem>>
      %dma_wait3A_169 = tpu.memref_squeeze %dma_wait3A_168 : memref<1x768x32xbf16, #tpu.memory_space<vmem>> -> memref<768x32xbf16, #tpu.memory_space<vmem>>
      %dma_wait3A_170 = arith.constant 0 : i32
      %dma_wait3A_171 = arith.constant 0 : i32
      %dma_wait3A_172 = tpu.memref_slice %arg5[%dma_wait3A_163, %dma_wait3A_170, %dma_wait3A_171] : memref<2x2x768xi32, #tpu.memory_space<vmem>> -> memref<1x2x768xi32, #tpu.memory_space<vmem>>
      %dma_wait3A_173 = tpu.memref_squeeze %dma_wait3A_172 : memref<1x2x768xi32, #tpu.memory_space<vmem>> -> memref<2x768xi32, #tpu.memory_space<vmem>>
      %dma_wait3A_174 = arith.constant 0 : i32
      %dma_wait3A_175 = tpu.memref_slice %dma_wait3A_173[%dma_wait3A_164, %dma_wait3A_174] : memref<2x768xi32, #tpu.memory_space<vmem>> -> memref<1x768xi32, #tpu.memory_space<vmem>>
      %dma_wait3A_176 = tpu.memref_squeeze %dma_wait3A_175 : memref<1x768xi32, #tpu.memory_space<vmem>> -> memref<768xi32, #tpu.memory_space<vmem>>
      %dma_wait3A_177 = arith.constant 0 : i32
      %dma_wait3A_178 = arith.constant 0 : i32
      %dma_wait3A_179 = tpu.memref_slice %arg2[%dma_wait3A_177, %dma_wait3A_178] : memref<100000x32xbf16, #tpu.memory_space<hbm>> -> memref<100000x32xbf16, #tpu.memory_space<hbm>>
      tpu.wait_indirect_dma semaphore(%arg8 : memref<!tpu.dma_semaphore, #tpu.memory_space<semaphore_mem>>) src(%dma_wait3A_179 : memref<100000x32xbf16, #tpu.memory_space<hbm>>) dst(%dma_wait3A_169 : memref<768x32xbf16, #tpu.memory_space<vmem>>)
      %run_scoped3A_180 = arith.constant 0 : i32
      %run_scoped3A_181 = arith.constant 0 : i32
      %run_scoped3A_182 = arith.constant 1 : i32
      "tpu.region"() ({
        %run_scoped3A_217 = tpu.sem_alloc : memref<!tpu.dma_semaphore, #tpu.memory_space<semaphore_mem>>
        %dma_start3A_218 = arith.constant 0 : i32
        %dma_start3A_219 = arith.constant 0 : i32
        %dma_start3A_220 = tpu.memref_slice %arg6[%run_scoped3A_180, %dma_start3A_218, %dma_start3A_219] : memref<2x768x32xbf16, #tpu.memory_space<vmem>> -> memref<1x768x32xbf16, #tpu.memory_space<vmem>>
        %dma_start3A_221 = tpu.memref_squeeze %dma_start3A_220 : memref<1x768x32xbf16, #tpu.memory_space<vmem>> -> memref<768x32xbf16, #tpu.memory_space<vmem>>
        %dma_start3A_222 = arith.constant 0 : i32
        %dma_start3A_223 = arith.constant 0 : i32
        %dma_start3A_224 = tpu.memref_slice %arg5[%run_scoped3A_181, %dma_start3A_222, %dma_start3A_223] : memref<2x2x768xi32, #tpu.memory_space<vmem>> -> memref<1x2x768xi32, #tpu.memory_space<vmem>>
        %dma_start3A_225 = tpu.memref_squeeze %dma_start3A_224 : memref<1x2x768xi32, #tpu.memory_space<vmem>> -> memref<2x768xi32, #tpu.memory_space<vmem>>
        %dma_start3A_226 = arith.constant 0 : i32
        %dma_start3A_227 = tpu.memref_slice %dma_start3A_225[%run_scoped3A_182, %dma_start3A_226] : memref<2x768xi32, #tpu.memory_space<vmem>> -> memref<1x768xi32, #tpu.memory_space<vmem>>
        %dma_start3A_228 = tpu.memref_squeeze %dma_start3A_227 : memref<1x768xi32, #tpu.memory_space<vmem>> -> memref<768xi32, #tpu.memory_space<vmem>>
        %dma_start3A_229 = arith.constant 0 : i32
        %dma_start3A_230 = arith.constant 0 : i32
        %dma_start3A_231 = tpu.memref_slice %arg7[%dma_start3A_229, %dma_start3A_230] : memref<100096x32xbf16, #tpu.memory_space<vmem_shared>> -> memref<100096x32xbf16, #tpu.memory_space<vmem_shared>>
        tpu.enqueue_indirect_dma source(%dma_start3A_221 : memref<768x32xbf16, #tpu.memory_space<vmem>>) target(%dma_start3A_231 : memref<100096x32xbf16, #tpu.memory_space<vmem_shared>>) offsets(%dma_start3A_228 : memref<768xi32, #tpu.memory_space<vmem>>) semaphore(%run_scoped3A_217 : memref<!tpu.dma_semaphore, #tpu.memory_space<semaphore_mem>>) {add = true}
        %dma_wait3A_232 = arith.constant 0 : i32
        %dma_wait3A_233 = arith.constant 0 : i32
        %dma_wait3A_234 = tpu.memref_slice %arg6[%run_scoped3A_180, %dma_wait3A_232, %dma_wait3A_233] : memref<2x768x32xbf16, #tpu.memory_space<vmem>> -> memref<1x768x32xbf16, #tpu.memory_space<vmem>>
        %dma_wait3A_235 = tpu.memref_squeeze %dma_wait3A_234 : memref<1x768x32xbf16, #tpu.memory_space<vmem>> -> memref<768x32xbf16, #tpu.memory_space<vmem>>
        %dma_wait3A_236 = arith.constant 0 : i32
        %dma_wait3A_237 = arith.constant 0 : i32
        %dma_wait3A_238 = tpu.memref_slice %arg5[%run_scoped3A_181, %dma_wait3A_236, %dma_wait3A_237] : memref<2x2x768xi32, #tpu.memory_space<vmem>> -> memref<1x2x768xi32, #tpu.memory_space<vmem>>
        %dma_wait3A_239 = tpu.memref_squeeze %dma_wait3A_238 : memref<1x2x768xi32, #tpu.memory_space<vmem>> -> memref<2x768xi32, #tpu.memory_space<vmem>>
        %dma_wait3A_240 = arith.constant 0 : i32
        %dma_wait3A_241 = tpu.memref_slice %dma_wait3A_239[%run_scoped3A_182, %dma_wait3A_240] : memref<2x768xi32, #tpu.memory_space<vmem>> -> memref<1x768xi32, #tpu.memory_space<vmem>>
        %dma_wait3A_242 = tpu.memref_squeeze %dma_wait3A_241 : memref<1x768xi32, #tpu.memory_space<vmem>> -> memref<768xi32, #tpu.memory_space<vmem>>
        %dma_wait3A_243 = arith.constant 0 : i32
        %dma_wait3A_244 = arith.constant 0 : i32
        %dma_wait3A_245 = tpu.memref_slice %arg7[%dma_wait3A_243, %dma_wait3A_244] : memref<100096x32xbf16, #tpu.memory_space<vmem_shared>> -> memref<100096x32xbf16, #tpu.memory_space<vmem_shared>>
        tpu.wait_indirect_dma semaphore(%run_scoped3A_217 : memref<!tpu.dma_semaphore, #tpu.memory_space<semaphore_mem>>) src(%dma_wait3A_235 : memref<768x32xbf16, #tpu.memory_space<vmem>>) dst(%dma_wait3A_245 : memref<100096x32xbf16, #tpu.memory_space<vmem_shared>>)
        tpu.yield
      }) : () -> ()
      %sub3A = arith.constant 1 : i32
      %sub3A_183 = arith.subi %select_n3A, %sub3A : i32
      %lt3A = arith.cmpi slt, %while3A_124, %sub3A_183 : i32
      %convert_element_type3A = arith.extui %lt3A : i1 to i32
      %cond3A = arith.constant 0 : i32
      %cond3A_184 = arith.cmpi ne, %convert_element_type3A, %cond3A : i32
      scf.if %cond3A_184 {
        %mul3A_217 = arith.constant 2 : i32
        %mul3A_218 = arith.muli %mul3A_217, %while3A_124 : i32
        %add3A_219 = arith.constant 2 : i32
        %add3A_220 = arith.addi %mul3A_218, %add3A_219 : i32
        %mul3A_221 = arith.constant 768 : i32
        %mul3A_222 = arith.muli %add3A_220, %mul3A_221 : i32
        %add3A_223 = arith.addi %select_n3A_48, %mul3A_222 : i32
        %multiple_of3A_224 = tpu.assume_multiple %add3A_223, 256 : i32
        %dma_start3A_225 = arith.constant 0 : i32
        %dma_start3A_226 = arith.constant 0 : i32
        %dma_start3A_227 = arith.constant 0 : i32
        %dma_start3A_228 = tpu.memref_slice %arg5[%dma_start3A_225, %dma_start3A_226, %dma_start3A_227] : memref<2x2x768xi32, #tpu.memory_space<vmem>> -> memref<1x2x768xi32, #tpu.memory_space<vmem>>
        %dma_start3A_229 = tpu.memref_squeeze %dma_start3A_228 : memref<1x2x768xi32, #tpu.memory_space<vmem>> -> memref<2x768xi32, #tpu.memory_space<vmem>>
        %dma_start3A_230 = arith.constant 0 : i32
        %dma_start3A_231 = tpu.memref_slice %arg3[%dma_start3A_230, %multiple_of3A_224] : memref<2x3244032xi32, #tpu.memory_space<hbm>> -> memref<2x768xi32, #tpu.memory_space<hbm>>
        %dma_start3A_232 = arith.constant 0 : i32
        %dma_start3A_233 = arith.constant 0 : i32
        %dma_start3A_234 = tpu.memref_slice %arg5[%dma_start3A_225, %dma_start3A_232, %dma_start3A_233] : memref<2x2x768xi32, #tpu.memory_space<vmem>> -> memref<1x2x768xi32, #tpu.memory_space<vmem>>
        %dma_start3A_235 = tpu.memref_squeeze %dma_start3A_234 : memref<1x2x768xi32, #tpu.memory_space<vmem>> -> memref<2x768xi32, #tpu.memory_space<vmem>>
        %dma_start3A_236 = arith.constant 0 : i32
        %dma_start3A_237 = tpu.memref_slice %arg3[%dma_start3A_236, %multiple_of3A_224] : memref<2x3244032xi32, #tpu.memory_space<hbm>> -> memref<2x768xi32, #tpu.memory_space<hbm>>
        tpu.enqueue_dma source(%dma_start3A_237 : memref<2x768xi32, #tpu.memory_space<hbm>>) target(%dma_start3A_235 : memref<2x768xi32, #tpu.memory_space<vmem>>) target_semaphore(%arg10 : memref<!tpu.dma_semaphore, #tpu.memory_space<semaphore_mem>>)
      } else {
      }
      %dma_wait3A_185 = arith.constant 1 : i32
      %dma_wait3A_186 = arith.constant 0 : i32
      %dma_wait3A_187 = arith.constant 1 : i32
      %dma_wait3A_188 = arith.constant 0 : i32
      %dma_wait3A_189 = arith.constant 0 : i32
      %dma_wait3A_190 = tpu.memref_slice %arg6[%dma_wait3A_187, %dma_wait3A_188, %dma_wait3A_189] : memref<2x768x32xbf16, #tpu.memory_space<vmem>> -> memref<1x768x32xbf16, #tpu.memory_space<vmem>>
      %dma_wait3A_191 = tpu.memref_squeeze %dma_wait3A_190 : memref<1x768x32xbf16, #tpu.memory_space<vmem>> -> memref<768x32xbf16, #tpu.memory_space<vmem>>
      %dma_wait3A_192 = arith.constant 0 : i32
      %dma_wait3A_193 = arith.constant 0 : i32
      %dma_wait3A_194 = tpu.memref_slice %arg5[%dma_wait3A_185, %dma_wait3A_192, %dma_wait3A_193] : memref<2x2x768xi32, #tpu.memory_space<vmem>> -> memref<1x2x768xi32, #tpu.memory_space<vmem>>
      %dma_wait3A_195 = tpu.memref_squeeze %dma_wait3A_194 : memref<1x2x768xi32, #tpu.memory_space<vmem>> -> memref<2x768xi32, #tpu.memory_space<vmem>>
      %dma_wait3A_196 = arith.constant 0 : i32
      %dma_wait3A_197 = tpu.memref_slice %dma_wait3A_195[%dma_wait3A_186, %dma_wait3A_196] : memref<2x768xi32, #tpu.memory_space<vmem>> -> memref<1x768xi32, #tpu.memory_space<vmem>>
      %dma_wait3A_198 = tpu.memref_squeeze %dma_wait3A_197 : memref<1x768xi32, #tpu.memory_space<vmem>> -> memref<768xi32, #tpu.memory_space<vmem>>
      %dma_wait3A_199 = arith.constant 0 : i32
      %dma_wait3A_200 = arith.constant 0 : i32
      %dma_wait3A_201 = tpu.memref_slice %arg2[%dma_wait3A_199, %dma_wait3A_200] : memref<100000x32xbf16, #tpu.memory_space<hbm>> -> memref<100000x32xbf16, #tpu.memory_space<hbm>>
      tpu.wait_indirect_dma semaphore(%arg9 : memref<!tpu.dma_semaphore, #tpu.memory_space<semaphore_mem>>) src(%dma_wait3A_201 : memref<100000x32xbf16, #tpu.memory_space<hbm>>) dst(%dma_wait3A_191 : memref<768x32xbf16, #tpu.memory_space<vmem>>)
      %sub3A_202 = arith.constant 1 : i32
      %sub3A_203 = arith.subi %select_n3A, %sub3A_202 : i32
      %lt3A_204 = arith.cmpi slt, %while3A_124, %sub3A_203 : i32
      %convert_element_type3A_205 = arith.extui %lt3A_204 : i1 to i32
      %cond3A_206 = arith.constant 0 : i32
      %cond3A_207 = arith.cmpi ne, %convert_element_type3A_205, %cond3A_206 : i32
      scf.if %cond3A_207 {
        %mul3A_217 = arith.constant 2 : i32
        %mul3A_218 = arith.muli %mul3A_217, %while3A_124 : i32
        %add3A_219 = arith.constant 2 : i32
        %add3A_220 = arith.addi %mul3A_218, %add3A_219 : i32
        %mul3A_221 = arith.constant 768 : i32
        %mul3A_222 = arith.muli %add3A_220, %mul3A_221 : i32
        %add3A_223 = arith.addi %select_n3A_48, %mul3A_222 : i32
        %multiple_of3A_224 = tpu.assume_multiple %add3A_223, 256 : i32
        %dma_wait3A_225 = arith.constant 0 : i32
        %dma_wait3A_226 = arith.constant 0 : i32
        %dma_wait3A_227 = arith.constant 0 : i32
        %dma_wait3A_228 = tpu.memref_slice %arg5[%dma_wait3A_225, %dma_wait3A_226, %dma_wait3A_227] : memref<2x2x768xi32, #tpu.memory_space<vmem>> -> memref<1x2x768xi32, #tpu.memory_space<vmem>>
        %dma_wait3A_229 = tpu.memref_squeeze %dma_wait3A_228 : memref<1x2x768xi32, #tpu.memory_space<vmem>> -> memref<2x768xi32, #tpu.memory_space<vmem>>
        %dma_wait3A_230 = arith.constant 0 : i32
        %dma_wait3A_231 = tpu.memref_slice %arg3[%dma_wait3A_230, %multiple_of3A_224] : memref<2x3244032xi32, #tpu.memory_space<hbm>> -> memref<2x768xi32, #tpu.memory_space<hbm>>
        %dma_wait3A_232 = arith.constant 0 : i32
        %dma_wait3A_233 = arith.constant 0 : i32
        %dma_wait3A_234 = tpu.memref_slice %arg5[%dma_wait3A_225, %dma_wait3A_232, %dma_wait3A_233] : memref<2x2x768xi32, #tpu.memory_space<vmem>> -> memref<1x2x768xi32, #tpu.memory_space<vmem>>
        %dma_wait3A_235 = tpu.memref_squeeze %dma_wait3A_234 : memref<1x2x768xi32, #tpu.memory_space<vmem>> -> memref<2x768xi32, #tpu.memory_space<vmem>>
        %dma_wait3A_236 = arith.constant 0 : i32
        %dma_wait3A_237 = tpu.memref_slice %arg3[%dma_wait3A_236, %multiple_of3A_224] : memref<2x3244032xi32, #tpu.memory_space<hbm>> -> memref<2x768xi32, #tpu.memory_space<hbm>>
        tpu.wait_dma2 semaphore(%arg10 : memref<!tpu.dma_semaphore, #tpu.memory_space<semaphore_mem>>) src(%dma_wait3A_237 : memref<2x768xi32, #tpu.memory_space<hbm>>) dst(%dma_wait3A_235 : memref<2x768xi32, #tpu.memory_space<vmem>>)
        %dma_start3A_238 = arith.constant 0 : i32
        %dma_start3A_239 = arith.constant 0 : i32
        %dma_start3A_240 = arith.constant 0 : i32
        %dma_start3A_241 = arith.constant 0 : i32
        %dma_start3A_242 = arith.constant 0 : i32
        %dma_start3A_243 = tpu.memref_slice %arg6[%dma_start3A_240, %dma_start3A_241, %dma_start3A_242] : memref<2x768x32xbf16, #tpu.memory_space<vmem>> -> memref<1x768x32xbf16, #tpu.memory_space<vmem>>
        %dma_start3A_244 = tpu.memref_squeeze %dma_start3A_243 : memref<1x768x32xbf16, #tpu.memory_space<vmem>> -> memref<768x32xbf16, #tpu.memory_space<vmem>>
        %dma_start3A_245 = arith.constant 0 : i32
        %dma_start3A_246 = arith.constant 0 : i32
        %dma_start3A_247 = tpu.memref_slice %arg5[%dma_start3A_238, %dma_start3A_245, %dma_start3A_246] : memref<2x2x768xi32, #tpu.memory_space<vmem>> -> memref<1x2x768xi32, #tpu.memory_space<vmem>>
        %dma_start3A_248 = tpu.memref_squeeze %dma_start3A_247 : memref<1x2x768xi32, #tpu.memory_space<vmem>> -> memref<2x768xi32, #tpu.memory_space<vmem>>
        %dma_start3A_249 = arith.constant 0 : i32
        %dma_start3A_250 = tpu.memref_slice %dma_start3A_248[%dma_start3A_239, %dma_start3A_249] : memref<2x768xi32, #tpu.memory_space<vmem>> -> memref<1x768xi32, #tpu.memory_space<vmem>>
        %dma_start3A_251 = tpu.memref_squeeze %dma_start3A_250 : memref<1x768xi32, #tpu.memory_space<vmem>> -> memref<768xi32, #tpu.memory_space<vmem>>
        %dma_start3A_252 = arith.constant 0 : i32
        %dma_start3A_253 = arith.constant 0 : i32
        %dma_start3A_254 = tpu.memref_slice %arg2[%dma_start3A_252, %dma_start3A_253] : memref<100000x32xbf16, #tpu.memory_space<hbm>> -> memref<100000x32xbf16, #tpu.memory_space<hbm>>
        tpu.enqueue_indirect_dma source(%dma_start3A_254 : memref<100000x32xbf16, #tpu.memory_space<hbm>>) target(%dma_start3A_244 : memref<768x32xbf16, #tpu.memory_space<vmem>>) offsets(%dma_start3A_251 : memref<768xi32, #tpu.memory_space<vmem>>) semaphore(%arg8 : memref<!tpu.dma_semaphore, #tpu.memory_space<semaphore_mem>>)
      } else {
      }
      %run_scoped3A_208 = arith.constant 1 : i32
      %run_scoped3A_209 = arith.constant 1 : i32
      %run_scoped3A_210 = arith.constant 1 : i32
      "tpu.region"() ({
        %run_scoped3A_217 = tpu.sem_alloc : memref<!tpu.dma_semaphore, #tpu.memory_space<semaphore_mem>>
        %dma_start3A_218 = arith.constant 0 : i32
        %dma_start3A_219 = arith.constant 0 : i32
        %dma_start3A_220 = tpu.memref_slice %arg6[%run_scoped3A_208, %dma_start3A_218, %dma_start3A_219] : memref<2x768x32xbf16, #tpu.memory_space<vmem>> -> memref<1x768x32xbf16, #tpu.memory_space<vmem>>
        %dma_start3A_221 = tpu.memref_squeeze %dma_start3A_220 : memref<1x768x32xbf16, #tpu.memory_space<vmem>> -> memref<768x32xbf16, #tpu.memory_space<vmem>>
        %dma_start3A_222 = arith.constant 0 : i32
        %dma_start3A_223 = arith.constant 0 : i32
        %dma_start3A_224 = tpu.memref_slice %arg5[%run_scoped3A_209, %dma_start3A_222, %dma_start3A_223] : memref<2x2x768xi32, #tpu.memory_space<vmem>> -> memref<1x2x768xi32, #tpu.memory_space<vmem>>
        %dma_start3A_225 = tpu.memref_squeeze %dma_start3A_224 : memref<1x2x768xi32, #tpu.memory_space<vmem>> -> memref<2x768xi32, #tpu.memory_space<vmem>>
        %dma_start3A_226 = arith.constant 0 : i32
        %dma_start3A_227 = tpu.memref_slice %dma_start3A_225[%run_scoped3A_210, %dma_start3A_226] : memref<2x768xi32, #tpu.memory_space<vmem>> -> memref<1x768xi32, #tpu.memory_space<vmem>>
        %dma_start3A_228 = tpu.memref_squeeze %dma_start3A_227 : memref<1x768xi32, #tpu.memory_space<vmem>> -> memref<768xi32, #tpu.memory_space<vmem>>
        %dma_start3A_229 = arith.constant 0 : i32
        %dma_start3A_230 = arith.constant 0 : i32
        %dma_start3A_231 = tpu.memref_slice %arg7[%dma_start3A_229, %dma_start3A_230] : memref<100096x32xbf16, #tpu.memory_space<vmem_shared>> -> memref<100096x32xbf16, #tpu.memory_space<vmem_shared>>
        tpu.enqueue_indirect_dma source(%dma_start3A_221 : memref<768x32xbf16, #tpu.memory_space<vmem>>) target(%dma_start3A_231 : memref<100096x32xbf16, #tpu.memory_space<vmem_shared>>) offsets(%dma_start3A_228 : memref<768xi32, #tpu.memory_space<vmem>>) semaphore(%run_scoped3A_217 : memref<!tpu.dma_semaphore, #tpu.memory_space<semaphore_mem>>) {add = true}
        %dma_wait3A_232 = arith.constant 0 : i32
        %dma_wait3A_233 = arith.constant 0 : i32
        %dma_wait3A_234 = tpu.memref_slice %arg6[%run_scoped3A_208, %dma_wait3A_232, %dma_wait3A_233] : memref<2x768x32xbf16, #tpu.memory_space<vmem>> -> memref<1x768x32xbf16, #tpu.memory_space<vmem>>
        %dma_wait3A_235 = tpu.memref_squeeze %dma_wait3A_234 : memref<1x768x32xbf16, #tpu.memory_space<vmem>> -> memref<768x32xbf16, #tpu.memory_space<vmem>>
        %dma_wait3A_236 = arith.constant 0 : i32
        %dma_wait3A_237 = arith.constant 0 : i32
        %dma_wait3A_238 = tpu.memref_slice %arg5[%run_scoped3A_209, %dma_wait3A_236, %dma_wait3A_237] : memref<2x2x768xi32, #tpu.memory_space<vmem>> -> memref<1x2x768xi32, #tpu.memory_space<vmem>>
        %dma_wait3A_239 = tpu.memref_squeeze %dma_wait3A_238 : memref<1x2x768xi32, #tpu.memory_space<vmem>> -> memref<2x768xi32, #tpu.memory_space<vmem>>
        %dma_wait3A_240 = arith.constant 0 : i32
        %dma_wait3A_241 = tpu.memref_slice %dma_wait3A_239[%run_scoped3A_210, %dma_wait3A_240] : memref<2x768xi32, #tpu.memory_space<vmem>> -> memref<1x768xi32, #tpu.memory_space<vmem>>
        %dma_wait3A_242 = tpu.memref_squeeze %dma_wait3A_241 : memref<1x768xi32, #tpu.memory_space<vmem>> -> memref<768xi32, #tpu.memory_space<vmem>>
        %dma_wait3A_243 = arith.constant 0 : i32
        %dma_wait3A_244 = arith.constant 0 : i32
        %dma_wait3A_245 = tpu.memref_slice %arg7[%dma_wait3A_243, %dma_wait3A_244] : memref<100096x32xbf16, #tpu.memory_space<vmem_shared>> -> memref<100096x32xbf16, #tpu.memory_space<vmem_shared>>
        tpu.wait_indirect_dma semaphore(%run_scoped3A_217 : memref<!tpu.dma_semaphore, #tpu.memory_space<semaphore_mem>>) src(%dma_wait3A_235 : memref<768x32xbf16, #tpu.memory_space<vmem>>) dst(%dma_wait3A_245 : memref<100096x32xbf16, #tpu.memory_space<vmem_shared>>)
        tpu.yield
      }) : () -> ()
      %sub3A_211 = arith.constant 1 : i32
      %sub3A_212 = arith.subi %select_n3A, %sub3A_211 : i32
      %lt3A_213 = arith.cmpi slt, %while3A_124, %sub3A_212 : i32
      %convert_element_type3A_214 = arith.extui %lt3A_213 : i1 to i32
      %cond3A_215 = arith.constant 0 : i32
      %cond3A_216 = arith.cmpi ne, %convert_element_type3A_214, %cond3A_215 : i32
      scf.if %cond3A_216 {
        %mul3A_217 = arith.constant 2 : i32
        %mul3A_218 = arith.muli %mul3A_217, %while3A_124 : i32
        %add3A_219 = arith.constant 3 : i32
        %add3A_220 = arith.addi %mul3A_218, %add3A_219 : i32
        %mul3A_221 = arith.constant 768 : i32
        %mul3A_222 = arith.muli %add3A_220, %mul3A_221 : i32
        %add3A_223 = arith.addi %select_n3A_48, %mul3A_222 : i32
        %multiple_of3A_224 = tpu.assume_multiple %add3A_223, 256 : i32
        %dma_start3A_225 = arith.constant 1 : i32
        %dma_start3A_226 = arith.constant 0 : i32
        %dma_start3A_227 = arith.constant 0 : i32
        %dma_start3A_228 = tpu.memref_slice %arg5[%dma_start3A_225, %dma_start3A_226, %dma_start3A_227] : memref<2x2x768xi32, #tpu.memory_space<vmem>> -> memref<1x2x768xi32, #tpu.memory_space<vmem>>
        %dma_start3A_229 = tpu.memref_squeeze %dma_start3A_228 : memref<1x2x768xi32, #tpu.memory_space<vmem>> -> memref<2x768xi32, #tpu.memory_space<vmem>>
        %dma_start3A_230 = arith.constant 0 : i32
        %dma_start3A_231 = tpu.memref_slice %arg3[%dma_start3A_230, %multiple_of3A_224] : memref<2x3244032xi32, #tpu.memory_space<hbm>> -> memref<2x768xi32, #tpu.memory_space<hbm>>
        %dma_start3A_232 = arith.constant 0 : i32
        %dma_start3A_233 = arith.constant 0 : i32
        %dma_start3A_234 = tpu.memref_slice %arg5[%dma_start3A_225, %dma_start3A_232, %dma_start3A_233] : memref<2x2x768xi32, #tpu.memory_space<vmem>> -> memref<1x2x768xi32, #tpu.memory_space<vmem>>
        %dma_start3A_235 = tpu.memref_squeeze %dma_start3A_234 : memref<1x2x768xi32, #tpu.memory_space<vmem>> -> memref<2x768xi32, #tpu.memory_space<vmem>>
        %dma_start3A_236 = arith.constant 0 : i32
        %dma_start3A_237 = tpu.memref_slice %arg3[%dma_start3A_236, %multiple_of3A_224] : memref<2x3244032xi32, #tpu.memory_space<hbm>> -> memref<2x768xi32, #tpu.memory_space<hbm>>
        tpu.enqueue_dma source(%dma_start3A_237 : memref<2x768xi32, #tpu.memory_space<hbm>>) target(%dma_start3A_235 : memref<2x768xi32, #tpu.memory_space<vmem>>) target_semaphore(%arg11 : memref<!tpu.dma_semaphore, #tpu.memory_space<semaphore_mem>>)
      } else {
      }
    }
    %barrier3A_120 = arith.constant 0 : index
    tpu.barrier barrier_id(%barrier3A_120)
    %mul3A_121 = arith.constant 6256 : i32
    %mul3A_122 = arith.muli %arg1, %mul3A_121 : i32
    %multiple_of3A_123 = tpu.assume_multiple %mul3A_122, 8 : i32
    "tpu.region"() ({
      %run_scoped3A_124 = tpu.sem_alloc : memref<!tpu.dma_semaphore, #tpu.memory_space<semaphore_mem>>
      %dma_start3A_125 = arith.constant 0 : i32
      %dma_start3A_126 = arith.constant 0 : i32
      %dma_start3A_127 = tpu.memref_slice %arg4[%arg0, %dma_start3A_125, %dma_start3A_126] : memref<2x100096x32xbf16, #tpu.memory_space<hbm>> -> memref<1x100096x32xbf16, #tpu.memory_space<hbm>>
      %dma_start3A_128 = tpu.memref_squeeze %dma_start3A_127 : memref<1x100096x32xbf16, #tpu.memory_space<hbm>> -> memref<100096x32xbf16, #tpu.memory_space<hbm>>
      %dma_start3A_129 = arith.constant 0 : i32
      %dma_start3A_130 = tpu.memref_slice %dma_start3A_128[%multiple_of3A_123, %dma_start3A_129] : memref<100096x32xbf16, #tpu.memory_space<hbm>> -> memref<6256x32xbf16, #tpu.memory_space<hbm>>
      %dma_start3A_131 = arith.constant 0 : i32
      %dma_start3A_132 = tpu.memref_slice %arg7[%multiple_of3A_123, %dma_start3A_131] : memref<100096x32xbf16, #tpu.memory_space<vmem_shared>> -> memref<6256x32xbf16, #tpu.memory_space<vmem_shared>>
      tpu.enqueue_dma source(%dma_start3A_132 : memref<6256x32xbf16, #tpu.memory_space<vmem_shared>>) target(%dma_start3A_130 : memref<6256x32xbf16, #tpu.memory_space<hbm>>) target_semaphore(%run_scoped3A_124 : memref<!tpu.dma_semaphore, #tpu.memory_space<semaphore_mem>>)
      %dma_wait3A_133 = arith.constant 0 : i32
      %dma_wait3A_134 = arith.constant 0 : i32
      %dma_wait3A_135 = tpu.memref_slice %arg4[%arg0, %dma_wait3A_133, %dma_wait3A_134] : memref<2x100096x32xbf16, #tpu.memory_space<hbm>> -> memref<1x100096x32xbf16, #tpu.memory_space<hbm>>
      %dma_wait3A_136 = tpu.memref_squeeze %dma_wait3A_135 : memref<1x100096x32xbf16, #tpu.memory_space<hbm>> -> memref<100096x32xbf16, #tpu.memory_space<hbm>>
      %dma_wait3A_137 = arith.constant 0 : i32
      %dma_wait3A_138 = tpu.memref_slice %dma_wait3A_136[%multiple_of3A_123, %dma_wait3A_137] : memref<100096x32xbf16, #tpu.memory_space<hbm>> -> memref<6256x32xbf16, #tpu.memory_space<hbm>>
      %dma_wait3A_139 = arith.constant 0 : i32
      %dma_wait3A_140 = tpu.memref_slice %arg7[%multiple_of3A_123, %dma_wait3A_139] : memref<100096x32xbf16, #tpu.memory_space<vmem_shared>> -> memref<6256x32xbf16, #tpu.memory_space<vmem_shared>>
      tpu.wait_dma2 semaphore(%run_scoped3A_124 : memref<!tpu.dma_semaphore, #tpu.memory_space<semaphore_mem>>) src(%dma_wait3A_140 : memref<6256x32xbf16, #tpu.memory_space<vmem_shared>>) dst(%dma_wait3A_138 : memref<6256x32xbf16, #tpu.memory_space<hbm>>)
      tpu.yield
    }) : () -> ()
    return
  }
}

#map = affine_map<(d0, d1) -> (0, 0)>
#map1 = affine_map<(d0, d1) -> (0, 0, 0)>
module attributes {stable_mosaic.version = 14 : i64} {
  func.func @agg_kernel(%arg0: i32, %arg1: i32, %arg2: memref<100000x16xbf16, #tpu.memory_space<hbm>>, %arg3: memref<2x3244032xi32, #tpu.memory_space<hbm>>, %arg4: memref<2x100096x16xbf16, #tpu.memory_space<hbm>>, %arg5: memref<2x2x1536xi32, #tpu.memory_space<vmem>>, %arg6: memref<2x1536x16xbf16, #tpu.memory_space<vmem>>, %arg7: memref<100096x16xbf16, #tpu.memory_space<vmem_shared>>, %arg8: memref<!tpu.dma_semaphore, #tpu.memory_space<semaphore_mem>>, %arg9: memref<!tpu.dma_semaphore, #tpu.memory_space<semaphore_mem>>, %arg10: memref<!tpu.dma_semaphore, #tpu.memory_space<semaphore_mem>>, %arg11: memref<!tpu.dma_semaphore, #tpu.memory_space<semaphore_mem>>) attributes {dimension_semantics = [#tpu.dimension_semantics<core_parallel>, #tpu.dimension_semantics<subcore_parallel>], iteration_bounds = array<i64: 2, 16>, scalar_prefetch = 0 : i64, scratch_operands = 7 : i64, tpu.core_type = #tpu.core_type<sc_vector_subcore>, window_params = [{transform_indices = #map}, {transform_indices = #map}, {transform_indices = #map1}]} {
    %scan3A = arith.constant 0 : i32
    %scan3A_0 = arith.constant 1536 : i32
    %scan3A_1 = arith.addi %scan3A, %scan3A_0 : i32
    %scan3A_2 = arith.constant 1 : i32
    scf.for %scan3A_108 = %scan3A to %scan3A_1 step %scan3A_2  : i32 {
      %broadcast_in_dim3A = arith.constant 0.000000e+00 : bf16
      %broadcast_in_dim3A_109 = vector.broadcast %broadcast_in_dim3A : bf16 to vector<16xbf16>
      %swap3A = arith.constant 0 : i32
      %swap3A_110 = arith.index_cast %swap3A : i32 to index
      %swap3A_111 = arith.index_cast %scan3A_108 : i32 to index
      %swap3A_112 = arith.constant 0 : index
      %swap3A_113 = tpu.vector_load %arg6[%swap3A_110, %swap3A_111, %swap3A_112] {strides = array<i32>} : memref<2x1536x16xbf16, #tpu.memory_space<vmem>>, vector<1x1x16xbf16>,
      %swap3A_114 = vector.shape_cast %swap3A_113 : vector<1x1x16xbf16> to vector<16xbf16>
      %swap3A_115 = vector.shape_cast %broadcast_in_dim3A_109 : vector<16xbf16> to vector<1x1x16xbf16>
      tpu.vector_store %arg6[%swap3A_110, %swap3A_111, %swap3A_112], %swap3A_115 {strides = array<i32>} : memref<2x1536x16xbf16, #tpu.memory_space<vmem>>, vector<1x1x16xbf16>,
    }
    %scan3A_3 = arith.constant 1536 : i32
    %mul3A = arith.constant 6256 : i32
    %mul3A_4 = arith.muli %arg1, %mul3A : i32
    %add3A = arith.constant 0 : i32
    %add3A_5 = arith.addi %mul3A_4, %add3A : i32
    %multiple_of3A = tpu.assume_multiple %add3A_5, 8 : i32
    %run_scoped3A = arith.constant 0 : i32
    "tpu.region"() ({
      %run_scoped3A_108 = tpu.sem_alloc : memref<!tpu.dma_semaphore, #tpu.memory_space<semaphore_mem>>
      %dma_start3A_109 = arith.constant 0 : i32
      %dma_start3A_110 = arith.constant 0 : i32
      %dma_start3A_111 = tpu.memref_slice %arg6[%run_scoped3A, %dma_start3A_109, %dma_start3A_110] : memref<2x1536x16xbf16, #tpu.memory_space<vmem>> -> memref<1x1536x16xbf16, #tpu.memory_space<vmem>>
      %dma_start3A_112 = tpu.memref_squeeze %dma_start3A_111 : memref<1x1536x16xbf16, #tpu.memory_space<vmem>> -> memref<1536x16xbf16, #tpu.memory_space<vmem>>
      %dma_start3A_113 = arith.constant 0 : i32
      %dma_start3A_114 = arith.constant 0 : i32
      %dma_start3A_115 = tpu.memref_slice %dma_start3A_112[%dma_start3A_113, %dma_start3A_114] : memref<1536x16xbf16, #tpu.memory_space<vmem>> -> memref<1536x16xbf16, #tpu.memory_space<vmem>>
      %dma_start3A_116 = arith.constant 0 : i32
      %dma_start3A_117 = tpu.memref_slice %arg7[%multiple_of3A, %dma_start3A_116] : memref<100096x16xbf16, #tpu.memory_space<vmem_shared>> -> memref<1536x16xbf16, #tpu.memory_space<vmem_shared>>
      %dma_start3A_118 = arith.constant 0 : i32
      %dma_start3A_119 = tpu.memref_slice %arg7[%multiple_of3A, %dma_start3A_118] : memref<100096x16xbf16, #tpu.memory_space<vmem_shared>> -> memref<1536x16xbf16, #tpu.memory_space<vmem_shared>>
      %dma_start3A_120 = arith.constant 0 : i32
      %dma_start3A_121 = arith.constant 0 : i32
      %dma_start3A_122 = tpu.memref_slice %arg6[%run_scoped3A, %dma_start3A_120, %dma_start3A_121] : memref<2x1536x16xbf16, #tpu.memory_space<vmem>> -> memref<1x1536x16xbf16, #tpu.memory_space<vmem>>
      %dma_start3A_123 = tpu.memref_squeeze %dma_start3A_122 : memref<1x1536x16xbf16, #tpu.memory_space<vmem>> -> memref<1536x16xbf16, #tpu.memory_space<vmem>>
      %dma_start3A_124 = arith.constant 0 : i32
      %dma_start3A_125 = arith.constant 0 : i32
      %dma_start3A_126 = tpu.memref_slice %dma_start3A_123[%dma_start3A_124, %dma_start3A_125] : memref<1536x16xbf16, #tpu.memory_space<vmem>> -> memref<1536x16xbf16, #tpu.memory_space<vmem>>
      tpu.enqueue_dma source(%dma_start3A_126 : memref<1536x16xbf16, #tpu.memory_space<vmem>>) target(%dma_start3A_119 : memref<1536x16xbf16, #tpu.memory_space<vmem_shared>>) target_semaphore(%run_scoped3A_108 : memref<!tpu.dma_semaphore, #tpu.memory_space<semaphore_mem>>)
      %dma_wait3A_127 = arith.constant 0 : i32
      %dma_wait3A_128 = arith.constant 0 : i32
      %dma_wait3A_129 = tpu.memref_slice %arg6[%run_scoped3A, %dma_wait3A_127, %dma_wait3A_128] : memref<2x1536x16xbf16, #tpu.memory_space<vmem>> -> memref<1x1536x16xbf16, #tpu.memory_space<vmem>>
      %dma_wait3A_130 = tpu.memref_squeeze %dma_wait3A_129 : memref<1x1536x16xbf16, #tpu.memory_space<vmem>> -> memref<1536x16xbf16, #tpu.memory_space<vmem>>
      %dma_wait3A_131 = arith.constant 0 : i32
      %dma_wait3A_132 = arith.constant 0 : i32
      %dma_wait3A_133 = tpu.memref_slice %dma_wait3A_130[%dma_wait3A_131, %dma_wait3A_132] : memref<1536x16xbf16, #tpu.memory_space<vmem>> -> memref<1536x16xbf16, #tpu.memory_space<vmem>>
      %dma_wait3A_134 = arith.constant 0 : i32
      %dma_wait3A_135 = tpu.memref_slice %arg7[%multiple_of3A, %dma_wait3A_134] : memref<100096x16xbf16, #tpu.memory_space<vmem_shared>> -> memref<1536x16xbf16, #tpu.memory_space<vmem_shared>>
      %dma_wait3A_136 = arith.constant 0 : i32
      %dma_wait3A_137 = tpu.memref_slice %arg7[%multiple_of3A, %dma_wait3A_136] : memref<100096x16xbf16, #tpu.memory_space<vmem_shared>> -> memref<1536x16xbf16, #tpu.memory_space<vmem_shared>>
      %dma_wait3A_138 = arith.constant 0 : i32
      %dma_wait3A_139 = arith.constant 0 : i32
      %dma_wait3A_140 = tpu.memref_slice %arg6[%run_scoped3A, %dma_wait3A_138, %dma_wait3A_139] : memref<2x1536x16xbf16, #tpu.memory_space<vmem>> -> memref<1x1536x16xbf16, #tpu.memory_space<vmem>>
      %dma_wait3A_141 = tpu.memref_squeeze %dma_wait3A_140 : memref<1x1536x16xbf16, #tpu.memory_space<vmem>> -> memref<1536x16xbf16, #tpu.memory_space<vmem>>
      %dma_wait3A_142 = arith.constant 0 : i32
      %dma_wait3A_143 = arith.constant 0 : i32
      %dma_wait3A_144 = tpu.memref_slice %dma_wait3A_141[%dma_wait3A_142, %dma_wait3A_143] : memref<1536x16xbf16, #tpu.memory_space<vmem>> -> memref<1536x16xbf16, #tpu.memory_space<vmem>>
      tpu.wait_dma2 semaphore(%run_scoped3A_108 : memref<!tpu.dma_semaphore, #tpu.memory_space<semaphore_mem>>) src(%dma_wait3A_144 : memref<1536x16xbf16, #tpu.memory_space<vmem>>) dst(%dma_wait3A_137 : memref<1536x16xbf16, #tpu.memory_space<vmem_shared>>)
      tpu.yield
    }) : () -> ()
    %add3A_6 = arith.constant 1536 : i32
    %add3A_7 = arith.addi %mul3A_4, %add3A_6 : i32
    %multiple_of3A_8 = tpu.assume_multiple %add3A_7, 8 : i32
    %run_scoped3A_9 = arith.constant 0 : i32
    "tpu.region"() ({
      %run_scoped3A_108 = tpu.sem_alloc : memref<!tpu.dma_semaphore, #tpu.memory_space<semaphore_mem>>
      %dma_start3A_109 = arith.constant 0 : i32
      %dma_start3A_110 = arith.constant 0 : i32
      %dma_start3A_111 = tpu.memref_slice %arg6[%run_scoped3A_9, %dma_start3A_109, %dma_start3A_110] : memref<2x1536x16xbf16, #tpu.memory_space<vmem>> -> memref<1x1536x16xbf16, #tpu.memory_space<vmem>>
      %dma_start3A_112 = tpu.memref_squeeze %dma_start3A_111 : memref<1x1536x16xbf16, #tpu.memory_space<vmem>> -> memref<1536x16xbf16, #tpu.memory_space<vmem>>
      %dma_start3A_113 = arith.constant 0 : i32
      %dma_start3A_114 = arith.constant 0 : i32
      %dma_start3A_115 = tpu.memref_slice %dma_start3A_112[%dma_start3A_113, %dma_start3A_114] : memref<1536x16xbf16, #tpu.memory_space<vmem>> -> memref<1536x16xbf16, #tpu.memory_space<vmem>>
      %dma_start3A_116 = arith.constant 0 : i32
      %dma_start3A_117 = tpu.memref_slice %arg7[%multiple_of3A_8, %dma_start3A_116] : memref<100096x16xbf16, #tpu.memory_space<vmem_shared>> -> memref<1536x16xbf16, #tpu.memory_space<vmem_shared>>
      %dma_start3A_118 = arith.constant 0 : i32
      %dma_start3A_119 = tpu.memref_slice %arg7[%multiple_of3A_8, %dma_start3A_118] : memref<100096x16xbf16, #tpu.memory_space<vmem_shared>> -> memref<1536x16xbf16, #tpu.memory_space<vmem_shared>>
      %dma_start3A_120 = arith.constant 0 : i32
      %dma_start3A_121 = arith.constant 0 : i32
      %dma_start3A_122 = tpu.memref_slice %arg6[%run_scoped3A_9, %dma_start3A_120, %dma_start3A_121] : memref<2x1536x16xbf16, #tpu.memory_space<vmem>> -> memref<1x1536x16xbf16, #tpu.memory_space<vmem>>
      %dma_start3A_123 = tpu.memref_squeeze %dma_start3A_122 : memref<1x1536x16xbf16, #tpu.memory_space<vmem>> -> memref<1536x16xbf16, #tpu.memory_space<vmem>>
      %dma_start3A_124 = arith.constant 0 : i32
      %dma_start3A_125 = arith.constant 0 : i32
      %dma_start3A_126 = tpu.memref_slice %dma_start3A_123[%dma_start3A_124, %dma_start3A_125] : memref<1536x16xbf16, #tpu.memory_space<vmem>> -> memref<1536x16xbf16, #tpu.memory_space<vmem>>
      tpu.enqueue_dma source(%dma_start3A_126 : memref<1536x16xbf16, #tpu.memory_space<vmem>>) target(%dma_start3A_119 : memref<1536x16xbf16, #tpu.memory_space<vmem_shared>>) target_semaphore(%run_scoped3A_108 : memref<!tpu.dma_semaphore, #tpu.memory_space<semaphore_mem>>)
      %dma_wait3A_127 = arith.constant 0 : i32
      %dma_wait3A_128 = arith.constant 0 : i32
      %dma_wait3A_129 = tpu.memref_slice %arg6[%run_scoped3A_9, %dma_wait3A_127, %dma_wait3A_128] : memref<2x1536x16xbf16, #tpu.memory_space<vmem>> -> memref<1x1536x16xbf16, #tpu.memory_space<vmem>>
      %dma_wait3A_130 = tpu.memref_squeeze %dma_wait3A_129 : memref<1x1536x16xbf16, #tpu.memory_space<vmem>> -> memref<1536x16xbf16, #tpu.memory_space<vmem>>
      %dma_wait3A_131 = arith.constant 0 : i32
      %dma_wait3A_132 = arith.constant 0 : i32
      %dma_wait3A_133 = tpu.memref_slice %dma_wait3A_130[%dma_wait3A_131, %dma_wait3A_132] : memref<1536x16xbf16, #tpu.memory_space<vmem>> -> memref<1536x16xbf16, #tpu.memory_space<vmem>>
      %dma_wait3A_134 = arith.constant 0 : i32
      %dma_wait3A_135 = tpu.memref_slice %arg7[%multiple_of3A_8, %dma_wait3A_134] : memref<100096x16xbf16, #tpu.memory_space<vmem_shared>> -> memref<1536x16xbf16, #tpu.memory_space<vmem_shared>>
      %dma_wait3A_136 = arith.constant 0 : i32
      %dma_wait3A_137 = tpu.memref_slice %arg7[%multiple_of3A_8, %dma_wait3A_136] : memref<100096x16xbf16, #tpu.memory_space<vmem_shared>> -> memref<1536x16xbf16, #tpu.memory_space<vmem_shared>>
      %dma_wait3A_138 = arith.constant 0 : i32
      %dma_wait3A_139 = arith.constant 0 : i32
      %dma_wait3A_140 = tpu.memref_slice %arg6[%run_scoped3A_9, %dma_wait3A_138, %dma_wait3A_139] : memref<2x1536x16xbf16, #tpu.memory_space<vmem>> -> memref<1x1536x16xbf16, #tpu.memory_space<vmem>>
      %dma_wait3A_141 = tpu.memref_squeeze %dma_wait3A_140 : memref<1x1536x16xbf16, #tpu.memory_space<vmem>> -> memref<1536x16xbf16, #tpu.memory_space<vmem>>
      %dma_wait3A_142 = arith.constant 0 : i32
      %dma_wait3A_143 = arith.constant 0 : i32
      %dma_wait3A_144 = tpu.memref_slice %dma_wait3A_141[%dma_wait3A_142, %dma_wait3A_143] : memref<1536x16xbf16, #tpu.memory_space<vmem>> -> memref<1536x16xbf16, #tpu.memory_space<vmem>>
      tpu.wait_dma2 semaphore(%run_scoped3A_108 : memref<!tpu.dma_semaphore, #tpu.memory_space<semaphore_mem>>) src(%dma_wait3A_144 : memref<1536x16xbf16, #tpu.memory_space<vmem>>) dst(%dma_wait3A_137 : memref<1536x16xbf16, #tpu.memory_space<vmem_shared>>)
      tpu.yield
    }) : () -> ()
    %add3A_10 = arith.constant 3072 : i32
    %add3A_11 = arith.addi %mul3A_4, %add3A_10 : i32
    %multiple_of3A_12 = tpu.assume_multiple %add3A_11, 8 : i32
    %run_scoped3A_13 = arith.constant 0 : i32
    "tpu.region"() ({
      %run_scoped3A_108 = tpu.sem_alloc : memref<!tpu.dma_semaphore, #tpu.memory_space<semaphore_mem>>
      %dma_start3A_109 = arith.constant 0 : i32
      %dma_start3A_110 = arith.constant 0 : i32
      %dma_start3A_111 = tpu.memref_slice %arg6[%run_scoped3A_13, %dma_start3A_109, %dma_start3A_110] : memref<2x1536x16xbf16, #tpu.memory_space<vmem>> -> memref<1x1536x16xbf16, #tpu.memory_space<vmem>>
      %dma_start3A_112 = tpu.memref_squeeze %dma_start3A_111 : memref<1x1536x16xbf16, #tpu.memory_space<vmem>> -> memref<1536x16xbf16, #tpu.memory_space<vmem>>
      %dma_start3A_113 = arith.constant 0 : i32
      %dma_start3A_114 = arith.constant 0 : i32
      %dma_start3A_115 = tpu.memref_slice %dma_start3A_112[%dma_start3A_113, %dma_start3A_114] : memref<1536x16xbf16, #tpu.memory_space<vmem>> -> memref<1536x16xbf16, #tpu.memory_space<vmem>>
      %dma_start3A_116 = arith.constant 0 : i32
      %dma_start3A_117 = tpu.memref_slice %arg7[%multiple_of3A_12, %dma_start3A_116] : memref<100096x16xbf16, #tpu.memory_space<vmem_shared>> -> memref<1536x16xbf16, #tpu.memory_space<vmem_shared>>
      %dma_start3A_118 = arith.constant 0 : i32
      %dma_start3A_119 = tpu.memref_slice %arg7[%multiple_of3A_12, %dma_start3A_118] : memref<100096x16xbf16, #tpu.memory_space<vmem_shared>> -> memref<1536x16xbf16, #tpu.memory_space<vmem_shared>>
      %dma_start3A_120 = arith.constant 0 : i32
      %dma_start3A_121 = arith.constant 0 : i32
      %dma_start3A_122 = tpu.memref_slice %arg6[%run_scoped3A_13, %dma_start3A_120, %dma_start3A_121] : memref<2x1536x16xbf16, #tpu.memory_space<vmem>> -> memref<1x1536x16xbf16, #tpu.memory_space<vmem>>
      %dma_start3A_123 = tpu.memref_squeeze %dma_start3A_122 : memref<1x1536x16xbf16, #tpu.memory_space<vmem>> -> memref<1536x16xbf16, #tpu.memory_space<vmem>>
      %dma_start3A_124 = arith.constant 0 : i32
      %dma_start3A_125 = arith.constant 0 : i32
      %dma_start3A_126 = tpu.memref_slice %dma_start3A_123[%dma_start3A_124, %dma_start3A_125] : memref<1536x16xbf16, #tpu.memory_space<vmem>> -> memref<1536x16xbf16, #tpu.memory_space<vmem>>
      tpu.enqueue_dma source(%dma_start3A_126 : memref<1536x16xbf16, #tpu.memory_space<vmem>>) target(%dma_start3A_119 : memref<1536x16xbf16, #tpu.memory_space<vmem_shared>>) target_semaphore(%run_scoped3A_108 : memref<!tpu.dma_semaphore, #tpu.memory_space<semaphore_mem>>)
      %dma_wait3A_127 = arith.constant 0 : i32
      %dma_wait3A_128 = arith.constant 0 : i32
      %dma_wait3A_129 = tpu.memref_slice %arg6[%run_scoped3A_13, %dma_wait3A_127, %dma_wait3A_128] : memref<2x1536x16xbf16, #tpu.memory_space<vmem>> -> memref<1x1536x16xbf16, #tpu.memory_space<vmem>>
      %dma_wait3A_130 = tpu.memref_squeeze %dma_wait3A_129 : memref<1x1536x16xbf16, #tpu.memory_space<vmem>> -> memref<1536x16xbf16, #tpu.memory_space<vmem>>
      %dma_wait3A_131 = arith.constant 0 : i32
      %dma_wait3A_132 = arith.constant 0 : i32
      %dma_wait3A_133 = tpu.memref_slice %dma_wait3A_130[%dma_wait3A_131, %dma_wait3A_132] : memref<1536x16xbf16, #tpu.memory_space<vmem>> -> memref<1536x16xbf16, #tpu.memory_space<vmem>>
      %dma_wait3A_134 = arith.constant 0 : i32
      %dma_wait3A_135 = tpu.memref_slice %arg7[%multiple_of3A_12, %dma_wait3A_134] : memref<100096x16xbf16, #tpu.memory_space<vmem_shared>> -> memref<1536x16xbf16, #tpu.memory_space<vmem_shared>>
      %dma_wait3A_136 = arith.constant 0 : i32
      %dma_wait3A_137 = tpu.memref_slice %arg7[%multiple_of3A_12, %dma_wait3A_136] : memref<100096x16xbf16, #tpu.memory_space<vmem_shared>> -> memref<1536x16xbf16, #tpu.memory_space<vmem_shared>>
      %dma_wait3A_138 = arith.constant 0 : i32
      %dma_wait3A_139 = arith.constant 0 : i32
      %dma_wait3A_140 = tpu.memref_slice %arg6[%run_scoped3A_13, %dma_wait3A_138, %dma_wait3A_139] : memref<2x1536x16xbf16, #tpu.memory_space<vmem>> -> memref<1x1536x16xbf16, #tpu.memory_space<vmem>>
      %dma_wait3A_141 = tpu.memref_squeeze %dma_wait3A_140 : memref<1x1536x16xbf16, #tpu.memory_space<vmem>> -> memref<1536x16xbf16, #tpu.memory_space<vmem>>
      %dma_wait3A_142 = arith.constant 0 : i32
      %dma_wait3A_143 = arith.constant 0 : i32
      %dma_wait3A_144 = tpu.memref_slice %dma_wait3A_141[%dma_wait3A_142, %dma_wait3A_143] : memref<1536x16xbf16, #tpu.memory_space<vmem>> -> memref<1536x16xbf16, #tpu.memory_space<vmem>>
      tpu.wait_dma2 semaphore(%run_scoped3A_108 : memref<!tpu.dma_semaphore, #tpu.memory_space<semaphore_mem>>) src(%dma_wait3A_144 : memref<1536x16xbf16, #tpu.memory_space<vmem>>) dst(%dma_wait3A_137 : memref<1536x16xbf16, #tpu.memory_space<vmem_shared>>)
      tpu.yield
    }) : () -> ()
    %add3A_14 = arith.constant 4608 : i32
    %add3A_15 = arith.addi %mul3A_4, %add3A_14 : i32
    %multiple_of3A_16 = tpu.assume_multiple %add3A_15, 8 : i32
    %run_scoped3A_17 = arith.constant 0 : i32
    "tpu.region"() ({
      %run_scoped3A_108 = tpu.sem_alloc : memref<!tpu.dma_semaphore, #tpu.memory_space<semaphore_mem>>
      %dma_start3A_109 = arith.constant 0 : i32
      %dma_start3A_110 = arith.constant 0 : i32
      %dma_start3A_111 = tpu.memref_slice %arg6[%run_scoped3A_17, %dma_start3A_109, %dma_start3A_110] : memref<2x1536x16xbf16, #tpu.memory_space<vmem>> -> memref<1x1536x16xbf16, #tpu.memory_space<vmem>>
      %dma_start3A_112 = tpu.memref_squeeze %dma_start3A_111 : memref<1x1536x16xbf16, #tpu.memory_space<vmem>> -> memref<1536x16xbf16, #tpu.memory_space<vmem>>
      %dma_start3A_113 = arith.constant 0 : i32
      %dma_start3A_114 = arith.constant 0 : i32
      %dma_start3A_115 = tpu.memref_slice %dma_start3A_112[%dma_start3A_113, %dma_start3A_114] : memref<1536x16xbf16, #tpu.memory_space<vmem>> -> memref<1536x16xbf16, #tpu.memory_space<vmem>>
      %dma_start3A_116 = arith.constant 0 : i32
      %dma_start3A_117 = tpu.memref_slice %arg7[%multiple_of3A_16, %dma_start3A_116] : memref<100096x16xbf16, #tpu.memory_space<vmem_shared>> -> memref<1536x16xbf16, #tpu.memory_space<vmem_shared>>
      %dma_start3A_118 = arith.constant 0 : i32
      %dma_start3A_119 = tpu.memref_slice %arg7[%multiple_of3A_16, %dma_start3A_118] : memref<100096x16xbf16, #tpu.memory_space<vmem_shared>> -> memref<1536x16xbf16, #tpu.memory_space<vmem_shared>>
      %dma_start3A_120 = arith.constant 0 : i32
      %dma_start3A_121 = arith.constant 0 : i32
      %dma_start3A_122 = tpu.memref_slice %arg6[%run_scoped3A_17, %dma_start3A_120, %dma_start3A_121] : memref<2x1536x16xbf16, #tpu.memory_space<vmem>> -> memref<1x1536x16xbf16, #tpu.memory_space<vmem>>
      %dma_start3A_123 = tpu.memref_squeeze %dma_start3A_122 : memref<1x1536x16xbf16, #tpu.memory_space<vmem>> -> memref<1536x16xbf16, #tpu.memory_space<vmem>>
      %dma_start3A_124 = arith.constant 0 : i32
      %dma_start3A_125 = arith.constant 0 : i32
      %dma_start3A_126 = tpu.memref_slice %dma_start3A_123[%dma_start3A_124, %dma_start3A_125] : memref<1536x16xbf16, #tpu.memory_space<vmem>> -> memref<1536x16xbf16, #tpu.memory_space<vmem>>
      tpu.enqueue_dma source(%dma_start3A_126 : memref<1536x16xbf16, #tpu.memory_space<vmem>>) target(%dma_start3A_119 : memref<1536x16xbf16, #tpu.memory_space<vmem_shared>>) target_semaphore(%run_scoped3A_108 : memref<!tpu.dma_semaphore, #tpu.memory_space<semaphore_mem>>)
      %dma_wait3A_127 = arith.constant 0 : i32
      %dma_wait3A_128 = arith.constant 0 : i32
      %dma_wait3A_129 = tpu.memref_slice %arg6[%run_scoped3A_17, %dma_wait3A_127, %dma_wait3A_128] : memref<2x1536x16xbf16, #tpu.memory_space<vmem>> -> memref<1x1536x16xbf16, #tpu.memory_space<vmem>>
      %dma_wait3A_130 = tpu.memref_squeeze %dma_wait3A_129 : memref<1x1536x16xbf16, #tpu.memory_space<vmem>> -> memref<1536x16xbf16, #tpu.memory_space<vmem>>
      %dma_wait3A_131 = arith.constant 0 : i32
      %dma_wait3A_132 = arith.constant 0 : i32
      %dma_wait3A_133 = tpu.memref_slice %dma_wait3A_130[%dma_wait3A_131, %dma_wait3A_132] : memref<1536x16xbf16, #tpu.memory_space<vmem>> -> memref<1536x16xbf16, #tpu.memory_space<vmem>>
      %dma_wait3A_134 = arith.constant 0 : i32
      %dma_wait3A_135 = tpu.memref_slice %arg7[%multiple_of3A_16, %dma_wait3A_134] : memref<100096x16xbf16, #tpu.memory_space<vmem_shared>> -> memref<1536x16xbf16, #tpu.memory_space<vmem_shared>>
      %dma_wait3A_136 = arith.constant 0 : i32
      %dma_wait3A_137 = tpu.memref_slice %arg7[%multiple_of3A_16, %dma_wait3A_136] : memref<100096x16xbf16, #tpu.memory_space<vmem_shared>> -> memref<1536x16xbf16, #tpu.memory_space<vmem_shared>>
      %dma_wait3A_138 = arith.constant 0 : i32
      %dma_wait3A_139 = arith.constant 0 : i32
      %dma_wait3A_140 = tpu.memref_slice %arg6[%run_scoped3A_17, %dma_wait3A_138, %dma_wait3A_139] : memref<2x1536x16xbf16, #tpu.memory_space<vmem>> -> memref<1x1536x16xbf16, #tpu.memory_space<vmem>>
      %dma_wait3A_141 = tpu.memref_squeeze %dma_wait3A_140 : memref<1x1536x16xbf16, #tpu.memory_space<vmem>> -> memref<1536x16xbf16, #tpu.memory_space<vmem>>
      %dma_wait3A_142 = arith.constant 0 : i32
      %dma_wait3A_143 = arith.constant 0 : i32
      %dma_wait3A_144 = tpu.memref_slice %dma_wait3A_141[%dma_wait3A_142, %dma_wait3A_143] : memref<1536x16xbf16, #tpu.memory_space<vmem>> -> memref<1536x16xbf16, #tpu.memory_space<vmem>>
      tpu.wait_dma2 semaphore(%run_scoped3A_108 : memref<!tpu.dma_semaphore, #tpu.memory_space<semaphore_mem>>) src(%dma_wait3A_144 : memref<1536x16xbf16, #tpu.memory_space<vmem>>) dst(%dma_wait3A_137 : memref<1536x16xbf16, #tpu.memory_space<vmem_shared>>)
      tpu.yield
    }) : () -> ()
    %add3A_18 = arith.constant 6144 : i32
    %add3A_19 = arith.addi %mul3A_4, %add3A_18 : i32
    %multiple_of3A_20 = tpu.assume_multiple %add3A_19, 8 : i32
    %run_scoped3A_21 = arith.constant 0 : i32
    "tpu.region"() ({
      %run_scoped3A_108 = tpu.sem_alloc : memref<!tpu.dma_semaphore, #tpu.memory_space<semaphore_mem>>
      %dma_start3A_109 = arith.constant 0 : i32
      %dma_start3A_110 = arith.constant 0 : i32
      %dma_start3A_111 = tpu.memref_slice %arg6[%run_scoped3A_21, %dma_start3A_109, %dma_start3A_110] : memref<2x1536x16xbf16, #tpu.memory_space<vmem>> -> memref<1x1536x16xbf16, #tpu.memory_space<vmem>>
      %dma_start3A_112 = tpu.memref_squeeze %dma_start3A_111 : memref<1x1536x16xbf16, #tpu.memory_space<vmem>> -> memref<1536x16xbf16, #tpu.memory_space<vmem>>
      %dma_start3A_113 = arith.constant 0 : i32
      %dma_start3A_114 = arith.constant 0 : i32
      %dma_start3A_115 = tpu.memref_slice %dma_start3A_112[%dma_start3A_113, %dma_start3A_114] : memref<1536x16xbf16, #tpu.memory_space<vmem>> -> memref<112x16xbf16, #tpu.memory_space<vmem>>
      %dma_start3A_116 = arith.constant 0 : i32
      %dma_start3A_117 = tpu.memref_slice %arg7[%multiple_of3A_20, %dma_start3A_116] : memref<100096x16xbf16, #tpu.memory_space<vmem_shared>> -> memref<112x16xbf16, #tpu.memory_space<vmem_shared>>
      %dma_start3A_118 = arith.constant 0 : i32
      %dma_start3A_119 = tpu.memref_slice %arg7[%multiple_of3A_20, %dma_start3A_118] : memref<100096x16xbf16, #tpu.memory_space<vmem_shared>> -> memref<112x16xbf16, #tpu.memory_space<vmem_shared>>
      %dma_start3A_120 = arith.constant 0 : i32
      %dma_start3A_121 = arith.constant 0 : i32
      %dma_start3A_122 = tpu.memref_slice %arg6[%run_scoped3A_21, %dma_start3A_120, %dma_start3A_121] : memref<2x1536x16xbf16, #tpu.memory_space<vmem>> -> memref<1x1536x16xbf16, #tpu.memory_space<vmem>>
      %dma_start3A_123 = tpu.memref_squeeze %dma_start3A_122 : memref<1x1536x16xbf16, #tpu.memory_space<vmem>> -> memref<1536x16xbf16, #tpu.memory_space<vmem>>
      %dma_start3A_124 = arith.constant 0 : i32
      %dma_start3A_125 = arith.constant 0 : i32
      %dma_start3A_126 = tpu.memref_slice %dma_start3A_123[%dma_start3A_124, %dma_start3A_125] : memref<1536x16xbf16, #tpu.memory_space<vmem>> -> memref<112x16xbf16, #tpu.memory_space<vmem>>
      tpu.enqueue_dma source(%dma_start3A_126 : memref<112x16xbf16, #tpu.memory_space<vmem>>) target(%dma_start3A_119 : memref<112x16xbf16, #tpu.memory_space<vmem_shared>>) target_semaphore(%run_scoped3A_108 : memref<!tpu.dma_semaphore, #tpu.memory_space<semaphore_mem>>)
      %dma_wait3A_127 = arith.constant 0 : i32
      %dma_wait3A_128 = arith.constant 0 : i32
      %dma_wait3A_129 = tpu.memref_slice %arg6[%run_scoped3A_21, %dma_wait3A_127, %dma_wait3A_128] : memref<2x1536x16xbf16, #tpu.memory_space<vmem>> -> memref<1x1536x16xbf16, #tpu.memory_space<vmem>>
      %dma_wait3A_130 = tpu.memref_squeeze %dma_wait3A_129 : memref<1x1536x16xbf16, #tpu.memory_space<vmem>> -> memref<1536x16xbf16, #tpu.memory_space<vmem>>
      %dma_wait3A_131 = arith.constant 0 : i32
      %dma_wait3A_132 = arith.constant 0 : i32
      %dma_wait3A_133 = tpu.memref_slice %dma_wait3A_130[%dma_wait3A_131, %dma_wait3A_132] : memref<1536x16xbf16, #tpu.memory_space<vmem>> -> memref<112x16xbf16, #tpu.memory_space<vmem>>
      %dma_wait3A_134 = arith.constant 0 : i32
      %dma_wait3A_135 = tpu.memref_slice %arg7[%multiple_of3A_20, %dma_wait3A_134] : memref<100096x16xbf16, #tpu.memory_space<vmem_shared>> -> memref<112x16xbf16, #tpu.memory_space<vmem_shared>>
      %dma_wait3A_136 = arith.constant 0 : i32
      %dma_wait3A_137 = tpu.memref_slice %arg7[%multiple_of3A_20, %dma_wait3A_136] : memref<100096x16xbf16, #tpu.memory_space<vmem_shared>> -> memref<112x16xbf16, #tpu.memory_space<vmem_shared>>
      %dma_wait3A_138 = arith.constant 0 : i32
      %dma_wait3A_139 = arith.constant 0 : i32
      %dma_wait3A_140 = tpu.memref_slice %arg6[%run_scoped3A_21, %dma_wait3A_138, %dma_wait3A_139] : memref<2x1536x16xbf16, #tpu.memory_space<vmem>> -> memref<1x1536x16xbf16, #tpu.memory_space<vmem>>
      %dma_wait3A_141 = tpu.memref_squeeze %dma_wait3A_140 : memref<1x1536x16xbf16, #tpu.memory_space<vmem>> -> memref<1536x16xbf16, #tpu.memory_space<vmem>>
      %dma_wait3A_142 = arith.constant 0 : i32
      %dma_wait3A_143 = arith.constant 0 : i32
      %dma_wait3A_144 = tpu.memref_slice %dma_wait3A_141[%dma_wait3A_142, %dma_wait3A_143] : memref<1536x16xbf16, #tpu.memory_space<vmem>> -> memref<112x16xbf16, #tpu.memory_space<vmem>>
      tpu.wait_dma2 semaphore(%run_scoped3A_108 : memref<!tpu.dma_semaphore, #tpu.memory_space<semaphore_mem>>) src(%dma_wait3A_144 : memref<112x16xbf16, #tpu.memory_space<vmem>>) dst(%dma_wait3A_137 : memref<112x16xbf16, #tpu.memory_space<vmem_shared>>)
      tpu.yield
    }) : () -> ()
    %barrier3A = arith.constant 0 : index
    tpu.barrier barrier_id(%barrier3A)
    %eq3A = arith.constant 0 : i32
    %eq3A_22 = arith.cmpi eq, %arg0, %eq3A : i32
    %jit3A = arith.constant 53 : i32
    %jit3A_23 = arith.constant 13 : i32
    %select_n3A = arith.select %eq3A_22, %jit3A, %jit3A_23 : i32
    %eq3A_24 = arith.constant 0 : i32
    %eq3A_25 = arith.cmpi eq, %arg0, %eq3A_24 : i32
    %mul3A_26 = arith.constant 162816 : i32
    %mul3A_27 = arith.muli %arg1, %mul3A_26 : i32
    %mul3A_28 = arith.constant 39936 : i32
    %mul3A_29 = arith.muli %arg1, %mul3A_28 : i32
    %add3A_30 = arith.constant 2605056 : i32
    %add3A_31 = arith.addi %add3A_30, %mul3A_29 : i32
    %select_n3A_32 = arith.select %eq3A_25, %mul3A_27, %add3A_31 : i32
    %add3A_33 = arith.constant 0 : i32
    %add3A_34 = arith.addi %select_n3A_32, %add3A_33 : i32
    %multiple_of3A_35 = tpu.assume_multiple %add3A_34, 256 : i32
    %dma_start3A = arith.constant 0 : i32
    %dma_start3A_36 = arith.constant 0 : i32
    %dma_start3A_37 = arith.constant 0 : i32
    %dma_start3A_38 = tpu.memref_slice %arg5[%dma_start3A, %dma_start3A_36, %dma_start3A_37] : memref<2x2x1536xi32, #tpu.memory_space<vmem>> -> memref<1x2x1536xi32, #tpu.memory_space<vmem>>
    %dma_start3A_39 = tpu.memref_squeeze %dma_start3A_38 : memref<1x2x1536xi32, #tpu.memory_space<vmem>> -> memref<2x1536xi32, #tpu.memory_space<vmem>>
    %dma_start3A_40 = arith.constant 0 : i32
    %dma_start3A_41 = tpu.memref_slice %arg3[%dma_start3A_40, %multiple_of3A_35] : memref<2x3244032xi32, #tpu.memory_space<hbm>> -> memref<2x1536xi32, #tpu.memory_space<hbm>>
    %dma_start3A_42 = arith.constant 0 : i32
    %dma_start3A_43 = arith.constant 0 : i32
    %dma_start3A_44 = tpu.memref_slice %arg5[%dma_start3A, %dma_start3A_42, %dma_start3A_43] : memref<2x2x1536xi32, #tpu.memory_space<vmem>> -> memref<1x2x1536xi32, #tpu.memory_space<vmem>>
    %dma_start3A_45 = tpu.memref_squeeze %dma_start3A_44 : memref<1x2x1536xi32, #tpu.memory_space<vmem>> -> memref<2x1536xi32, #tpu.memory_space<vmem>>
    %dma_start3A_46 = arith.constant 0 : i32
    %dma_start3A_47 = tpu.memref_slice %arg3[%dma_start3A_46, %multiple_of3A_35] : memref<2x3244032xi32, #tpu.memory_space<hbm>> -> memref<2x1536xi32, #tpu.memory_space<hbm>>
    tpu.enqueue_dma source(%dma_start3A_47 : memref<2x1536xi32, #tpu.memory_space<hbm>>) target(%dma_start3A_45 : memref<2x1536xi32, #tpu.memory_space<vmem>>) target_semaphore(%arg10 : memref<!tpu.dma_semaphore, #tpu.memory_space<semaphore_mem>>)
    %add3A_48 = arith.constant 0 : i32
    %add3A_49 = arith.addi %select_n3A_32, %add3A_48 : i32
    %multiple_of3A_50 = tpu.assume_multiple %add3A_49, 256 : i32
    %dma_wait3A = arith.constant 0 : i32
    %dma_wait3A_51 = arith.constant 0 : i32
    %dma_wait3A_52 = arith.constant 0 : i32
    %dma_wait3A_53 = tpu.memref_slice %arg5[%dma_wait3A, %dma_wait3A_51, %dma_wait3A_52] : memref<2x2x1536xi32, #tpu.memory_space<vmem>> -> memref<1x2x1536xi32, #tpu.memory_space<vmem>>
    %dma_wait3A_54 = tpu.memref_squeeze %dma_wait3A_53 : memref<1x2x1536xi32, #tpu.memory_space<vmem>> -> memref<2x1536xi32, #tpu.memory_space<vmem>>
    %dma_wait3A_55 = arith.constant 0 : i32
    %dma_wait3A_56 = tpu.memref_slice %arg3[%dma_wait3A_55, %multiple_of3A_50] : memref<2x3244032xi32, #tpu.memory_space<hbm>> -> memref<2x1536xi32, #tpu.memory_space<hbm>>
    %dma_wait3A_57 = arith.constant 0 : i32
    %dma_wait3A_58 = arith.constant 0 : i32
    %dma_wait3A_59 = tpu.memref_slice %arg5[%dma_wait3A, %dma_wait3A_57, %dma_wait3A_58] : memref<2x2x1536xi32, #tpu.memory_space<vmem>> -> memref<1x2x1536xi32, #tpu.memory_space<vmem>>
    %dma_wait3A_60 = tpu.memref_squeeze %dma_wait3A_59 : memref<1x2x1536xi32, #tpu.memory_space<vmem>> -> memref<2x1536xi32, #tpu.memory_space<vmem>>
    %dma_wait3A_61 = arith.constant 0 : i32
    %dma_wait3A_62 = tpu.memref_slice %arg3[%dma_wait3A_61, %multiple_of3A_50] : memref<2x3244032xi32, #tpu.memory_space<hbm>> -> memref<2x1536xi32, #tpu.memory_space<hbm>>
    tpu.wait_dma2 semaphore(%arg10 : memref<!tpu.dma_semaphore, #tpu.memory_space<semaphore_mem>>) src(%dma_wait3A_62 : memref<2x1536xi32, #tpu.memory_space<hbm>>) dst(%dma_wait3A_60 : memref<2x1536xi32, #tpu.memory_space<vmem>>)
    %dma_start3A_63 = arith.constant 0 : i32
    %dma_start3A_64 = arith.constant 0 : i32
    %dma_start3A_65 = arith.constant 0 : i32
    %dma_start3A_66 = arith.constant 0 : i32
    %dma_start3A_67 = arith.constant 0 : i32
    %dma_start3A_68 = tpu.memref_slice %arg6[%dma_start3A_65, %dma_start3A_66, %dma_start3A_67] : memref<2x1536x16xbf16, #tpu.memory_space<vmem>> -> memref<1x1536x16xbf16, #tpu.memory_space<vmem>>
    %dma_start3A_69 = tpu.memref_squeeze %dma_start3A_68 : memref<1x1536x16xbf16, #tpu.memory_space<vmem>> -> memref<1536x16xbf16, #tpu.memory_space<vmem>>
    %dma_start3A_70 = arith.constant 0 : i32
    %dma_start3A_71 = arith.constant 0 : i32
    %dma_start3A_72 = tpu.memref_slice %arg5[%dma_start3A_63, %dma_start3A_70, %dma_start3A_71] : memref<2x2x1536xi32, #tpu.memory_space<vmem>> -> memref<1x2x1536xi32, #tpu.memory_space<vmem>>
    %dma_start3A_73 = tpu.memref_squeeze %dma_start3A_72 : memref<1x2x1536xi32, #tpu.memory_space<vmem>> -> memref<2x1536xi32, #tpu.memory_space<vmem>>
    %dma_start3A_74 = arith.constant 0 : i32
    %dma_start3A_75 = tpu.memref_slice %dma_start3A_73[%dma_start3A_64, %dma_start3A_74] : memref<2x1536xi32, #tpu.memory_space<vmem>> -> memref<1x1536xi32, #tpu.memory_space<vmem>>
    %dma_start3A_76 = tpu.memref_squeeze %dma_start3A_75 : memref<1x1536xi32, #tpu.memory_space<vmem>> -> memref<1536xi32, #tpu.memory_space<vmem>>
    %dma_start3A_77 = arith.constant 0 : i32
    %dma_start3A_78 = arith.constant 0 : i32
    %dma_start3A_79 = tpu.memref_slice %arg2[%dma_start3A_77, %dma_start3A_78] : memref<100000x16xbf16, #tpu.memory_space<hbm>> -> memref<100000x16xbf16, #tpu.memory_space<hbm>>
    tpu.enqueue_indirect_dma source(%dma_start3A_79 : memref<100000x16xbf16, #tpu.memory_space<hbm>>) target(%dma_start3A_69 : memref<1536x16xbf16, #tpu.memory_space<vmem>>) offsets(%dma_start3A_76 : memref<1536xi32, #tpu.memory_space<vmem>>) semaphore(%arg8 : memref<!tpu.dma_semaphore, #tpu.memory_space<semaphore_mem>>)
    %add3A_80 = arith.constant 1536 : i32
    %add3A_81 = arith.addi %select_n3A_32, %add3A_80 : i32
    %multiple_of3A_82 = tpu.assume_multiple %add3A_81, 256 : i32
    %dma_start3A_83 = arith.constant 1 : i32
    %dma_start3A_84 = arith.constant 0 : i32
    %dma_start3A_85 = arith.constant 0 : i32
    %dma_start3A_86 = tpu.memref_slice %arg5[%dma_start3A_83, %dma_start3A_84, %dma_start3A_85] : memref<2x2x1536xi32, #tpu.memory_space<vmem>> -> memref<1x2x1536xi32, #tpu.memory_space<vmem>>
    %dma_start3A_87 = tpu.memref_squeeze %dma_start3A_86 : memref<1x2x1536xi32, #tpu.memory_space<vmem>> -> memref<2x1536xi32, #tpu.memory_space<vmem>>
    %dma_start3A_88 = arith.constant 0 : i32
    %dma_start3A_89 = tpu.memref_slice %arg3[%dma_start3A_88, %multiple_of3A_82] : memref<2x3244032xi32, #tpu.memory_space<hbm>> -> memref<2x1536xi32, #tpu.memory_space<hbm>>
    %dma_start3A_90 = arith.constant 0 : i32
    %dma_start3A_91 = arith.constant 0 : i32
    %dma_start3A_92 = tpu.memref_slice %arg5[%dma_start3A_83, %dma_start3A_90, %dma_start3A_91] : memref<2x2x1536xi32, #tpu.memory_space<vmem>> -> memref<1x2x1536xi32, #tpu.memory_space<vmem>>
    %dma_start3A_93 = tpu.memref_squeeze %dma_start3A_92 : memref<1x2x1536xi32, #tpu.memory_space<vmem>> -> memref<2x1536xi32, #tpu.memory_space<vmem>>
    %dma_start3A_94 = arith.constant 0 : i32
    %dma_start3A_95 = tpu.memref_slice %arg3[%dma_start3A_94, %multiple_of3A_82] : memref<2x3244032xi32, #tpu.memory_space<hbm>> -> memref<2x1536xi32, #tpu.memory_space<hbm>>
    tpu.enqueue_dma source(%dma_start3A_95 : memref<2x1536xi32, #tpu.memory_space<hbm>>) target(%dma_start3A_93 : memref<2x1536xi32, #tpu.memory_space<vmem>>) target_semaphore(%arg11 : memref<!tpu.dma_semaphore, #tpu.memory_space<semaphore_mem>>)
    %while3A = arith.constant 0 : i32
    %while3A_96 = arith.subi %select_n3A, %while3A : i32
    %while3A_97 = arith.addi %while3A, %while3A_96 : i32
    %while3A_98 = arith.constant 1 : i32
    %while3A_99 = arith.divsi %while3A_96, %while3A_98 : i32
    %while3A_100 = arith.muli %while3A_99, %while3A_98 : i32
    %while3A_101 = arith.addi %while3A, %while3A_100 : i32
    %while3A_102 = arith.constant 1 : i32
    scf.for %while3A_108 = %while3A to %while3A_101 step %while3A_102  : i32 {
      %mul3A_109 = arith.constant 2 : i32
      %mul3A_110 = arith.muli %mul3A_109, %while3A_108 : i32
      %add3A_111 = arith.constant 1 : i32
      %add3A_112 = arith.addi %mul3A_110, %add3A_111 : i32
      %mul3A_113 = arith.constant 1536 : i32
      %mul3A_114 = arith.muli %add3A_112, %mul3A_113 : i32
      %add3A_115 = arith.addi %select_n3A_32, %mul3A_114 : i32
      %multiple_of3A_116 = tpu.assume_multiple %add3A_115, 256 : i32
      %dma_wait3A_117 = arith.constant 1 : i32
      %dma_wait3A_118 = arith.constant 0 : i32
      %dma_wait3A_119 = arith.constant 0 : i32
      %dma_wait3A_120 = tpu.memref_slice %arg5[%dma_wait3A_117, %dma_wait3A_118, %dma_wait3A_119] : memref<2x2x1536xi32, #tpu.memory_space<vmem>> -> memref<1x2x1536xi32, #tpu.memory_space<vmem>>
      %dma_wait3A_121 = tpu.memref_squeeze %dma_wait3A_120 : memref<1x2x1536xi32, #tpu.memory_space<vmem>> -> memref<2x1536xi32, #tpu.memory_space<vmem>>
      %dma_wait3A_122 = arith.constant 0 : i32
      %dma_wait3A_123 = tpu.memref_slice %arg3[%dma_wait3A_122, %multiple_of3A_116] : memref<2x3244032xi32, #tpu.memory_space<hbm>> -> memref<2x1536xi32, #tpu.memory_space<hbm>>
      %dma_wait3A_124 = arith.constant 0 : i32
      %dma_wait3A_125 = arith.constant 0 : i32
      %dma_wait3A_126 = tpu.memref_slice %arg5[%dma_wait3A_117, %dma_wait3A_124, %dma_wait3A_125] : memref<2x2x1536xi32, #tpu.memory_space<vmem>> -> memref<1x2x1536xi32, #tpu.memory_space<vmem>>
      %dma_wait3A_127 = tpu.memref_squeeze %dma_wait3A_126 : memref<1x2x1536xi32, #tpu.memory_space<vmem>> -> memref<2x1536xi32, #tpu.memory_space<vmem>>
      %dma_wait3A_128 = arith.constant 0 : i32
      %dma_wait3A_129 = tpu.memref_slice %arg3[%dma_wait3A_128, %multiple_of3A_116] : memref<2x3244032xi32, #tpu.memory_space<hbm>> -> memref<2x1536xi32, #tpu.memory_space<hbm>>
      tpu.wait_dma2 semaphore(%arg11 : memref<!tpu.dma_semaphore, #tpu.memory_space<semaphore_mem>>) src(%dma_wait3A_129 : memref<2x1536xi32, #tpu.memory_space<hbm>>) dst(%dma_wait3A_127 : memref<2x1536xi32, #tpu.memory_space<vmem>>)
      %dma_start3A_130 = arith.constant 1 : i32
      %dma_start3A_131 = arith.constant 0 : i32
      %dma_start3A_132 = arith.constant 1 : i32
      %dma_start3A_133 = arith.constant 0 : i32
      %dma_start3A_134 = arith.constant 0 : i32
      %dma_start3A_135 = tpu.memref_slice %arg6[%dma_start3A_132, %dma_start3A_133, %dma_start3A_134] : memref<2x1536x16xbf16, #tpu.memory_space<vmem>> -> memref<1x1536x16xbf16, #tpu.memory_space<vmem>>
      %dma_start3A_136 = tpu.memref_squeeze %dma_start3A_135 : memref<1x1536x16xbf16, #tpu.memory_space<vmem>> -> memref<1536x16xbf16, #tpu.memory_space<vmem>>
      %dma_start3A_137 = arith.constant 0 : i32
      %dma_start3A_138 = arith.constant 0 : i32
      %dma_start3A_139 = tpu.memref_slice %arg5[%dma_start3A_130, %dma_start3A_137, %dma_start3A_138] : memref<2x2x1536xi32, #tpu.memory_space<vmem>> -> memref<1x2x1536xi32, #tpu.memory_space<vmem>>
      %dma_start3A_140 = tpu.memref_squeeze %dma_start3A_139 : memref<1x2x1536xi32, #tpu.memory_space<vmem>> -> memref<2x1536xi32, #tpu.memory_space<vmem>>
      %dma_start3A_141 = arith.constant 0 : i32
      %dma_start3A_142 = tpu.memref_slice %dma_start3A_140[%dma_start3A_131, %dma_start3A_141] : memref<2x1536xi32, #tpu.memory_space<vmem>> -> memref<1x1536xi32, #tpu.memory_space<vmem>>
      %dma_start3A_143 = tpu.memref_squeeze %dma_start3A_142 : memref<1x1536xi32, #tpu.memory_space<vmem>> -> memref<1536xi32, #tpu.memory_space<vmem>>
      %dma_start3A_144 = arith.constant 0 : i32
      %dma_start3A_145 = arith.constant 0 : i32
      %dma_start3A_146 = tpu.memref_slice %arg2[%dma_start3A_144, %dma_start3A_145] : memref<100000x16xbf16, #tpu.memory_space<hbm>> -> memref<100000x16xbf16, #tpu.memory_space<hbm>>
      tpu.enqueue_indirect_dma source(%dma_start3A_146 : memref<100000x16xbf16, #tpu.memory_space<hbm>>) target(%dma_start3A_136 : memref<1536x16xbf16, #tpu.memory_space<vmem>>) offsets(%dma_start3A_143 : memref<1536xi32, #tpu.memory_space<vmem>>) semaphore(%arg9 : memref<!tpu.dma_semaphore, #tpu.memory_space<semaphore_mem>>)
      %dma_wait3A_147 = arith.constant 0 : i32
      %dma_wait3A_148 = arith.constant 0 : i32
      %dma_wait3A_149 = arith.constant 0 : i32
      %dma_wait3A_150 = arith.constant 0 : i32
      %dma_wait3A_151 = arith.constant 0 : i32
      %dma_wait3A_152 = tpu.memref_slice %arg6[%dma_wait3A_149, %dma_wait3A_150, %dma_wait3A_151] : memref<2x1536x16xbf16, #tpu.memory_space<vmem>> -> memref<1x1536x16xbf16, #tpu.memory_space<vmem>>
      %dma_wait3A_153 = tpu.memref_squeeze %dma_wait3A_152 : memref<1x1536x16xbf16, #tpu.memory_space<vmem>> -> memref<1536x16xbf16, #tpu.memory_space<vmem>>
      %dma_wait3A_154 = arith.constant 0 : i32
      %dma_wait3A_155 = arith.constant 0 : i32
      %dma_wait3A_156 = tpu.memref_slice %arg5[%dma_wait3A_147, %dma_wait3A_154, %dma_wait3A_155] : memref<2x2x1536xi32, #tpu.memory_space<vmem>> -> memref<1x2x1536xi32, #tpu.memory_space<vmem>>
      %dma_wait3A_157 = tpu.memref_squeeze %dma_wait3A_156 : memref<1x2x1536xi32, #tpu.memory_space<vmem>> -> memref<2x1536xi32, #tpu.memory_space<vmem>>
      %dma_wait3A_158 = arith.constant 0 : i32
      %dma_wait3A_159 = tpu.memref_slice %dma_wait3A_157[%dma_wait3A_148, %dma_wait3A_158] : memref<2x1536xi32, #tpu.memory_space<vmem>> -> memref<1x1536xi32, #tpu.memory_space<vmem>>
      %dma_wait3A_160 = tpu.memref_squeeze %dma_wait3A_159 : memref<1x1536xi32, #tpu.memory_space<vmem>> -> memref<1536xi32, #tpu.memory_space<vmem>>
      %dma_wait3A_161 = arith.constant 0 : i32
      %dma_wait3A_162 = arith.constant 0 : i32
      %dma_wait3A_163 = tpu.memref_slice %arg2[%dma_wait3A_161, %dma_wait3A_162] : memref<100000x16xbf16, #tpu.memory_space<hbm>> -> memref<100000x16xbf16, #tpu.memory_space<hbm>>
      tpu.wait_indirect_dma semaphore(%arg8 : memref<!tpu.dma_semaphore, #tpu.memory_space<semaphore_mem>>) src(%dma_wait3A_163 : memref<100000x16xbf16, #tpu.memory_space<hbm>>) dst(%dma_wait3A_153 : memref<1536x16xbf16, #tpu.memory_space<vmem>>)
      %run_scoped3A_164 = arith.constant 0 : i32
      %run_scoped3A_165 = arith.constant 0 : i32
      %run_scoped3A_166 = arith.constant 1 : i32
      "tpu.region"() ({
        %run_scoped3A_201 = tpu.sem_alloc : memref<!tpu.dma_semaphore, #tpu.memory_space<semaphore_mem>>
        %dma_start3A_202 = arith.constant 0 : i32
        %dma_start3A_203 = arith.constant 0 : i32
        %dma_start3A_204 = tpu.memref_slice %arg6[%run_scoped3A_164, %dma_start3A_202, %dma_start3A_203] : memref<2x1536x16xbf16, #tpu.memory_space<vmem>> -> memref<1x1536x16xbf16, #tpu.memory_space<vmem>>
        %dma_start3A_205 = tpu.memref_squeeze %dma_start3A_204 : memref<1x1536x16xbf16, #tpu.memory_space<vmem>> -> memref<1536x16xbf16, #tpu.memory_space<vmem>>
        %dma_start3A_206 = arith.constant 0 : i32
        %dma_start3A_207 = arith.constant 0 : i32
        %dma_start3A_208 = tpu.memref_slice %arg5[%run_scoped3A_165, %dma_start3A_206, %dma_start3A_207] : memref<2x2x1536xi32, #tpu.memory_space<vmem>> -> memref<1x2x1536xi32, #tpu.memory_space<vmem>>
        %dma_start3A_209 = tpu.memref_squeeze %dma_start3A_208 : memref<1x2x1536xi32, #tpu.memory_space<vmem>> -> memref<2x1536xi32, #tpu.memory_space<vmem>>
        %dma_start3A_210 = arith.constant 0 : i32
        %dma_start3A_211 = tpu.memref_slice %dma_start3A_209[%run_scoped3A_166, %dma_start3A_210] : memref<2x1536xi32, #tpu.memory_space<vmem>> -> memref<1x1536xi32, #tpu.memory_space<vmem>>
        %dma_start3A_212 = tpu.memref_squeeze %dma_start3A_211 : memref<1x1536xi32, #tpu.memory_space<vmem>> -> memref<1536xi32, #tpu.memory_space<vmem>>
        %dma_start3A_213 = arith.constant 0 : i32
        %dma_start3A_214 = arith.constant 0 : i32
        %dma_start3A_215 = tpu.memref_slice %arg7[%dma_start3A_213, %dma_start3A_214] : memref<100096x16xbf16, #tpu.memory_space<vmem_shared>> -> memref<100096x16xbf16, #tpu.memory_space<vmem_shared>>
        tpu.enqueue_indirect_dma source(%dma_start3A_205 : memref<1536x16xbf16, #tpu.memory_space<vmem>>) target(%dma_start3A_215 : memref<100096x16xbf16, #tpu.memory_space<vmem_shared>>) offsets(%dma_start3A_212 : memref<1536xi32, #tpu.memory_space<vmem>>) semaphore(%run_scoped3A_201 : memref<!tpu.dma_semaphore, #tpu.memory_space<semaphore_mem>>) {add = true}
        %dma_wait3A_216 = arith.constant 0 : i32
        %dma_wait3A_217 = arith.constant 0 : i32
        %dma_wait3A_218 = tpu.memref_slice %arg6[%run_scoped3A_164, %dma_wait3A_216, %dma_wait3A_217] : memref<2x1536x16xbf16, #tpu.memory_space<vmem>> -> memref<1x1536x16xbf16, #tpu.memory_space<vmem>>
        %dma_wait3A_219 = tpu.memref_squeeze %dma_wait3A_218 : memref<1x1536x16xbf16, #tpu.memory_space<vmem>> -> memref<1536x16xbf16, #tpu.memory_space<vmem>>
        %dma_wait3A_220 = arith.constant 0 : i32
        %dma_wait3A_221 = arith.constant 0 : i32
        %dma_wait3A_222 = tpu.memref_slice %arg5[%run_scoped3A_165, %dma_wait3A_220, %dma_wait3A_221] : memref<2x2x1536xi32, #tpu.memory_space<vmem>> -> memref<1x2x1536xi32, #tpu.memory_space<vmem>>
        %dma_wait3A_223 = tpu.memref_squeeze %dma_wait3A_222 : memref<1x2x1536xi32, #tpu.memory_space<vmem>> -> memref<2x1536xi32, #tpu.memory_space<vmem>>
        %dma_wait3A_224 = arith.constant 0 : i32
        %dma_wait3A_225 = tpu.memref_slice %dma_wait3A_223[%run_scoped3A_166, %dma_wait3A_224] : memref<2x1536xi32, #tpu.memory_space<vmem>> -> memref<1x1536xi32, #tpu.memory_space<vmem>>
        %dma_wait3A_226 = tpu.memref_squeeze %dma_wait3A_225 : memref<1x1536xi32, #tpu.memory_space<vmem>> -> memref<1536xi32, #tpu.memory_space<vmem>>
        %dma_wait3A_227 = arith.constant 0 : i32
        %dma_wait3A_228 = arith.constant 0 : i32
        %dma_wait3A_229 = tpu.memref_slice %arg7[%dma_wait3A_227, %dma_wait3A_228] : memref<100096x16xbf16, #tpu.memory_space<vmem_shared>> -> memref<100096x16xbf16, #tpu.memory_space<vmem_shared>>
        tpu.wait_indirect_dma semaphore(%run_scoped3A_201 : memref<!tpu.dma_semaphore, #tpu.memory_space<semaphore_mem>>) src(%dma_wait3A_219 : memref<1536x16xbf16, #tpu.memory_space<vmem>>) dst(%dma_wait3A_229 : memref<100096x16xbf16, #tpu.memory_space<vmem_shared>>)
        tpu.yield
      }) : () -> ()
      %sub3A = arith.constant 1 : i32
      %sub3A_167 = arith.subi %select_n3A, %sub3A : i32
      %lt3A = arith.cmpi slt, %while3A_108, %sub3A_167 : i32
      %convert_element_type3A = arith.extui %lt3A : i1 to i32
      %cond3A = arith.constant 0 : i32
      %cond3A_168 = arith.cmpi ne, %convert_element_type3A, %cond3A : i32
      scf.if %cond3A_168 {
        %mul3A_201 = arith.constant 2 : i32
        %mul3A_202 = arith.muli %mul3A_201, %while3A_108 : i32
        %add3A_203 = arith.constant 2 : i32
        %add3A_204 = arith.addi %mul3A_202, %add3A_203 : i32
        %mul3A_205 = arith.constant 1536 : i32
        %mul3A_206 = arith.muli %add3A_204, %mul3A_205 : i32
        %add3A_207 = arith.addi %select_n3A_32, %mul3A_206 : i32
        %multiple_of3A_208 = tpu.assume_multiple %add3A_207, 256 : i32
        %dma_start3A_209 = arith.constant 0 : i32
        %dma_start3A_210 = arith.constant 0 : i32
        %dma_start3A_211 = arith.constant 0 : i32
        %dma_start3A_212 = tpu.memref_slice %arg5[%dma_start3A_209, %dma_start3A_210, %dma_start3A_211] : memref<2x2x1536xi32, #tpu.memory_space<vmem>> -> memref<1x2x1536xi32, #tpu.memory_space<vmem>>
        %dma_start3A_213 = tpu.memref_squeeze %dma_start3A_212 : memref<1x2x1536xi32, #tpu.memory_space<vmem>> -> memref<2x1536xi32, #tpu.memory_space<vmem>>
        %dma_start3A_214 = arith.constant 0 : i32
        %dma_start3A_215 = tpu.memref_slice %arg3[%dma_start3A_214, %multiple_of3A_208] : memref<2x3244032xi32, #tpu.memory_space<hbm>> -> memref<2x1536xi32, #tpu.memory_space<hbm>>
        %dma_start3A_216 = arith.constant 0 : i32
        %dma_start3A_217 = arith.constant 0 : i32
        %dma_start3A_218 = tpu.memref_slice %arg5[%dma_start3A_209, %dma_start3A_216, %dma_start3A_217] : memref<2x2x1536xi32, #tpu.memory_space<vmem>> -> memref<1x2x1536xi32, #tpu.memory_space<vmem>>
        %dma_start3A_219 = tpu.memref_squeeze %dma_start3A_218 : memref<1x2x1536xi32, #tpu.memory_space<vmem>> -> memref<2x1536xi32, #tpu.memory_space<vmem>>
        %dma_start3A_220 = arith.constant 0 : i32
        %dma_start3A_221 = tpu.memref_slice %arg3[%dma_start3A_220, %multiple_of3A_208] : memref<2x3244032xi32, #tpu.memory_space<hbm>> -> memref<2x1536xi32, #tpu.memory_space<hbm>>
        tpu.enqueue_dma source(%dma_start3A_221 : memref<2x1536xi32, #tpu.memory_space<hbm>>) target(%dma_start3A_219 : memref<2x1536xi32, #tpu.memory_space<vmem>>) target_semaphore(%arg10 : memref<!tpu.dma_semaphore, #tpu.memory_space<semaphore_mem>>)
      } else {
      }
      %dma_wait3A_169 = arith.constant 1 : i32
      %dma_wait3A_170 = arith.constant 0 : i32
      %dma_wait3A_171 = arith.constant 1 : i32
      %dma_wait3A_172 = arith.constant 0 : i32
      %dma_wait3A_173 = arith.constant 0 : i32
      %dma_wait3A_174 = tpu.memref_slice %arg6[%dma_wait3A_171, %dma_wait3A_172, %dma_wait3A_173] : memref<2x1536x16xbf16, #tpu.memory_space<vmem>> -> memref<1x1536x16xbf16, #tpu.memory_space<vmem>>
      %dma_wait3A_175 = tpu.memref_squeeze %dma_wait3A_174 : memref<1x1536x16xbf16, #tpu.memory_space<vmem>> -> memref<1536x16xbf16, #tpu.memory_space<vmem>>
      %dma_wait3A_176 = arith.constant 0 : i32
      %dma_wait3A_177 = arith.constant 0 : i32
      %dma_wait3A_178 = tpu.memref_slice %arg5[%dma_wait3A_169, %dma_wait3A_176, %dma_wait3A_177] : memref<2x2x1536xi32, #tpu.memory_space<vmem>> -> memref<1x2x1536xi32, #tpu.memory_space<vmem>>
      %dma_wait3A_179 = tpu.memref_squeeze %dma_wait3A_178 : memref<1x2x1536xi32, #tpu.memory_space<vmem>> -> memref<2x1536xi32, #tpu.memory_space<vmem>>
      %dma_wait3A_180 = arith.constant 0 : i32
      %dma_wait3A_181 = tpu.memref_slice %dma_wait3A_179[%dma_wait3A_170, %dma_wait3A_180] : memref<2x1536xi32, #tpu.memory_space<vmem>> -> memref<1x1536xi32, #tpu.memory_space<vmem>>
      %dma_wait3A_182 = tpu.memref_squeeze %dma_wait3A_181 : memref<1x1536xi32, #tpu.memory_space<vmem>> -> memref<1536xi32, #tpu.memory_space<vmem>>
      %dma_wait3A_183 = arith.constant 0 : i32
      %dma_wait3A_184 = arith.constant 0 : i32
      %dma_wait3A_185 = tpu.memref_slice %arg2[%dma_wait3A_183, %dma_wait3A_184] : memref<100000x16xbf16, #tpu.memory_space<hbm>> -> memref<100000x16xbf16, #tpu.memory_space<hbm>>
      tpu.wait_indirect_dma semaphore(%arg9 : memref<!tpu.dma_semaphore, #tpu.memory_space<semaphore_mem>>) src(%dma_wait3A_185 : memref<100000x16xbf16, #tpu.memory_space<hbm>>) dst(%dma_wait3A_175 : memref<1536x16xbf16, #tpu.memory_space<vmem>>)
      %sub3A_186 = arith.constant 1 : i32
      %sub3A_187 = arith.subi %select_n3A, %sub3A_186 : i32
      %lt3A_188 = arith.cmpi slt, %while3A_108, %sub3A_187 : i32
      %convert_element_type3A_189 = arith.extui %lt3A_188 : i1 to i32
      %cond3A_190 = arith.constant 0 : i32
      %cond3A_191 = arith.cmpi ne, %convert_element_type3A_189, %cond3A_190 : i32
      scf.if %cond3A_191 {
        %mul3A_201 = arith.constant 2 : i32
        %mul3A_202 = arith.muli %mul3A_201, %while3A_108 : i32
        %add3A_203 = arith.constant 2 : i32
        %add3A_204 = arith.addi %mul3A_202, %add3A_203 : i32
        %mul3A_205 = arith.constant 1536 : i32
        %mul3A_206 = arith.muli %add3A_204, %mul3A_205 : i32
        %add3A_207 = arith.addi %select_n3A_32, %mul3A_206 : i32
        %multiple_of3A_208 = tpu.assume_multiple %add3A_207, 256 : i32
        %dma_wait3A_209 = arith.constant 0 : i32
        %dma_wait3A_210 = arith.constant 0 : i32
        %dma_wait3A_211 = arith.constant 0 : i32
        %dma_wait3A_212 = tpu.memref_slice %arg5[%dma_wait3A_209, %dma_wait3A_210, %dma_wait3A_211] : memref<2x2x1536xi32, #tpu.memory_space<vmem>> -> memref<1x2x1536xi32, #tpu.memory_space<vmem>>
        %dma_wait3A_213 = tpu.memref_squeeze %dma_wait3A_212 : memref<1x2x1536xi32, #tpu.memory_space<vmem>> -> memref<2x1536xi32, #tpu.memory_space<vmem>>
        %dma_wait3A_214 = arith.constant 0 : i32
        %dma_wait3A_215 = tpu.memref_slice %arg3[%dma_wait3A_214, %multiple_of3A_208] : memref<2x3244032xi32, #tpu.memory_space<hbm>> -> memref<2x1536xi32, #tpu.memory_space<hbm>>
        %dma_wait3A_216 = arith.constant 0 : i32
        %dma_wait3A_217 = arith.constant 0 : i32
        %dma_wait3A_218 = tpu.memref_slice %arg5[%dma_wait3A_209, %dma_wait3A_216, %dma_wait3A_217] : memref<2x2x1536xi32, #tpu.memory_space<vmem>> -> memref<1x2x1536xi32, #tpu.memory_space<vmem>>
        %dma_wait3A_219 = tpu.memref_squeeze %dma_wait3A_218 : memref<1x2x1536xi32, #tpu.memory_space<vmem>> -> memref<2x1536xi32, #tpu.memory_space<vmem>>
        %dma_wait3A_220 = arith.constant 0 : i32
        %dma_wait3A_221 = tpu.memref_slice %arg3[%dma_wait3A_220, %multiple_of3A_208] : memref<2x3244032xi32, #tpu.memory_space<hbm>> -> memref<2x1536xi32, #tpu.memory_space<hbm>>
        tpu.wait_dma2 semaphore(%arg10 : memref<!tpu.dma_semaphore, #tpu.memory_space<semaphore_mem>>) src(%dma_wait3A_221 : memref<2x1536xi32, #tpu.memory_space<hbm>>) dst(%dma_wait3A_219 : memref<2x1536xi32, #tpu.memory_space<vmem>>)
        %dma_start3A_222 = arith.constant 0 : i32
        %dma_start3A_223 = arith.constant 0 : i32
        %dma_start3A_224 = arith.constant 0 : i32
        %dma_start3A_225 = arith.constant 0 : i32
        %dma_start3A_226 = arith.constant 0 : i32
        %dma_start3A_227 = tpu.memref_slice %arg6[%dma_start3A_224, %dma_start3A_225, %dma_start3A_226] : memref<2x1536x16xbf16, #tpu.memory_space<vmem>> -> memref<1x1536x16xbf16, #tpu.memory_space<vmem>>
        %dma_start3A_228 = tpu.memref_squeeze %dma_start3A_227 : memref<1x1536x16xbf16, #tpu.memory_space<vmem>> -> memref<1536x16xbf16, #tpu.memory_space<vmem>>
        %dma_start3A_229 = arith.constant 0 : i32
        %dma_start3A_230 = arith.constant 0 : i32
        %dma_start3A_231 = tpu.memref_slice %arg5[%dma_start3A_222, %dma_start3A_229, %dma_start3A_230] : memref<2x2x1536xi32, #tpu.memory_space<vmem>> -> memref<1x2x1536xi32, #tpu.memory_space<vmem>>
        %dma_start3A_232 = tpu.memref_squeeze %dma_start3A_231 : memref<1x2x1536xi32, #tpu.memory_space<vmem>> -> memref<2x1536xi32, #tpu.memory_space<vmem>>
        %dma_start3A_233 = arith.constant 0 : i32
        %dma_start3A_234 = tpu.memref_slice %dma_start3A_232[%dma_start3A_223, %dma_start3A_233] : memref<2x1536xi32, #tpu.memory_space<vmem>> -> memref<1x1536xi32, #tpu.memory_space<vmem>>
        %dma_start3A_235 = tpu.memref_squeeze %dma_start3A_234 : memref<1x1536xi32, #tpu.memory_space<vmem>> -> memref<1536xi32, #tpu.memory_space<vmem>>
        %dma_start3A_236 = arith.constant 0 : i32
        %dma_start3A_237 = arith.constant 0 : i32
        %dma_start3A_238 = tpu.memref_slice %arg2[%dma_start3A_236, %dma_start3A_237] : memref<100000x16xbf16, #tpu.memory_space<hbm>> -> memref<100000x16xbf16, #tpu.memory_space<hbm>>
        tpu.enqueue_indirect_dma source(%dma_start3A_238 : memref<100000x16xbf16, #tpu.memory_space<hbm>>) target(%dma_start3A_228 : memref<1536x16xbf16, #tpu.memory_space<vmem>>) offsets(%dma_start3A_235 : memref<1536xi32, #tpu.memory_space<vmem>>) semaphore(%arg8 : memref<!tpu.dma_semaphore, #tpu.memory_space<semaphore_mem>>)
      } else {
      }
      %run_scoped3A_192 = arith.constant 1 : i32
      %run_scoped3A_193 = arith.constant 1 : i32
      %run_scoped3A_194 = arith.constant 1 : i32
      "tpu.region"() ({
        %run_scoped3A_201 = tpu.sem_alloc : memref<!tpu.dma_semaphore, #tpu.memory_space<semaphore_mem>>
        %dma_start3A_202 = arith.constant 0 : i32
        %dma_start3A_203 = arith.constant 0 : i32
        %dma_start3A_204 = tpu.memref_slice %arg6[%run_scoped3A_192, %dma_start3A_202, %dma_start3A_203] : memref<2x1536x16xbf16, #tpu.memory_space<vmem>> -> memref<1x1536x16xbf16, #tpu.memory_space<vmem>>
        %dma_start3A_205 = tpu.memref_squeeze %dma_start3A_204 : memref<1x1536x16xbf16, #tpu.memory_space<vmem>> -> memref<1536x16xbf16, #tpu.memory_space<vmem>>
        %dma_start3A_206 = arith.constant 0 : i32
        %dma_start3A_207 = arith.constant 0 : i32
        %dma_start3A_208 = tpu.memref_slice %arg5[%run_scoped3A_193, %dma_start3A_206, %dma_start3A_207] : memref<2x2x1536xi32, #tpu.memory_space<vmem>> -> memref<1x2x1536xi32, #tpu.memory_space<vmem>>
        %dma_start3A_209 = tpu.memref_squeeze %dma_start3A_208 : memref<1x2x1536xi32, #tpu.memory_space<vmem>> -> memref<2x1536xi32, #tpu.memory_space<vmem>>
        %dma_start3A_210 = arith.constant 0 : i32
        %dma_start3A_211 = tpu.memref_slice %dma_start3A_209[%run_scoped3A_194, %dma_start3A_210] : memref<2x1536xi32, #tpu.memory_space<vmem>> -> memref<1x1536xi32, #tpu.memory_space<vmem>>
        %dma_start3A_212 = tpu.memref_squeeze %dma_start3A_211 : memref<1x1536xi32, #tpu.memory_space<vmem>> -> memref<1536xi32, #tpu.memory_space<vmem>>
        %dma_start3A_213 = arith.constant 0 : i32
        %dma_start3A_214 = arith.constant 0 : i32
        %dma_start3A_215 = tpu.memref_slice %arg7[%dma_start3A_213, %dma_start3A_214] : memref<100096x16xbf16, #tpu.memory_space<vmem_shared>> -> memref<100096x16xbf16, #tpu.memory_space<vmem_shared>>
        tpu.enqueue_indirect_dma source(%dma_start3A_205 : memref<1536x16xbf16, #tpu.memory_space<vmem>>) target(%dma_start3A_215 : memref<100096x16xbf16, #tpu.memory_space<vmem_shared>>) offsets(%dma_start3A_212 : memref<1536xi32, #tpu.memory_space<vmem>>) semaphore(%run_scoped3A_201 : memref<!tpu.dma_semaphore, #tpu.memory_space<semaphore_mem>>) {add = true}
        %dma_wait3A_216 = arith.constant 0 : i32
        %dma_wait3A_217 = arith.constant 0 : i32
        %dma_wait3A_218 = tpu.memref_slice %arg6[%run_scoped3A_192, %dma_wait3A_216, %dma_wait3A_217] : memref<2x1536x16xbf16, #tpu.memory_space<vmem>> -> memref<1x1536x16xbf16, #tpu.memory_space<vmem>>
        %dma_wait3A_219 = tpu.memref_squeeze %dma_wait3A_218 : memref<1x1536x16xbf16, #tpu.memory_space<vmem>> -> memref<1536x16xbf16, #tpu.memory_space<vmem>>
        %dma_wait3A_220 = arith.constant 0 : i32
        %dma_wait3A_221 = arith.constant 0 : i32
        %dma_wait3A_222 = tpu.memref_slice %arg5[%run_scoped3A_193, %dma_wait3A_220, %dma_wait3A_221] : memref<2x2x1536xi32, #tpu.memory_space<vmem>> -> memref<1x2x1536xi32, #tpu.memory_space<vmem>>
        %dma_wait3A_223 = tpu.memref_squeeze %dma_wait3A_222 : memref<1x2x1536xi32, #tpu.memory_space<vmem>> -> memref<2x1536xi32, #tpu.memory_space<vmem>>
        %dma_wait3A_224 = arith.constant 0 : i32
        %dma_wait3A_225 = tpu.memref_slice %dma_wait3A_223[%run_scoped3A_194, %dma_wait3A_224] : memref<2x1536xi32, #tpu.memory_space<vmem>> -> memref<1x1536xi32, #tpu.memory_space<vmem>>
        %dma_wait3A_226 = tpu.memref_squeeze %dma_wait3A_225 : memref<1x1536xi32, #tpu.memory_space<vmem>> -> memref<1536xi32, #tpu.memory_space<vmem>>
        %dma_wait3A_227 = arith.constant 0 : i32
        %dma_wait3A_228 = arith.constant 0 : i32
        %dma_wait3A_229 = tpu.memref_slice %arg7[%dma_wait3A_227, %dma_wait3A_228] : memref<100096x16xbf16, #tpu.memory_space<vmem_shared>> -> memref<100096x16xbf16, #tpu.memory_space<vmem_shared>>
        tpu.wait_indirect_dma semaphore(%run_scoped3A_201 : memref<!tpu.dma_semaphore, #tpu.memory_space<semaphore_mem>>) src(%dma_wait3A_219 : memref<1536x16xbf16, #tpu.memory_space<vmem>>) dst(%dma_wait3A_229 : memref<100096x16xbf16, #tpu.memory_space<vmem_shared>>)
        tpu.yield
      }) : () -> ()
      %sub3A_195 = arith.constant 1 : i32
      %sub3A_196 = arith.subi %select_n3A, %sub3A_195 : i32
      %lt3A_197 = arith.cmpi slt, %while3A_108, %sub3A_196 : i32
      %convert_element_type3A_198 = arith.extui %lt3A_197 : i1 to i32
      %cond3A_199 = arith.constant 0 : i32
      %cond3A_200 = arith.cmpi ne, %convert_element_type3A_198, %cond3A_199 : i32
      scf.if %cond3A_200 {
        %mul3A_201 = arith.constant 2 : i32
        %mul3A_202 = arith.muli %mul3A_201, %while3A_108 : i32
        %add3A_203 = arith.constant 3 : i32
        %add3A_204 = arith.addi %mul3A_202, %add3A_203 : i32
        %mul3A_205 = arith.constant 1536 : i32
        %mul3A_206 = arith.muli %add3A_204, %mul3A_205 : i32
        %add3A_207 = arith.addi %select_n3A_32, %mul3A_206 : i32
        %multiple_of3A_208 = tpu.assume_multiple %add3A_207, 256 : i32
        %dma_start3A_209 = arith.constant 1 : i32
        %dma_start3A_210 = arith.constant 0 : i32
        %dma_start3A_211 = arith.constant 0 : i32
        %dma_start3A_212 = tpu.memref_slice %arg5[%dma_start3A_209, %dma_start3A_210, %dma_start3A_211] : memref<2x2x1536xi32, #tpu.memory_space<vmem>> -> memref<1x2x1536xi32, #tpu.memory_space<vmem>>
        %dma_start3A_213 = tpu.memref_squeeze %dma_start3A_212 : memref<1x2x1536xi32, #tpu.memory_space<vmem>> -> memref<2x1536xi32, #tpu.memory_space<vmem>>
        %dma_start3A_214 = arith.constant 0 : i32
        %dma_start3A_215 = tpu.memref_slice %arg3[%dma_start3A_214, %multiple_of3A_208] : memref<2x3244032xi32, #tpu.memory_space<hbm>> -> memref<2x1536xi32, #tpu.memory_space<hbm>>
        %dma_start3A_216 = arith.constant 0 : i32
        %dma_start3A_217 = arith.constant 0 : i32
        %dma_start3A_218 = tpu.memref_slice %arg5[%dma_start3A_209, %dma_start3A_216, %dma_start3A_217] : memref<2x2x1536xi32, #tpu.memory_space<vmem>> -> memref<1x2x1536xi32, #tpu.memory_space<vmem>>
        %dma_start3A_219 = tpu.memref_squeeze %dma_start3A_218 : memref<1x2x1536xi32, #tpu.memory_space<vmem>> -> memref<2x1536xi32, #tpu.memory_space<vmem>>
        %dma_start3A_220 = arith.constant 0 : i32
        %dma_start3A_221 = tpu.memref_slice %arg3[%dma_start3A_220, %multiple_of3A_208] : memref<2x3244032xi32, #tpu.memory_space<hbm>> -> memref<2x1536xi32, #tpu.memory_space<hbm>>
        tpu.enqueue_dma source(%dma_start3A_221 : memref<2x1536xi32, #tpu.memory_space<hbm>>) target(%dma_start3A_219 : memref<2x1536xi32, #tpu.memory_space<vmem>>) target_semaphore(%arg11 : memref<!tpu.dma_semaphore, #tpu.memory_space<semaphore_mem>>)
      } else {
      }
    }
    %while3A_103 = arith.constant 1 : i32
    scf.for %while3A_108 = %while3A_101 to %while3A_97 step %while3A_103  : i32 {
      %mul3A_109 = arith.constant 2 : i32
      %mul3A_110 = arith.muli %mul3A_109, %while3A_108 : i32
      %add3A_111 = arith.constant 1 : i32
      %add3A_112 = arith.addi %mul3A_110, %add3A_111 : i32
      %mul3A_113 = arith.constant 1536 : i32
      %mul3A_114 = arith.muli %add3A_112, %mul3A_113 : i32
      %add3A_115 = arith.addi %select_n3A_32, %mul3A_114 : i32
      %multiple_of3A_116 = tpu.assume_multiple %add3A_115, 256 : i32
      %dma_wait3A_117 = arith.constant 1 : i32
      %dma_wait3A_118 = arith.constant 0 : i32
      %dma_wait3A_119 = arith.constant 0 : i32
      %dma_wait3A_120 = tpu.memref_slice %arg5[%dma_wait3A_117, %dma_wait3A_118, %dma_wait3A_119] : memref<2x2x1536xi32, #tpu.memory_space<vmem>> -> memref<1x2x1536xi32, #tpu.memory_space<vmem>>
      %dma_wait3A_121 = tpu.memref_squeeze %dma_wait3A_120 : memref<1x2x1536xi32, #tpu.memory_space<vmem>> -> memref<2x1536xi32, #tpu.memory_space<vmem>>
      %dma_wait3A_122 = arith.constant 0 : i32
      %dma_wait3A_123 = tpu.memref_slice %arg3[%dma_wait3A_122, %multiple_of3A_116] : memref<2x3244032xi32, #tpu.memory_space<hbm>> -> memref<2x1536xi32, #tpu.memory_space<hbm>>
      %dma_wait3A_124 = arith.constant 0 : i32
      %dma_wait3A_125 = arith.constant 0 : i32
      %dma_wait3A_126 = tpu.memref_slice %arg5[%dma_wait3A_117, %dma_wait3A_124, %dma_wait3A_125] : memref<2x2x1536xi32, #tpu.memory_space<vmem>> -> memref<1x2x1536xi32, #tpu.memory_space<vmem>>
      %dma_wait3A_127 = tpu.memref_squeeze %dma_wait3A_126 : memref<1x2x1536xi32, #tpu.memory_space<vmem>> -> memref<2x1536xi32, #tpu.memory_space<vmem>>
      %dma_wait3A_128 = arith.constant 0 : i32
      %dma_wait3A_129 = tpu.memref_slice %arg3[%dma_wait3A_128, %multiple_of3A_116] : memref<2x3244032xi32, #tpu.memory_space<hbm>> -> memref<2x1536xi32, #tpu.memory_space<hbm>>
      tpu.wait_dma2 semaphore(%arg11 : memref<!tpu.dma_semaphore, #tpu.memory_space<semaphore_mem>>) src(%dma_wait3A_129 : memref<2x1536xi32, #tpu.memory_space<hbm>>) dst(%dma_wait3A_127 : memref<2x1536xi32, #tpu.memory_space<vmem>>)
      %dma_start3A_130 = arith.constant 1 : i32
      %dma_start3A_131 = arith.constant 0 : i32
      %dma_start3A_132 = arith.constant 1 : i32
      %dma_start3A_133 = arith.constant 0 : i32
      %dma_start3A_134 = arith.constant 0 : i32
      %dma_start3A_135 = tpu.memref_slice %arg6[%dma_start3A_132, %dma_start3A_133, %dma_start3A_134] : memref<2x1536x16xbf16, #tpu.memory_space<vmem>> -> memref<1x1536x16xbf16, #tpu.memory_space<vmem>>
      %dma_start3A_136 = tpu.memref_squeeze %dma_start3A_135 : memref<1x1536x16xbf16, #tpu.memory_space<vmem>> -> memref<1536x16xbf16, #tpu.memory_space<vmem>>
      %dma_start3A_137 = arith.constant 0 : i32
      %dma_start3A_138 = arith.constant 0 : i32
      %dma_start3A_139 = tpu.memref_slice %arg5[%dma_start3A_130, %dma_start3A_137, %dma_start3A_138] : memref<2x2x1536xi32, #tpu.memory_space<vmem>> -> memref<1x2x1536xi32, #tpu.memory_space<vmem>>
      %dma_start3A_140 = tpu.memref_squeeze %dma_start3A_139 : memref<1x2x1536xi32, #tpu.memory_space<vmem>> -> memref<2x1536xi32, #tpu.memory_space<vmem>>
      %dma_start3A_141 = arith.constant 0 : i32
      %dma_start3A_142 = tpu.memref_slice %dma_start3A_140[%dma_start3A_131, %dma_start3A_141] : memref<2x1536xi32, #tpu.memory_space<vmem>> -> memref<1x1536xi32, #tpu.memory_space<vmem>>
      %dma_start3A_143 = tpu.memref_squeeze %dma_start3A_142 : memref<1x1536xi32, #tpu.memory_space<vmem>> -> memref<1536xi32, #tpu.memory_space<vmem>>
      %dma_start3A_144 = arith.constant 0 : i32
      %dma_start3A_145 = arith.constant 0 : i32
      %dma_start3A_146 = tpu.memref_slice %arg2[%dma_start3A_144, %dma_start3A_145] : memref<100000x16xbf16, #tpu.memory_space<hbm>> -> memref<100000x16xbf16, #tpu.memory_space<hbm>>
      tpu.enqueue_indirect_dma source(%dma_start3A_146 : memref<100000x16xbf16, #tpu.memory_space<hbm>>) target(%dma_start3A_136 : memref<1536x16xbf16, #tpu.memory_space<vmem>>) offsets(%dma_start3A_143 : memref<1536xi32, #tpu.memory_space<vmem>>) semaphore(%arg9 : memref<!tpu.dma_semaphore, #tpu.memory_space<semaphore_mem>>)
      %dma_wait3A_147 = arith.constant 0 : i32
      %dma_wait3A_148 = arith.constant 0 : i32
      %dma_wait3A_149 = arith.constant 0 : i32
      %dma_wait3A_150 = arith.constant 0 : i32
      %dma_wait3A_151 = arith.constant 0 : i32
      %dma_wait3A_152 = tpu.memref_slice %arg6[%dma_wait3A_149, %dma_wait3A_150, %dma_wait3A_151] : memref<2x1536x16xbf16, #tpu.memory_space<vmem>> -> memref<1x1536x16xbf16, #tpu.memory_space<vmem>>
      %dma_wait3A_153 = tpu.memref_squeeze %dma_wait3A_152 : memref<1x1536x16xbf16, #tpu.memory_space<vmem>> -> memref<1536x16xbf16, #tpu.memory_space<vmem>>
      %dma_wait3A_154 = arith.constant 0 : i32
      %dma_wait3A_155 = arith.constant 0 : i32
      %dma_wait3A_156 = tpu.memref_slice %arg5[%dma_wait3A_147, %dma_wait3A_154, %dma_wait3A_155] : memref<2x2x1536xi32, #tpu.memory_space<vmem>> -> memref<1x2x1536xi32, #tpu.memory_space<vmem>>
      %dma_wait3A_157 = tpu.memref_squeeze %dma_wait3A_156 : memref<1x2x1536xi32, #tpu.memory_space<vmem>> -> memref<2x1536xi32, #tpu.memory_space<vmem>>
      %dma_wait3A_158 = arith.constant 0 : i32
      %dma_wait3A_159 = tpu.memref_slice %dma_wait3A_157[%dma_wait3A_148, %dma_wait3A_158] : memref<2x1536xi32, #tpu.memory_space<vmem>> -> memref<1x1536xi32, #tpu.memory_space<vmem>>
      %dma_wait3A_160 = tpu.memref_squeeze %dma_wait3A_159 : memref<1x1536xi32, #tpu.memory_space<vmem>> -> memref<1536xi32, #tpu.memory_space<vmem>>
      %dma_wait3A_161 = arith.constant 0 : i32
      %dma_wait3A_162 = arith.constant 0 : i32
      %dma_wait3A_163 = tpu.memref_slice %arg2[%dma_wait3A_161, %dma_wait3A_162] : memref<100000x16xbf16, #tpu.memory_space<hbm>> -> memref<100000x16xbf16, #tpu.memory_space<hbm>>
      tpu.wait_indirect_dma semaphore(%arg8 : memref<!tpu.dma_semaphore, #tpu.memory_space<semaphore_mem>>) src(%dma_wait3A_163 : memref<100000x16xbf16, #tpu.memory_space<hbm>>) dst(%dma_wait3A_153 : memref<1536x16xbf16, #tpu.memory_space<vmem>>)
      %run_scoped3A_164 = arith.constant 0 : i32
      %run_scoped3A_165 = arith.constant 0 : i32
      %run_scoped3A_166 = arith.constant 1 : i32
      "tpu.region"() ({
        %run_scoped3A_201 = tpu.sem_alloc : memref<!tpu.dma_semaphore, #tpu.memory_space<semaphore_mem>>
        %dma_start3A_202 = arith.constant 0 : i32
        %dma_start3A_203 = arith.constant 0 : i32
        %dma_start3A_204 = tpu.memref_slice %arg6[%run_scoped3A_164, %dma_start3A_202, %dma_start3A_203] : memref<2x1536x16xbf16, #tpu.memory_space<vmem>> -> memref<1x1536x16xbf16, #tpu.memory_space<vmem>>
        %dma_start3A_205 = tpu.memref_squeeze %dma_start3A_204 : memref<1x1536x16xbf16, #tpu.memory_space<vmem>> -> memref<1536x16xbf16, #tpu.memory_space<vmem>>
        %dma_start3A_206 = arith.constant 0 : i32
        %dma_start3A_207 = arith.constant 0 : i32
        %dma_start3A_208 = tpu.memref_slice %arg5[%run_scoped3A_165, %dma_start3A_206, %dma_start3A_207] : memref<2x2x1536xi32, #tpu.memory_space<vmem>> -> memref<1x2x1536xi32, #tpu.memory_space<vmem>>
        %dma_start3A_209 = tpu.memref_squeeze %dma_start3A_208 : memref<1x2x1536xi32, #tpu.memory_space<vmem>> -> memref<2x1536xi32, #tpu.memory_space<vmem>>
        %dma_start3A_210 = arith.constant 0 : i32
        %dma_start3A_211 = tpu.memref_slice %dma_start3A_209[%run_scoped3A_166, %dma_start3A_210] : memref<2x1536xi32, #tpu.memory_space<vmem>> -> memref<1x1536xi32, #tpu.memory_space<vmem>>
        %dma_start3A_212 = tpu.memref_squeeze %dma_start3A_211 : memref<1x1536xi32, #tpu.memory_space<vmem>> -> memref<1536xi32, #tpu.memory_space<vmem>>
        %dma_start3A_213 = arith.constant 0 : i32
        %dma_start3A_214 = arith.constant 0 : i32
        %dma_start3A_215 = tpu.memref_slice %arg7[%dma_start3A_213, %dma_start3A_214] : memref<100096x16xbf16, #tpu.memory_space<vmem_shared>> -> memref<100096x16xbf16, #tpu.memory_space<vmem_shared>>
        tpu.enqueue_indirect_dma source(%dma_start3A_205 : memref<1536x16xbf16, #tpu.memory_space<vmem>>) target(%dma_start3A_215 : memref<100096x16xbf16, #tpu.memory_space<vmem_shared>>) offsets(%dma_start3A_212 : memref<1536xi32, #tpu.memory_space<vmem>>) semaphore(%run_scoped3A_201 : memref<!tpu.dma_semaphore, #tpu.memory_space<semaphore_mem>>) {add = true}
        %dma_wait3A_216 = arith.constant 0 : i32
        %dma_wait3A_217 = arith.constant 0 : i32
        %dma_wait3A_218 = tpu.memref_slice %arg6[%run_scoped3A_164, %dma_wait3A_216, %dma_wait3A_217] : memref<2x1536x16xbf16, #tpu.memory_space<vmem>> -> memref<1x1536x16xbf16, #tpu.memory_space<vmem>>
        %dma_wait3A_219 = tpu.memref_squeeze %dma_wait3A_218 : memref<1x1536x16xbf16, #tpu.memory_space<vmem>> -> memref<1536x16xbf16, #tpu.memory_space<vmem>>
        %dma_wait3A_220 = arith.constant 0 : i32
        %dma_wait3A_221 = arith.constant 0 : i32
        %dma_wait3A_222 = tpu.memref_slice %arg5[%run_scoped3A_165, %dma_wait3A_220, %dma_wait3A_221] : memref<2x2x1536xi32, #tpu.memory_space<vmem>> -> memref<1x2x1536xi32, #tpu.memory_space<vmem>>
        %dma_wait3A_223 = tpu.memref_squeeze %dma_wait3A_222 : memref<1x2x1536xi32, #tpu.memory_space<vmem>> -> memref<2x1536xi32, #tpu.memory_space<vmem>>
        %dma_wait3A_224 = arith.constant 0 : i32
        %dma_wait3A_225 = tpu.memref_slice %dma_wait3A_223[%run_scoped3A_166, %dma_wait3A_224] : memref<2x1536xi32, #tpu.memory_space<vmem>> -> memref<1x1536xi32, #tpu.memory_space<vmem>>
        %dma_wait3A_226 = tpu.memref_squeeze %dma_wait3A_225 : memref<1x1536xi32, #tpu.memory_space<vmem>> -> memref<1536xi32, #tpu.memory_space<vmem>>
        %dma_wait3A_227 = arith.constant 0 : i32
        %dma_wait3A_228 = arith.constant 0 : i32
        %dma_wait3A_229 = tpu.memref_slice %arg7[%dma_wait3A_227, %dma_wait3A_228] : memref<100096x16xbf16, #tpu.memory_space<vmem_shared>> -> memref<100096x16xbf16, #tpu.memory_space<vmem_shared>>
        tpu.wait_indirect_dma semaphore(%run_scoped3A_201 : memref<!tpu.dma_semaphore, #tpu.memory_space<semaphore_mem>>) src(%dma_wait3A_219 : memref<1536x16xbf16, #tpu.memory_space<vmem>>) dst(%dma_wait3A_229 : memref<100096x16xbf16, #tpu.memory_space<vmem_shared>>)
        tpu.yield
      }) : () -> ()
      %sub3A = arith.constant 1 : i32
      %sub3A_167 = arith.subi %select_n3A, %sub3A : i32
      %lt3A = arith.cmpi slt, %while3A_108, %sub3A_167 : i32
      %convert_element_type3A = arith.extui %lt3A : i1 to i32
      %cond3A = arith.constant 0 : i32
      %cond3A_168 = arith.cmpi ne, %convert_element_type3A, %cond3A : i32
      scf.if %cond3A_168 {
        %mul3A_201 = arith.constant 2 : i32
        %mul3A_202 = arith.muli %mul3A_201, %while3A_108 : i32
        %add3A_203 = arith.constant 2 : i32
        %add3A_204 = arith.addi %mul3A_202, %add3A_203 : i32
        %mul3A_205 = arith.constant 1536 : i32
        %mul3A_206 = arith.muli %add3A_204, %mul3A_205 : i32
        %add3A_207 = arith.addi %select_n3A_32, %mul3A_206 : i32
        %multiple_of3A_208 = tpu.assume_multiple %add3A_207, 256 : i32
        %dma_start3A_209 = arith.constant 0 : i32
        %dma_start3A_210 = arith.constant 0 : i32
        %dma_start3A_211 = arith.constant 0 : i32
        %dma_start3A_212 = tpu.memref_slice %arg5[%dma_start3A_209, %dma_start3A_210, %dma_start3A_211] : memref<2x2x1536xi32, #tpu.memory_space<vmem>> -> memref<1x2x1536xi32, #tpu.memory_space<vmem>>
        %dma_start3A_213 = tpu.memref_squeeze %dma_start3A_212 : memref<1x2x1536xi32, #tpu.memory_space<vmem>> -> memref<2x1536xi32, #tpu.memory_space<vmem>>
        %dma_start3A_214 = arith.constant 0 : i32
        %dma_start3A_215 = tpu.memref_slice %arg3[%dma_start3A_214, %multiple_of3A_208] : memref<2x3244032xi32, #tpu.memory_space<hbm>> -> memref<2x1536xi32, #tpu.memory_space<hbm>>
        %dma_start3A_216 = arith.constant 0 : i32
        %dma_start3A_217 = arith.constant 0 : i32
        %dma_start3A_218 = tpu.memref_slice %arg5[%dma_start3A_209, %dma_start3A_216, %dma_start3A_217] : memref<2x2x1536xi32, #tpu.memory_space<vmem>> -> memref<1x2x1536xi32, #tpu.memory_space<vmem>>
        %dma_start3A_219 = tpu.memref_squeeze %dma_start3A_218 : memref<1x2x1536xi32, #tpu.memory_space<vmem>> -> memref<2x1536xi32, #tpu.memory_space<vmem>>
        %dma_start3A_220 = arith.constant 0 : i32
        %dma_start3A_221 = tpu.memref_slice %arg3[%dma_start3A_220, %multiple_of3A_208] : memref<2x3244032xi32, #tpu.memory_space<hbm>> -> memref<2x1536xi32, #tpu.memory_space<hbm>>
        tpu.enqueue_dma source(%dma_start3A_221 : memref<2x1536xi32, #tpu.memory_space<hbm>>) target(%dma_start3A_219 : memref<2x1536xi32, #tpu.memory_space<vmem>>) target_semaphore(%arg10 : memref<!tpu.dma_semaphore, #tpu.memory_space<semaphore_mem>>)
      } else {
      }
      %dma_wait3A_169 = arith.constant 1 : i32
      %dma_wait3A_170 = arith.constant 0 : i32
      %dma_wait3A_171 = arith.constant 1 : i32
      %dma_wait3A_172 = arith.constant 0 : i32
      %dma_wait3A_173 = arith.constant 0 : i32
      %dma_wait3A_174 = tpu.memref_slice %arg6[%dma_wait3A_171, %dma_wait3A_172, %dma_wait3A_173] : memref<2x1536x16xbf16, #tpu.memory_space<vmem>> -> memref<1x1536x16xbf16, #tpu.memory_space<vmem>>
      %dma_wait3A_175 = tpu.memref_squeeze %dma_wait3A_174 : memref<1x1536x16xbf16, #tpu.memory_space<vmem>> -> memref<1536x16xbf16, #tpu.memory_space<vmem>>
      %dma_wait3A_176 = arith.constant 0 : i32
      %dma_wait3A_177 = arith.constant 0 : i32
      %dma_wait3A_178 = tpu.memref_slice %arg5[%dma_wait3A_169, %dma_wait3A_176, %dma_wait3A_177] : memref<2x2x1536xi32, #tpu.memory_space<vmem>> -> memref<1x2x1536xi32, #tpu.memory_space<vmem>>
      %dma_wait3A_179 = tpu.memref_squeeze %dma_wait3A_178 : memref<1x2x1536xi32, #tpu.memory_space<vmem>> -> memref<2x1536xi32, #tpu.memory_space<vmem>>
      %dma_wait3A_180 = arith.constant 0 : i32
      %dma_wait3A_181 = tpu.memref_slice %dma_wait3A_179[%dma_wait3A_170, %dma_wait3A_180] : memref<2x1536xi32, #tpu.memory_space<vmem>> -> memref<1x1536xi32, #tpu.memory_space<vmem>>
      %dma_wait3A_182 = tpu.memref_squeeze %dma_wait3A_181 : memref<1x1536xi32, #tpu.memory_space<vmem>> -> memref<1536xi32, #tpu.memory_space<vmem>>
      %dma_wait3A_183 = arith.constant 0 : i32
      %dma_wait3A_184 = arith.constant 0 : i32
      %dma_wait3A_185 = tpu.memref_slice %arg2[%dma_wait3A_183, %dma_wait3A_184] : memref<100000x16xbf16, #tpu.memory_space<hbm>> -> memref<100000x16xbf16, #tpu.memory_space<hbm>>
      tpu.wait_indirect_dma semaphore(%arg9 : memref<!tpu.dma_semaphore, #tpu.memory_space<semaphore_mem>>) src(%dma_wait3A_185 : memref<100000x16xbf16, #tpu.memory_space<hbm>>) dst(%dma_wait3A_175 : memref<1536x16xbf16, #tpu.memory_space<vmem>>)
      %sub3A_186 = arith.constant 1 : i32
      %sub3A_187 = arith.subi %select_n3A, %sub3A_186 : i32
      %lt3A_188 = arith.cmpi slt, %while3A_108, %sub3A_187 : i32
      %convert_element_type3A_189 = arith.extui %lt3A_188 : i1 to i32
      %cond3A_190 = arith.constant 0 : i32
      %cond3A_191 = arith.cmpi ne, %convert_element_type3A_189, %cond3A_190 : i32
      scf.if %cond3A_191 {
        %mul3A_201 = arith.constant 2 : i32
        %mul3A_202 = arith.muli %mul3A_201, %while3A_108 : i32
        %add3A_203 = arith.constant 2 : i32
        %add3A_204 = arith.addi %mul3A_202, %add3A_203 : i32
        %mul3A_205 = arith.constant 1536 : i32
        %mul3A_206 = arith.muli %add3A_204, %mul3A_205 : i32
        %add3A_207 = arith.addi %select_n3A_32, %mul3A_206 : i32
        %multiple_of3A_208 = tpu.assume_multiple %add3A_207, 256 : i32
        %dma_wait3A_209 = arith.constant 0 : i32
        %dma_wait3A_210 = arith.constant 0 : i32
        %dma_wait3A_211 = arith.constant 0 : i32
        %dma_wait3A_212 = tpu.memref_slice %arg5[%dma_wait3A_209, %dma_wait3A_210, %dma_wait3A_211] : memref<2x2x1536xi32, #tpu.memory_space<vmem>> -> memref<1x2x1536xi32, #tpu.memory_space<vmem>>
        %dma_wait3A_213 = tpu.memref_squeeze %dma_wait3A_212 : memref<1x2x1536xi32, #tpu.memory_space<vmem>> -> memref<2x1536xi32, #tpu.memory_space<vmem>>
        %dma_wait3A_214 = arith.constant 0 : i32
        %dma_wait3A_215 = tpu.memref_slice %arg3[%dma_wait3A_214, %multiple_of3A_208] : memref<2x3244032xi32, #tpu.memory_space<hbm>> -> memref<2x1536xi32, #tpu.memory_space<hbm>>
        %dma_wait3A_216 = arith.constant 0 : i32
        %dma_wait3A_217 = arith.constant 0 : i32
        %dma_wait3A_218 = tpu.memref_slice %arg5[%dma_wait3A_209, %dma_wait3A_216, %dma_wait3A_217] : memref<2x2x1536xi32, #tpu.memory_space<vmem>> -> memref<1x2x1536xi32, #tpu.memory_space<vmem>>
        %dma_wait3A_219 = tpu.memref_squeeze %dma_wait3A_218 : memref<1x2x1536xi32, #tpu.memory_space<vmem>> -> memref<2x1536xi32, #tpu.memory_space<vmem>>
        %dma_wait3A_220 = arith.constant 0 : i32
        %dma_wait3A_221 = tpu.memref_slice %arg3[%dma_wait3A_220, %multiple_of3A_208] : memref<2x3244032xi32, #tpu.memory_space<hbm>> -> memref<2x1536xi32, #tpu.memory_space<hbm>>
        tpu.wait_dma2 semaphore(%arg10 : memref<!tpu.dma_semaphore, #tpu.memory_space<semaphore_mem>>) src(%dma_wait3A_221 : memref<2x1536xi32, #tpu.memory_space<hbm>>) dst(%dma_wait3A_219 : memref<2x1536xi32, #tpu.memory_space<vmem>>)
        %dma_start3A_222 = arith.constant 0 : i32
        %dma_start3A_223 = arith.constant 0 : i32
        %dma_start3A_224 = arith.constant 0 : i32
        %dma_start3A_225 = arith.constant 0 : i32
        %dma_start3A_226 = arith.constant 0 : i32
        %dma_start3A_227 = tpu.memref_slice %arg6[%dma_start3A_224, %dma_start3A_225, %dma_start3A_226] : memref<2x1536x16xbf16, #tpu.memory_space<vmem>> -> memref<1x1536x16xbf16, #tpu.memory_space<vmem>>
        %dma_start3A_228 = tpu.memref_squeeze %dma_start3A_227 : memref<1x1536x16xbf16, #tpu.memory_space<vmem>> -> memref<1536x16xbf16, #tpu.memory_space<vmem>>
        %dma_start3A_229 = arith.constant 0 : i32
        %dma_start3A_230 = arith.constant 0 : i32
        %dma_start3A_231 = tpu.memref_slice %arg5[%dma_start3A_222, %dma_start3A_229, %dma_start3A_230] : memref<2x2x1536xi32, #tpu.memory_space<vmem>> -> memref<1x2x1536xi32, #tpu.memory_space<vmem>>
        %dma_start3A_232 = tpu.memref_squeeze %dma_start3A_231 : memref<1x2x1536xi32, #tpu.memory_space<vmem>> -> memref<2x1536xi32, #tpu.memory_space<vmem>>
        %dma_start3A_233 = arith.constant 0 : i32
        %dma_start3A_234 = tpu.memref_slice %dma_start3A_232[%dma_start3A_223, %dma_start3A_233] : memref<2x1536xi32, #tpu.memory_space<vmem>> -> memref<1x1536xi32, #tpu.memory_space<vmem>>
        %dma_start3A_235 = tpu.memref_squeeze %dma_start3A_234 : memref<1x1536xi32, #tpu.memory_space<vmem>> -> memref<1536xi32, #tpu.memory_space<vmem>>
        %dma_start3A_236 = arith.constant 0 : i32
        %dma_start3A_237 = arith.constant 0 : i32
        %dma_start3A_238 = tpu.memref_slice %arg2[%dma_start3A_236, %dma_start3A_237] : memref<100000x16xbf16, #tpu.memory_space<hbm>> -> memref<100000x16xbf16, #tpu.memory_space<hbm>>
        tpu.enqueue_indirect_dma source(%dma_start3A_238 : memref<100000x16xbf16, #tpu.memory_space<hbm>>) target(%dma_start3A_228 : memref<1536x16xbf16, #tpu.memory_space<vmem>>) offsets(%dma_start3A_235 : memref<1536xi32, #tpu.memory_space<vmem>>) semaphore(%arg8 : memref<!tpu.dma_semaphore, #tpu.memory_space<semaphore_mem>>)
      } else {
      }
      %run_scoped3A_192 = arith.constant 1 : i32
      %run_scoped3A_193 = arith.constant 1 : i32
      %run_scoped3A_194 = arith.constant 1 : i32
      "tpu.region"() ({
        %run_scoped3A_201 = tpu.sem_alloc : memref<!tpu.dma_semaphore, #tpu.memory_space<semaphore_mem>>
        %dma_start3A_202 = arith.constant 0 : i32
        %dma_start3A_203 = arith.constant 0 : i32
        %dma_start3A_204 = tpu.memref_slice %arg6[%run_scoped3A_192, %dma_start3A_202, %dma_start3A_203] : memref<2x1536x16xbf16, #tpu.memory_space<vmem>> -> memref<1x1536x16xbf16, #tpu.memory_space<vmem>>
        %dma_start3A_205 = tpu.memref_squeeze %dma_start3A_204 : memref<1x1536x16xbf16, #tpu.memory_space<vmem>> -> memref<1536x16xbf16, #tpu.memory_space<vmem>>
        %dma_start3A_206 = arith.constant 0 : i32
        %dma_start3A_207 = arith.constant 0 : i32
        %dma_start3A_208 = tpu.memref_slice %arg5[%run_scoped3A_193, %dma_start3A_206, %dma_start3A_207] : memref<2x2x1536xi32, #tpu.memory_space<vmem>> -> memref<1x2x1536xi32, #tpu.memory_space<vmem>>
        %dma_start3A_209 = tpu.memref_squeeze %dma_start3A_208 : memref<1x2x1536xi32, #tpu.memory_space<vmem>> -> memref<2x1536xi32, #tpu.memory_space<vmem>>
        %dma_start3A_210 = arith.constant 0 : i32
        %dma_start3A_211 = tpu.memref_slice %dma_start3A_209[%run_scoped3A_194, %dma_start3A_210] : memref<2x1536xi32, #tpu.memory_space<vmem>> -> memref<1x1536xi32, #tpu.memory_space<vmem>>
        %dma_start3A_212 = tpu.memref_squeeze %dma_start3A_211 : memref<1x1536xi32, #tpu.memory_space<vmem>> -> memref<1536xi32, #tpu.memory_space<vmem>>
        %dma_start3A_213 = arith.constant 0 : i32
        %dma_start3A_214 = arith.constant 0 : i32
        %dma_start3A_215 = tpu.memref_slice %arg7[%dma_start3A_213, %dma_start3A_214] : memref<100096x16xbf16, #tpu.memory_space<vmem_shared>> -> memref<100096x16xbf16, #tpu.memory_space<vmem_shared>>
        tpu.enqueue_indirect_dma source(%dma_start3A_205 : memref<1536x16xbf16, #tpu.memory_space<vmem>>) target(%dma_start3A_215 : memref<100096x16xbf16, #tpu.memory_space<vmem_shared>>) offsets(%dma_start3A_212 : memref<1536xi32, #tpu.memory_space<vmem>>) semaphore(%run_scoped3A_201 : memref<!tpu.dma_semaphore, #tpu.memory_space<semaphore_mem>>) {add = true}
        %dma_wait3A_216 = arith.constant 0 : i32
        %dma_wait3A_217 = arith.constant 0 : i32
        %dma_wait3A_218 = tpu.memref_slice %arg6[%run_scoped3A_192, %dma_wait3A_216, %dma_wait3A_217] : memref<2x1536x16xbf16, #tpu.memory_space<vmem>> -> memref<1x1536x16xbf16, #tpu.memory_space<vmem>>
        %dma_wait3A_219 = tpu.memref_squeeze %dma_wait3A_218 : memref<1x1536x16xbf16, #tpu.memory_space<vmem>> -> memref<1536x16xbf16, #tpu.memory_space<vmem>>
        %dma_wait3A_220 = arith.constant 0 : i32
        %dma_wait3A_221 = arith.constant 0 : i32
        %dma_wait3A_222 = tpu.memref_slice %arg5[%run_scoped3A_193, %dma_wait3A_220, %dma_wait3A_221] : memref<2x2x1536xi32, #tpu.memory_space<vmem>> -> memref<1x2x1536xi32, #tpu.memory_space<vmem>>
        %dma_wait3A_223 = tpu.memref_squeeze %dma_wait3A_222 : memref<1x2x1536xi32, #tpu.memory_space<vmem>> -> memref<2x1536xi32, #tpu.memory_space<vmem>>
        %dma_wait3A_224 = arith.constant 0 : i32
        %dma_wait3A_225 = tpu.memref_slice %dma_wait3A_223[%run_scoped3A_194, %dma_wait3A_224] : memref<2x1536xi32, #tpu.memory_space<vmem>> -> memref<1x1536xi32, #tpu.memory_space<vmem>>
        %dma_wait3A_226 = tpu.memref_squeeze %dma_wait3A_225 : memref<1x1536xi32, #tpu.memory_space<vmem>> -> memref<1536xi32, #tpu.memory_space<vmem>>
        %dma_wait3A_227 = arith.constant 0 : i32
        %dma_wait3A_228 = arith.constant 0 : i32
        %dma_wait3A_229 = tpu.memref_slice %arg7[%dma_wait3A_227, %dma_wait3A_228] : memref<100096x16xbf16, #tpu.memory_space<vmem_shared>> -> memref<100096x16xbf16, #tpu.memory_space<vmem_shared>>
        tpu.wait_indirect_dma semaphore(%run_scoped3A_201 : memref<!tpu.dma_semaphore, #tpu.memory_space<semaphore_mem>>) src(%dma_wait3A_219 : memref<1536x16xbf16, #tpu.memory_space<vmem>>) dst(%dma_wait3A_229 : memref<100096x16xbf16, #tpu.memory_space<vmem_shared>>)
        tpu.yield
      }) : () -> ()
      %sub3A_195 = arith.constant 1 : i32
      %sub3A_196 = arith.subi %select_n3A, %sub3A_195 : i32
      %lt3A_197 = arith.cmpi slt, %while3A_108, %sub3A_196 : i32
      %convert_element_type3A_198 = arith.extui %lt3A_197 : i1 to i32
      %cond3A_199 = arith.constant 0 : i32
      %cond3A_200 = arith.cmpi ne, %convert_element_type3A_198, %cond3A_199 : i32
      scf.if %cond3A_200 {
        %mul3A_201 = arith.constant 2 : i32
        %mul3A_202 = arith.muli %mul3A_201, %while3A_108 : i32
        %add3A_203 = arith.constant 3 : i32
        %add3A_204 = arith.addi %mul3A_202, %add3A_203 : i32
        %mul3A_205 = arith.constant 1536 : i32
        %mul3A_206 = arith.muli %add3A_204, %mul3A_205 : i32
        %add3A_207 = arith.addi %select_n3A_32, %mul3A_206 : i32
        %multiple_of3A_208 = tpu.assume_multiple %add3A_207, 256 : i32
        %dma_start3A_209 = arith.constant 1 : i32
        %dma_start3A_210 = arith.constant 0 : i32
        %dma_start3A_211 = arith.constant 0 : i32
        %dma_start3A_212 = tpu.memref_slice %arg5[%dma_start3A_209, %dma_start3A_210, %dma_start3A_211] : memref<2x2x1536xi32, #tpu.memory_space<vmem>> -> memref<1x2x1536xi32, #tpu.memory_space<vmem>>
        %dma_start3A_213 = tpu.memref_squeeze %dma_start3A_212 : memref<1x2x1536xi32, #tpu.memory_space<vmem>> -> memref<2x1536xi32, #tpu.memory_space<vmem>>
        %dma_start3A_214 = arith.constant 0 : i32
        %dma_start3A_215 = tpu.memref_slice %arg3[%dma_start3A_214, %multiple_of3A_208] : memref<2x3244032xi32, #tpu.memory_space<hbm>> -> memref<2x1536xi32, #tpu.memory_space<hbm>>
        %dma_start3A_216 = arith.constant 0 : i32
        %dma_start3A_217 = arith.constant 0 : i32
        %dma_start3A_218 = tpu.memref_slice %arg5[%dma_start3A_209, %dma_start3A_216, %dma_start3A_217] : memref<2x2x1536xi32, #tpu.memory_space<vmem>> -> memref<1x2x1536xi32, #tpu.memory_space<vmem>>
        %dma_start3A_219 = tpu.memref_squeeze %dma_start3A_218 : memref<1x2x1536xi32, #tpu.memory_space<vmem>> -> memref<2x1536xi32, #tpu.memory_space<vmem>>
        %dma_start3A_220 = arith.constant 0 : i32
        %dma_start3A_221 = tpu.memref_slice %arg3[%dma_start3A_220, %multiple_of3A_208] : memref<2x3244032xi32, #tpu.memory_space<hbm>> -> memref<2x1536xi32, #tpu.memory_space<hbm>>
        tpu.enqueue_dma source(%dma_start3A_221 : memref<2x1536xi32, #tpu.memory_space<hbm>>) target(%dma_start3A_219 : memref<2x1536xi32, #tpu.memory_space<vmem>>) target_semaphore(%arg11 : memref<!tpu.dma_semaphore, #tpu.memory_space<semaphore_mem>>)
      } else {
      }
    }
    %barrier3A_104 = arith.constant 0 : index
    tpu.barrier barrier_id(%barrier3A_104)
    %mul3A_105 = arith.constant 6256 : i32
    %mul3A_106 = arith.muli %arg1, %mul3A_105 : i32
    %multiple_of3A_107 = tpu.assume_multiple %mul3A_106, 8 : i32
    "tpu.region"() ({
      %run_scoped3A_108 = tpu.sem_alloc : memref<!tpu.dma_semaphore, #tpu.memory_space<semaphore_mem>>
      %dma_start3A_109 = arith.constant 0 : i32
      %dma_start3A_110 = arith.constant 0 : i32
      %dma_start3A_111 = tpu.memref_slice %arg4[%arg0, %dma_start3A_109, %dma_start3A_110] : memref<2x100096x16xbf16, #tpu.memory_space<hbm>> -> memref<1x100096x16xbf16, #tpu.memory_space<hbm>>
      %dma_start3A_112 = tpu.memref_squeeze %dma_start3A_111 : memref<1x100096x16xbf16, #tpu.memory_space<hbm>> -> memref<100096x16xbf16, #tpu.memory_space<hbm>>
      %dma_start3A_113 = arith.constant 0 : i32
      %dma_start3A_114 = tpu.memref_slice %dma_start3A_112[%multiple_of3A_107, %dma_start3A_113] : memref<100096x16xbf16, #tpu.memory_space<hbm>> -> memref<6256x16xbf16, #tpu.memory_space<hbm>>
      %dma_start3A_115 = arith.constant 0 : i32
      %dma_start3A_116 = tpu.memref_slice %arg7[%multiple_of3A_107, %dma_start3A_115] : memref<100096x16xbf16, #tpu.memory_space<vmem_shared>> -> memref<6256x16xbf16, #tpu.memory_space<vmem_shared>>
      tpu.enqueue_dma source(%dma_start3A_116 : memref<6256x16xbf16, #tpu.memory_space<vmem_shared>>) target(%dma_start3A_114 : memref<6256x16xbf16, #tpu.memory_space<hbm>>) target_semaphore(%run_scoped3A_108 : memref<!tpu.dma_semaphore, #tpu.memory_space<semaphore_mem>>)
      %dma_wait3A_117 = arith.constant 0 : i32
      %dma_wait3A_118 = arith.constant 0 : i32
      %dma_wait3A_119 = tpu.memref_slice %arg4[%arg0, %dma_wait3A_117, %dma_wait3A_118] : memref<2x100096x16xbf16, #tpu.memory_space<hbm>> -> memref<1x100096x16xbf16, #tpu.memory_space<hbm>>
      %dma_wait3A_120 = tpu.memref_squeeze %dma_wait3A_119 : memref<1x100096x16xbf16, #tpu.memory_space<hbm>> -> memref<100096x16xbf16, #tpu.memory_space<hbm>>
      %dma_wait3A_121 = arith.constant 0 : i32
      %dma_wait3A_122 = tpu.memref_slice %dma_wait3A_120[%multiple_of3A_107, %dma_wait3A_121] : memref<100096x16xbf16, #tpu.memory_space<hbm>> -> memref<6256x16xbf16, #tpu.memory_space<hbm>>
      %dma_wait3A_123 = arith.constant 0 : i32
      %dma_wait3A_124 = tpu.memref_slice %arg7[%multiple_of3A_107, %dma_wait3A_123] : memref<100096x16xbf16, #tpu.memory_space<vmem_shared>> -> memref<6256x16xbf16, #tpu.memory_space<vmem_shared>>
      tpu.wait_dma2 semaphore(%run_scoped3A_108 : memref<!tpu.dma_semaphore, #tpu.memory_space<semaphore_mem>>) src(%dma_wait3A_124 : memref<6256x16xbf16, #tpu.memory_space<vmem_shared>>) dst(%dma_wait3A_122 : memref<6256x16xbf16, #tpu.memory_space<hbm>>)
      tpu.yield
    }) : () -> ()
    return
  }
}

module attributes {stable_mosaic.version = 14 : i64} {
  func.func @_prep_body(%arg0: i32, %arg1: memref<2x5000x1xf32, #tpu.memory_space<vmem>>, %arg2: memref<5000x16xf32, #tpu.memory_space<vmem>>, %arg3: memref<5000x1xf32, #tpu.memory_space<vmem>>, %arg4: memref<5000x16xbf16, #tpu.memory_space<vmem>>) attributes {dimension_semantics = [#tpu.dimension_semantics<arbitrary>], iteration_bounds = array<i64: 20>, scalar_prefetch = 0 : i64, scratch_operands = 0 : i64, tpu.core_type = #tpu.core_type<tc>, window_params = [{transform_indices = @transform_0, window_bounds = array<i64: 2, 5000, 1>}, {transform_indices = @transform_1, window_bounds = array<i64: 5000, 16>}, {transform_indices = @transform_2, window_bounds = array<i64: 5000, 1>}, {transform_indices = @transform_3, window_bounds = array<i64: 5000, 16>}]} {
    %get3A = arith.constant 0 : index
    %get3A_0 = arith.constant 0 : index
    %get3A_1 = arith.constant 0 : index
    %get3A_2 = vector.load %arg1[%get3A, %get3A_0, %get3A_1] : memref<2x5000x1xf32, #tpu.memory_space<vmem>>, vector<1x5000x1xf32>
    %get3A_3 = vector.shape_cast %get3A_2 : vector<1x5000x1xf32> to vector<5000x1xf32>
    %get3A_4 = arith.constant 1 : index
    %get3A_5 = arith.constant 0 : index
    %get3A_6 = arith.constant 0 : index
    %get3A_7 = vector.load %arg1[%get3A_4, %get3A_5, %get3A_6] : memref<2x5000x1xf32, #tpu.memory_space<vmem>>, vector<1x5000x1xf32>
    %get3A_8 = vector.shape_cast %get3A_7 : vector<1x5000x1xf32> to vector<5000x1xf32>
    %add3A = arith.addf %get3A_3, %get3A_8 : vector<5000x1xf32>
    %add3A_9 = arith.constant 1.000000e+00 : f32
    %add3A_10 = vector.broadcast %add3A_9 : f32 to vector<5000x1xf32>
    %add3A_11 = arith.addf %add3A, %add3A_10 : vector<5000x1xf32>
    %rsqrt3A = math.rsqrt %add3A_11 : vector<5000x1xf32>
    %swap3A = arith.constant 0 : index
    %swap3A_12 = arith.constant 0 : index
    %swap3A_13 = vector.load %arg3[%swap3A, %swap3A_12] : memref<5000x1xf32, #tpu.memory_space<vmem>>, vector<5000x1xf32>
    tpu.vector_store %arg3[%swap3A, %swap3A_12], %rsqrt3A {strides = array<i32>} : memref<5000x1xf32, #tpu.memory_space<vmem>>, vector<5000x1xf32>,
    %get3A_14 = arith.constant 0 : index
    %get3A_15 = arith.constant 0 : index
    %get3A_16 = vector.load %arg2[%get3A_14, %get3A_15] : memref<5000x16xf32, #tpu.memory_space<vmem>>, vector<5000x16xf32>
    %mul3A = vector.broadcast %rsqrt3A : vector<5000x1xf32> to vector<5000x16xf32>
    %mul3A_17 = arith.mulf %get3A_16, %mul3A : vector<5000x16xf32>
    %convert_element_type3A = arith.truncf %mul3A_17 : vector<5000x16xf32> to vector<5000x16xbf16>
    %swap3A_18 = arith.constant 0 : index
    %swap3A_19 = arith.constant 0 : index
    %swap3A_20 = vector.load %arg4[%swap3A_18, %swap3A_19] : memref<5000x16xbf16, #tpu.memory_space<vmem>>, vector<5000x16xbf16>
    tpu.vector_store %arg4[%swap3A_18, %swap3A_19], %convert_element_type3A {strides = array<i32>} : memref<5000x16xbf16, #tpu.memory_space<vmem>>, vector<5000x16xbf16>,
    return
  }
  func.func @transform_0(%arg0: i32) -> (i32, i32, i32) {
    %c0_i32 = arith.constant 0 : i32
    %c0_i32_0 = arith.constant 0 : i32
    %c0_i32_1 = arith.constant 0 : i32
    return %c0_i32, %arg0, %c0_i32_0 : i32, i32, i32
  }
  func.func @transform_1(%arg0: i32) -> (i32, i32) {
    %c0_i32 = arith.constant 0 : i32
    %c0_i32_0 = arith.constant 0 : i32
    return %arg0, %c0_i32 : i32, i32
  }
  func.func @transform_2(%arg0: i32) -> (i32, i32) {
    %c0_i32 = arith.constant 0 : i32
    %c0_i32_0 = arith.constant 0 : i32
    return %arg0, %c0_i32 : i32, i32
  }
  func.func @transform_3(%arg0: i32) -> (i32, i32) {
    %c0_i32 = arith.constant 0 : i32
    %c0_i32_0 = arith.constant 0 : i32
    return %arg0, %c0_i32 : i32, i32
  }
}

module attributes {stable_mosaic.version = 14 : i64} {
  func.func @_mid_body(%arg0: i32, %arg1: memref<2x5000x16xbf16, #tpu.memory_space<vmem>>, %arg2: memref<5000x16xbf16, #tpu.memory_space<vmem>>, %arg3: memref<5000x1xf32, #tpu.memory_space<vmem>>, %arg4: memref<16x64xf32, #tpu.memory_space<vmem>>, %arg5: memref<1x64xf32, #tpu.memory_space<vmem>>, %arg6: memref<64x32xf32, #tpu.memory_space<vmem>>, %arg7: memref<5000x32xbf16, #tpu.memory_space<vmem>>) attributes {dimension_semantics = [#tpu.dimension_semantics<arbitrary>], iteration_bounds = array<i64: 20>, scalar_prefetch = 0 : i64, scratch_operands = 0 : i64, tpu.core_type = #tpu.core_type<tc>, window_params = [{transform_indices = @transform_0, window_bounds = array<i64: 2, 5000, 16>}, {transform_indices = @transform_1, window_bounds = array<i64: 5000, 16>}, {transform_indices = @transform_2, window_bounds = array<i64: 5000, 1>}, {pipeline_mode = #tpu.pipeline_mode<synchronous>, transform_indices = @transform_3, window_bounds = array<i64: 16, 64>}, {pipeline_mode = #tpu.pipeline_mode<synchronous>, transform_indices = @transform_4, window_bounds = array<i64: 1, 64>}, {pipeline_mode = #tpu.pipeline_mode<synchronous>, transform_indices = @transform_5, window_bounds = array<i64: 64, 32>}, {transform_indices = @transform_6, window_bounds = array<i64: 5000, 32>}]} {
    %get3A = arith.constant 0 : index
    %get3A_0 = arith.constant 0 : index
    %get3A_1 = vector.load %arg3[%get3A, %get3A_0] : memref<5000x1xf32, #tpu.memory_space<vmem>>, vector<5000x1xf32>
    %get3A_2 = arith.constant 0 : index
    %get3A_3 = arith.constant 0 : index
    %get3A_4 = arith.constant 0 : index
    %get3A_5 = vector.load %arg1[%get3A_2, %get3A_3, %get3A_4] : memref<2x5000x16xbf16, #tpu.memory_space<vmem>>, vector<1x5000x16xbf16>
    %get3A_6 = vector.shape_cast %get3A_5 : vector<1x5000x16xbf16> to vector<5000x16xbf16>
    %convert_element_type3A = arith.extf %get3A_6 : vector<5000x16xbf16> to vector<5000x16xf32>
    %get3A_7 = arith.constant 1 : index
    %get3A_8 = arith.constant 0 : index
    %get3A_9 = arith.constant 0 : index
    %get3A_10 = vector.load %arg1[%get3A_7, %get3A_8, %get3A_9] : memref<2x5000x16xbf16, #tpu.memory_space<vmem>>, vector<1x5000x16xbf16>
    %get3A_11 = vector.shape_cast %get3A_10 : vector<1x5000x16xbf16> to vector<5000x16xbf16>
    %convert_element_type3A_12 = arith.extf %get3A_11 : vector<5000x16xbf16> to vector<5000x16xf32>
    %add3A = arith.addf %convert_element_type3A, %convert_element_type3A_12 : vector<5000x16xf32>
    %get3A_13 = arith.constant 0 : index
    %get3A_14 = arith.constant 0 : index
    %get3A_15 = vector.load %arg2[%get3A_13, %get3A_14] : memref<5000x16xbf16, #tpu.memory_space<vmem>>, vector<5000x16xbf16>
    %convert_element_type3A_16 = arith.extf %get3A_15 : vector<5000x16xbf16> to vector<5000x16xf32>
    %add3A_17 = arith.addf %add3A, %convert_element_type3A_16 : vector<5000x16xf32>
    %mul3A = vector.broadcast %get3A_1 : vector<5000x1xf32> to vector<5000x16xf32>
    %mul3A_18 = arith.mulf %add3A_17, %mul3A : vector<5000x16xf32>
    %get3A_19 = arith.constant 0 : index
    %get3A_20 = arith.constant 0 : index
    %get3A_21 = vector.load %arg4[%get3A_19, %get3A_20] : memref<16x64xf32, #tpu.memory_space<vmem>>, vector<16x64xf32>
    %dot_general3A = arith.constant dense<0.000000e+00> : vector<5000x64xf32>
    %dot_general3A_22 = tpu.matmul %mul3A_18, %get3A_21, %dot_general3A {dimension_numbers = #tpu.dot_dimension_numbers<[1], [0], [0], [1], [0, 0, 1, 1], [], []>, transpose_lhs_hint = false} : vector<5000x16xf32>, vector<16x64xf32>, vector<5000x64xf32> -> vector<5000x64xf32>
    %get3A_23 = arith.constant 0 : index
    %get3A_24 = arith.constant 0 : index
    %get3A_25 = vector.load %arg5[%get3A_23, %get3A_24] : memref<1x64xf32, #tpu.memory_space<vmem>>, vector<1x64xf32>
    %add3A_26 = vector.broadcast %get3A_25 : vector<1x64xf32> to vector<5000x64xf32>
    %add3A_27 = arith.addf %dot_general3A_22, %add3A_26 : vector<5000x64xf32>
    %max3A = arith.constant 0.000000e+00 : f32
    %max3A_28 = vector.broadcast %max3A : f32 to vector<5000x64xf32>
    %max3A_29 = arith.maximumf %add3A_27, %max3A_28 : vector<5000x64xf32>
    %get3A_30 = arith.constant 0 : index
    %get3A_31 = arith.constant 0 : index
    %get3A_32 = vector.load %arg6[%get3A_30, %get3A_31] : memref<64x32xf32, #tpu.memory_space<vmem>>, vector<64x32xf32>
    %dot_general3A_33 = arith.constant dense<0.000000e+00> : vector<5000x32xf32>
    %dot_general3A_34 = tpu.matmul %max3A_29, %get3A_32, %dot_general3A_33 {dimension_numbers = #tpu.dot_dimension_numbers<[1], [0], [0], [1], [0, 0, 1, 1], [], []>, transpose_lhs_hint = false} : vector<5000x64xf32>, vector<64x32xf32>, vector<5000x32xf32> -> vector<5000x32xf32>
    %mul3A_35 = vector.broadcast %get3A_1 : vector<5000x1xf32> to vector<5000x32xf32>
    %mul3A_36 = arith.mulf %dot_general3A_34, %mul3A_35 : vector<5000x32xf32>
    %convert_element_type3A_37 = arith.truncf %mul3A_36 : vector<5000x32xf32> to vector<5000x32xbf16>
    %swap3A = arith.constant 0 : index
    %swap3A_38 = arith.constant 0 : index
    %swap3A_39 = vector.load %arg7[%swap3A, %swap3A_38] : memref<5000x32xbf16, #tpu.memory_space<vmem>>, vector<5000x32xbf16>
    tpu.vector_store %arg7[%swap3A, %swap3A_38], %convert_element_type3A_37 {strides = array<i32>} : memref<5000x32xbf16, #tpu.memory_space<vmem>>, vector<5000x32xbf16>,
    return
  }
  func.func @transform_0(%arg0: i32) -> (i32, i32, i32) {
    %c0_i32 = arith.constant 0 : i32
    %c0_i32_0 = arith.constant 0 : i32
    %c0_i32_1 = arith.constant 0 : i32
    return %c0_i32, %arg0, %c0_i32_0 : i32, i32, i32
  }
  func.func @transform_1(%arg0: i32) -> (i32, i32) {
    %c0_i32 = arith.constant 0 : i32
    %c0_i32_0 = arith.constant 0 : i32
    return %arg0, %c0_i32 : i32, i32
  }
  func.func @transform_2(%arg0: i32) -> (i32, i32) {
    %c0_i32 = arith.constant 0 : i32
    %c0_i32_0 = arith.constant 0 : i32
    return %arg0, %c0_i32 : i32, i32
  }
  func.func @transform_3(%arg0: i32) -> (i32, i32) {
    %c0_i32 = arith.constant 0 : i32
    %c0_i32_0 = arith.constant 0 : i32
    %c0_i32_1 = arith.constant 0 : i32
    return %c0_i32, %c0_i32_0 : i32, i32
  }
  func.func @transform_4(%arg0: i32) -> (i32, i32) {
    %c0_i32 = arith.constant 0 : i32
    %c0_i32_0 = arith.constant 0 : i32
    %c0_i32_1 = arith.constant 0 : i32
    return %c0_i32, %c0_i32_0 : i32, i32
  }
  func.func @transform_5(%arg0: i32) -> (i32, i32) {
    %c0_i32 = arith.constant 0 : i32
    %c0_i32_0 = arith.constant 0 : i32
    %c0_i32_1 = arith.constant 0 : i32
    return %c0_i32, %c0_i32_0 : i32, i32
  }
  func.func @transform_6(%arg0: i32) -> (i32, i32) {
    %c0_i32 = arith.constant 0 : i32
    %c0_i32_0 = arith.constant 0 : i32
    return %arg0, %c0_i32 : i32, i32
  }
}

module attributes {stable_mosaic.version = 14 : i64} {
  func.func @_final_body(%arg0: i32, %arg1: memref<2x5000x32xbf16, #tpu.memory_space<vmem>>, %arg2: memref<5000x32xbf16, #tpu.memory_space<vmem>>, %arg3: memref<5000x1xf32, #tpu.memory_space<vmem>>, %arg4: memref<5000x1xi32, #tpu.memory_space<vmem>>, %arg5: memref<1x32xf32, #tpu.memory_space<vmem>>, %arg6: memref<32x32xf32, #tpu.memory_space<vmem>>, %arg7: memref<1x32xf32, #tpu.memory_space<vmem>>, %arg8: memref<32x32xf32, #tpu.memory_space<vmem>>, %arg9: memref<1x32xf32, #tpu.memory_space<vmem>>, %arg10: memref<128x32xf32, #tpu.memory_space<vmem>>, %arg11: memref<128x33xf32, #tpu.memory_space<vmem>>) attributes {dimension_semantics = [#tpu.dimension_semantics<arbitrary>], iteration_bounds = array<i64: 20>, scalar_prefetch = 0 : i64, scratch_operands = 1 : i64, tpu.core_type = #tpu.core_type<tc>, window_params = [{transform_indices = @transform_0, window_bounds = array<i64: 2, 5000, 32>}, {transform_indices = @transform_1, window_bounds = array<i64: 5000, 32>}, {transform_indices = @transform_2, window_bounds = array<i64: 5000, 1>}, {transform_indices = @transform_3, window_bounds = array<i64: 5000, 1>}, {pipeline_mode = #tpu.pipeline_mode<synchronous>, transform_indices = @transform_4, window_bounds = array<i64: 1, 32>}, {pipeline_mode = #tpu.pipeline_mode<synchronous>, transform_indices = @transform_5, window_bounds = array<i64: 32, 32>}, {pipeline_mode = #tpu.pipeline_mode<synchronous>, transform_indices = @transform_6, window_bounds = array<i64: 1, 32>}, {pipeline_mode = #tpu.pipeline_mode<synchronous>, transform_indices = @transform_7, window_bounds = array<i64: 32, 32>}, {pipeline_mode = #tpu.pipeline_mode<synchronous>, transform_indices = @transform_8, window_bounds = array<i64: 1, 32>}, {pipeline_mode = #tpu.pipeline_mode<synchronous>, transform_indices = @transform_9, window_bounds = array<i64: 128, 32>}]} {
    %get3A = arith.constant 0 : index
    %get3A_0 = arith.constant 0 : index
    %get3A_1 = arith.constant 0 : index
    %get3A_2 = vector.load %arg1[%get3A, %get3A_0, %get3A_1] : memref<2x5000x32xbf16, #tpu.memory_space<vmem>>, vector<1x5000x32xbf16>
    %get3A_3 = vector.shape_cast %get3A_2 : vector<1x5000x32xbf16> to vector<5000x32xbf16>
    %convert_element_type3A = arith.extf %get3A_3 : vector<5000x32xbf16> to vector<5000x32xf32>
    %get3A_4 = arith.constant 1 : index
    %get3A_5 = arith.constant 0 : index
    %get3A_6 = arith.constant 0 : index
    %get3A_7 = vector.load %arg1[%get3A_4, %get3A_5, %get3A_6] : memref<2x5000x32xbf16, #tpu.memory_space<vmem>>, vector<1x5000x32xbf16>
    %get3A_8 = vector.shape_cast %get3A_7 : vector<1x5000x32xbf16> to vector<5000x32xbf16>
    %convert_element_type3A_9 = arith.extf %get3A_8 : vector<5000x32xbf16> to vector<5000x32xf32>
    %add3A = arith.addf %convert_element_type3A, %convert_element_type3A_9 : vector<5000x32xf32>
    %get3A_10 = arith.constant 0 : index
    %get3A_11 = arith.constant 0 : index
    %get3A_12 = vector.load %arg2[%get3A_10, %get3A_11] : memref<5000x32xbf16, #tpu.memory_space<vmem>>, vector<5000x32xbf16>
    %convert_element_type3A_13 = arith.extf %get3A_12 : vector<5000x32xbf16> to vector<5000x32xf32>
    %add3A_14 = arith.addf %add3A, %convert_element_type3A_13 : vector<5000x32xf32>
    %get3A_15 = arith.constant 0 : index
    %get3A_16 = arith.constant 0 : index
    %get3A_17 = vector.load %arg3[%get3A_15, %get3A_16] : memref<5000x1xf32, #tpu.memory_space<vmem>>, vector<5000x1xf32>
    %mul3A = vector.broadcast %get3A_17 : vector<5000x1xf32> to vector<5000x32xf32>
    %mul3A_18 = arith.mulf %add3A_14, %mul3A : vector<5000x32xf32>
    %broadcast_in_dim3A = arith.constant 1.000000e+00 : f32
    %broadcast_in_dim3A_19 = vector.broadcast %broadcast_in_dim3A : f32 to vector<5000x1xf32>
    %concatenate3A = tpu.concatenate %mul3A_18, %broadcast_in_dim3A_19 in 1 : vector<5000x32xf32>, vector<5000x1xf32> -> vector<5000x33xf32>
    %iota3A = tpu.iota {dimensions = array<i32: 1>} : vector<5000x128xi32>
    %get3A_20 = arith.constant 0 : index
    %get3A_21 = arith.constant 0 : index
    %get3A_22 = vector.load %arg4[%get3A_20, %get3A_21] : memref<5000x1xi32, #tpu.memory_space<vmem>>, vector<5000x1xi32>
    %eq3A = vector.broadcast %get3A_22 : vector<5000x1xi32> to vector<5000x128xi32>
    %eq3A_23 = arith.cmpi eq, %iota3A, %eq3A : vector<5000x128xi32>
    %convert_element_type3A_24 = arith.extui %eq3A_23 : vector<5000x128xi1> to vector<5000x128xi32>
    %convert_element_type3A_25 = arith.sitofp %convert_element_type3A_24 : vector<5000x128xi32> to vector<5000x128xf32>
    %dot_general3A = arith.constant dense<0.000000e+00> : vector<128x33xf32>
    %dot_general3A_26 = tpu.matmul %convert_element_type3A_25, %concatenate3A, %dot_general3A {dimension_numbers = #tpu.dot_dimension_numbers<[0], [0], [1], [1], [0, 1, 1, 1], [], []>, transpose_lhs_hint = false} : vector<5000x128xf32>, vector<5000x33xf32>, vector<128x33xf32> -> vector<128x33xf32>
    %eq3A_27 = arith.constant 0 : i32
    %eq3A_28 = arith.cmpi eq, %arg0, %eq3A_27 : i32
    %convert_element_type3A_29 = arith.extui %eq3A_28 : i1 to i32
    %cond3A = arith.constant 0 : i32
    %cond3A_30 = arith.cmpi ne, %convert_element_type3A_29, %cond3A : i32
    scf.if %cond3A_30 {
      %swap3A = arith.constant 0 : index
      %swap3A_40 = arith.constant 0 : index
      %swap3A_41 = vector.load %arg11[%swap3A, %swap3A_40] : memref<128x33xf32, #tpu.memory_space<vmem>>, vector<128x33xf32>
      tpu.vector_store %arg11[%swap3A, %swap3A_40], %dot_general3A_26 {strides = array<i32>} : memref<128x33xf32, #tpu.memory_space<vmem>>, vector<128x33xf32>,
    } else {
    }
    %gt3A = arith.constant 0 : i32
    %gt3A_31 = arith.cmpi sgt, %arg0, %gt3A : i32
    %convert_element_type3A_32 = arith.extui %gt3A_31 : i1 to i32
    %cond3A_33 = arith.constant 0 : i32
    %cond3A_34 = arith.cmpi ne, %convert_element_type3A_32, %cond3A_33 : i32
    scf.if %cond3A_34 {
      %get3A_40 = arith.constant 0 : index
      %get3A_41 = arith.constant 0 : index
      %get3A_42 = vector.load %arg11[%get3A_40, %get3A_41] : memref<128x33xf32, #tpu.memory_space<vmem>>, vector<128x33xf32>
      %add3A_43 = arith.addf %get3A_42, %dot_general3A_26 : vector<128x33xf32>
      %swap3A = arith.constant 0 : index
      %swap3A_44 = arith.constant 0 : index
      %swap3A_45 = vector.load %arg11[%swap3A, %swap3A_44] : memref<128x33xf32, #tpu.memory_space<vmem>>, vector<128x33xf32>
      tpu.vector_store %arg11[%swap3A, %swap3A_44], %add3A_43 {strides = array<i32>} : memref<128x33xf32, #tpu.memory_space<vmem>>, vector<128x33xf32>,
    } else {
    }
    %eq3A_35 = arith.constant 19 : i32
    %eq3A_36 = arith.cmpi eq, %arg0, %eq3A_35 : i32
    %convert_element_type3A_37 = arith.extui %eq3A_36 : i1 to i32
    %cond3A_38 = arith.constant 0 : i32
    %cond3A_39 = arith.cmpi ne, %convert_element_type3A_37, %cond3A_38 : i32
    scf.if %cond3A_39 {
      %get3A_40 = arith.constant 0 : index
      %get3A_41 = arith.constant 0 : index
      %get3A_42 = vector.load %arg11[%get3A_40, %get3A_41] : memref<128x33xf32, #tpu.memory_space<vmem>>, vector<128x33xf32>
      %slice3A = vector.extract_strided_slice %get3A_42 {offsets = [0, 0], sizes = [128, 32], strides = [1, 1]} : vector<128x33xf32> to vector<128x32xf32>
      %slice3A_43 = vector.extract_strided_slice %get3A_42 {offsets = [0, 32], sizes = [128, 1], strides = [1, 1]} : vector<128x33xf32> to vector<128x1xf32>
      %max3A = arith.constant 1.000000e+00 : f32
      %max3A_44 = vector.broadcast %max3A : f32 to vector<128x1xf32>
      %max3A_45 = arith.maximumf %slice3A_43, %max3A_44 : vector<128x1xf32>
      %div3A = vector.broadcast %max3A_45 : vector<128x1xf32> to vector<128x32xf32>
      %div3A_46 = arith.divf %slice3A, %div3A : vector<128x32xf32>
      %get3A_47 = arith.constant 0 : index
      %get3A_48 = arith.constant 0 : index
      %get3A_49 = vector.load %arg5[%get3A_47, %get3A_48] : memref<1x32xf32, #tpu.memory_space<vmem>>, vector<1x32xf32>
      %add3A_50 = vector.broadcast %get3A_49 : vector<1x32xf32> to vector<128x32xf32>
      %add3A_51 = arith.addf %div3A_46, %add3A_50 : vector<128x32xf32>
      %get3A_52 = arith.constant 0 : index
      %get3A_53 = arith.constant 0 : index
      %get3A_54 = vector.load %arg6[%get3A_52, %get3A_53] : memref<32x32xf32, #tpu.memory_space<vmem>>, vector<32x32xf32>
      %dot_general3A_55 = arith.constant dense<0.000000e+00> : vector<128x32xf32>
      %dot_general3A_56 = tpu.matmul %add3A_51, %get3A_54, %dot_general3A_55 {dimension_numbers = #tpu.dot_dimension_numbers<[1], [0], [0], [1], [0, 0, 1, 1], [], []>, transpose_lhs_hint = false} : vector<128x32xf32>, vector<32x32xf32>, vector<128x32xf32> -> vector<128x32xf32>
      %get3A_57 = arith.constant 0 : index
      %get3A_58 = arith.constant 0 : index
      %get3A_59 = vector.load %arg7[%get3A_57, %get3A_58] : memref<1x32xf32, #tpu.memory_space<vmem>>, vector<1x32xf32>
      %add3A_60 = vector.broadcast %get3A_59 : vector<1x32xf32> to vector<128x32xf32>
      %add3A_61 = arith.addf %dot_general3A_56, %add3A_60 : vector<128x32xf32>
      %max3A_62 = arith.constant 0.000000e+00 : f32
      %max3A_63 = vector.broadcast %max3A_62 : f32 to vector<128x32xf32>
      %max3A_64 = arith.maximumf %add3A_61, %max3A_63 : vector<128x32xf32>
      %get3A_65 = arith.constant 0 : index
      %get3A_66 = arith.constant 0 : index
      %get3A_67 = vector.load %arg8[%get3A_65, %get3A_66] : memref<32x32xf32, #tpu.memory_space<vmem>>, vector<32x32xf32>
      %dot_general3A_68 = arith.constant dense<0.000000e+00> : vector<128x32xf32>
      %dot_general3A_69 = tpu.matmul %max3A_64, %get3A_67, %dot_general3A_68 {dimension_numbers = #tpu.dot_dimension_numbers<[1], [0], [0], [1], [0, 0, 1, 1], [], []>, transpose_lhs_hint = false} : vector<128x32xf32>, vector<32x32xf32>, vector<128x32xf32> -> vector<128x32xf32>
      %get3A_70 = arith.constant 0 : index
      %get3A_71 = arith.constant 0 : index
      %get3A_72 = vector.load %arg9[%get3A_70, %get3A_71] : memref<1x32xf32, #tpu.memory_space<vmem>>, vector<1x32xf32>
      %add3A_73 = vector.broadcast %get3A_72 : vector<1x32xf32> to vector<128x32xf32>
      %add3A_74 = arith.addf %dot_general3A_69, %add3A_73 : vector<128x32xf32>
      %swap3A = arith.constant 0 : index
      %swap3A_75 = arith.constant 0 : index
      %swap3A_76 = vector.load %arg10[%swap3A, %swap3A_75] : memref<128x32xf32, #tpu.memory_space<vmem>>, vector<128x32xf32>
      tpu.vector_store %arg10[%swap3A, %swap3A_75], %add3A_74 {strides = array<i32>} : memref<128x32xf32, #tpu.memory_space<vmem>>, vector<128x32xf32>,
    } else {
    }
    return
  }
  func.func @transform_0(%arg0: i32) -> (i32, i32, i32) {
    %c0_i32 = arith.constant 0 : i32
    %c0_i32_0 = arith.constant 0 : i32
    %c0_i32_1 = arith.constant 0 : i32
    return %c0_i32, %arg0, %c0_i32_0 : i32, i32, i32
  }
  func.func @transform_1(%arg0: i32) -> (i32, i32) {
    %c0_i32 = arith.constant 0 : i32
    %c0_i32_0 = arith.constant 0 : i32
    return %arg0, %c0_i32 : i32, i32
  }
  func.func @transform_2(%arg0: i32) -> (i32, i32) {
    %c0_i32 = arith.constant 0 : i32
    %c0_i32_0 = arith.constant 0 : i32
    return %arg0, %c0_i32 : i32, i32
  }
  func.func @transform_3(%arg0: i32) -> (i32, i32) {
    %c0_i32 = arith.constant 0 : i32
    %c0_i32_0 = arith.constant 0 : i32
    return %arg0, %c0_i32 : i32, i32
  }
  func.func @transform_4(%arg0: i32) -> (i32, i32) {
    %c0_i32 = arith.constant 0 : i32
    %c0_i32_0 = arith.constant 0 : i32
    %c0_i32_1 = arith.constant 0 : i32
    return %c0_i32, %c0_i32_0 : i32, i32
  }
  func.func @transform_5(%arg0: i32) -> (i32, i32) {
    %c0_i32 = arith.constant 0 : i32
    %c0_i32_0 = arith.constant 0 : i32
    %c0_i32_1 = arith.constant 0 : i32
    return %c0_i32, %c0_i32_0 : i32, i32
  }
  func.func @transform_6(%arg0: i32) -> (i32, i32) {
    %c0_i32 = arith.constant 0 : i32
    %c0_i32_0 = arith.constant 0 : i32
    %c0_i32_1 = arith.constant 0 : i32
    return %c0_i32, %c0_i32_0 : i32, i32
  }
  func.func @transform_7(%arg0: i32) -> (i32, i32) {
    %c0_i32 = arith.constant 0 : i32
    %c0_i32_0 = arith.constant 0 : i32
    %c0_i32_1 = arith.constant 0 : i32
    return %c0_i32, %c0_i32_0 : i32, i32
  }
  func.func @transform_8(%arg0: i32) -> (i32, i32) {
    %c0_i32 = arith.constant 0 : i32
    %c0_i32_0 = arith.constant 0 : i32
    %c0_i32_1 = arith.constant 0 : i32
    return %c0_i32, %c0_i32_0 : i32, i32
  }
  func.func @transform_9(%arg0: i32) -> (i32, i32) {
    %c0_i32 = arith.constant 0 : i32
    %c0_i32_0 = arith.constant 0 : i32
    %c0_i32_1 = arith.constant 0 : i32
    return %c0_i32, %c0_i32_0 : i32, i32
  }
}

</mosaic_0001>

<sc_bundles>
// kernel: kernel.11.cloned.1.call-start
scs
__scs_entry_jumppad:
0x0: {  	(pc) =	sbr.rel $0x88, $3  }
0x1: {  	(tag) =	ssettag $0x0;
	lr =	simm.s32 $0x1  }
0x2: {  	[smem:$0x3F96] =	sst lr;
	_ =	strace $0xD0000000  }
0x3: {  	_ = 	snop  }
0x4: {  	_ = 	snop  }
0x5: {  	_ = 	snop  }
0x6: {  	_ = 	snop  }
0x7: {  	_ = 	snop  }
__scs_overlays_trampoline_lowered:
0x8: {  	[smem:$0x3FA5] =	sst s0  }
0x9: {  	[smem:$0x3FA6] =	sst s1  }
0xa: {  	[smem:$0x3FA7] =	sst s2  }
0xb: {  	[smem:$0x3FA8] =	sst s3  }
0xc: {  	[smem:$0x3FA9] =	sst s4  }
0xd: {  	[smem:$0x3FAA] =	sst s5  }
0xe: {  	[smem:$0x3FAB] =	sst s6  }
0xf: {  	[smem:$0x3FAC] =	sst s7  }
0x10: {  	[smem:$0x3FAD] =	sst s8  }
0x11: {  	[smem:$0x3FAE] =	sst s9;
	s0 =	simm.s32 @!p0 $0x0  }
0x12: {  	s1 =	sld [smem:$0x3F94];
	s0 =	simm.s32 @p0 $0x1  }
0x13: {  	[smem:$0x3FAF] =	sst s0;
	s0 =	simm.s32 @!p1 $0x0  }
0x14: {  	s2 =	sld [smem:$0x3F93];
	s0 =	simm.s32 @p1 $0x1  }
0x15: {  	[smem:$0x3FB0] =	sst s0;
	s0 =	simm.s32 @!p2 $0x0  }
0x16: {  	s3 =	sld [smem:$0x3FDB];
	s0 =	simm.s32 @p2 $0x1  }
0x17: {  	s4 =	simm.s32 $0x1BF5;
	[smem:$0x3FB2] =	sst s0  }
0x18: {  	s0 =	sld [smem:$0x3F95];
	_ =	swait.ge [sflag:s4], $0x0  }
0x19: {  	s7 =	sld [smem:$0x3F96]  }
0x1a: {  	s8 =	sadd.s32 $0xFFFFE003, lr  }
0x1b: {  	s9 =	sadd.s32 $0xFFFFFEF7, lr;
	s5 =	simm.s32 $0xFFFFFFFF;
	p2 =	slt.u32 s8, $0xFFFFF086  }
0x1c: {  	p1 =	slt.u32 s9, $0xF7A;
	s5 =	simm.s32 @!p2 $0x0  }
0x1d: {  	s5 =	simm.s32 @p1 $0x1;
	p0 =	seq.s32 s7, s2  }
0x1e: {  	s7 =	smul.u32 @!p0 $0xF7A, s2;
	p2 =	seq.s32 @!p0 s5, $0x0  }
0x1f: {  	s9 =	smul.u32 $0xF7A, s1;
	s8 =	simm.s32 @!p0 $0x1BF5;
	p2 =	por !p2, p0  }
0x20: {  	[sflag:s8] =	ssyncset.s32 @!p0 $0xFFFFF086;
	s6 =	sadd.s32 @!p0 s3, s7;
	s7 =	simm.s32 @!p0 $0x108  }
0x21: {  	s3 =	sadd.s32 s3, s9;
	s6 =	sadd.s32 @!p0 $0x88, s6;
	s7 =	simm.s32 @p2 $0x1082  }
0x22: {  	[simem:s7], [sflag:s8] =	dma.local @!p0 [hbm:s6], $0xF7A  }
0x23: {  	s9 =	sor.u32 $0xD0000000, s2;
	s6 =	simm.s32 $0x108;
	_ =	swait.ge @!p0 [sflag:s8], $0x0  }
0x24: {  	s3 =	sadd.s32 $0x88, s3;
	s6 =	simm.s32 @!p1 $0x1082;
	[sflag:s4] =	ssyncset.s32 $0xFFFFF086  }
0x25: {  	[simem:s6], [sflag:s4] =	dma.local [hbm:s3], $0xF7A  }
0x26: {  	[smem:$0x3F96] =	sst s1;
	(tag) =	ssettag s2;
	_ =	strace s9  }
0x27: {  	s1 =	sld [smem:$0x3FA6]  }
0x28: {  	s2 =	sld [smem:$0x3FA7]  }
0x29: {  	s4 =	sld [smem:$0x3FA9]  }
0x2a: {  	p0 =	seq.s32 s5, $0x0;
	s5 =	sld [smem:$0x3FAA]  }
0x2b: {  	s6 =	sld [smem:$0x3FAB]  }
0x2c: {  	s7 =	sld [smem:$0x3FAC]  }
0x2d: {  	s3 =	simm.s32 $0x108;
	s8 =	sld [smem:$0x3FAD]  }
0x2e: {  	s3 =	simm.s32 @!p0 $0x1082;
	s9 =	sld [smem:$0x3FAE]  }
0x2f: {  	lr =	sadd.s32 s0, s3;
	s0 =	sld [smem:$0x3FA5]  }
0x30: {  	s3 =	sld [smem:$0x3FA8]  }
0x31: {  	[smem:$0x3FB1] =	sst s10  }
0x32: {  	s10 =	sld [smem:$0x3FAF];
	_ =	sdelay $0x3  }
0x33: {  	p0 =	seq.s32 s10, $0x1;
	s10 =	sld [smem:$0x3FB1];
	_ =	sdelay $0x3  }
0x34: {  	[smem:$0x3FB1] =	sst s10  }
0x35: {  	s10 =	sld [smem:$0x3FB0];
	_ =	sdelay $0x3  }
0x36: {  	p1 =	seq.s32 s10, $0x1;
	s10 =	sld [smem:$0x3FB1];
	_ =	sdelay $0x3  }
0x37: {  	[smem:$0x3FB1] =	sst s10  }
0x38: {  	s10 =	sld [smem:$0x3FB2]  }
0x39: {  	_ = 	snop;
	(pc) =	sbr.ind lr, $3  }
0x3a: {  	_ = 	snop  }
0x3b: {  	_ = 	snop  }
0x3c: {  	p2 =	seq.s32 s10, $0x1;
	s10 =	sld [smem:$0x3FB1]  }
0x3d: {  	_ =	shalt  }
0x3e: {  	_ =	shalt  }
0x3f: {  	_ =	shalt  }
0x40: {  	_ =	shalt  }
0x41: {  	_ =	shalt  }
0x42: {  	_ =	shalt  }
0x43: {  	_ =	shalt  }
0x44: {  	_ =	shalt  }
0x45: {  	_ =	shalt  }
0x46: {  	_ =	shalt  }
0x47: {  	_ =	shalt  }
0x48: {  	_ =	shalt  }
0x49: {  	_ =	shalt  }
0x4a: {  	_ =	shalt  }
0x4b: {  	_ =	shalt  }
0x4c: {  	_ =	shalt  }
0x4d: {  	_ =	shalt  }
0x4e: {  	_ =	shalt  }
0x4f: {  	_ =	shalt  }
0x50: {  	_ =	shalt  }
0x51: {  	_ =	shalt  }
0x52: {  	_ =	shalt  }
0x53: {  	_ =	shalt  }
0x54: {  	_ =	shalt  }
0x55: {  	_ =	shalt  }
0x56: {  	_ =	shalt  }
0x57: {  	_ =	shalt  }
0x58: {  	_ =	shalt  }
0x59: {  	_ =	shalt  }
0x5a: {  	_ =	shalt  }
0x5b: {  	_ =	shalt  }
0x5c: {  	_ =	shalt  }
0x5d: {  	_ =	shalt  }
0x5e: {  	_ =	shalt  }
0x5f: {  	_ =	shalt  }
0x60: {  	_ =	shalt  }
0x61: {  	_ =	shalt  }
0x62: {  	_ =	shalt  }
0x63: {  	_ =	shalt  }
0x64: {  	_ =	shalt  }
0x65: {  	_ =	shalt  }
0x66: {  	_ =	shalt  }
0x67: {  	_ =	shalt  }
0x68: {  	_ =	shalt  }
0x69: {  	_ =	shalt  }
0x6a: {  	_ =	shalt  }
0x6b: {  	_ =	shalt  }
0x6c: {  	_ =	shalt  }
0x6d: {  	_ =	shalt  }
0x6e: {  	_ =	shalt  }
0x6f: {  	_ =	shalt  }
0x70: {  	_ =	shalt  }
0x71: {  	_ =	shalt  }
0x72: {  	_ =	shalt  }
0x73: {  	_ =	shalt  }
0x74: {  	_ =	shalt  }
0x75: {  	_ =	shalt  }
0x76: {  	_ =	shalt  }
0x77: {  	_ =	shalt  }
0x78: {  	_ =	shalt  }
0x79: {  	_ =	shalt  }
0x7a: {  	_ =	shalt  }
0x7b: {  	_ =	shalt  }
0x7c: {  	_ =	shalt  }
0x7d: {  	_ =	shalt  }
0x7e: {  	_ =	shalt  }
0x7f: {  	_ =	shalt  }
0x80: {  	_ =	shalt  }
0x81: {  	_ =	shalt  }
0x82: {  	_ =	shalt  }
0x83: {  	_ =	shalt  }
0x84: {  	_ =	shalt  }
0x85: {  	_ =	shalt  }
0x86: {  	_ =	shalt  }
0x87: {  	_ =	shalt  }
.Lfunc_end0:
.L_simem_size_0:
called_computation.1_lowered:
.L_overlay_start_0:
0x88: {  	s2 =	sld [smem:$0x3FD9]  }
0x89: {  	s3 =	sld [smem:$0x3FFE];
	_ =	sdelay $0x1  }
0x8a: {  	s1 =	srdreg.scid  }
0x8b: {  	s0 =	sand.u32 $0x1, s1  }
0x8c: {  	s16 =	sshll.u32 s0, $0xA;
	s2 =	sadd.s32 s3, s2  }
0x8d: {  	s2 =	sadd.s32 s2, s16  }
0x8e: {  	[smem:$0x3FBD] =	sst s2  }
0x8f: {  	_ = 	snop  }
0x90: {  	(tm) =	ssettm $0x1  }
0x91: {  	s17 =	sld [smem:$0x3FFB];
	_ =	sdelay $0x3  }
0x92: {  	_ =	strace s17  }
0x93: {  	s2 =	sld [smem:$0x3FFC];
	_ =	sdelay $0x3  }
0x94: {  	_ =	strace s2  }
0x95: {  	s2 =	sld [smem:$0x3FFD];
	_ =	sdelay $0x3  }
0x96: {  	_ =	strace s2  }
0x97: {  	_ =	strace $0x8FFFFFFF  }
0x98: {  	s18 =	sld [smem:$0x3FDB];
	_ =	sdelay $0x1  }
0x99: {  	s19 =	simm.s32 $_scs_section_size  }
0x9a: {  	s4 =	simm.s32 $_size__tile_overlayer_lowered;
	s5 =	simm.s32 $_tile_overlayer_lowered  }
0x9b: {  	s22 =	simm.s32 $0x1BFF;
	s21 =	sshll.u32 s5, $0x1;
	s2 =	sadd.s32 s19, s18  }
0x9c: {  	s6 =	simm.s32 $0x0;
	s20 =	sshll.u32 s4, $0x1;
	s4 =	sadd.s32 s21, s2  }
0x9d: {  	[timem:s6], [sflag:s22] =	dma.local [hbm:s4], s20  }
0x9e: {  	_ =	swait.ge [sflag:s22], s20  }
0x9f: {  	s3 =	ssub.s32 $0x0, s20;
	[sflag:s22] =	ssyncset.done $0x0  }
0xa0: {  	[sflag:s22] =	ssyncadd.s32 s3;
	_ =	sdelay $0x1  }
0xa1: {  	s23 =	simm.s32 $0x1B8B  }
0xa2: {  	_ =	swait.ge [sflag:s23], $0x1  }
0xa3: {  	[sflag:s23] =	ssyncset.done $0x0  }
0xa4: {  	s25 =	simm.s32 $0x1B8E;
	s24 =	sld [smem:$0x3FFE];
	[sflag:s23] =	ssyncadd.s32 $0xFFFFFFFF  }
0xa5: {  	s26 =	simm.s32 $execute0_lowered;
	[smem:$0x3FD2] =	sst s25  }
0xa6: {  	s4 =	sshll.u32 s26, $0x1;
	_ =	strace $0x80000049;
	[dreg:$0x1] =	wrdreg $0xFFFFFFFF  }
0xa7: {  	s28 =	simm.s32 $_size_execute0_lowered;
	s2 =	sadd.s32 s2, s4;
	[dreg:$0x0] =	wrdreg $0x0  }
0xa8: {  	s4 =	sshll.u32 s28, $0x1;
	[dreg:$0x2] =	wrdreg s2  }
0xa9: {  	[dreg:$0x3] =	wrdreg s4  }
0xaa: {  	[dreg:$0x4] =	wrdreg $0xC0  }
0xab: {  	_ =	task [dreg:s6], $0x5FFFF  }
0xac: {  	[dreg:$0x1] =	wrdreg $0xFFFFFFFF  }
0xad: {  	[dreg:$0x0] =	wrdreg $0x60  }
0xae: {  	[dreg:$0x2] =	wrdreg s24  }
0xaf: {  	[dreg:$0x3] =	wrdreg $0x78000  }
0xb0: {  	[dreg:$0x4] =	wrdreg $0x9  }
0xb1: {  	_ =	task.clear_ibuf [dreg:s6], $0x5FFFF;
	_ =	strace $0x90000049  }
0xb2: {  	s29 =	simm.s32 $0x9;
	_ =	strace $0x8000004B  }
0xb3: {  	_ =	swait.ge [sflag:s29], $0x1  }
0xb4: {  	[sflag:s29] =	ssyncadd.s32 $0xFFFFFFFF  }
0xb5: {  	_ =	strace $0x9000004B  }
0xb6: {  	_ =	sfence  }
0xb7: {  	s30 =	sld [smem:$0x0];
	_ =	sdelay $0x2  }
0xb8: {  	s31 =	sshll.u32 s1, $0xD;
	s1 =	sshrl.u32 s1, $0x2  }
0xb9: {  	s3 =	sand.u32 $0x4000, s31;
	s1 =	sadd.s32 s1, s30  }
0xba: {  	s0 =	sor.u32 s3, s0;
	s1 =	sshll.u32 s1, $0x11  }
0xbb: {  	s0 =	sor.u32 s1, s0  }
0xbc: {  	s0 =	sadd.s32 $0x8F2B, s0  }
0xbd: {  	[sflag:s0] =	ssyncadd.remote.s32 $0x1  }
0xbe: {  	_ =	sfence.sel $0xFFFF  }
0xbf: {  	[dreg:$0x0] =	wrdreg $0xFFFFFFFF;
	(pc) =	sbr.abs _section_cstart, $3  }
0xc0: {  	[dreg:$0x1] =	wrdreg $0xFFFFFFFF  }
0xc1: {  	_ =	task.clear_ibuf [dreg:s6], $0x2FFFF;
	_ =	strace $0x9FFFFFFF  }
0xc2: {  	(tm) =	ssettm $0x7FFFFFFF  }
0xc3: {  	_ =	shalt  }
tec
execute0_lowered:
.L_overlay_start_1:
0x0: {  	(tag) =	ssettag $0x1  }
0x1: {  	s0 =	rddreg [dreg:$0x0]  }
0x2: {  	s2 =	rddreg [dreg:$0x1]  }
0x3: {  	s8 =	stileid.u32;
	s1 =	srdreg.scid;
	s3 =	simm.s32 $0x0  }
0x4: {  	s12 =	simm.s32 $0x35;
	s17 =	simm.s32 $0x1800;
	s18 =	simm.s32 $0x5  }
0x5: {  	s19 =	simm.s32 $0x600;
	s20 =	simm.s32 $0x318000;
	s4 =	smul.u32 $0x9C00, s8  }
0x6: {  	s21 =	simm.s32 $0x3;
	s28 =	simm.s32 $0x2;
	s5 =	smul.u32 $0x27C00, s8  }
0x7: {  	s29 =	simm.s32 $0x1200;
	s30 =	simm.s32 $0x0;
	s7 =	smul.u32 $0x30E00, s8  }
0x8: {  	s1 =	sand.u32 $0x1, s1;
	[smem:$0x7FF] =	sst s3;
	s13 =	smul.u32 $0x18700, s8  }
0x9: {  	p0 =	seq.s32 s1, $0x0;
	_ =	strace $0x8000004A;
	s22 =	smul.u32 $0x18700, s1  }
0xa: {  	s1 =	ssub.s32 $0x2, s1;
	s6 =	sadd.s32 $0x27C000, s4;
	s4 =	sadd.s32 $0x18BE00, s0  }
0xb: {  	s23 =	sshrl.u32 s1, $0x1;
	s24 =	sshrl.u32 s7, $0x2;
	s25 =	sshrl.u32 s13, $0x1  }
0xc: {  	s12 =	simm.s32 @!p0 $0xD;
	s6 =	smov.u32 @p0 s5;
	s1 =	ssub.s32 s1, s23  }
0xd: {  	s9 =	sadd.s32 s24, s2;
	s5 =	sadd.s32 s25, s2;
	s14 =	smul.u32 $0x180, s12  }
0xe: {  	s12 =	sadd.s32 $0xFFFFFFFF, s12;
	s24 =	sshrl.u32 s13, $0x4;
	s23 =	simm.s32 $0x4  }
0xf: {  	s25 =	simm.s32 $0x4800;
	s6 =	sshrl.u32 s6, $0x3;
	s26 =	sadd.s32 $0x6000, s9  }
0x10: {  	s31 =	sadd.s32 $0x9000, s9;
	s13 =	smax.u32 s1, $0x1;
	s16 =	sadd.s32 s6, s0  }
0x11: {  	s0 =	sadd.s32 s22, s0;
	s6 =	sadd.s32 $0x3000, s9;
	[dreg:$0x4] =	wrdreg s26  }
0x12: {  	[dreg:$0x5] =	wrdreg s31;
	s9 =	sadd.s32 $0xC000, s9;
	s14 =	sadd.s32 $0xFFFFFE80, s14  }
0x13: {  	s22 =	simm.s32 $0xC00;
	s26 =	simm.s32 $0x1;
	[dreg:$0x3] =	wrdreg s6  }
0x14: {  	s10 =	sadd.s32 $0x2800, s16;
	s11 =	sadd.s32 $0x28C0, s16;
	s0 =	sadd.s32 $0x1A4600, s0  }
0x15: {  	v0 =	vimm.bf16 $0.0e+00;
	s15 =	sadd.s32 $0x2A40, s16;
	s16 =	sadd.s32 $0x2980, s16;
	s24 =	sadd.s32 s24, s0  }
.LBB2_1:
0x16: {  	s0 =	simm.s32 $0x20;
	s1 =	simm.s32 $0x0  }
.LBB2_2:
0x17: {  	p0 =	sne.s32 s0, $0xBFE0;
	[tilespmem:s1+$0x1800] =	vst.msk $0xff, v0;
	s1 =	smov.u32 s0;
	s0 =	sadd.s32 $0x20, s0  }
.Ltmp0:
0x18: {  	(pc) =	sbr.rel @p0 .LBB2_2-.Ltmp0, $2  }
0x19: {  	_ =	sdelay $0x2  }
0x1a: {  	s1 =	sshra.s32 s1, $0x2  }
0x1b: {  	[tilespmem:s1+$0x1800] =	vst.msk $0xff, v0  }
0x1c: {  	[spmem:s5] =	stream.linear.scatter [tilespmem:s17], [sflag:$0x5], $0x3000, $0x38;
	[tilespmem:$0x13B80] =	vst v63  }
0x1d: {  	_ =	swait.ge [sflag:s18], $0x3000  }
0x1e: {  	[sflag:s18] =	ssyncset.done $0x0  }
0x1f: {  	s0 =	rddreg [dreg:$0x3];
	[sflag:s18] =	ssyncadd.s32 $0xFFFFD000  }
0x20: {  	[spmem:s0] =	stream.linear.scatter [tilespmem:s17], [sflag:$0x5], $0x3000, $0x38;
	[tilespmem:$0x13B80] =	vst v63  }
0x21: {  	_ =	swait.ge [sflag:s18], $0x3000  }
0x22: {  	[sflag:s18] =	ssyncset.done $0x0  }
0x23: {  	s1 =	rddreg [dreg:$0x4];
	[sflag:s18] =	ssyncadd.s32 $0xFFFFD000  }
0x24: {  	[spmem:s1] =	stream.linear.scatter [tilespmem:s17], [sflag:$0x5], $0x3000, $0x38;
	[tilespmem:$0x13B80] =	vst v63  }
0x25: {  	_ =	swait.ge [sflag:s18], $0x3000  }
0x26: {  	[sflag:s18] =	ssyncset.done $0x0  }
0x27: {  	s6 =	rddreg [dreg:$0x5];
	[sflag:s18] =	ssyncadd.s32 $0xFFFFD000  }
0x28: {  	[spmem:s6] =	stream.linear.scatter [tilespmem:s17], [sflag:$0x5], $0x3000, $0x38;
	[tilespmem:$0x13B80] =	vst v63  }
0x29: {  	_ =	swait.ge [sflag:s18], $0x3000  }
0x2a: {  	[sflag:s18] =	ssyncset.done $0x0  }
0x2b: {  	[sflag:s18] =	ssyncadd.s32 $0xFFFFD000  }
0x2c: {  	[spmem:s9] =	stream.linear.scatter [tilespmem:s17], [sflag:$0x5], $0x380, $0x38;
	[tilespmem:$0x13B80] =	vst v63  }
0x2d: {  	_ =	swait.ge [sflag:s18], $0x380  }
0x2e: {  	[sflag:s18] =	ssyncset.done $0x0  }
0x2f: {  	[sflag:s18] =	ssyncadd.s32 $0xFFFFFC80  }
0x30: {  	s7 =	simm.s32 $0x0;
	[bflag:$0x0] =	sbarrier.arrive $0xFFFF  }
0x31: {  	[tilespmem:s7], [sflag:$0x3] =	stream.strided.gather [hbm4b:s10+s19], $0xC00, s20, s19, $0x38;
	[tilespmem:$0x13B80] =	vst v63  }
0x32: {  	_ =	swait.ge [sflag:s21], $0xC00  }
0x33: {  	[sflag:s21] =	ssyncset.done $0x0  }
0x34: {  	[sflag:s21] =	ssyncadd.s32 $0xFFFFF400  }
0x35: {  	[tilespmem:s17], [sflag:$0x1] =	stream.indirect.gather [hbm4b:s4+s19], $0x8, s7, s19, $0xb8;
	[tilespmem:$0x13B80] =	vst v63  }
0x36: {  	_ = 	snop  }
0x37: {  	[tilespmem:s22], [sflag:$0x4] =	stream.strided.gather [hbm4b:s11+s19], $0xC00, s20, s19, $0x38;
	[tilespmem:$0x13B80] =	vst v63  }
0x38: {  	_ =	swait.ge [sflag:s23], $0xC00  }
0x39: {  	[sflag:s23] =	ssyncset.done $0x0  }
0x3a: {  	[sflag:s23] =	ssyncadd.s32 $0xFFFFF400  }
0x3b: {  	[tilespmem:s25], [sflag:$0x2] =	stream.indirect.gather [hbm4b:s4+s19], $0x8, s22, s19, $0xb8;
	[tilespmem:$0x13B80] =	vst v63  }
0x3c: {  	_ =	swait.ge [sflag:s26], $0x3000  }
0x3d: {  	[sflag:s26] =	ssyncset.done $0x0  }
0x3e: {  	[sflag:s26] =	ssyncadd.s32 $0xFFFFD000  }
0x3f: {  	[spmem:s2] =	stream.indirect.scatter.add.bf16 [tilespmem:s17], [sflag:$0x5], $0x8, s19, s19, $0xb8;
	[tilespmem:$0x13B80] =	vst v63  }
0x40: {  	_ =	swait.ge [sflag:s18], $0x3000  }
0x41: {  	[sflag:s18] =	ssyncset.done $0x0  }
0x42: {  	s8 =	sadd.s32 $0x0, s16;
	[sflag:s18] =	ssyncadd.s32 $0xFFFFD000  }
0x43: {  	[tilespmem:s3], [sflag:$0x3] =	stream.strided.gather [hbm4b:s8+s19], $0xC00, s20, s19, $0x38;
	[tilespmem:$0x13B80] =	vst v63  }
0x44: {  	_ =	swait.ge [sflag:s28], $0x3000  }
0x45: {  	[sflag:s28] =	ssyncset.done $0x0  }
0x46: {  	[sflag:s28] =	ssyncadd.s32 $0xFFFFD000  }
0x47: {  	_ =	swait.ge [sflag:s21], $0xC00  }
0x48: {  	[sflag:s21] =	ssyncset.done $0x0  }
0x49: {  	p0 =	sne.s32 s14, $0x180;
	[sflag:s21] =	ssyncadd.s32 $0xFFFFF400  }
0x4a: {  	[tilespmem:s17], [sflag:$0x1] =	stream.indirect.gather [hbm4b:s4+s19], $0x8, s3, s19, $0xb8;
	[tilespmem:$0x13B80] =	vst v63  }
.Ltmp1:
0x4b: {  	_ = 	snop;
	(pc) =	sbr.rel @!p0 .LBB2_5-.Ltmp1, $4  }
0x4c: {  	[spmem:s2] =	stream.indirect.scatter.add.bf16 [tilespmem:s25], [sflag:$0x5], $0x8, s29, s19, $0xb8;
	[tilespmem:$0x13B80] =	vst v63  }
0x4d: {  	_ =	swait.ge [sflag:s18], $0x3000  }
0x4e: {  	s31 =	simm.s32 $0x180;
	[sflag:s18] =	ssyncset.done $0x0  }
0x4f: {  	s0 =	simm.s32 $0x1;
	s1 =	sadd.s32 $0x0, s15;
	[sflag:s18] =	ssyncadd.s32 $0xFFFFD000  }
.LBB2_4:
0x50: {  	[tilespmem:s22], [sflag:$0x4] =	stream.strided.gather [hbm4b:s1+s19], $0xC00, s20, s19, $0x38;
	[tilespmem:$0x13B80] =	vst v63  }
0x51: {  	s1 =	smov.u32 s31;
	s31 =	sadd.s32 $0x180, s31;
	_ =	swait.ge [sflag:s23], $0xC00  }
0x52: {  	p0 =	sne.s32 s14, s31;
	[sflag:s23] =	ssyncset.done $0x0  }
0x53: {  	[sflag:s23] =	ssyncadd.s32 $0xFFFFF400  }
0x54: {  	[tilespmem:s25], [sflag:$0x2] =	stream.indirect.gather [hbm4b:s4+s19], $0x8, s22, s19, $0xb8;
	[tilespmem:$0x13B80] =	vst v63  }
0x55: {  	_ =	swait.ge [sflag:s26], $0x3000  }
0x56: {  	[sflag:s26] =	ssyncset.done $0x0  }
0x57: {  	[sflag:s26] =	ssyncadd.s32 $0xFFFFD000  }
0x58: {  	[spmem:s2] =	stream.indirect.scatter.add.bf16 [tilespmem:s17], [sflag:$0x5], $0x8, s19, s19, $0xb8;
	[tilespmem:$0x13B80] =	vst v63  }
0x59: {  	_ =	swait.ge [sflag:s18], $0x3000  }
0x5a: {  	[sflag:s18] =	ssyncset.done $0x0  }
0x5b: {  	s6 =	sadd.s32 s1, s16;
	[sflag:s18] =	ssyncadd.s32 $0xFFFFD000  }
0x5c: {  	[tilespmem:s3], [sflag:$0x3] =	stream.strided.gather [hbm4b:s6+s19], $0xC00, s20, s19, $0x38;
	[tilespmem:$0x13B80] =	vst v63  }
0x5d: {  	_ =	swait.ge [sflag:s28], $0x3000  }
0x5e: {  	[sflag:s28] =	ssyncset.done $0x0  }
0x5f: {  	[sflag:s28] =	ssyncadd.s32 $0xFFFFD000  }
0x60: {  	_ =	swait.ge [sflag:s21], $0xC00  }
0x61: {  	[sflag:s21] =	ssyncset.done $0x0  }
0x62: {  	[sflag:s21] =	ssyncadd.s32 $0xFFFFF400  }
0x63: {  	[tilespmem:s17], [sflag:$0x1] =	stream.indirect.gather [hbm4b:s4+s19], $0x8, s3, s19, $0xb8;
	[tilespmem:$0x13B80] =	vst v63  }
.Ltmp2:
0x64: {  	(pc) =	sbr.rel @p0 .LBB2_4-.Ltmp2, $4  }
0x65: {  	[spmem:s2] =	stream.indirect.scatter.add.bf16 [tilespmem:s25], [sflag:$0x5], $0x8, s29, s19, $0xb8;
	[tilespmem:$0x13B80] =	vst v63  }
0x66: {  	_ =	swait.ge [sflag:s18], $0x3000  }
0x67: {  	[sflag:s18] =	ssyncset.done $0x0  }
0x68: {  	s0 =	sadd.s32 $0x1, s0;
	s1 =	sadd.s32 s1, s15;
	[sflag:s18] =	ssyncadd.s32 $0xFFFFD000  }
.LBB2_5:
0x69: {  	[tilespmem:s22], [sflag:$0x4] =	stream.strided.gather [hbm4b:s1+s19], $0xC00, s20, s19, $0x38;
	[tilespmem:$0x13B80] =	vst v63  }
0x6a: {  	_ =	swait.ge [sflag:s23], $0xC00  }
0x6b: {  	[sflag:s23] =	ssyncset.done $0x0  }
0x6c: {  	[sflag:s23] =	ssyncadd.s32 $0xFFFFF400  }
0x6d: {  	[tilespmem:s25], [sflag:$0x2] =	stream.indirect.gather [hbm4b:s4+s19], $0x8, s22, s19, $0xb8;
	[tilespmem:$0x13B80] =	vst v63  }
0x6e: {  	_ =	swait.ge [sflag:s26], $0x3000  }
0x6f: {  	[sflag:s26] =	ssyncset.done $0x0  }
0x70: {  	[sflag:s26] =	ssyncadd.s32 $0xFFFFD000  }
0x71: {  	[spmem:s2] =	stream.indirect.scatter.add.bf16 [tilespmem:s17], [sflag:$0x5], $0x8, s19, s19, $0xb8;
	[tilespmem:$0x13B80] =	vst v63  }
0x72: {  	p0 =	slt.u32 s0, s12;
	_ =	swait.ge [sflag:s18], $0x3000  }
0x73: {  	s1 =	sadd.s32 @p0 s31, s16;
	s6 =	simm.s32 @p0 $0x600;
	[sflag:s18] =	ssyncset.done $0x0  }
0x74: {  	s7 =	simm.s32 @p0 $0x318000;
	s8 =	simm.s32 @p0 $0x0;
	[sflag:s18] =	ssyncadd.s32 $0xFFFFD000  }
0x75: {  	[tilespmem:s8], [sflag:$0x3] =	stream.strided.gather @p0 [hbm4b:s1+s6], $0xC00, s7, s6, $0x38;
	[tilespmem:$0x13B80] =	vst v63  }
0x76: {  	s1 =	simm.s32 @p0 $0x2  }
0x77: {  	_ =	swait.ge @p0 [sflag:s1], $0x3000  }
0x78: {  	[sflag:s1] =	ssyncset.done @p0 $0x0  }
0x79: {  	[sflag:s1] =	ssyncadd.s32 @p0 $0xFFFFD000;
	s1 =	simm.s32 @p0 $0x3  }
0x7a: {  	_ =	swait.ge @p0 [sflag:s1], $0xC00  }
0x7b: {  	[sflag:s1] =	ssyncset.done @p0 $0x0  }
0x7c: {  	[sflag:s1] =	ssyncadd.s32 @p0 $0xFFFFF400;
	s1 =	simm.s32 @p0 $0x1800  }
0x7d: {  	[tilespmem:s1], [sflag:$0x1] =	stream.indirect.gather @p0 [hbm4b:s4+s6], $0x8, s8, s6, $0xb8;
	[tilespmem:$0x13B80] =	vst v63  }
0x7e: {  	s1 =	simm.s32 @!p0 $0x2  }
0x7f: {  	_ =	swait.ge @!p0 [sflag:s1], $0x3000  }
0x80: {  	[sflag:s1] =	ssyncset.done @!p0 $0x0  }
0x81: {  	s30 =	sadd.s32 $0x1, s30;
	[sflag:s1] =	ssyncadd.s32 @!p0 $0xFFFFD000  }
0x82: {  	[spmem:s2] =	stream.indirect.scatter.add.bf16 [tilespmem:s25], [sflag:$0x5], $0x8, s29, s19, $0xb8;
	[tilespmem:$0x13B80] =	vst v63  }
0x83: {  	s8 =	stileid.u32;
	p0 =	sge.u32 s0, s12;
	_ =	swait.ge [sflag:s18], $0x3000  }
0x84: {  	s0 =	sadd.s32 @!p0 s31, s15;
	s1 =	simm.s32 @!p0 $0x600;
	[sflag:s18] =	ssyncset.done $0x0  }
0x85: {  	s6 =	simm.s32 @!p0 $0x318000;
	s7 =	simm.s32 @!p0 $0xC00;
	[sflag:s18] =	ssyncadd.s32 $0xFFFFD000  }
0x86: {  	[tilespmem:s7], [sflag:$0x4] =	stream.strided.gather @!p0 [hbm4b:s0+s1], $0xC00, s6, s1, $0x38;
	[tilespmem:$0x13B80] =	vst v63  }
0x87: {  	s31 =	sshrl.u32 s5, $0x3;
	s0 =	sshll.u32 s8, $0x6;
	p0 =	sne.s32 s30, s13  }
.Ltmp3:
0x88: {  	[bflag:$0x0] =	sbarrier.arrive $0xFFFF;
	s0 =	sor.u32 $0x1C05, s0;
	(pc) =	sbr.rel @p0 .LBB2_1-.Ltmp3, $4  }
0x89: {  	[hbm:s24], [sflag:s0] =	dma.local [spmem:s31], $0x1870  }
0x8a: {  	_ =	swait.ge [sflag:s18], $0x1870  }
0x8b: {  	[sflag:s18] =	ssyncset.done $0x0  }
0x8c: {  	[sflag:s18] =	ssyncadd.s32 $0xFFFFE790  }
0x8d: {  	_ =	sfence.sel $0x180000  }
0x8e: {  	[bflag:$0x0] =	sbarrier.arrive $0xFFFF  }
0x8f: {  	_ =	strace $0x9000004A  }
0x90: {  	s0 =	stileid.u32;
	[bflag:$0x2] =	sbarrier.arrive $0xFFFF  }
0x91: {  	p0 =	sne.s32 s0, $0x0;
	s0 =	rddreg [dreg:$0x2]  }
0x92: {  	s0 =	sadd.s32 @!p0 $0x100000, s0  }
0x93: {  	[sflag:s0] =	ssyncadd.tile.s32 @!p0 $0x1;
	_ =	shalt  }
.Lfunc_end2:
_tile_overlayer_lowered:
.L_overlay_start_2:
0x94: {  	(tag) =	ssettag $0x2  }
0x95: {  	s0 =	rddreg [dreg:$0x0];
	s2 =	stileid.u32  }
0x96: {  	s1 =	rddreg [dreg:$0x1];
	p0 =	sne.s32 s2, $0x0  }
0x97: {  	s3 =	rddreg [dreg:$0x2];
	[bflag:$0x3] =	sbarrier.arrive $0xFFFF;
	s2 =	simm.s32 @!p0 $0x1C05  }
0x98: {  	[timem:s3], [sflag:s2] =	dma.local @!p0 [hbm:s0], s1  }
0x99: {  	s0 =	simm.s32 @!p0 $0x5  }
0x9a: {  	_ =	swait.ge @!p0 [sflag:s0], s1  }
0x9b: {  	s1 =	ssub.s32 @!p0 $0x0, s1;
	[sflag:s0] =	ssyncset.done @!p0 $0x0  }
0x9c: {  	[sflag:s0] =	ssyncadd.s32 @!p0 s1  }
0x9d: {  	[bflag:$0x3] =	sbarrier.arrive $0xFFFF  }
0x9e: {  	_ =	shalt  }

// kernel: kernel.14.cloned.1.call-start
scs
__scs_entry_jumppad:
0x0: {  	(pc) =	sbr.rel $0x88, $3  }
0x1: {  	(tag) =	ssettag $0x0;
	lr =	simm.s32 $0x1  }
0x2: {  	[smem:$0x3F96] =	sst lr;
	_ =	strace $0xD0000000  }
0x3: {  	_ = 	snop  }
0x4: {  	_ = 	snop  }
0x5: {  	_ = 	snop  }
0x6: {  	_ = 	snop  }
0x7: {  	_ = 	snop  }
__scs_overlays_trampoline_lowered:
0x8: {  	[smem:$0x3FA5] =	sst s0  }
0x9: {  	[smem:$0x3FA6] =	sst s1  }
0xa: {  	[smem:$0x3FA7] =	sst s2  }
0xb: {  	[smem:$0x3FA8] =	sst s3  }
0xc: {  	[smem:$0x3FA9] =	sst s4  }
0xd: {  	[smem:$0x3FAA] =	sst s5  }
0xe: {  	[smem:$0x3FAB] =	sst s6  }
0xf: {  	[smem:$0x3FAC] =	sst s7  }
0x10: {  	[smem:$0x3FAD] =	sst s8  }
0x11: {  	[smem:$0x3FAE] =	sst s9;
	s0 =	simm.s32 @!p0 $0x0  }
0x12: {  	s1 =	sld [smem:$0x3F94];
	s0 =	simm.s32 @p0 $0x1  }
0x13: {  	[smem:$0x3FAF] =	sst s0;
	s0 =	simm.s32 @!p1 $0x0  }
0x14: {  	s2 =	sld [smem:$0x3F93];
	s0 =	simm.s32 @p1 $0x1  }
0x15: {  	[smem:$0x3FB0] =	sst s0;
	s0 =	simm.s32 @!p2 $0x0  }
0x16: {  	s3 =	sld [smem:$0x3FDB];
	s0 =	simm.s32 @p2 $0x1  }
0x17: {  	s4 =	simm.s32 $0x1BF5;
	[smem:$0x3FB2] =	sst s0  }
0x18: {  	s0 =	sld [smem:$0x3F95];
	_ =	swait.ge [sflag:s4], $0x0  }
0x19: {  	s7 =	sld [smem:$0x3F96]  }
0x1a: {  	s8 =	sadd.s32 $0xFFFFE003, lr  }
0x1b: {  	s9 =	sadd.s32 $0xFFFFFEF7, lr;
	s5 =	simm.s32 $0xFFFFFFFF;
	p2 =	slt.u32 s8, $0xFFFFF086  }
0x1c: {  	p1 =	slt.u32 s9, $0xF7A;
	s5 =	simm.s32 @!p2 $0x0  }
0x1d: {  	s5 =	simm.s32 @p1 $0x1;
	p0 =	seq.s32 s7, s2  }
0x1e: {  	s7 =	smul.u32 @!p0 $0xF7A, s2;
	p2 =	seq.s32 @!p0 s5, $0x0  }
0x1f: {  	s9 =	smul.u32 $0xF7A, s1;
	s8 =	simm.s32 @!p0 $0x1BF5;
	p2 =	por !p2, p0  }
0x20: {  	[sflag:s8] =	ssyncset.s32 @!p0 $0xFFFFF086;
	s6 =	sadd.s32 @!p0 s3, s7;
	s7 =	simm.s32 @!p0 $0x108  }
0x21: {  	s3 =	sadd.s32 s3, s9;
	s6 =	sadd.s32 @!p0 $0x88, s6;
	s7 =	simm.s32 @p2 $0x1082  }
0x22: {  	[simem:s7], [sflag:s8] =	dma.local @!p0 [hbm:s6], $0xF7A  }
0x23: {  	s9 =	sor.u32 $0xD0000000, s2;
	s6 =	simm.s32 $0x108;
	_ =	swait.ge @!p0 [sflag:s8], $0x0  }
0x24: {  	s3 =	sadd.s32 $0x88, s3;
	s6 =	simm.s32 @!p1 $0x1082;
	[sflag:s4] =	ssyncset.s32 $0xFFFFF086  }
0x25: {  	[simem:s6], [sflag:s4] =	dma.local [hbm:s3], $0xF7A  }
0x26: {  	[smem:$0x3F96] =	sst s1;
	(tag) =	ssettag s2;
	_ =	strace s9  }
0x27: {  	s1 =	sld [smem:$0x3FA6]  }
0x28: {  	s2 =	sld [smem:$0x3FA7]  }
0x29: {  	s4 =	sld [smem:$0x3FA9]  }
0x2a: {  	p0 =	seq.s32 s5, $0x0;
	s5 =	sld [smem:$0x3FAA]  }
0x2b: {  	s6 =	sld [smem:$0x3FAB]  }
0x2c: {  	s7 =	sld [smem:$0x3FAC]  }
0x2d: {  	s3 =	simm.s32 $0x108;
	s8 =	sld [smem:$0x3FAD]  }
0x2e: {  	s3 =	simm.s32 @!p0 $0x1082;
	s9 =	sld [smem:$0x3FAE]  }
0x2f: {  	lr =	sadd.s32 s0, s3;
	s0 =	sld [smem:$0x3FA5]  }
0x30: {  	s3 =	sld [smem:$0x3FA8]  }
0x31: {  	[smem:$0x3FB1] =	sst s10  }
0x32: {  	s10 =	sld [smem:$0x3FAF];
	_ =	sdelay $0x3  }
0x33: {  	p0 =	seq.s32 s10, $0x1;
	s10 =	sld [smem:$0x3FB1];
	_ =	sdelay $0x3  }
0x34: {  	[smem:$0x3FB1] =	sst s10  }
0x35: {  	s10 =	sld [smem:$0x3FB0];
	_ =	sdelay $0x3  }
0x36: {  	p1 =	seq.s32 s10, $0x1;
	s10 =	sld [smem:$0x3FB1];
	_ =	sdelay $0x3  }
0x37: {  	[smem:$0x3FB1] =	sst s10  }
0x38: {  	s10 =	sld [smem:$0x3FB2]  }
0x39: {  	_ = 	snop;
	(pc) =	sbr.ind lr, $3  }
0x3a: {  	_ = 	snop  }
0x3b: {  	_ = 	snop  }
0x3c: {  	p2 =	seq.s32 s10, $0x1;
	s10 =	sld [smem:$0x3FB1]  }
0x3d: {  	_ =	shalt  }
0x3e: {  	_ =	shalt  }
0x3f: {  	_ =	shalt  }
0x40: {  	_ =	shalt  }
0x41: {  	_ =	shalt  }
0x42: {  	_ =	shalt  }
0x43: {  	_ =	shalt  }
0x44: {  	_ =	shalt  }
0x45: {  	_ =	shalt  }
0x46: {  	_ =	shalt  }
0x47: {  	_ =	shalt  }
0x48: {  	_ =	shalt  }
0x49: {  	_ =	shalt  }
0x4a: {  	_ =	shalt  }
0x4b: {  	_ =	shalt  }
0x4c: {  	_ =	shalt  }
0x4d: {  	_ =	shalt  }
0x4e: {  	_ =	shalt  }
0x4f: {  	_ =	shalt  }
0x50: {  	_ =	shalt  }
0x51: {  	_ =	shalt  }
0x52: {  	_ =	shalt  }
0x53: {  	_ =	shalt  }
0x54: {  	_ =	shalt  }
0x55: {  	_ =	shalt  }
0x56: {  	_ =	shalt  }
0x57: {  	_ =	shalt  }
0x58: {  	_ =	shalt  }
0x59: {  	_ =	shalt  }
0x5a: {  	_ =	shalt  }
0x5b: {  	_ =	shalt  }
0x5c: {  	_ =	shalt  }
0x5d: {  	_ =	shalt  }
0x5e: {  	_ =	shalt  }
0x5f: {  	_ =	shalt  }
0x60: {  	_ =	shalt  }
0x61: {  	_ =	shalt  }
0x62: {  	_ =	shalt  }
0x63: {  	_ =	shalt  }
0x64: {  	_ =	shalt  }
0x65: {  	_ =	shalt  }
0x66: {  	_ =	shalt  }
0x67: {  	_ =	shalt  }
0x68: {  	_ =	shalt  }
0x69: {  	_ =	shalt  }
0x6a: {  	_ =	shalt  }
0x6b: {  	_ =	shalt  }
0x6c: {  	_ =	shalt  }
0x6d: {  	_ =	shalt  }
0x6e: {  	_ =	shalt  }
0x6f: {  	_ =	shalt  }
0x70: {  	_ =	shalt  }
0x71: {  	_ =	shalt  }
0x72: {  	_ =	shalt  }
0x73: {  	_ =	shalt  }
0x74: {  	_ =	shalt  }
0x75: {  	_ =	shalt  }
0x76: {  	_ =	shalt  }
0x77: {  	_ =	shalt  }
0x78: {  	_ =	shalt  }
0x79: {  	_ =	shalt  }
0x7a: {  	_ =	shalt  }
0x7b: {  	_ =	shalt  }
0x7c: {  	_ =	shalt  }
0x7d: {  	_ =	shalt  }
0x7e: {  	_ =	shalt  }
0x7f: {  	_ =	shalt  }
0x80: {  	_ =	shalt  }
0x81: {  	_ =	shalt  }
0x82: {  	_ =	shalt  }
0x83: {  	_ =	shalt  }
0x84: {  	_ =	shalt  }
0x85: {  	_ =	shalt  }
0x86: {  	_ =	shalt  }
0x87: {  	_ =	shalt  }
.Lfunc_end0:
.L_simem_size_0:
called_computation.2_lowered:
.L_overlay_start_0:
0x88: {  	s2 =	sld [smem:$0x3FD9]  }
0x89: {  	s3 =	sld [smem:$0x3FFE];
	_ =	sdelay $0x1  }
0x8a: {  	s1 =	srdreg.scid  }
0x8b: {  	s0 =	sand.u32 $0x1, s1  }
0x8c: {  	s16 =	sshll.u32 s0, $0xA;
	s2 =	sadd.s32 s3, s2  }
0x8d: {  	s2 =	sadd.s32 s2, s16  }
0x8e: {  	[smem:$0x3FBD] =	sst s2  }
0x8f: {  	_ = 	snop  }
0x90: {  	(tm) =	ssettm $0x1  }
0x91: {  	s17 =	sld [smem:$0x3FFB];
	_ =	sdelay $0x3  }
0x92: {  	_ =	strace s17  }
0x93: {  	s2 =	sld [smem:$0x3FFC];
	_ =	sdelay $0x3  }
0x94: {  	_ =	strace s2  }
0x95: {  	s2 =	sld [smem:$0x3FFD];
	_ =	sdelay $0x3  }
0x96: {  	_ =	strace s2  }
0x97: {  	_ =	strace $0x8FFFFFFF  }
0x98: {  	s18 =	sld [smem:$0x3FDB];
	_ =	sdelay $0x1  }
0x99: {  	s19 =	simm.s32 $_scs_section_size  }
0x9a: {  	s4 =	simm.s32 $_size__tile_overlayer_lowered;
	s5 =	simm.s32 $_tile_overlayer_lowered  }
0x9b: {  	s22 =	simm.s32 $0x1BFF;
	s21 =	sshll.u32 s5, $0x1;
	s2 =	sadd.s32 s19, s18  }
0x9c: {  	s6 =	simm.s32 $0x0;
	s20 =	sshll.u32 s4, $0x1;
	s4 =	sadd.s32 s21, s2  }
0x9d: {  	[timem:s6], [sflag:s22] =	dma.local [hbm:s4], s20  }
0x9e: {  	_ =	swait.ge [sflag:s22], s20  }
0x9f: {  	s3 =	ssub.s32 $0x0, s20;
	[sflag:s22] =	ssyncset.done $0x0  }
0xa0: {  	[sflag:s22] =	ssyncadd.s32 s3;
	_ =	sdelay $0x1  }
0xa1: {  	s23 =	simm.s32 $0x1B8B  }
0xa2: {  	_ =	swait.ge [sflag:s23], $0x1  }
0xa3: {  	[sflag:s23] =	ssyncset.done $0x0  }
0xa4: {  	s25 =	simm.s32 $0x1B8E;
	s24 =	sld [smem:$0x3FFE];
	[sflag:s23] =	ssyncadd.s32 $0xFFFFFFFF  }
0xa5: {  	s26 =	simm.s32 $execute0_lowered;
	[smem:$0x3FD2] =	sst s25  }
0xa6: {  	s4 =	sshll.u32 s26, $0x1;
	_ =	strace $0x8000004C;
	[dreg:$0x1] =	wrdreg $0xFFFFFFFF  }
0xa7: {  	s28 =	simm.s32 $_size_execute0_lowered;
	s2 =	sadd.s32 s2, s4;
	[dreg:$0x0] =	wrdreg $0x0  }
0xa8: {  	s4 =	sshll.u32 s28, $0x1;
	[dreg:$0x2] =	wrdreg s2  }
0xa9: {  	[dreg:$0x3] =	wrdreg s4  }
0xaa: {  	[dreg:$0x4] =	wrdreg $0xC0  }
0xab: {  	_ =	task [dreg:s6], $0x5FFFF  }
0xac: {  	[dreg:$0x1] =	wrdreg $0xFFFFFFFF  }
0xad: {  	[dreg:$0x0] =	wrdreg $0x60  }
0xae: {  	[dreg:$0x2] =	wrdreg s24  }
0xaf: {  	[dreg:$0x3] =	wrdreg $0x6C000  }
0xb0: {  	[dreg:$0x4] =	wrdreg $0x9  }
0xb1: {  	_ =	task.clear_ibuf [dreg:s6], $0x5FFFF;
	_ =	strace $0x9000004C  }
0xb2: {  	s29 =	simm.s32 $0x9;
	_ =	strace $0x8000004E  }
0xb3: {  	_ =	swait.ge [sflag:s29], $0x1  }
0xb4: {  	[sflag:s29] =	ssyncadd.s32 $0xFFFFFFFF  }
0xb5: {  	_ =	strace $0x9000004E  }
0xb6: {  	_ =	sfence  }
0xb7: {  	s30 =	sld [smem:$0x0];
	_ =	sdelay $0x2  }
0xb8: {  	s31 =	sshll.u32 s1, $0xD;
	s1 =	sshrl.u32 s1, $0x2  }
0xb9: {  	s3 =	sand.u32 $0x4000, s31;
	s1 =	sadd.s32 s1, s30  }
0xba: {  	s0 =	sor.u32 s3, s0;
	s1 =	sshll.u32 s1, $0x11  }
0xbb: {  	s0 =	sor.u32 s1, s0  }
0xbc: {  	s0 =	sadd.s32 $0x8F2B, s0  }
0xbd: {  	[sflag:s0] =	ssyncadd.remote.s32 $0x1  }
0xbe: {  	_ =	sfence.sel $0xFFFF  }
0xbf: {  	[dreg:$0x0] =	wrdreg $0xFFFFFFFF;
	(pc) =	sbr.abs _section_cstart, $3  }
0xc0: {  	[dreg:$0x1] =	wrdreg $0xFFFFFFFF  }
0xc1: {  	_ =	task.clear_ibuf [dreg:s6], $0x2FFFF;
	_ =	strace $0x9FFFFFFF  }
0xc2: {  	(tm) =	ssettm $0x7FFFFFFF  }
0xc3: {  	_ =	shalt  }
tec
execute0_lowered:
.L_overlay_start_1:
0x0: {  	(tag) =	ssettag $0x1  }
0x1: {  	s0 =	rddreg [dreg:$0x0]  }
0x2: {  	s2 =	rddreg [dreg:$0x1];
	s9 =	stileid.u32;
	s3 =	simm.s32 $0x0  }
0x3: {  	s1 =	srdreg.scid;
	s28 =	simm.s32 $0x600;
	s4 =	smul.u32 $0x9C00, s9  }
0x4: {  	s29 =	simm.s32 $0x4;
	s30 =	simm.s32 $0x3C00;
	s5 =	smul.u32 $0x27C00, s9  }
0x5: {  	s31 =	simm.s32 $0x1;
	s1 =	sand.u32 $0x1, s1;
	s8 =	smul.u32 $0x30E00, s9  }
0x6: {  	[smem:$0x7FF] =	sst s3;
	s11 =	smul.u32 $0x61C00, s9;
	p0 =	seq.s32 s1, $0x0  }
0x7: {  	s7 =	smul.u32 $0x30E00, s1;
	_ =	strace $0x8000004D;
	s1 =	ssub.s32 $0x2, s1  }
0x8: {  	s6 =	sadd.s32 $0x27C000, s4;
	s4 =	sadd.s32 $0xC8800, s0;
	s17 =	sshrl.u32 s1, $0x1  }
0x9: {  	s18 =	sshrl.u32 s8, $0x1;
	s26 =	sshrl.u32 s8, $0x4;
	s6 =	smov.u32 @p0 s5  }
0xa: {  	s1 =	ssub.s32 s1, s17;
	s5 =	sshrl.u32 s6, $0x3;
	s6 =	sshrl.u32 s11, $0x2  }
0xb: {  	s17 =	smax.u32 s1, $0x1;
	s1 =	simm.s32 $0x900;
	s6 =	sadd.s32 s6, s2  }
0xc: {  	s12 =	sadd.s32 s5, s0;
	s0 =	sadd.s32 s7, s0;
	s19 =	sadd.s32 $0x3000, s6  }
0xd: {  	s5 =	sadd.s32 s18, s2;
	s20 =	sadd.s32 $0x6000, s6;
	[dreg:$0x3] =	wrdreg s19  }
0xe: {  	s7 =	simm.s32 $0x6A;
	s21 =	sadd.s32 $0x9000, s6;
	[dreg:$0x4] =	wrdreg s20  }
0xf: {  	s22 =	sadd.s32 $0xC000, s6;
	s23 =	sadd.s32 $0xF000, s6;
	[dreg:$0x5] =	wrdreg s21  }
0x10: {  	s10 =	sadd.s32 $0x12000, s6;
	s24 =	sadd.s32 $0x15000, s6;
	[dreg:$0x6] =	wrdreg s22  }
0x11: {  	s7 =	simm.s32 @!p0 $0x1A;
	s13 =	sadd.s32 $0x18000, s6;
	[dreg:$0x7] =	wrdreg s23  }
0x12: {  	s14 =	sadd.s32 $0x2800, s12;
	s15 =	sadd.s32 $0x2860, s12;
	[dreg:$0x8] =	wrdreg s10  }
0x13: {  	s0 =	sadd.s32 $0xF9600, s0;
	s6 =	simm.s32 $0x0;
	[dreg:$0x9] =	wrdreg s24  }
0x14: {  	s25 =	smul.u32 $0xC0, s7;
	s16 =	sadd.s32 $0xFFFFFFFF, s7;
	s19 =	sadd.s32 $0x2920, s12  }
0x15: {  	s20 =	sadd.s32 $0x28C0, s12;
	s21 =	simm.s32 $0xC00;
	s22 =	simm.s32 $0x5  }
0x16: {  	s23 =	simm.s32 $0x300;
	s24 =	sadd.s32 s26, s0;
	s26 =	simm.s32 $0x3  }
0x17: {  	v0 =	vimm.bf16 $0.0e+00;
	s0 =	simm.s32 $0x2;
	s18 =	sadd.s32 $0xFFFFFF40, s25;
	s25 =	simm.s32 $0x318000  }
.LBB2_1:
0x18: {  	s7 =	simm.s32 $0x40;
	s8 =	simm.s32 $0x0  }
.LBB2_2:
0x19: {  	p0 =	sne.s32 s7, $0xBFC0;
	[tilespmem:s8+$0xC00] =	vst v0;
	s8 =	smov.u32 s7;
	s7 =	sadd.s32 $0x40, s7  }
.Ltmp0:
0x1a: {  	(pc) =	sbr.rel @p0 .LBB2_2-.Ltmp0, $2  }
0x1b: {  	_ =	sdelay $0x2  }
0x1c: {  	s8 =	sshra.s32 s8, $0x2  }
0x1d: {  	[tilespmem:s8+$0xC00] =	vst v0  }
0x1e: {  	[spmem:s5] =	stream.linear.scatter [tilespmem:s21], [sflag:$0x5], $0x3000, $0x38;
	[tilespmem:$0x1F300] =	vst v63  }
0x1f: {  	_ =	swait.ge [sflag:s22], $0x3000  }
0x20: {  	[sflag:s22] =	ssyncset.done $0x0  }
0x21: {  	s7 =	rddreg [dreg:$0x3];
	[sflag:s22] =	ssyncadd.s32 $0xFFFFD000  }
0x22: {  	[spmem:s7] =	stream.linear.scatter [tilespmem:s21], [sflag:$0x5], $0x3000, $0x38;
	[tilespmem:$0x1F300] =	vst v63  }
0x23: {  	_ =	swait.ge [sflag:s22], $0x3000  }
0x24: {  	[sflag:s22] =	ssyncset.done $0x0  }
0x25: {  	s10 =	rddreg [dreg:$0x4];
	[sflag:s22] =	ssyncadd.s32 $0xFFFFD000  }
0x26: {  	[spmem:s10] =	stream.linear.scatter [tilespmem:s21], [sflag:$0x5], $0x3000, $0x38;
	[tilespmem:$0x1F300] =	vst v63  }
0x27: {  	_ =	swait.ge [sflag:s22], $0x3000  }
0x28: {  	[sflag:s22] =	ssyncset.done $0x0  }
0x29: {  	s11 =	rddreg [dreg:$0x5];
	[sflag:s22] =	ssyncadd.s32 $0xFFFFD000  }
0x2a: {  	[spmem:s11] =	stream.linear.scatter [tilespmem:s21], [sflag:$0x5], $0x3000, $0x38;
	[tilespmem:$0x1F300] =	vst v63  }
0x2b: {  	_ =	swait.ge [sflag:s22], $0x3000  }
0x2c: {  	[sflag:s22] =	ssyncset.done $0x0  }
0x2d: {  	s12 =	rddreg [dreg:$0x6];
	[sflag:s22] =	ssyncadd.s32 $0xFFFFD000  }
0x2e: {  	[spmem:s12] =	stream.linear.scatter [tilespmem:s21], [sflag:$0x5], $0x3000, $0x38;
	[tilespmem:$0x1F300] =	vst v63  }
0x2f: {  	_ =	swait.ge [sflag:s22], $0x3000  }
0x30: {  	[sflag:s22] =	ssyncset.done $0x0  }
0x31: {  	s8 =	rddreg [dreg:$0x7];
	[sflag:s22] =	ssyncadd.s32 $0xFFFFD000  }
0x32: {  	[spmem:s8] =	stream.linear.scatter [tilespmem:s21], [sflag:$0x5], $0x3000, $0x38;
	[tilespmem:$0x1F300] =	vst v63  }
0x33: {  	_ =	swait.ge [sflag:s22], $0x3000  }
0x34: {  	[sflag:s22] =	ssyncset.done $0x0  }
0x35: {  	s9 =	rddreg [dreg:$0x8];
	[sflag:s22] =	ssyncadd.s32 $0xFFFFD000  }
0x36: {  	[spmem:s9] =	stream.linear.scatter [tilespmem:s21], [sflag:$0x5], $0x3000, $0x38;
	[tilespmem:$0x1F300] =	vst v63  }
0x37: {  	_ =	swait.ge [sflag:s22], $0x3000  }
0x38: {  	[sflag:s22] =	ssyncset.done $0x0  }
0x39: {  	s10 =	rddreg [dreg:$0x9];
	[sflag:s22] =	ssyncadd.s32 $0xFFFFD000  }
0x3a: {  	[spmem:s10] =	stream.linear.scatter [tilespmem:s21], [sflag:$0x5], $0x3000, $0x38;
	[tilespmem:$0x1F300] =	vst v63  }
0x3b: {  	_ =	swait.ge [sflag:s22], $0x3000  }
0x3c: {  	[sflag:s22] =	ssyncset.done $0x0  }
0x3d: {  	[sflag:s22] =	ssyncadd.s32 $0xFFFFD000  }
0x3e: {  	[spmem:s13] =	stream.linear.scatter [tilespmem:s21], [sflag:$0x5], $0x700, $0x38;
	[tilespmem:$0x1F300] =	vst v63  }
0x3f: {  	_ =	swait.ge [sflag:s22], $0x700  }
0x40: {  	[sflag:s22] =	ssyncset.done $0x0  }
0x41: {  	[sflag:s22] =	ssyncadd.s32 $0xFFFFF900  }
0x42: {  	s11 =	simm.s32 $0x0;
	[bflag:$0x0] =	sbarrier.arrive $0xFFFF  }
0x43: {  	[tilespmem:s11], [sflag:$0x3] =	stream.strided.gather [hbm4b:s14+s23], $0x600, s25, s23, $0x38;
	[tilespmem:$0x1F300] =	vst v63  }
0x44: {  	_ =	swait.ge [sflag:s26], $0x600  }
0x45: {  	[sflag:s26] =	ssyncset.done $0x0  }
0x46: {  	[sflag:s26] =	ssyncadd.s32 $0xFFFFFA00  }
0x47: {  	[tilespmem:s21], [sflag:$0x1] =	stream.indirect.gather [hbm4b:s4+s23], $0x10, s11, s23, $0xb8;
	[tilespmem:$0x1F300] =	vst v63  }
0x48: {  	_ = 	snop  }
0x49: {  	[tilespmem:s28], [sflag:$0x4] =	stream.strided.gather [hbm4b:s15+s23], $0x600, s25, s23, $0x38;
	[tilespmem:$0x1F300] =	vst v63  }
0x4a: {  	_ =	swait.ge [sflag:s29], $0x600  }
0x4b: {  	[sflag:s29] =	ssyncset.done $0x0  }
0x4c: {  	[sflag:s29] =	ssyncadd.s32 $0xFFFFFA00  }
0x4d: {  	[tilespmem:s30], [sflag:$0x2] =	stream.indirect.gather [hbm4b:s4+s23], $0x10, s28, s23, $0xb8;
	[tilespmem:$0x1F300] =	vst v63  }
0x4e: {  	_ =	swait.ge [sflag:s31], $0x3000  }
0x4f: {  	[sflag:s31] =	ssyncset.done $0x0  }
0x50: {  	[sflag:s31] =	ssyncadd.s32 $0xFFFFD000  }
0x51: {  	[spmem:s2] =	stream.indirect.scatter.add.bf16 [tilespmem:s21], [sflag:$0x5], $0x10, s23, s23, $0xb8;
	[tilespmem:$0x1F300] =	vst v63  }
0x52: {  	_ =	swait.ge [sflag:s22], $0x3000  }
0x53: {  	[sflag:s22] =	ssyncset.done $0x0  }
0x54: {  	s12 =	sadd.s32 $0x0, s20;
	[sflag:s22] =	ssyncadd.s32 $0xFFFFD000  }
0x55: {  	[tilespmem:s3], [sflag:$0x3] =	stream.strided.gather [hbm4b:s12+s23], $0x600, s25, s23, $0x38;
	[tilespmem:$0x1F300] =	vst v63  }
0x56: {  	_ =	swait.ge [sflag:s0], $0x3000  }
0x57: {  	[sflag:s0] =	ssyncset.done $0x0  }
0x58: {  	[sflag:s0] =	ssyncadd.s32 $0xFFFFD000  }
0x59: {  	_ =	swait.ge [sflag:s26], $0x600  }
0x5a: {  	[sflag:s26] =	ssyncset.done $0x0  }
0x5b: {  	p0 =	sne.s32 s18, $0xC0;
	[sflag:s26] =	ssyncadd.s32 $0xFFFFFA00  }
0x5c: {  	[tilespmem:s21], [sflag:$0x1] =	stream.indirect.gather [hbm4b:s4+s23], $0x10, s3, s23, $0xb8;
	[tilespmem:$0x1F300] =	vst v63  }
.Ltmp1:
0x5d: {  	_ = 	snop;
	(pc) =	sbr.rel @!p0 .LBB2_5-.Ltmp1, $4  }
0x5e: {  	[spmem:s2] =	stream.indirect.scatter.add.bf16 [tilespmem:s30], [sflag:$0x5], $0x10, s1, s23, $0xb8;
	[tilespmem:$0x1F300] =	vst v63  }
0x5f: {  	_ =	swait.ge [sflag:s22], $0x3000  }
0x60: {  	s7 =	simm.s32 $0xC0;
	[sflag:s22] =	ssyncset.done $0x0  }
0x61: {  	s8 =	simm.s32 $0x1;
	s9 =	sadd.s32 $0x0, s19;
	[sflag:s22] =	ssyncadd.s32 $0xFFFFD000  }
.LBB2_4:
0x62: {  	[tilespmem:s28], [sflag:$0x4] =	stream.strided.gather [hbm4b:s9+s23], $0x600, s25, s23, $0x38;
	[tilespmem:$0x1F300] =	vst v63  }
0x63: {  	s9 =	smov.u32 s7;
	s7 =	sadd.s32 $0xC0, s7;
	_ =	swait.ge [sflag:s29], $0x600  }
0x64: {  	p0 =	sne.s32 s18, s7;
	[sflag:s29] =	ssyncset.done $0x0  }
0x65: {  	[sflag:s29] =	ssyncadd.s32 $0xFFFFFA00  }
0x66: {  	[tilespmem:s30], [sflag:$0x2] =	stream.indirect.gather [hbm4b:s4+s23], $0x10, s28, s23, $0xb8;
	[tilespmem:$0x1F300] =	vst v63  }
0x67: {  	_ =	swait.ge [sflag:s31], $0x3000  }
0x68: {  	[sflag:s31] =	ssyncset.done $0x0  }
0x69: {  	[sflag:s31] =	ssyncadd.s32 $0xFFFFD000  }
0x6a: {  	[spmem:s2] =	stream.indirect.scatter.add.bf16 [tilespmem:s21], [sflag:$0x5], $0x10, s23, s23, $0xb8;
	[tilespmem:$0x1F300] =	vst v63  }
0x6b: {  	_ =	swait.ge [sflag:s22], $0x3000  }
0x6c: {  	[sflag:s22] =	ssyncset.done $0x0  }
0x6d: {  	s10 =	sadd.s32 s9, s20;
	[sflag:s22] =	ssyncadd.s32 $0xFFFFD000  }
0x6e: {  	[tilespmem:s3], [sflag:$0x3] =	stream.strided.gather [hbm4b:s10+s23], $0x600, s25, s23, $0x38;
	[tilespmem:$0x1F300] =	vst v63  }
0x6f: {  	_ =	swait.ge [sflag:s0], $0x3000  }
0x70: {  	[sflag:s0] =	ssyncset.done $0x0  }
0x71: {  	[sflag:s0] =	ssyncadd.s32 $0xFFFFD000  }
0x72: {  	_ =	swait.ge [sflag:s26], $0x600  }
0x73: {  	[sflag:s26] =	ssyncset.done $0x0  }
0x74: {  	[sflag:s26] =	ssyncadd.s32 $0xFFFFFA00  }
0x75: {  	[tilespmem:s21], [sflag:$0x1] =	stream.indirect.gather [hbm4b:s4+s23], $0x10, s3, s23, $0xb8;
	[tilespmem:$0x1F300] =	vst v63  }
.Ltmp2:
0x76: {  	(pc) =	sbr.rel @p0 .LBB2_4-.Ltmp2, $4  }
0x77: {  	[spmem:s2] =	stream.indirect.scatter.add.bf16 [tilespmem:s30], [sflag:$0x5], $0x10, s1, s23, $0xb8;
	[tilespmem:$0x1F300] =	vst v63  }
0x78: {  	_ =	swait.ge [sflag:s22], $0x3000  }
0x79: {  	[sflag:s22] =	ssyncset.done $0x0  }
0x7a: {  	s8 =	sadd.s32 $0x1, s8;
	s9 =	sadd.s32 s9, s19;
	[sflag:s22] =	ssyncadd.s32 $0xFFFFD000  }
.LBB2_5:
0x7b: {  	[tilespmem:s28], [sflag:$0x4] =	stream.strided.gather [hbm4b:s9+s23], $0x600, s25, s23, $0x38;
	[tilespmem:$0x1F300] =	vst v63  }
0x7c: {  	_ =	swait.ge [sflag:s29], $0x600  }
0x7d: {  	[sflag:s29] =	ssyncset.done $0x0  }
0x7e: {  	[sflag:s29] =	ssyncadd.s32 $0xFFFFFA00  }
0x7f: {  	[tilespmem:s30], [sflag:$0x2] =	stream.indirect.gather [hbm4b:s4+s23], $0x10, s28, s23, $0xb8;
	[tilespmem:$0x1F300] =	vst v63  }
0x80: {  	_ =	swait.ge [sflag:s31], $0x3000  }
0x81: {  	[sflag:s31] =	ssyncset.done $0x0  }
0x82: {  	[sflag:s31] =	ssyncadd.s32 $0xFFFFD000  }
0x83: {  	[spmem:s2] =	stream.indirect.scatter.add.bf16 [tilespmem:s21], [sflag:$0x5], $0x10, s23, s23, $0xb8;
	[tilespmem:$0x1F300] =	vst v63  }
0x84: {  	p0 =	slt.u32 s8, s16;
	_ =	swait.ge [sflag:s22], $0x3000  }
0x85: {  	s9 =	sadd.s32 @p0 s7, s20;
	s10 =	simm.s32 @p0 $0x300;
	[sflag:s22] =	ssyncset.done $0x0  }
0x86: {  	s11 =	simm.s32 @p0 $0x318000;
	s12 =	simm.s32 @p0 $0x0;
	[sflag:s22] =	ssyncadd.s32 $0xFFFFD000  }
0x87: {  	[tilespmem:s12], [sflag:$0x3] =	stream.strided.gather @p0 [hbm4b:s9+s10], $0x600, s11, s10, $0x38;
	[tilespmem:$0x1F300] =	vst v63  }
0x88: {  	s9 =	simm.s32 @p0 $0x2  }
0x89: {  	_ =	swait.ge @p0 [sflag:s9], $0x3000  }
0x8a: {  	[sflag:s9] =	ssyncset.done @p0 $0x0  }
0x8b: {  	[sflag:s9] =	ssyncadd.s32 @p0 $0xFFFFD000;
	s9 =	simm.s32 @p0 $0x3  }
0x8c: {  	_ =	swait.ge @p0 [sflag:s9], $0x600  }
0x8d: {  	[sflag:s9] =	ssyncset.done @p0 $0x0  }
0x8e: {  	[sflag:s9] =	ssyncadd.s32 @p0 $0xFFFFFA00;
	s9 =	simm.s32 @p0 $0xC00  }
0x8f: {  	[tilespmem:s9], [sflag:$0x1] =	stream.indirect.gather @p0 [hbm4b:s4+s10], $0x10, s12, s10, $0xb8;
	[tilespmem:$0x1F300] =	vst v63  }
0x90: {  	s9 =	simm.s32 @!p0 $0x2  }
0x91: {  	_ =	swait.ge @!p0 [sflag:s9], $0x3000  }
0x92: {  	[sflag:s9] =	ssyncset.done @!p0 $0x0  }
0x93: {  	s6 =	sadd.s32 $0x1, s6;
	[sflag:s9] =	ssyncadd.s32 @!p0 $0xFFFFD000  }
0x94: {  	[spmem:s2] =	stream.indirect.scatter.add.bf16 [tilespmem:s30], [sflag:$0x5], $0x10, s1, s23, $0xb8;
	[tilespmem:$0x1F300] =	vst v63  }
0x95: {  	s11 =	stileid.u32;
	p0 =	sge.u32 s8, s16;
	_ =	swait.ge [sflag:s22], $0x3000  }
0x96: {  	s7 =	sadd.s32 @!p0 s7, s19;
	s8 =	simm.s32 @!p0 $0x300;
	[sflag:s22] =	ssyncset.done $0x0  }
0x97: {  	s9 =	simm.s32 @!p0 $0x318000;
	s10 =	simm.s32 @!p0 $0x600;
	[sflag:s22] =	ssyncadd.s32 $0xFFFFD000  }
0x98: {  	[tilespmem:s10], [sflag:$0x4] =	stream.strided.gather @!p0 [hbm4b:s7+s8], $0x600, s9, s8, $0x38;
	[tilespmem:$0x1F300] =	vst v63  }
0x99: {  	s12 =	sshrl.u32 s5, $0x3;
	s7 =	sshll.u32 s11, $0x6;
	p0 =	sne.s32 s6, s17  }
.Ltmp3:
0x9a: {  	[bflag:$0x0] =	sbarrier.arrive $0xFFFF;
	s7 =	sor.u32 $0x1C05, s7;
	(pc) =	sbr.rel @p0 .LBB2_1-.Ltmp3, $4  }
0x9b: {  	[hbm:s24], [sflag:s7] =	dma.local [spmem:s12], $0x30E0  }
0x9c: {  	_ =	swait.ge [sflag:s22], $0x30E0  }
0x9d: {  	[sflag:s22] =	ssyncset.done $0x0  }
0x9e: {  	[sflag:s22] =	ssyncadd.s32 $0xFFFFCF20  }
0x9f: {  	_ =	sfence.sel $0x180000  }
0xa0: {  	[bflag:$0x0] =	sbarrier.arrive $0xFFFF  }
0xa1: {  	_ =	strace $0x9000004D  }
0xa2: {  	s0 =	stileid.u32;
	[bflag:$0x2] =	sbarrier.arrive $0xFFFF  }
0xa3: {  	p0 =	sne.s32 s0, $0x0;
	s0 =	rddreg [dreg:$0x2]  }
0xa4: {  	s0 =	sadd.s32 @!p0 $0x100000, s0  }
0xa5: {  	[sflag:s0] =	ssyncadd.tile.s32 @!p0 $0x1;
	_ =	shalt  }
.Lfunc_end2:
_tile_overlayer_lowered:
.L_overlay_start_2:
0xa6: {  	(tag) =	ssettag $0x2  }
0xa7: {  	s0 =	rddreg [dreg:$0x0];
	s2 =	stileid.u32  }
0xa8: {  	s1 =	rddreg [dreg:$0x1];
	p0 =	sne.s32 s2, $0x0  }
0xa9: {  	s3 =	rddreg [dreg:$0x2];
	[bflag:$0x3] =	sbarrier.arrive $0xFFFF;
	s2 =	simm.s32 @!p0 $0x1C05  }
0xaa: {  	[timem:s3], [sflag:s2] =	dma.local @!p0 [hbm:s0], s1  }
0xab: {  	s0 =	simm.s32 @!p0 $0x5  }
0xac: {  	_ =	swait.ge @!p0 [sflag:s0], s1  }
0xad: {  	s1 =	ssub.s32 @!p0 $0x0, s1;
	[sflag:s0] =	ssyncset.done @!p0 $0x0  }
0xae: {  	[sflag:s0] =	ssyncadd.s32 @!p0 s1  }
0xaf: {  	[bflag:$0x3] =	sbarrier.arrive $0xFFFF  }
0xb0: {  	_ =	shalt  }

// kernel: kernel.8.cloned.1.call-start
scs
__scs_entry_jumppad:
0x0: {  	(pc) =	sbr.rel $0x88, $3  }
0x1: {  	(tag) =	ssettag $0x0;
	lr =	simm.s32 $0x1  }
0x2: {  	[smem:$0x3F96] =	sst lr;
	_ =	strace $0xD0000000  }
0x3: {  	_ = 	snop  }
0x4: {  	_ = 	snop  }
0x5: {  	_ = 	snop  }
0x6: {  	_ = 	snop  }
0x7: {  	_ = 	snop  }
__scs_overlays_trampoline_lowered:
0x8: {  	[smem:$0x3FA5] =	sst s0  }
0x9: {  	[smem:$0x3FA6] =	sst s1  }
0xa: {  	[smem:$0x3FA7] =	sst s2  }
0xb: {  	[smem:$0x3FA8] =	sst s3  }
0xc: {  	[smem:$0x3FA9] =	sst s4  }
0xd: {  	[smem:$0x3FAA] =	sst s5  }
0xe: {  	[smem:$0x3FAB] =	sst s6  }
0xf: {  	[smem:$0x3FAC] =	sst s7  }
0x10: {  	[smem:$0x3FAD] =	sst s8  }
0x11: {  	[smem:$0x3FAE] =	sst s9;
	s0 =	simm.s32 @!p0 $0x0  }
0x12: {  	s1 =	sld [smem:$0x3F94];
	s0 =	simm.s32 @p0 $0x1  }
0x13: {  	[smem:$0x3FAF] =	sst s0;
	s0 =	simm.s32 @!p1 $0x0  }
0x14: {  	s2 =	sld [smem:$0x3F93];
	s0 =	simm.s32 @p1 $0x1  }
0x15: {  	[smem:$0x3FB0] =	sst s0;
	s0 =	simm.s32 @!p2 $0x0  }
0x16: {  	s3 =	sld [smem:$0x3FDB];
	s0 =	simm.s32 @p2 $0x1  }
0x17: {  	s4 =	simm.s32 $0x1BF5;
	[smem:$0x3FB2] =	sst s0  }
0x18: {  	s0 =	sld [smem:$0x3F95];
	_ =	swait.ge [sflag:s4], $0x0  }
0x19: {  	s7 =	sld [smem:$0x3F96]  }
0x1a: {  	s8 =	sadd.s32 $0xFFFFE003, lr  }
0x1b: {  	s9 =	sadd.s32 $0xFFFFFEF7, lr;
	s5 =	simm.s32 $0xFFFFFFFF;
	p2 =	slt.u32 s8, $0xFFFFF086  }
0x1c: {  	p1 =	slt.u32 s9, $0xF7A;
	s5 =	simm.s32 @!p2 $0x0  }
0x1d: {  	s5 =	simm.s32 @p1 $0x1;
	p0 =	seq.s32 s7, s2  }
0x1e: {  	s7 =	smul.u32 @!p0 $0xF7A, s2;
	p2 =	seq.s32 @!p0 s5, $0x0  }
0x1f: {  	s9 =	smul.u32 $0xF7A, s1;
	s8 =	simm.s32 @!p0 $0x1BF5;
	p2 =	por !p2, p0  }
0x20: {  	[sflag:s8] =	ssyncset.s32 @!p0 $0xFFFFF086;
	s6 =	sadd.s32 @!p0 s3, s7;
	s7 =	simm.s32 @!p0 $0x108  }
0x21: {  	s3 =	sadd.s32 s3, s9;
	s6 =	sadd.s32 @!p0 $0x88, s6;
	s7 =	simm.s32 @p2 $0x1082  }
0x22: {  	[simem:s7], [sflag:s8] =	dma.local @!p0 [hbm:s6], $0xF7A  }
0x23: {  	s9 =	sor.u32 $0xD0000000, s2;
	s6 =	simm.s32 $0x108;
	_ =	swait.ge @!p0 [sflag:s8], $0x0  }
0x24: {  	s3 =	sadd.s32 $0x88, s3;
	s6 =	simm.s32 @!p1 $0x1082;
	[sflag:s4] =	ssyncset.s32 $0xFFFFF086  }
0x25: {  	[simem:s6], [sflag:s4] =	dma.local [hbm:s3], $0xF7A  }
0x26: {  	[smem:$0x3F96] =	sst s1;
	(tag) =	ssettag s2;
	_ =	strace s9  }
0x27: {  	s1 =	sld [smem:$0x3FA6]  }
0x28: {  	s2 =	sld [smem:$0x3FA7]  }
0x29: {  	s4 =	sld [smem:$0x3FA9]  }
0x2a: {  	p0 =	seq.s32 s5, $0x0;
	s5 =	sld [smem:$0x3FAA]  }
0x2b: {  	s6 =	sld [smem:$0x3FAB]  }
0x2c: {  	s7 =	sld [smem:$0x3FAC]  }
0x2d: {  	s3 =	simm.s32 $0x108;
	s8 =	sld [smem:$0x3FAD]  }
0x2e: {  	s3 =	simm.s32 @!p0 $0x1082;
	s9 =	sld [smem:$0x3FAE]  }
0x2f: {  	lr =	sadd.s32 s0, s3;
	s0 =	sld [smem:$0x3FA5]  }
0x30: {  	s3 =	sld [smem:$0x3FA8]  }
0x31: {  	[smem:$0x3FB1] =	sst s10  }
0x32: {  	s10 =	sld [smem:$0x3FAF];
	_ =	sdelay $0x3  }
0x33: {  	p0 =	seq.s32 s10, $0x1;
	s10 =	sld [smem:$0x3FB1];
	_ =	sdelay $0x3  }
0x34: {  	[smem:$0x3FB1] =	sst s10  }
0x35: {  	s10 =	sld [smem:$0x3FB0];
	_ =	sdelay $0x3  }
0x36: {  	p1 =	seq.s32 s10, $0x1;
	s10 =	sld [smem:$0x3FB1];
	_ =	sdelay $0x3  }
0x37: {  	[smem:$0x3FB1] =	sst s10  }
0x38: {  	s10 =	sld [smem:$0x3FB2]  }
0x39: {  	_ = 	snop;
	(pc) =	sbr.ind lr, $3  }
0x3a: {  	_ = 	snop  }
0x3b: {  	_ = 	snop  }
0x3c: {  	p2 =	seq.s32 s10, $0x1;
	s10 =	sld [smem:$0x3FB1]  }
0x3d: {  	_ =	shalt  }
0x3e: {  	_ =	shalt  }
0x3f: {  	_ =	shalt  }
0x40: {  	_ =	shalt  }
0x41: {  	_ =	shalt  }
0x42: {  	_ =	shalt  }
0x43: {  	_ =	shalt  }
0x44: {  	_ =	shalt  }
0x45: {  	_ =	shalt  }
0x46: {  	_ =	shalt  }
0x47: {  	_ =	shalt  }
0x48: {  	_ =	shalt  }
0x49: {  	_ =	shalt  }
0x4a: {  	_ =	shalt  }
0x4b: {  	_ =	shalt  }
0x4c: {  	_ =	shalt  }
0x4d: {  	_ =	shalt  }
0x4e: {  	_ =	shalt  }
0x4f: {  	_ =	shalt  }
0x50: {  	_ =	shalt  }
0x51: {  	_ =	shalt  }
0x52: {  	_ =	shalt  }
0x53: {  	_ =	shalt  }
0x54: {  	_ =	shalt  }
0x55: {  	_ =	shalt  }
0x56: {  	_ =	shalt  }
0x57: {  	_ =	shalt  }
0x58: {  	_ =	shalt  }
0x59: {  	_ =	shalt  }
0x5a: {  	_ =	shalt  }
0x5b: {  	_ =	shalt  }
0x5c: {  	_ =	shalt  }
0x5d: {  	_ =	shalt  }
0x5e: {  	_ =	shalt  }
0x5f: {  	_ =	shalt  }
0x60: {  	_ =	shalt  }
0x61: {  	_ =	shalt  }
0x62: {  	_ =	shalt  }
0x63: {  	_ =	shalt  }
0x64: {  	_ =	shalt  }
0x65: {  	_ =	shalt  }
0x66: {  	_ =	shalt  }
0x67: {  	_ =	shalt  }
0x68: {  	_ =	shalt  }
0x69: {  	_ =	shalt  }
0x6a: {  	_ =	shalt  }
0x6b: {  	_ =	shalt  }
0x6c: {  	_ =	shalt  }
0x6d: {  	_ =	shalt  }
0x6e: {  	_ =	shalt  }
0x6f: {  	_ =	shalt  }
0x70: {  	_ =	shalt  }
0x71: {  	_ =	shalt  }
0x72: {  	_ =	shalt  }
0x73: {  	_ =	shalt  }
0x74: {  	_ =	shalt  }
0x75: {  	_ =	shalt  }
0x76: {  	_ =	shalt  }
0x77: {  	_ =	shalt  }
0x78: {  	_ =	shalt  }
0x79: {  	_ =	shalt  }
0x7a: {  	_ =	shalt  }
0x7b: {  	_ =	shalt  }
0x7c: {  	_ =	shalt  }
0x7d: {  	_ =	shalt  }
0x7e: {  	_ =	shalt  }
0x7f: {  	_ =	shalt  }
0x80: {  	_ =	shalt  }
0x81: {  	_ =	shalt  }
0x82: {  	_ =	shalt  }
0x83: {  	_ =	shalt  }
0x84: {  	_ =	shalt  }
0x85: {  	_ =	shalt  }
0x86: {  	_ =	shalt  }
0x87: {  	_ =	shalt  }
.Lfunc_end0:
.L_simem_size_0:
called_computation_lowered:
.L_overlay_start_0:
0x88: {  	s2 =	sld [smem:$0x3FD9]  }
0x89: {  	s3 =	sld [smem:$0x3FFE];
	_ =	sdelay $0x1  }
0x8a: {  	s1 =	srdreg.scid  }
0x8b: {  	s0 =	sand.u32 $0x1, s1  }
0x8c: {  	s16 =	sshll.u32 s0, $0xA;
	s2 =	sadd.s32 s3, s2  }
0x8d: {  	s2 =	sadd.s32 s2, s16  }
0x8e: {  	[smem:$0x3FBD] =	sst s2  }
0x8f: {  	_ = 	snop  }
0x90: {  	(tm) =	ssettm $0x1  }
0x91: {  	s17 =	sld [smem:$0x3FFB];
	_ =	sdelay $0x3  }
0x92: {  	_ =	strace s17  }
0x93: {  	s2 =	sld [smem:$0x3FFC];
	_ =	sdelay $0x3  }
0x94: {  	_ =	strace s2  }
0x95: {  	s2 =	sld [smem:$0x3FFD];
	_ =	sdelay $0x3  }
0x96: {  	_ =	strace s2  }
0x97: {  	_ =	strace $0x8FFFFFFF  }
0x98: {  	s18 =	sld [smem:$0x3FDB];
	_ =	sdelay $0x1  }
0x99: {  	s19 =	simm.s32 $_scs_section_size  }
0x9a: {  	s4 =	simm.s32 $_size__tile_overlayer_lowered;
	s5 =	simm.s32 $_tile_overlayer_lowered  }
0x9b: {  	s22 =	simm.s32 $0x1BFF;
	s21 =	sshll.u32 s5, $0x1;
	s2 =	sadd.s32 s19, s18  }
0x9c: {  	s6 =	simm.s32 $0x0;
	s20 =	sshll.u32 s4, $0x1;
	s4 =	sadd.s32 s21, s2  }
0x9d: {  	[timem:s6], [sflag:s22] =	dma.local [hbm:s4], s20  }
0x9e: {  	_ =	swait.ge [sflag:s22], s20  }
0x9f: {  	s3 =	ssub.s32 $0x0, s20;
	[sflag:s22] =	ssyncset.done $0x0  }
0xa0: {  	[sflag:s22] =	ssyncadd.s32 s3;
	_ =	sdelay $0x1  }
0xa1: {  	s23 =	simm.s32 $0x1B8B  }
0xa2: {  	_ =	swait.ge [sflag:s23], $0x1  }
0xa3: {  	[sflag:s23] =	ssyncset.done $0x0  }
0xa4: {  	s25 =	simm.s32 $0x1B8E;
	s24 =	sld [smem:$0x3FFE];
	[sflag:s23] =	ssyncadd.s32 $0xFFFFFFFF  }
0xa5: {  	s26 =	simm.s32 $execute0_lowered;
	[smem:$0x3FD2] =	sst s25  }
0xa6: {  	s4 =	sshll.u32 s26, $0x1;
	_ =	strace $0x80000046;
	[dreg:$0x1] =	wrdreg $0xFFFFFFFF  }
0xa7: {  	s28 =	simm.s32 $_size_execute0_lowered;
	s2 =	sadd.s32 s2, s4;
	[dreg:$0x0] =	wrdreg $0x0  }
0xa8: {  	s4 =	sshll.u32 s28, $0x1;
	[dreg:$0x2] =	wrdreg s2  }
0xa9: {  	[dreg:$0x3] =	wrdreg s4  }
0xaa: {  	[dreg:$0x4] =	wrdreg $0xC0  }
0xab: {  	_ =	task [dreg:s6], $0x5FFFF  }
0xac: {  	[dreg:$0x1] =	wrdreg $0xFFFFFFFF  }
0xad: {  	[dreg:$0x0] =	wrdreg $0x60  }
0xae: {  	[dreg:$0x2] =	wrdreg s24  }
0xaf: {  	[dreg:$0x3] =	wrdreg $0xC000  }
0xb0: {  	[dreg:$0x4] =	wrdreg $0x9  }
0xb1: {  	_ =	task.clear_ibuf [dreg:s6], $0x5FFFF;
	_ =	strace $0x90000046  }
0xb2: {  	s29 =	simm.s32 $0x9;
	_ =	strace $0x80000048  }
0xb3: {  	_ =	swait.ge [sflag:s29], $0x1  }
0xb4: {  	[sflag:s29] =	ssyncadd.s32 $0xFFFFFFFF  }
0xb5: {  	_ =	strace $0x90000048  }
0xb6: {  	_ =	sfence  }
0xb7: {  	s30 =	sld [smem:$0x0];
	_ =	sdelay $0x2  }
0xb8: {  	s31 =	sshll.u32 s1, $0xD;
	s1 =	sshrl.u32 s1, $0x2  }
0xb9: {  	s3 =	sand.u32 $0x4000, s31;
	s1 =	sadd.s32 s1, s30  }
0xba: {  	s0 =	sor.u32 s3, s0;
	s1 =	sshll.u32 s1, $0x11  }
0xbb: {  	s0 =	sor.u32 s1, s0  }
0xbc: {  	s0 =	sadd.s32 $0x8F2B, s0  }
0xbd: {  	[sflag:s0] =	ssyncadd.remote.s32 $0x1  }
0xbe: {  	_ =	sfence.sel $0xFFFF  }
0xbf: {  	[dreg:$0x0] =	wrdreg $0xFFFFFFFF;
	(pc) =	sbr.abs _section_cstart, $3  }
0xc0: {  	[dreg:$0x1] =	wrdreg $0xFFFFFFFF  }
0xc1: {  	_ =	task.clear_ibuf [dreg:s6], $0x2FFFF;
	_ =	strace $0x9FFFFFFF  }
0xc2: {  	(tm) =	ssettm $0x7FFFFFFF  }
0xc3: {  	_ =	shalt  }
tec
execute0_lowered:
.L_overlay_start_1:
0x0: {  	(tag) =	ssettag $0x1  }
0x1: {  	s5 =	rddreg [dreg:$0x0];
	s0 =	srdreg.scid  }
0x2: {  	s2 =	rddreg [dreg:$0x1];
	s1 =	stileid.u32  }
0x3: {  	s3 =	simm.s32 $0x0;
	s17 =	simm.s32 $0x300;
	s18 =	simm.s32 $0x318000  }
0x4: {  	s19 =	simm.s32 $0x600;
	s23 =	simm.s32 $0x0;
	s7 =	smul.u32 $0x18C00, s1  }
0x5: {  	s4 =	sand.u32 $0x1, s0;
	s0 =	rddreg [dreg:$0x2];
	s13 =	smul.u32 $0x1880, s1  }
0x6: {  	[smem:$0x7FF] =	sst s3;
	s31 =	sshll.u32 s1, $0x6;
	s6 =	smul.u32 $0x18C000, s4  }
0x7: {  	_ =	strace $0x80000047;
	s29 =	smul.u32 $0x3100, s4;
	s8 =	ssub.s32 $0x2, s4  }
0x8: {  	s30 =	sshrl.u32 s8, $0x1;
	s4 =	sadd.s32 s13, s2;
	s21 =	sshrl.u32 s13, $0x3  }
0x9: {  	s6 =	sadd.s32 s7, s6;
	s15 =	sadd.s32 s29, s5;
	s16 =	ssub.s32 s8, s30  }
0xa: {  	s7 =	sadd.s32 $0x900, s4;
	s8 =	sadd.s32 $0xC00, s4;
	s9 =	sadd.s32 $0xF00, s4  }
0xb: {  	s10 =	sadd.s32 $0x1200, s4;
	s11 =	sadd.s32 $0x1500, s4;
	s12 =	sadd.s32 $0x1800, s4  }
0xc: {  	s22 =	sshrl.u32 s4, $0x3;
	s6 =	sshrl.u32 s6, $0x3;
	s20 =	sadd.s32 $0xC8800, s15  }
0xd: {  	s13 =	smax.u32 s16, $0x1;
	s15 =	simm.s32 $0x900;
	s16 =	simm.s32 $0x1  }
0xe: {  	s14 =	sadd.s32 s6, s5;
	s5 =	sadd.s32 $0x300, s4;
	s6 =	sadd.s32 $0x600, s4  }
0xf: {  	v0 =	vimm.f32 $1.000000000e+00;
	v1 =	vimm.f32 $0.0e+00;
	s20 =	sadd.s32 s21, s20;
	s21 =	sor.u32 $0x1C01, s31;
	s14 =	sadd.s32 $0x2800, s14  }
.LBB2_1:
0x10: {  	[tilespmem:$0x600] =	vst v0  }
0x11: {  	[tilespmem:$0x610] =	vst v0  }
0x12: {  	[tilespmem:$0x620] =	vst v0  }
0x13: {  	[tilespmem:$0x630] =	vst v0  }
0x14: {  	[tilespmem:$0x640] =	vst v0  }
0x15: {  	[tilespmem:$0x650] =	vst v0  }
0x16: {  	[tilespmem:$0x660] =	vst v0  }
0x17: {  	[tilespmem:$0x670] =	vst v0  }
0x18: {  	[tilespmem:$0x680] =	vst v0  }
0x19: {  	[tilespmem:$0x690] =	vst v0  }
0x1a: {  	[tilespmem:$0x6A0] =	vst v0  }
0x1b: {  	[tilespmem:$0x6B0] =	vst v0  }
0x1c: {  	[tilespmem:$0x6C0] =	vst v0  }
0x1d: {  	[tilespmem:$0x6D0] =	vst v0  }
0x1e: {  	[tilespmem:$0x6E0] =	vst v0  }
0x1f: {  	[tilespmem:$0x6F0] =	vst v0  }
0x20: {  	[tilespmem:$0x700] =	vst v0  }
0x21: {  	[tilespmem:$0x710] =	vst v0  }
0x22: {  	[tilespmem:$0x720] =	vst v0  }
0x23: {  	[tilespmem:$0x730] =	vst v0  }
0x24: {  	[tilespmem:$0x740] =	vst v0  }
0x25: {  	[tilespmem:$0x750] =	vst v0  }
0x26: {  	[tilespmem:$0x760] =	vst v0  }
0x27: {  	[tilespmem:$0x770] =	vst v0  }
0x28: {  	[tilespmem:$0x780] =	vst v0  }
0x29: {  	[tilespmem:$0x790] =	vst v0  }
0x2a: {  	[tilespmem:$0x7A0] =	vst v0  }
0x2b: {  	[tilespmem:$0x7B0] =	vst v0  }
0x2c: {  	[tilespmem:$0x7C0] =	vst v0  }
0x2d: {  	[tilespmem:$0x7D0] =	vst v0  }
0x2e: {  	[tilespmem:$0x7E0] =	vst v0  }
0x2f: {  	[tilespmem:$0x7F0] =	vst v0  }
0x30: {  	[tilespmem:$0x800] =	vst v0  }
0x31: {  	[tilespmem:$0x810] =	vst v0  }
0x32: {  	[tilespmem:$0x820] =	vst v0  }
0x33: {  	[tilespmem:$0x830] =	vst v0  }
0x34: {  	[tilespmem:$0x840] =	vst v0  }
0x35: {  	[tilespmem:$0x850] =	vst v0  }
0x36: {  	[tilespmem:$0x860] =	vst v0  }
0x37: {  	[tilespmem:$0x870] =	vst v0  }
0x38: {  	[tilespmem:$0x880] =	vst v0  }
0x39: {  	[tilespmem:$0x890] =	vst v0  }
0x3a: {  	[tilespmem:$0x8A0] =	vst v0  }
0x3b: {  	[tilespmem:$0x8B0] =	vst v0  }
0x3c: {  	[tilespmem:$0x8C0] =	vst v0  }
0x3d: {  	[tilespmem:$0x8D0] =	vst v0  }
0x3e: {  	[tilespmem:$0x8E0] =	vst v0  }
0x3f: {  	[tilespmem:$0x8F0] =	vst v0  }
0x40: {  	[tilespmem:$0x900] =	vst v1  }
0x41: {  	[tilespmem:$0x910] =	vst v1  }
0x42: {  	[tilespmem:$0x920] =	vst v1  }
0x43: {  	[tilespmem:$0x930] =	vst v1  }
0x44: {  	[tilespmem:$0x940] =	vst v1  }
0x45: {  	[tilespmem:$0x950] =	vst v1  }
0x46: {  	[tilespmem:$0x960] =	vst v1  }
0x47: {  	[tilespmem:$0x970] =	vst v1  }
0x48: {  	[tilespmem:$0x980] =	vst v1  }
0x49: {  	[tilespmem:$0x990] =	vst v1  }
0x4a: {  	[tilespmem:$0x9A0] =	vst v1  }
0x4b: {  	[tilespmem:$0x9B0] =	vst v1  }
0x4c: {  	[tilespmem:$0x9C0] =	vst v1  }
0x4d: {  	[tilespmem:$0x9D0] =	vst v1  }
0x4e: {  	[tilespmem:$0x9E0] =	vst v1  }
0x4f: {  	[tilespmem:$0x9F0] =	vst v1  }
0x50: {  	[tilespmem:$0xA00] =	vst v1  }
0x51: {  	[tilespmem:$0xA10] =	vst v1  }
0x52: {  	[tilespmem:$0xA20] =	vst v1  }
0x53: {  	[tilespmem:$0xA30] =	vst v1  }
0x54: {  	[tilespmem:$0xA40] =	vst v1  }
0x55: {  	[tilespmem:$0xA50] =	vst v1  }
0x56: {  	[tilespmem:$0xA60] =	vst v1  }
0x57: {  	[tilespmem:$0xA70] =	vst v1  }
0x58: {  	[tilespmem:$0xA80] =	vst v1  }
0x59: {  	[tilespmem:$0xA90] =	vst v1  }
0x5a: {  	[tilespmem:$0xAA0] =	vst v1  }
0x5b: {  	[tilespmem:$0xAB0] =	vst v1  }
0x5c: {  	[tilespmem:$0xAC0] =	vst v1  }
0x5d: {  	[tilespmem:$0xAD0] =	vst v1  }
0x5e: {  	[tilespmem:$0xAE0] =	vst v1  }
0x5f: {  	[tilespmem:$0xAF0] =	vst v1  }
0x60: {  	[tilespmem:$0xB00] =	vst v1  }
0x61: {  	[tilespmem:$0xB10] =	vst v1  }
0x62: {  	[tilespmem:$0xB20] =	vst v1  }
0x63: {  	[tilespmem:$0xB30] =	vst v1  }
0x64: {  	[tilespmem:$0xB40] =	vst v1  }
0x65: {  	[tilespmem:$0xB50] =	vst v1  }
0x66: {  	[tilespmem:$0xB60] =	vst v1  }
0x67: {  	[tilespmem:$0xB70] =	vst v1  }
0x68: {  	[tilespmem:$0xB80] =	vst v1  }
0x69: {  	[tilespmem:$0xB90] =	vst v1  }
0x6a: {  	[tilespmem:$0xBA0] =	vst v1  }
0x6b: {  	[tilespmem:$0xBB0] =	vst v1  }
0x6c: {  	[tilespmem:$0xBC0] =	vst v1  }
0x6d: {  	[tilespmem:$0xBD0] =	vst v1  }
0x6e: {  	[tilespmem:$0xBE0] =	vst v1  }
0x6f: {  	[tilespmem:$0xBF0] =	vst v1  }
0x70: {  	[spmem:s4] =	stream.linear.scatter [tilespmem:s15], [sflag:$0x1], $0x300, $0x38;
	[tilespmem:$0x2480] =	vst v63  }
0x71: {  	_ =	swait.ge [sflag:s16], $0x300  }
0x72: {  	[sflag:s16] =	ssyncset.done $0x0  }
0x73: {  	[sflag:s16] =	ssyncadd.s32 $0xFFFFFD00  }
0x74: {  	[spmem:s5] =	stream.linear.scatter [tilespmem:s15], [sflag:$0x1], $0x300, $0x38;
	[tilespmem:$0x2480] =	vst v63  }
0x75: {  	_ =	swait.ge [sflag:s16], $0x300  }
0x76: {  	[sflag:s16] =	ssyncset.done $0x0  }
0x77: {  	[sflag:s16] =	ssyncadd.s32 $0xFFFFFD00  }
0x78: {  	[spmem:s6] =	stream.linear.scatter [tilespmem:s15], [sflag:$0x1], $0x300, $0x38;
	[tilespmem:$0x2480] =	vst v63  }
0x79: {  	_ =	swait.ge [sflag:s16], $0x300  }
0x7a: {  	[sflag:s16] =	ssyncset.done $0x0  }
0x7b: {  	[sflag:s16] =	ssyncadd.s32 $0xFFFFFD00  }
0x7c: {  	[spmem:s7] =	stream.linear.scatter [tilespmem:s15], [sflag:$0x1], $0x300, $0x38;
	[tilespmem:$0x2480] =	vst v63  }
0x7d: {  	_ =	swait.ge [sflag:s16], $0x300  }
0x7e: {  	[sflag:s16] =	ssyncset.done $0x0  }
0x7f: {  	[sflag:s16] =	ssyncadd.s32 $0xFFFFFD00  }
0x80: {  	[spmem:s8] =	stream.linear.scatter [tilespmem:s15], [sflag:$0x1], $0x300, $0x38;
	[tilespmem:$0x2480] =	vst v63  }
0x81: {  	_ =	swait.ge [sflag:s16], $0x300  }
0x82: {  	[sflag:s16] =	ssyncset.done $0x0  }
0x83: {  	[sflag:s16] =	ssyncadd.s32 $0xFFFFFD00  }
0x84: {  	[spmem:s9] =	stream.linear.scatter [tilespmem:s15], [sflag:$0x1], $0x300, $0x38;
	[tilespmem:$0x2480] =	vst v63  }
0x85: {  	_ =	swait.ge [sflag:s16], $0x300  }
0x86: {  	[sflag:s16] =	ssyncset.done $0x0  }
0x87: {  	[sflag:s16] =	ssyncadd.s32 $0xFFFFFD00  }
0x88: {  	[spmem:s10] =	stream.linear.scatter [tilespmem:s15], [sflag:$0x1], $0x300, $0x38;
	[tilespmem:$0x2480] =	vst v63  }
0x89: {  	_ =	swait.ge [sflag:s16], $0x300  }
0x8a: {  	[sflag:s16] =	ssyncset.done $0x0  }
0x8b: {  	[sflag:s16] =	ssyncadd.s32 $0xFFFFFD00  }
0x8c: {  	[spmem:s11] =	stream.linear.scatter [tilespmem:s15], [sflag:$0x1], $0x300, $0x38;
	[tilespmem:$0x2480] =	vst v63  }
0x8d: {  	_ =	swait.ge [sflag:s16], $0x300  }
0x8e: {  	[sflag:s16] =	ssyncset.done $0x0  }
0x8f: {  	[sflag:s16] =	ssyncadd.s32 $0xFFFFFD00  }
0x90: {  	[spmem:s12] =	stream.linear.scatter [tilespmem:s15], [sflag:$0x1], $0x80, $0x38;
	[tilespmem:$0x2480] =	vst v63  }
0x91: {  	_ =	swait.ge [sflag:s16], $0x80  }
0x92: {  	[sflag:s16] =	ssyncset.done $0x0  }
0x93: {  	[sflag:s16] =	ssyncadd.s32 $0xFFFFFF80  }
0x94: {  	s24 =	sadd.s32 $0x0, s14;
	[bflag:$0x0] =	sbarrier.arrive $0xFFFF  }
0x95: {  	[tilespmem:s3], [sflag:$0x1] =	stream.strided.gather [hbm4b:s24+s17], $0x600, s18, s17, $0x38;
	[tilespmem:$0x2480] =	vst v63  }
0x96: {  	_ =	swait.ge [sflag:s16], $0x600  }
0x97: {  	[sflag:s16] =	ssyncset.done $0x0  }
0x98: {  	[sflag:s16] =	ssyncadd.s32 $0xFFFFFA00  }
0x99: {  	[spmem:s2] =	stream.indirect.scatter.add.f32 [tilespmem:s19], [sflag:$0x1], $0x1, s17, s17, $0xb8;
	[tilespmem:$0x2480] =	vst v63  }
0x9a: {  	_ =	swait.ge [sflag:s16], $0x300  }
0x9b: {  	s25 =	simm.s32 $0xC0;
	s24 =	simm.s32 $0x60;
	[sflag:s16] =	ssyncset.done $0x0  }
.LBB2_2:
0x9c: {  	s26 =	sadd.s32 s24, s14  }
0x9d: {  	[sflag:s16] =	ssyncadd.s32 $0xFFFFFD00;
	s24 =	smov.u32 s25;
	s28 =	sadd.s32 $0x60, s25  }
0x9e: {  	[tilespmem:s3], [sflag:$0x1] =	stream.strided.gather [hbm4b:s26+s17], $0x600, s18, s17, $0x38;
	[tilespmem:$0x2480] =	vst v63  }
0x9f: {  	p0 =	sne.s32 s25, $0x3120;
	_ =	swait.ge [sflag:s16], $0x600  }
.Ltmp0:
0xa0: {  	[sflag:s16] =	ssyncset.done $0x0;
	(pc) =	sbr.rel @p0 .LBB2_2-.Ltmp0, $4  }
0xa1: {  	[sflag:s16] =	ssyncadd.s32 $0xFFFFFA00  }
0xa2: {  	[spmem:s2] =	stream.indirect.scatter.add.f32 [tilespmem:s19], [sflag:$0x1], $0x1, s17, s17, $0xb8;
	[tilespmem:$0x2480] =	vst v63  }
0xa3: {  	_ =	swait.ge [sflag:s16], $0x300  }
0xa4: {  	s25 =	smov.u32 s28;
	[sflag:s16] =	ssyncset.done $0x0  }
0xa5: {  	s24 =	sadd.s32 s24, s14;
	[sflag:s16] =	ssyncadd.s32 $0xFFFFFD00  }
0xa6: {  	[tilespmem:s3], [sflag:$0x1] =	stream.strided.gather [hbm4b:s24+s17], $0x600, s18, s17, $0x38;
	[tilespmem:$0x2480] =	vst v63  }
0xa7: {  	_ =	swait.ge [sflag:s16], $0x600  }
0xa8: {  	[sflag:s16] =	ssyncset.done $0x0  }
0xa9: {  	[sflag:s16] =	ssyncadd.s32 $0xFFFFFA00  }
0xaa: {  	[spmem:s2] =	stream.indirect.scatter.add.f32 [tilespmem:s19], [sflag:$0x1], $0x1, s17, s17, $0xb8;
	[tilespmem:$0x2480] =	vst v63  }
0xab: {  	_ =	swait.ge [sflag:s16], $0x300  }
0xac: {  	s23 =	sadd.s32 $0x1, s23;
	[sflag:s16] =	ssyncset.done $0x0  }
0xad: {  	p0 =	sne.s32 s23, s13;
	[sflag:s16] =	ssyncadd.s32 $0xFFFFFD00  }
.Ltmp1:
0xae: {  	[bflag:$0x0] =	sbarrier.arrive $0xFFFF;
	(pc) =	sbr.rel @p0 .LBB2_1-.Ltmp1, $4  }
0xaf: {  	[hbm:s20], [sflag:s21] =	dma.local [spmem:s22], $0x310  }
0xb0: {  	_ =	swait.ge [sflag:s16], $0x310  }
0xb1: {  	[sflag:s16] =	ssyncset.done $0x0  }
0xb2: {  	[sflag:s16] =	ssyncadd.s32 $0xFFFFFCF0  }
0xb3: {  	_ =	sfence.sel $0x180000  }
0xb4: {  	[bflag:$0x0] =	sbarrier.arrive $0xFFFF  }
0xb5: {  	p0 =	sne.s32 s1, $0x0;
	_ =	strace $0x90000047  }
0xb6: {  	s0 =	sadd.s32 @!p0 $0x100000, s0;
	[bflag:$0x2] =	sbarrier.arrive $0xFFFF  }
0xb7: {  	[sflag:s0] =	ssyncadd.tile.s32 @!p0 $0x1;
	_ =	shalt  }
.Lfunc_end2:
_tile_overlayer_lowered:
.L_overlay_start_2:
0xb8: {  	(tag) =	ssettag $0x2  }
0xb9: {  	s0 =	rddreg [dreg:$0x0];
	s2 =	stileid.u32  }
0xba: {  	s1 =	rddreg [dreg:$0x1];
	p0 =	sne.s32 s2, $0x0  }
0xbb: {  	s3 =	rddreg [dreg:$0x2];
	[bflag:$0x3] =	sbarrier.arrive $0xFFFF;
	s2 =	simm.s32 @!p0 $0x1C01  }
0xbc: {  	[timem:s3], [sflag:s2] =	dma.local @!p0 [hbm:s0], s1  }
0xbd: {  	s0 =	simm.s32 @!p0 $0x1  }
0xbe: {  	_ =	swait.ge @!p0 [sflag:s0], s1  }
0xbf: {  	s1 =	ssub.s32 @!p0 $0x0, s1;
	[sflag:s0] =	ssyncset.done @!p0 $0x0  }
0xc0: {  	[sflag:s0] =	ssyncadd.s32 @!p0 s1  }
0xc1: {  	[bflag:$0x3] =	sbarrier.arrive $0xFFFF  }
0xc2: {  	_ =	shalt  }

</sc_bundles>
